<compile_context>
chip_gen: v7x
topology: tpu7x:2x2x1
jax: 0.10.2.dev20260603
libtpu: 0.0.44.dev20260713+nightly
codegen_flags: <defaults>
</compile_context>

<pallas_src>
import functools

import jax
import jax.numpy as jnp
from jax import lax
from jax.experimental import pallas as pl
from jax.experimental.pallas import tpu as pltpu
from jax.experimental.pallas import tpu_sc as plsc

NUM_CORES = 2
NUM_SUBCORES = 16
NUM_WORKERS = NUM_CORES * NUM_SUBCORES
CHUNK = 80
NSLOT = 5


def _edge_embed_kernel(B, C, pc_hbm, rc_hbm, pm_hbm, num_hbm, ce_hbm, pe_hbm,
                       out_hbm, ce_v, pe_v, *bufs):
    per_w = B // NUM_WORKERS
    nchunks = per_w // C
    wid = lax.axis_index("s") * NUM_CORES + lax.axis_index("c")
    w0 = wid * per_w
    buf_slots = [bufs[5 * b:5 * b + 5] for b in range(NSLOT)]

    pl.run_scoped(
        functools.partial(_pipeline, C, per_w, nchunks, w0, buf_slots,
                          pc_hbm, rc_hbm, pm_hbm, num_hbm, ce_hbm, pe_hbm,
                          out_hbm, ce_v, pe_v),
        sems=pltpu.SemaphoreType.DMA((NSLOT, 5)),
    )


def _pipeline(C, per_w, nchunks, w0, buf_slots, pc_hbm, rc_hbm, pm_hbm,
              num_hbm, ce_hbm, pe_hbm, out_hbm, ce_v, pe_v, sems):
    pltpu.sync_copy(ce_hbm, ce_v)
    pltpu.sync_copy(pe_hbm, pe_v)

    def issue_in(i, b):
        pc_i, rc_i, pm_i, num_v, out_v = buf_slots[b]
        base = w0 + i * C
        pltpu.async_copy(pc_hbm.at[pl.ds(base, C)], pc_i, sems.at[b, 0])
        pltpu.async_copy(rc_hbm.at[pl.ds(base, C)], rc_i, sems.at[b, 1])
        pltpu.async_copy(pm_hbm.at[pl.ds(base, C)], pm_i, sems.at[b, 2])
        pltpu.async_copy(num_hbm.at[pl.ds(base, C)], num_v, sems.at[b, 3])

    def wait_in(i, b):
        pc_i, rc_i, pm_i, num_v, out_v = buf_slots[b]
        base = w0 + i * C
        pltpu.make_async_copy(pc_hbm.at[pl.ds(base, C)], pc_i,
                              sems.at[b, 0]).wait()
        pltpu.make_async_copy(rc_hbm.at[pl.ds(base, C)], rc_i,
                              sems.at[b, 1]).wait()
        pltpu.make_async_copy(pm_hbm.at[pl.ds(base, C)], pm_i,
                              sems.at[b, 2]).wait()
        pltpu.make_async_copy(num_hbm.at[pl.ds(base, C)], num_v,
                              sems.at[b, 3]).wait()

    def issue_out(i, b):
        pc_i, rc_i, pm_i, num_v, out_v = buf_slots[b]
        base = w0 + i * C
        pltpu.async_copy(out_v, out_hbm.at[pl.ds(base, C)], sems.at[b, 4])

    def wait_out(i, b):
        pc_i, rc_i, pm_i, num_v, out_v = buf_slots[b]
        base = w0 + i * C
        pltpu.make_async_copy(out_v, out_hbm.at[pl.ds(base, C)],
                              sems.at[b, 4]).wait()

    for b in range(NSLOT):
        issue_in(b, b)

    def super_body(k, carry):
        for b in range(NSLOT):
            i = NSLOT * k + b
            pc_i, rc_i, pm_i, num_v, out_v = buf_slots[b]
            wait_in(i, b)

            @pl.when(k > 0)
            def _():
                wait_out(i - NSLOT, b)

            def assemble(g, carry2):
                e0 = g * 16
                pcv = pc_i[pl.ds(e0, 16)] * 16
                rcv = rc_i[pl.ds(e0, 16)] * 16
                pmv = pm_i[pl.ds(e0, 16)] * 16
                for j in range(0, 16, 8):
                    vals = []
                    for t in range(8):
                        e = e0 + j + t
                        vals.append((ce_v[pl.ds(pcv[j + t], 16)],
                                     ce_v[pl.ds(rcv[j + t], 16)],
                                     pe_v[pl.ds(pmv[j + t], 16)],
                                     num_v[e, :]))
                    for t in range(8):
                        e = e0 + j + t
                        a, b, c, d = vals[t]
                        out_v[e, pl.ds(0, 16)] = a
                        out_v[e, pl.ds(16, 16)] = b
                        out_v[e, pl.ds(32, 16)] = c
                        out_v[e, pl.ds(40, 16)] = d
                return carry2

            lax.fori_loop(0, C // 16, assemble, 0)

            @pl.when(i + NSLOT < nchunks)
            def _():
                issue_in(i + NSLOT, b)

            issue_out(i, b)
        return carry

    lax.fori_loop(0, nchunks // NSLOT, super_body, 0)
    for b in range(NSLOT):
        wait_out(nchunks - NSLOT + b, b)


def kernel(payment_curr, receiving_curr, payment_method, numericals,
           currencies_embed, payment_embed):
    B = payment_curr.shape[0]
    D_out = (2 * currencies_embed.shape[1] + payment_embed.shape[1]
             + numericals.shape[1])
    pe_pad = jnp.pad(payment_embed,
                     ((0, 0), (0, 16 - payment_embed.shape[1])))
    ce_flat = jnp.reshape(currencies_embed, (-1,))
    pe_flat = jnp.reshape(pe_pad, (-1,))
    mesh = plsc.VectorSubcoreMesh(core_axis_name="c", subcore_axis_name="s",
                                  num_cores=NUM_CORES)
    k = functools.partial(_edge_embed_kernel, B, CHUNK)
    slot_types = []
    for _ in range(NSLOT):
        slot_types += [
            pltpu.VMEM((CHUNK,), jnp.int32),
            pltpu.VMEM((CHUNK,), jnp.int32),
            pltpu.VMEM((CHUNK,), jnp.int32),
            pltpu.VMEM((CHUNK, 16), jnp.float32),
            pltpu.VMEM((CHUNK, 56), jnp.float32),
        ]
    run = pl.kernel(
        k,
        out_type=jax.ShapeDtypeStruct((B, D_out), jnp.float32),
        mesh=mesh,
        compiler_params=pltpu.CompilerParams(needs_layout_passes=False),
        scratch_types=[
            pltpu.VMEM((ce_flat.shape[0],), jnp.float32),
            pltpu.VMEM((pe_flat.shape[0],), jnp.float32),
        ] + slot_types,
    )
    return run(payment_curr, receiving_curr, payment_method, numericals,
               ce_flat, pe_flat)

# --- scband reference (transcript-rebuilt; emitter-appended) ---
"""Pipeline reference for scband-edge-embedding-47897475285648 (READ-ONLY COPY).

The authoritative reference and input builder live on the scoring server;
editing this copy changes nothing except your own understanding.
"""

import jax, jax.numpy as jnp
import numpy as np

B = 640000
NUM_CURRENCIES = 200
NUM_PAYMENT_METHODS = 32
CURR_DIM = 16
PAY_DIM = 8
NUM_NUMERICALS = 16


def setup_inputs(seed: int = 0) -> dict:
    key = jax.random.key(seed)
    k1, k2, k3, k4, k5, k6 = jax.random.split(key, 6)
    payment_curr = jax.random.randint(k1, (B,), 0, NUM_CURRENCIES, dtype=jnp.int32)
    receiving_curr = jax.random.randint(k2, (B,), 0, NUM_CURRENCIES, dtype=jnp.int32)
    payment_method = jax.random.randint(k3, (B,), 0, NUM_PAYMENT_METHODS, dtype=jnp.int32)
    numericals = jax.random.normal(k4, (B, NUM_NUMERICALS), dtype=jnp.float32)
    currencies_embed = jax.random.normal(k5, (NUM_CURRENCIES, CURR_DIM), dtype=jnp.float32)
    payment_embed = jax.random.normal(k6, (NUM_PAYMENT_METHODS, PAY_DIM), dtype=jnp.float32)
    return {
        "payment_curr": payment_curr,
        "receiving_curr": receiving_curr,
        "payment_method": payment_method,
        "numericals": numericals,
        "currencies_embed": currencies_embed,
        "payment_embed": payment_embed,
    }


def reference(payment_curr, receiving_curr, payment_method, numericals, currencies_embed, payment_embed):
    payment_curr_embed = jnp.take(currencies_embed, payment_curr, axis=0)
    receiving_curr_embed = jnp.take(currencies_embed, receiving_curr, axis=0)
    payment_method_embed = jnp.take(payment_embed, payment_method, axis=0)
    edge_feats = jnp.concatenate(
        [payment_curr_embed, receiving_curr_embed, payment_method_embed, numericals], axis=1
    )
    return edge_feats

if __name__ == "__main__":
    import jax
    _d = setup_inputs()
    print(jax.jit(kernel)(*tuple(_d.values())))

</pallas_src>

<mosaic_0001>
#map = affine_map<(d0, d1) -> (0)>
#map1 = affine_map<(d0, d1) -> (0, 0)>
module attributes {stable_mosaic.version = 14 : i64} {
  func.func @_edge_embed_kernel(%arg0: i32, %arg1: i32, %arg2: memref<640000xi32, #tpu.memory_space<hbm>>, %arg3: memref<640000xi32, #tpu.memory_space<hbm>>, %arg4: memref<640000xi32, #tpu.memory_space<hbm>>, %arg5: memref<640000x16xf32, #tpu.memory_space<hbm>>, %arg6: memref<3200xf32, #tpu.memory_space<hbm>>, %arg7: memref<512xf32, #tpu.memory_space<hbm>>, %arg8: memref<640000x56xf32, #tpu.memory_space<hbm>>, %arg9: memref<3200xf32, #tpu.memory_space<vmem>>, %arg10: memref<512xf32, #tpu.memory_space<vmem>>, %arg11: memref<80xi32, #tpu.memory_space<vmem>>, %arg12: memref<80xi32, #tpu.memory_space<vmem>>, %arg13: memref<80xi32, #tpu.memory_space<vmem>>, %arg14: memref<80x16xf32, #tpu.memory_space<vmem>>, %arg15: memref<80x56xf32, #tpu.memory_space<vmem>>, %arg16: memref<80xi32, #tpu.memory_space<vmem>>, %arg17: memref<80xi32, #tpu.memory_space<vmem>>, %arg18: memref<80xi32, #tpu.memory_space<vmem>>, %arg19: memref<80x16xf32, #tpu.memory_space<vmem>>, %arg20: memref<80x56xf32, #tpu.memory_space<vmem>>, %arg21: memref<80xi32, #tpu.memory_space<vmem>>, %arg22: memref<80xi32, #tpu.memory_space<vmem>>, %arg23: memref<80xi32, #tpu.memory_space<vmem>>, %arg24: memref<80x16xf32, #tpu.memory_space<vmem>>, %arg25: memref<80x56xf32, #tpu.memory_space<vmem>>, %arg26: memref<80xi32, #tpu.memory_space<vmem>>, %arg27: memref<80xi32, #tpu.memory_space<vmem>>, %arg28: memref<80xi32, #tpu.memory_space<vmem>>, %arg29: memref<80x16xf32, #tpu.memory_space<vmem>>, %arg30: memref<80x56xf32, #tpu.memory_space<vmem>>, %arg31: memref<80xi32, #tpu.memory_space<vmem>>, %arg32: memref<80xi32, #tpu.memory_space<vmem>>, %arg33: memref<80xi32, #tpu.memory_space<vmem>>, %arg34: memref<80x16xf32, #tpu.memory_space<vmem>>, %arg35: memref<80x56xf32, #tpu.memory_space<vmem>>) attributes {dimension_semantics = [#tpu.dimension_semantics<core_parallel>, #tpu.dimension_semantics<subcore_parallel>], iteration_bounds = array<i64: 2, 16>, scalar_prefetch = 0 : i64, scratch_operands = 27 : i64, tpu.core_type = #tpu.core_type<sc_vector_subcore>, window_params = [{transform_indices = #map}, {transform_indices = #map}, {transform_indices = #map}, {transform_indices = #map1}, {transform_indices = #map}, {transform_indices = #map}, {transform_indices = #map1}]} {
    %mul3A = arith.constant 2 : i32
    %mul3A_0 = arith.muli %arg1, %mul3A : i32
    %add3A = arith.addi %mul3A_0, %arg0 : i32
    %mul3A_1 = arith.constant 20000 : i32
    %mul3A_2 = arith.muli %add3A, %mul3A_1 : i32
    "tpu.region"() ({
      %run_scoped3A = tpu.sem_alloc : memref<5x5x!tpu.dma_semaphore, #tpu.memory_space<semaphore_mem>>
      "tpu.region"() ({
        %run_scoped3A_196 = tpu.sem_alloc : memref<!tpu.dma_semaphore, #tpu.memory_space<semaphore_mem>>
        tpu.enqueue_dma source(%arg6 : memref<3200xf32, #tpu.memory_space<hbm>>) target(%arg9 : memref<3200xf32, #tpu.memory_space<vmem>>) target_semaphore(%run_scoped3A_196 : memref<!tpu.dma_semaphore, #tpu.memory_space<semaphore_mem>>)
        tpu.wait_dma2 semaphore(%run_scoped3A_196 : memref<!tpu.dma_semaphore, #tpu.memory_space<semaphore_mem>>) src(%arg6 : memref<3200xf32, #tpu.memory_space<hbm>>) dst(%arg9 : memref<3200xf32, #tpu.memory_space<vmem>>)
        tpu.yield
      }) : () -> ()
      "tpu.region"() ({
        %run_scoped3A_196 = tpu.sem_alloc : memref<!tpu.dma_semaphore, #tpu.memory_space<semaphore_mem>>
        tpu.enqueue_dma source(%arg7 : memref<512xf32, #tpu.memory_space<hbm>>) target(%arg10 : memref<512xf32, #tpu.memory_space<vmem>>) target_semaphore(%run_scoped3A_196 : memref<!tpu.dma_semaphore, #tpu.memory_space<semaphore_mem>>)
        tpu.wait_dma2 semaphore(%run_scoped3A_196 : memref<!tpu.dma_semaphore, #tpu.memory_space<semaphore_mem>>) src(%arg7 : memref<512xf32, #tpu.memory_space<hbm>>) dst(%arg10 : memref<512xf32, #tpu.memory_space<vmem>>)
        tpu.yield
      }) : () -> ()
      %add3A_3 = arith.constant 0 : i32
      %add3A_4 = arith.addi %mul3A_2, %add3A_3 : i32
      %dma_start3A = arith.constant 0 : i32
      %dma_start3A_5 = arith.constant 0 : i32
      %dma_start3A_6 = tpu.memref_slice %arg2[%add3A_4] : memref<640000xi32, #tpu.memory_space<hbm>> -> memref<80xi32, #tpu.memory_space<hbm>>
      %dma_start3A_7 = tpu.memref_slice %run_scoped3A[%dma_start3A, %dma_start3A_5] : memref<5x5x!tpu.dma_semaphore, #tpu.memory_space<semaphore_mem>> -> memref<1x1x!tpu.dma_semaphore, #tpu.memory_space<semaphore_mem>>
      %dma_start3A_8 = tpu.memref_squeeze %dma_start3A_7 : memref<1x1x!tpu.dma_semaphore, #tpu.memory_space<semaphore_mem>> -> memref<!tpu.dma_semaphore, #tpu.memory_space<semaphore_mem>>
      %dma_start3A_9 = tpu.memref_slice %arg2[%add3A_4] : memref<640000xi32, #tpu.memory_space<hbm>> -> memref<80xi32, #tpu.memory_space<hbm>>
      tpu.enqueue_dma source(%dma_start3A_9 : memref<80xi32, #tpu.memory_space<hbm>>) target(%arg11 : memref<80xi32, #tpu.memory_space<vmem>>) target_semaphore(%dma_start3A_8 : memref<!tpu.dma_semaphore, #tpu.memory_space<semaphore_mem>>)
      %dma_start3A_10 = arith.constant 0 : i32
      %dma_start3A_11 = arith.constant 1 : i32
      %dma_start3A_12 = tpu.memref_slice %arg3[%add3A_4] : memref<640000xi32, #tpu.memory_space<hbm>> -> memref<80xi32, #tpu.memory_space<hbm>>
      %dma_start3A_13 = tpu.memref_slice %run_scoped3A[%dma_start3A_10, %dma_start3A_11] : memref<5x5x!tpu.dma_semaphore, #tpu.memory_space<semaphore_mem>> -> memref<1x1x!tpu.dma_semaphore, #tpu.memory_space<semaphore_mem>>
      %dma_start3A_14 = tpu.memref_squeeze %dma_start3A_13 : memref<1x1x!tpu.dma_semaphore, #tpu.memory_space<semaphore_mem>> -> memref<!tpu.dma_semaphore, #tpu.memory_space<semaphore_mem>>
      %dma_start3A_15 = tpu.memref_slice %arg3[%add3A_4] : memref<640000xi32, #tpu.memory_space<hbm>> -> memref<80xi32, #tpu.memory_space<hbm>>
      tpu.enqueue_dma source(%dma_start3A_15 : memref<80xi32, #tpu.memory_space<hbm>>) target(%arg12 : memref<80xi32, #tpu.memory_space<vmem>>) target_semaphore(%dma_start3A_14 : memref<!tpu.dma_semaphore, #tpu.memory_space<semaphore_mem>>)
      %dma_start3A_16 = arith.constant 0 : i32
      %dma_start3A_17 = arith.constant 2 : i32
      %dma_start3A_18 = tpu.memref_slice %arg4[%add3A_4] : memref<640000xi32, #tpu.memory_space<hbm>> -> memref<80xi32, #tpu.memory_space<hbm>>
      %dma_start3A_19 = tpu.memref_slice %run_scoped3A[%dma_start3A_16, %dma_start3A_17] : memref<5x5x!tpu.dma_semaphore, #tpu.memory_space<semaphore_mem>> -> memref<1x1x!tpu.dma_semaphore, #tpu.memory_space<semaphore_mem>>
      %dma_start3A_20 = tpu.memref_squeeze %dma_start3A_19 : memref<1x1x!tpu.dma_semaphore, #tpu.memory_space<semaphore_mem>> -> memref<!tpu.dma_semaphore, #tpu.memory_space<semaphore_mem>>
      %dma_start3A_21 = tpu.memref_slice %arg4[%add3A_4] : memref<640000xi32, #tpu.memory_space<hbm>> -> memref<80xi32, #tpu.memory_space<hbm>>
      tpu.enqueue_dma source(%dma_start3A_21 : memref<80xi32, #tpu.memory_space<hbm>>) target(%arg13 : memref<80xi32, #tpu.memory_space<vmem>>) target_semaphore(%dma_start3A_20 : memref<!tpu.dma_semaphore, #tpu.memory_space<semaphore_mem>>)
      %dma_start3A_22 = arith.constant 0 : i32
      %dma_start3A_23 = arith.constant 3 : i32
      %dma_start3A_24 = arith.constant 0 : i32
      %dma_start3A_25 = tpu.memref_slice %arg5[%add3A_4, %dma_start3A_24] : memref<640000x16xf32, #tpu.memory_space<hbm>> -> memref<80x16xf32, #tpu.memory_space<hbm>>
      %dma_start3A_26 = tpu.memref_slice %run_scoped3A[%dma_start3A_22, %dma_start3A_23] : memref<5x5x!tpu.dma_semaphore, #tpu.memory_space<semaphore_mem>> -> memref<1x1x!tpu.dma_semaphore, #tpu.memory_space<semaphore_mem>>
      %dma_start3A_27 = tpu.memref_squeeze %dma_start3A_26 : memref<1x1x!tpu.dma_semaphore, #tpu.memory_space<semaphore_mem>> -> memref<!tpu.dma_semaphore, #tpu.memory_space<semaphore_mem>>
      %dma_start3A_28 = arith.constant 0 : i32
      %dma_start3A_29 = tpu.memref_slice %arg5[%add3A_4, %dma_start3A_28] : memref<640000x16xf32, #tpu.memory_space<hbm>> -> memref<80x16xf32, #tpu.memory_space<hbm>>
      tpu.enqueue_dma source(%dma_start3A_29 : memref<80x16xf32, #tpu.memory_space<hbm>>) target(%arg14 : memref<80x16xf32, #tpu.memory_space<vmem>>) target_semaphore(%dma_start3A_27 : memref<!tpu.dma_semaphore, #tpu.memory_space<semaphore_mem>>)
      %add3A_30 = arith.constant 80 : i32
      %add3A_31 = arith.addi %mul3A_2, %add3A_30 : i32
      %dma_start3A_32 = arith.constant 1 : i32
      %dma_start3A_33 = arith.constant 0 : i32
      %dma_start3A_34 = tpu.memref_slice %arg2[%add3A_31] : memref<640000xi32, #tpu.memory_space<hbm>> -> memref<80xi32, #tpu.memory_space<hbm>>
      %dma_start3A_35 = tpu.memref_slice %run_scoped3A[%dma_start3A_32, %dma_start3A_33] : memref<5x5x!tpu.dma_semaphore, #tpu.memory_space<semaphore_mem>> -> memref<1x1x!tpu.dma_semaphore, #tpu.memory_space<semaphore_mem>>
      %dma_start3A_36 = tpu.memref_squeeze %dma_start3A_35 : memref<1x1x!tpu.dma_semaphore, #tpu.memory_space<semaphore_mem>> -> memref<!tpu.dma_semaphore, #tpu.memory_space<semaphore_mem>>
      %dma_start3A_37 = tpu.memref_slice %arg2[%add3A_31] : memref<640000xi32, #tpu.memory_space<hbm>> -> memref<80xi32, #tpu.memory_space<hbm>>
      tpu.enqueue_dma source(%dma_start3A_37 : memref<80xi32, #tpu.memory_space<hbm>>) target(%arg16 : memref<80xi32, #tpu.memory_space<vmem>>) target_semaphore(%dma_start3A_36 : memref<!tpu.dma_semaphore, #tpu.memory_space<semaphore_mem>>)
      %dma_start3A_38 = arith.constant 1 : i32
      %dma_start3A_39 = arith.constant 1 : i32
      %dma_start3A_40 = tpu.memref_slice %arg3[%add3A_31] : memref<640000xi32, #tpu.memory_space<hbm>> -> memref<80xi32, #tpu.memory_space<hbm>>
      %dma_start3A_41 = tpu.memref_slice %run_scoped3A[%dma_start3A_38, %dma_start3A_39] : memref<5x5x!tpu.dma_semaphore, #tpu.memory_space<semaphore_mem>> -> memref<1x1x!tpu.dma_semaphore, #tpu.memory_space<semaphore_mem>>
      %dma_start3A_42 = tpu.memref_squeeze %dma_start3A_41 : memref<1x1x!tpu.dma_semaphore, #tpu.memory_space<semaphore_mem>> -> memref<!tpu.dma_semaphore, #tpu.memory_space<semaphore_mem>>
      %dma_start3A_43 = tpu.memref_slice %arg3[%add3A_31] : memref<640000xi32, #tpu.memory_space<hbm>> -> memref<80xi32, #tpu.memory_space<hbm>>
      tpu.enqueue_dma source(%dma_start3A_43 : memref<80xi32, #tpu.memory_space<hbm>>) target(%arg17 : memref<80xi32, #tpu.memory_space<vmem>>) target_semaphore(%dma_start3A_42 : memref<!tpu.dma_semaphore, #tpu.memory_space<semaphore_mem>>)
      %dma_start3A_44 = arith.constant 1 : i32
      %dma_start3A_45 = arith.constant 2 : i32
      %dma_start3A_46 = tpu.memref_slice %arg4[%add3A_31] : memref<640000xi32, #tpu.memory_space<hbm>> -> memref<80xi32, #tpu.memory_space<hbm>>
      %dma_start3A_47 = tpu.memref_slice %run_scoped3A[%dma_start3A_44, %dma_start3A_45] : memref<5x5x!tpu.dma_semaphore, #tpu.memory_space<semaphore_mem>> -> memref<1x1x!tpu.dma_semaphore, #tpu.memory_space<semaphore_mem>>
      %dma_start3A_48 = tpu.memref_squeeze %dma_start3A_47 : memref<1x1x!tpu.dma_semaphore, #tpu.memory_space<semaphore_mem>> -> memref<!tpu.dma_semaphore, #tpu.memory_space<semaphore_mem>>
      %dma_start3A_49 = tpu.memref_slice %arg4[%add3A_31] : memref<640000xi32, #tpu.memory_space<hbm>> -> memref<80xi32, #tpu.memory_space<hbm>>
      tpu.enqueue_dma source(%dma_start3A_49 : memref<80xi32, #tpu.memory_space<hbm>>) target(%arg18 : memref<80xi32, #tpu.memory_space<vmem>>) target_semaphore(%dma_start3A_48 : memref<!tpu.dma_semaphore, #tpu.memory_space<semaphore_mem>>)
      %dma_start3A_50 = arith.constant 1 : i32
      %dma_start3A_51 = arith.constant 3 : i32
      %dma_start3A_52 = arith.constant 0 : i32
      %dma_start3A_53 = tpu.memref_slice %arg5[%add3A_31, %dma_start3A_52] : memref<640000x16xf32, #tpu.memory_space<hbm>> -> memref<80x16xf32, #tpu.memory_space<hbm>>
      %dma_start3A_54 = tpu.memref_slice %run_scoped3A[%dma_start3A_50, %dma_start3A_51] : memref<5x5x!tpu.dma_semaphore, #tpu.memory_space<semaphore_mem>> -> memref<1x1x!tpu.dma_semaphore, #tpu.memory_space<semaphore_mem>>
      %dma_start3A_55 = tpu.memref_squeeze %dma_start3A_54 : memref<1x1x!tpu.dma_semaphore, #tpu.memory_space<semaphore_mem>> -> memref<!tpu.dma_semaphore, #tpu.memory_space<semaphore_mem>>
      %dma_start3A_56 = arith.constant 0 : i32
      %dma_start3A_57 = tpu.memref_slice %arg5[%add3A_31, %dma_start3A_56] : memref<640000x16xf32, #tpu.memory_space<hbm>> -> memref<80x16xf32, #tpu.memory_space<hbm>>
      tpu.enqueue_dma source(%dma_start3A_57 : memref<80x16xf32, #tpu.memory_space<hbm>>) target(%arg19 : memref<80x16xf32, #tpu.memory_space<vmem>>) target_semaphore(%dma_start3A_55 : memref<!tpu.dma_semaphore, #tpu.memory_space<semaphore_mem>>)
      %add3A_58 = arith.constant 160 : i32
      %add3A_59 = arith.addi %mul3A_2, %add3A_58 : i32
      %dma_start3A_60 = arith.constant 2 : i32
      %dma_start3A_61 = arith.constant 0 : i32
      %dma_start3A_62 = tpu.memref_slice %arg2[%add3A_59] : memref<640000xi32, #tpu.memory_space<hbm>> -> memref<80xi32, #tpu.memory_space<hbm>>
      %dma_start3A_63 = tpu.memref_slice %run_scoped3A[%dma_start3A_60, %dma_start3A_61] : memref<5x5x!tpu.dma_semaphore, #tpu.memory_space<semaphore_mem>> -> memref<1x1x!tpu.dma_semaphore, #tpu.memory_space<semaphore_mem>>
      %dma_start3A_64 = tpu.memref_squeeze %dma_start3A_63 : memref<1x1x!tpu.dma_semaphore, #tpu.memory_space<semaphore_mem>> -> memref<!tpu.dma_semaphore, #tpu.memory_space<semaphore_mem>>
      %dma_start3A_65 = tpu.memref_slice %arg2[%add3A_59] : memref<640000xi32, #tpu.memory_space<hbm>> -> memref<80xi32, #tpu.memory_space<hbm>>
      tpu.enqueue_dma source(%dma_start3A_65 : memref<80xi32, #tpu.memory_space<hbm>>) target(%arg21 : memref<80xi32, #tpu.memory_space<vmem>>) target_semaphore(%dma_start3A_64 : memref<!tpu.dma_semaphore, #tpu.memory_space<semaphore_mem>>)
      %dma_start3A_66 = arith.constant 2 : i32
      %dma_start3A_67 = arith.constant 1 : i32
      %dma_start3A_68 = tpu.memref_slice %arg3[%add3A_59] : memref<640000xi32, #tpu.memory_space<hbm>> -> memref<80xi32, #tpu.memory_space<hbm>>
      %dma_start3A_69 = tpu.memref_slice %run_scoped3A[%dma_start3A_66, %dma_start3A_67] : memref<5x5x!tpu.dma_semaphore, #tpu.memory_space<semaphore_mem>> -> memref<1x1x!tpu.dma_semaphore, #tpu.memory_space<semaphore_mem>>
      %dma_start3A_70 = tpu.memref_squeeze %dma_start3A_69 : memref<1x1x!tpu.dma_semaphore, #tpu.memory_space<semaphore_mem>> -> memref<!tpu.dma_semaphore, #tpu.memory_space<semaphore_mem>>
      %dma_start3A_71 = tpu.memref_slice %arg3[%add3A_59] : memref<640000xi32, #tpu.memory_space<hbm>> -> memref<80xi32, #tpu.memory_space<hbm>>
      tpu.enqueue_dma source(%dma_start3A_71 : memref<80xi32, #tpu.memory_space<hbm>>) target(%arg22 : memref<80xi32, #tpu.memory_space<vmem>>) target_semaphore(%dma_start3A_70 : memref<!tpu.dma_semaphore, #tpu.memory_space<semaphore_mem>>)
      %dma_start3A_72 = arith.constant 2 : i32
      %dma_start3A_73 = arith.constant 2 : i32
      %dma_start3A_74 = tpu.memref_slice %arg4[%add3A_59] : memref<640000xi32, #tpu.memory_space<hbm>> -> memref<80xi32, #tpu.memory_space<hbm>>
      %dma_start3A_75 = tpu.memref_slice %run_scoped3A[%dma_start3A_72, %dma_start3A_73] : memref<5x5x!tpu.dma_semaphore, #tpu.memory_space<semaphore_mem>> -> memref<1x1x!tpu.dma_semaphore, #tpu.memory_space<semaphore_mem>>
      %dma_start3A_76 = tpu.memref_squeeze %dma_start3A_75 : memref<1x1x!tpu.dma_semaphore, #tpu.memory_space<semaphore_mem>> -> memref<!tpu.dma_semaphore, #tpu.memory_space<semaphore_mem>>
      %dma_start3A_77 = tpu.memref_slice %arg4[%add3A_59] : memref<640000xi32, #tpu.memory_space<hbm>> -> memref<80xi32, #tpu.memory_space<hbm>>
      tpu.enqueue_dma source(%dma_start3A_77 : memref<80xi32, #tpu.memory_space<hbm>>) target(%arg23 : memref<80xi32, #tpu.memory_space<vmem>>) target_semaphore(%dma_start3A_76 : memref<!tpu.dma_semaphore, #tpu.memory_space<semaphore_mem>>)
      %dma_start3A_78 = arith.constant 2 : i32
      %dma_start3A_79 = arith.constant 3 : i32
      %dma_start3A_80 = arith.constant 0 : i32
      %dma_start3A_81 = tpu.memref_slice %arg5[%add3A_59, %dma_start3A_80] : memref<640000x16xf32, #tpu.memory_space<hbm>> -> memref<80x16xf32, #tpu.memory_space<hbm>>
      %dma_start3A_82 = tpu.memref_slice %run_scoped3A[%dma_start3A_78, %dma_start3A_79] : memref<5x5x!tpu.dma_semaphore, #tpu.memory_space<semaphore_mem>> -> memref<1x1x!tpu.dma_semaphore, #tpu.memory_space<semaphore_mem>>
      %dma_start3A_83 = tpu.memref_squeeze %dma_start3A_82 : memref<1x1x!tpu.dma_semaphore, #tpu.memory_space<semaphore_mem>> -> memref<!tpu.dma_semaphore, #tpu.memory_space<semaphore_mem>>
      %dma_start3A_84 = arith.constant 0 : i32
      %dma_start3A_85 = tpu.memref_slice %arg5[%add3A_59, %dma_start3A_84] : memref<640000x16xf32, #tpu.memory_space<hbm>> -> memref<80x16xf32, #tpu.memory_space<hbm>>
      tpu.enqueue_dma source(%dma_start3A_85 : memref<80x16xf32, #tpu.memory_space<hbm>>) target(%arg24 : memref<80x16xf32, #tpu.memory_space<vmem>>) target_semaphore(%dma_start3A_83 : memref<!tpu.dma_semaphore, #tpu.memory_space<semaphore_mem>>)
      %add3A_86 = arith.constant 240 : i32
      %add3A_87 = arith.addi %mul3A_2, %add3A_86 : i32
      %dma_start3A_88 = arith.constant 3 : i32
      %dma_start3A_89 = arith.constant 0 : i32
      %dma_start3A_90 = tpu.memref_slice %arg2[%add3A_87] : memref<640000xi32, #tpu.memory_space<hbm>> -> memref<80xi32, #tpu.memory_space<hbm>>
      %dma_start3A_91 = tpu.memref_slice %run_scoped3A[%dma_start3A_88, %dma_start3A_89] : memref<5x5x!tpu.dma_semaphore, #tpu.memory_space<semaphore_mem>> -> memref<1x1x!tpu.dma_semaphore, #tpu.memory_space<semaphore_mem>>
      %dma_start3A_92 = tpu.memref_squeeze %dma_start3A_91 : memref<1x1x!tpu.dma_semaphore, #tpu.memory_space<semaphore_mem>> -> memref<!tpu.dma_semaphore, #tpu.memory_space<semaphore_mem>>
      %dma_start3A_93 = tpu.memref_slice %arg2[%add3A_87] : memref<640000xi32, #tpu.memory_space<hbm>> -> memref<80xi32, #tpu.memory_space<hbm>>
      tpu.enqueue_dma source(%dma_start3A_93 : memref<80xi32, #tpu.memory_space<hbm>>) target(%arg26 : memref<80xi32, #tpu.memory_space<vmem>>) target_semaphore(%dma_start3A_92 : memref<!tpu.dma_semaphore, #tpu.memory_space<semaphore_mem>>)
      %dma_start3A_94 = arith.constant 3 : i32
      %dma_start3A_95 = arith.constant 1 : i32
      %dma_start3A_96 = tpu.memref_slice %arg3[%add3A_87] : memref<640000xi32, #tpu.memory_space<hbm>> -> memref<80xi32, #tpu.memory_space<hbm>>
      %dma_start3A_97 = tpu.memref_slice %run_scoped3A[%dma_start3A_94, %dma_start3A_95] : memref<5x5x!tpu.dma_semaphore, #tpu.memory_space<semaphore_mem>> -> memref<1x1x!tpu.dma_semaphore, #tpu.memory_space<semaphore_mem>>
      %dma_start3A_98 = tpu.memref_squeeze %dma_start3A_97 : memref<1x1x!tpu.dma_semaphore, #tpu.memory_space<semaphore_mem>> -> memref<!tpu.dma_semaphore, #tpu.memory_space<semaphore_mem>>
      %dma_start3A_99 = tpu.memref_slice %arg3[%add3A_87] : memref<640000xi32, #tpu.memory_space<hbm>> -> memref<80xi32, #tpu.memory_space<hbm>>
      tpu.enqueue_dma source(%dma_start3A_99 : memref<80xi32, #tpu.memory_space<hbm>>) target(%arg27 : memref<80xi32, #tpu.memory_space<vmem>>) target_semaphore(%dma_start3A_98 : memref<!tpu.dma_semaphore, #tpu.memory_space<semaphore_mem>>)
      %dma_start3A_100 = arith.constant 3 : i32
      %dma_start3A_101 = arith.constant 2 : i32
      %dma_start3A_102 = tpu.memref_slice %arg4[%add3A_87] : memref<640000xi32, #tpu.memory_space<hbm>> -> memref<80xi32, #tpu.memory_space<hbm>>
      %dma_start3A_103 = tpu.memref_slice %run_scoped3A[%dma_start3A_100, %dma_start3A_101] : memref<5x5x!tpu.dma_semaphore, #tpu.memory_space<semaphore_mem>> -> memref<1x1x!tpu.dma_semaphore, #tpu.memory_space<semaphore_mem>>
      %dma_start3A_104 = tpu.memref_squeeze %dma_start3A_103 : memref<1x1x!tpu.dma_semaphore, #tpu.memory_space<semaphore_mem>> -> memref<!tpu.dma_semaphore, #tpu.memory_space<semaphore_mem>>
      %dma_start3A_105 = tpu.memref_slice %arg4[%add3A_87] : memref<640000xi32, #tpu.memory_space<hbm>> -> memref<80xi32, #tpu.memory_space<hbm>>
      tpu.enqueue_dma source(%dma_start3A_105 : memref<80xi32, #tpu.memory_space<hbm>>) target(%arg28 : memref<80xi32, #tpu.memory_space<vmem>>) target_semaphore(%dma_start3A_104 : memref<!tpu.dma_semaphore, #tpu.memory_space<semaphore_mem>>)
      %dma_start3A_106 = arith.constant 3 : i32
      %dma_start3A_107 = arith.constant 3 : i32
      %dma_start3A_108 = arith.constant 0 : i32
      %dma_start3A_109 = tpu.memref_slice %arg5[%add3A_87, %dma_start3A_108] : memref<640000x16xf32, #tpu.memory_space<hbm>> -> memref<80x16xf32, #tpu.memory_space<hbm>>
      %dma_start3A_110 = tpu.memref_slice %run_scoped3A[%dma_start3A_106, %dma_start3A_107] : memref<5x5x!tpu.dma_semaphore, #tpu.memory_space<semaphore_mem>> -> memref<1x1x!tpu.dma_semaphore, #tpu.memory_space<semaphore_mem>>
      %dma_start3A_111 = tpu.memref_squeeze %dma_start3A_110 : memref<1x1x!tpu.dma_semaphore, #tpu.memory_space<semaphore_mem>> -> memref<!tpu.dma_semaphore, #tpu.memory_space<semaphore_mem>>
      %dma_start3A_112 = arith.constant 0 : i32
      %dma_start3A_113 = tpu.memref_slice %arg5[%add3A_87, %dma_start3A_112] : memref<640000x16xf32, #tpu.memory_space<hbm>> -> memref<80x16xf32, #tpu.memory_space<hbm>>
      tpu.enqueue_dma source(%dma_start3A_113 : memref<80x16xf32, #tpu.memory_space<hbm>>) target(%arg29 : memref<80x16xf32, #tpu.memory_space<vmem>>) target_semaphore(%dma_start3A_111 : memref<!tpu.dma_semaphore, #tpu.memory_space<semaphore_mem>>)
      %add3A_114 = arith.constant 320 : i32
      %add3A_115 = arith.addi %mul3A_2, %add3A_114 : i32
      %dma_start3A_116 = arith.constant 4 : i32
      %dma_start3A_117 = arith.constant 0 : i32
      %dma_start3A_118 = tpu.memref_slice %arg2[%add3A_115] : memref<640000xi32, #tpu.memory_space<hbm>> -> memref<80xi32, #tpu.memory_space<hbm>>
      %dma_start3A_119 = tpu.memref_slice %run_scoped3A[%dma_start3A_116, %dma_start3A_117] : memref<5x5x!tpu.dma_semaphore, #tpu.memory_space<semaphore_mem>> -> memref<1x1x!tpu.dma_semaphore, #tpu.memory_space<semaphore_mem>>
      %dma_start3A_120 = tpu.memref_squeeze %dma_start3A_119 : memref<1x1x!tpu.dma_semaphore, #tpu.memory_space<semaphore_mem>> -> memref<!tpu.dma_semaphore, #tpu.memory_space<semaphore_mem>>
      %dma_start3A_121 = tpu.memref_slice %arg2[%add3A_115] : memref<640000xi32, #tpu.memory_space<hbm>> -> memref<80xi32, #tpu.memory_space<hbm>>
      tpu.enqueue_dma source(%dma_start3A_121 : memref<80xi32, #tpu.memory_space<hbm>>) target(%arg31 : memref<80xi32, #tpu.memory_space<vmem>>) target_semaphore(%dma_start3A_120 : memref<!tpu.dma_semaphore, #tpu.memory_space<semaphore_mem>>)
      %dma_start3A_122 = arith.constant 4 : i32
      %dma_start3A_123 = arith.constant 1 : i32
      %dma_start3A_124 = tpu.memref_slice %arg3[%add3A_115] : memref<640000xi32, #tpu.memory_space<hbm>> -> memref<80xi32, #tpu.memory_space<hbm>>
      %dma_start3A_125 = tpu.memref_slice %run_scoped3A[%dma_start3A_122, %dma_start3A_123] : memref<5x5x!tpu.dma_semaphore, #tpu.memory_space<semaphore_mem>> -> memref<1x1x!tpu.dma_semaphore, #tpu.memory_space<semaphore_mem>>
      %dma_start3A_126 = tpu.memref_squeeze %dma_start3A_125 : memref<1x1x!tpu.dma_semaphore, #tpu.memory_space<semaphore_mem>> -> memref<!tpu.dma_semaphore, #tpu.memory_space<semaphore_mem>>
      %dma_start3A_127 = tpu.memref_slice %arg3[%add3A_115] : memref<640000xi32, #tpu.memory_space<hbm>> -> memref<80xi32, #tpu.memory_space<hbm>>
      tpu.enqueue_dma source(%dma_start3A_127 : memref<80xi32, #tpu.memory_space<hbm>>) target(%arg32 : memref<80xi32, #tpu.memory_space<vmem>>) target_semaphore(%dma_start3A_126 : memref<!tpu.dma_semaphore, #tpu.memory_space<semaphore_mem>>)
      %dma_start3A_128 = arith.constant 4 : i32
      %dma_start3A_129 = arith.constant 2 : i32
      %dma_start3A_130 = tpu.memref_slice %arg4[%add3A_115] : memref<640000xi32, #tpu.memory_space<hbm>> -> memref<80xi32, #tpu.memory_space<hbm>>
      %dma_start3A_131 = tpu.memref_slice %run_scoped3A[%dma_start3A_128, %dma_start3A_129] : memref<5x5x!tpu.dma_semaphore, #tpu.memory_space<semaphore_mem>> -> memref<1x1x!tpu.dma_semaphore, #tpu.memory_space<semaphore_mem>>
      %dma_start3A_132 = tpu.memref_squeeze %dma_start3A_131 : memref<1x1x!tpu.dma_semaphore, #tpu.memory_space<semaphore_mem>> -> memref<!tpu.dma_semaphore, #tpu.memory_space<semaphore_mem>>
      %dma_start3A_133 = tpu.memref_slice %arg4[%add3A_115] : memref<640000xi32, #tpu.memory_space<hbm>> -> memref<80xi32, #tpu.memory_space<hbm>>
      tpu.enqueue_dma source(%dma_start3A_133 : memref<80xi32, #tpu.memory_space<hbm>>) target(%arg33 : memref<80xi32, #tpu.memory_space<vmem>>) target_semaphore(%dma_start3A_132 : memref<!tpu.dma_semaphore, #tpu.memory_space<semaphore_mem>>)
      %dma_start3A_134 = arith.constant 4 : i32
      %dma_start3A_135 = arith.constant 3 : i32
      %dma_start3A_136 = arith.constant 0 : i32
      %dma_start3A_137 = tpu.memref_slice %arg5[%add3A_115, %dma_start3A_136] : memref<640000x16xf32, #tpu.memory_space<hbm>> -> memref<80x16xf32, #tpu.memory_space<hbm>>
      %dma_start3A_138 = tpu.memref_slice %run_scoped3A[%dma_start3A_134, %dma_start3A_135] : memref<5x5x!tpu.dma_semaphore, #tpu.memory_space<semaphore_mem>> -> memref<1x1x!tpu.dma_semaphore, #tpu.memory_space<semaphore_mem>>
      %dma_start3A_139 = tpu.memref_squeeze %dma_start3A_138 : memref<1x1x!tpu.dma_semaphore, #tpu.memory_space<semaphore_mem>> -> memref<!tpu.dma_semaphore, #tpu.memory_space<semaphore_mem>>
      %dma_start3A_140 = arith.constant 0 : i32
      %dma_start3A_141 = tpu.memref_slice %arg5[%add3A_115, %dma_start3A_140] : memref<640000x16xf32, #tpu.memory_space<hbm>> -> memref<80x16xf32, #tpu.memory_space<hbm>>
      tpu.enqueue_dma source(%dma_start3A_141 : memref<80x16xf32, #tpu.memory_space<hbm>>) target(%arg34 : memref<80x16xf32, #tpu.memory_space<vmem>>) target_semaphore(%dma_start3A_139 : memref<!tpu.dma_semaphore, #tpu.memory_space<semaphore_mem>>)
      %scan3A = arith.constant 0 : i32
      %scan3A_142 = arith.constant 0 : i32
      %scan3A_143 = arith.constant 50 : i32
      %scan3A_144 = arith.addi %scan3A_142, %scan3A_143 : i32
      %scan3A_145 = arith.constant 1 : i32
      scf.for %scan3A_196 = %scan3A_142 to %scan3A_144 step %scan3A_145  : i32 {
        %mul3A_197 = arith.constant 5 : i32
        %mul3A_198 = arith.muli %mul3A_197, %scan3A_196 : i32
        %add3A_199 = arith.constant 0 : i32
        %add3A_200 = arith.addi %mul3A_198, %add3A_199 : i32
        %mul3A_201 = arith.constant 80 : i32
        %mul3A_202 = arith.muli %add3A_200, %mul3A_201 : i32
        %add3A_203 = arith.addi %mul3A_2, %mul3A_202 : i32
        %dma_wait3A_204 = arith.constant 0 : i32
        %dma_wait3A_205 = arith.constant 0 : i32
        %dma_wait3A_206 = tpu.memref_slice %arg2[%add3A_203] : memref<640000xi32, #tpu.memory_space<hbm>> -> memref<80xi32, #tpu.memory_space<hbm>>
        %dma_wait3A_207 = tpu.memref_slice %run_scoped3A[%dma_wait3A_204, %dma_wait3A_205] : memref<5x5x!tpu.dma_semaphore, #tpu.memory_space<semaphore_mem>> -> memref<1x1x!tpu.dma_semaphore, #tpu.memory_space<semaphore_mem>>
        %dma_wait3A_208 = tpu.memref_squeeze %dma_wait3A_207 : memref<1x1x!tpu.dma_semaphore, #tpu.memory_space<semaphore_mem>> -> memref<!tpu.dma_semaphore, #tpu.memory_space<semaphore_mem>>
        %dma_wait3A_209 = tpu.memref_slice %arg2[%add3A_203] : memref<640000xi32, #tpu.memory_space<hbm>> -> memref<80xi32, #tpu.memory_space<hbm>>
        tpu.wait_dma2 semaphore(%dma_wait3A_208 : memref<!tpu.dma_semaphore, #tpu.memory_space<semaphore_mem>>) src(%dma_wait3A_209 : memref<80xi32, #tpu.memory_space<hbm>>) dst(%arg11 : memref<80xi32, #tpu.memory_space<vmem>>)
        %dma_wait3A_210 = arith.constant 0 : i32
        %dma_wait3A_211 = arith.constant 1 : i32
        %dma_wait3A_212 = tpu.memref_slice %arg3[%add3A_203] : memref<640000xi32, #tpu.memory_space<hbm>> -> memref<80xi32, #tpu.memory_space<hbm>>
        %dma_wait3A_213 = tpu.memref_slice %run_scoped3A[%dma_wait3A_210, %dma_wait3A_211] : memref<5x5x!tpu.dma_semaphore, #tpu.memory_space<semaphore_mem>> -> memref<1x1x!tpu.dma_semaphore, #tpu.memory_space<semaphore_mem>>
        %dma_wait3A_214 = tpu.memref_squeeze %dma_wait3A_213 : memref<1x1x!tpu.dma_semaphore, #tpu.memory_space<semaphore_mem>> -> memref<!tpu.dma_semaphore, #tpu.memory_space<semaphore_mem>>
        %dma_wait3A_215 = tpu.memref_slice %arg3[%add3A_203] : memref<640000xi32, #tpu.memory_space<hbm>> -> memref<80xi32, #tpu.memory_space<hbm>>
        tpu.wait_dma2 semaphore(%dma_wait3A_214 : memref<!tpu.dma_semaphore, #tpu.memory_space<semaphore_mem>>) src(%dma_wait3A_215 : memref<80xi32, #tpu.memory_space<hbm>>) dst(%arg12 : memref<80xi32, #tpu.memory_space<vmem>>)
        %dma_wait3A_216 = arith.constant 0 : i32
        %dma_wait3A_217 = arith.constant 2 : i32
        %dma_wait3A_218 = tpu.memref_slice %arg4[%add3A_203] : memref<640000xi32, #tpu.memory_space<hbm>> -> memref<80xi32, #tpu.memory_space<hbm>>
        %dma_wait3A_219 = tpu.memref_slice %run_scoped3A[%dma_wait3A_216, %dma_wait3A_217] : memref<5x5x!tpu.dma_semaphore, #tpu.memory_space<semaphore_mem>> -> memref<1x1x!tpu.dma_semaphore, #tpu.memory_space<semaphore_mem>>
        %dma_wait3A_220 = tpu.memref_squeeze %dma_wait3A_219 : memref<1x1x!tpu.dma_semaphore, #tpu.memory_space<semaphore_mem>> -> memref<!tpu.dma_semaphore, #tpu.memory_space<semaphore_mem>>
        %dma_wait3A_221 = tpu.memref_slice %arg4[%add3A_203] : memref<640000xi32, #tpu.memory_space<hbm>> -> memref<80xi32, #tpu.memory_space<hbm>>
        tpu.wait_dma2 semaphore(%dma_wait3A_220 : memref<!tpu.dma_semaphore, #tpu.memory_space<semaphore_mem>>) src(%dma_wait3A_221 : memref<80xi32, #tpu.memory_space<hbm>>) dst(%arg13 : memref<80xi32, #tpu.memory_space<vmem>>)
        %dma_wait3A_222 = arith.constant 0 : i32
        %dma_wait3A_223 = arith.constant 3 : i32
        %dma_wait3A_224 = arith.constant 0 : i32
        %dma_wait3A_225 = tpu.memref_slice %arg5[%add3A_203, %dma_wait3A_224] : memref<640000x16xf32, #tpu.memory_space<hbm>> -> memref<80x16xf32, #tpu.memory_space<hbm>>
        %dma_wait3A_226 = tpu.memref_slice %run_scoped3A[%dma_wait3A_222, %dma_wait3A_223] : memref<5x5x!tpu.dma_semaphore, #tpu.memory_space<semaphore_mem>> -> memref<1x1x!tpu.dma_semaphore, #tpu.memory_space<semaphore_mem>>
        %dma_wait3A_227 = tpu.memref_squeeze %dma_wait3A_226 : memref<1x1x!tpu.dma_semaphore, #tpu.memory_space<semaphore_mem>> -> memref<!tpu.dma_semaphore, #tpu.memory_space<semaphore_mem>>
        %dma_wait3A_228 = arith.constant 0 : i32
        %dma_wait3A_229 = tpu.memref_slice %arg5[%add3A_203, %dma_wait3A_228] : memref<640000x16xf32, #tpu.memory_space<hbm>> -> memref<80x16xf32, #tpu.memory_space<hbm>>
        tpu.wait_dma2 semaphore(%dma_wait3A_227 : memref<!tpu.dma_semaphore, #tpu.memory_space<semaphore_mem>>) src(%dma_wait3A_229 : memref<80x16xf32, #tpu.memory_space<hbm>>) dst(%arg14 : memref<80x16xf32, #tpu.memory_space<vmem>>)
        %gt3A = arith.constant 0 : i32
        %gt3A_230 = arith.cmpi sgt, %scan3A_196, %gt3A : i32
        %convert_element_type3A = arith.extui %gt3A_230 : i1 to i32
        %cond3A = arith.constant 0 : i32
        %cond3A_231 = arith.cmpi ne, %convert_element_type3A, %cond3A : i32
        scf.if %cond3A_231 {
          %sub3A = arith.constant 5 : i32
          %sub3A_503 = arith.subi %add3A_200, %sub3A : i32
          %mul3A_504 = arith.constant 80 : i32
          %mul3A_505 = arith.muli %sub3A_503, %mul3A_504 : i32
          %add3A_506 = arith.addi %mul3A_2, %mul3A_505 : i32
          %dma_wait3A_507 = arith.constant 0 : i32
          %dma_wait3A_508 = arith.constant 4 : i32
          %dma_wait3A_509 = arith.constant 0 : i32
          %dma_wait3A_510 = tpu.memref_slice %arg8[%add3A_506, %dma_wait3A_509] : memref<640000x56xf32, #tpu.memory_space<hbm>> -> memref<80x56xf32, #tpu.memory_space<hbm>>
          %dma_wait3A_511 = tpu.memref_slice %run_scoped3A[%dma_wait3A_507, %dma_wait3A_508] : memref<5x5x!tpu.dma_semaphore, #tpu.memory_space<semaphore_mem>> -> memref<1x1x!tpu.dma_semaphore, #tpu.memory_space<semaphore_mem>>
          %dma_wait3A_512 = tpu.memref_squeeze %dma_wait3A_511 : memref<1x1x!tpu.dma_semaphore, #tpu.memory_space<semaphore_mem>> -> memref<!tpu.dma_semaphore, #tpu.memory_space<semaphore_mem>>
          %dma_wait3A_513 = arith.constant 0 : i32
          %dma_wait3A_514 = tpu.memref_slice %arg8[%add3A_506, %dma_wait3A_513] : memref<640000x56xf32, #tpu.memory_space<hbm>> -> memref<80x56xf32, #tpu.memory_space<hbm>>
          tpu.wait_dma2 semaphore(%dma_wait3A_512 : memref<!tpu.dma_semaphore, #tpu.memory_space<semaphore_mem>>) src(%arg15 : memref<80x56xf32, #tpu.memory_space<vmem>>) dst(%dma_wait3A_514 : memref<80x56xf32, #tpu.memory_space<hbm>>)
        } else {
        }
        %scan3A_232 = arith.constant 0 : i32
        %scan3A_233 = arith.constant 0 : i32
        %scan3A_234 = arith.constant 5 : i32
        %scan3A_235 = arith.addi %scan3A_233, %scan3A_234 : i32
        %scan3A_236 = arith.constant 1 : i32
        scf.for %scan3A_503 = %scan3A_233 to %scan3A_235 step %scan3A_236  : i32 {
          %mul3A_504 = arith.constant 16 : i32
          %mul3A_505 = arith.muli %scan3A_503, %mul3A_504 : i32
          %get3A = arith.index_cast %mul3A_505 : i32 to index
          %get3A_506 = tpu.vector_load %arg11[%get3A] {strides = array<i32>} : memref<80xi32, #tpu.memory_space<vmem>>, vector<16xi32>,
          %mul3A_507 = arith.constant 16 : i32
          %mul3A_508 = vector.broadcast %mul3A_507 : i32 to vector<16xi32>
          %mul3A_509 = arith.muli %get3A_506, %mul3A_508 : vector<16xi32>
          %get3A_510 = arith.index_cast %mul3A_505 : i32 to index
          %get3A_511 = tpu.vector_load %arg12[%get3A_510] {strides = array<i32>} : memref<80xi32, #tpu.memory_space<vmem>>, vector<16xi32>,
          %mul3A_512 = arith.constant 16 : i32
          %mul3A_513 = vector.broadcast %mul3A_512 : i32 to vector<16xi32>
          %mul3A_514 = arith.muli %get3A_511, %mul3A_513 : vector<16xi32>
          %get3A_515 = arith.index_cast %mul3A_505 : i32 to index
          %get3A_516 = tpu.vector_load %arg13[%get3A_515] {strides = array<i32>} : memref<80xi32, #tpu.memory_space<vmem>>, vector<16xi32>,
          %mul3A_517 = arith.constant 16 : i32
          %mul3A_518 = vector.broadcast %mul3A_517 : i32 to vector<16xi32>
          %mul3A_519 = arith.muli %get3A_516, %mul3A_518 : vector<16xi32>
          %add3A_520 = arith.constant 0 : i32
          %add3A_521 = arith.addi %mul3A_505, %add3A_520 : i32
          %add3A_522 = arith.constant 0 : i32
          %add3A_523 = arith.addi %add3A_521, %add3A_522 : i32
          %slice3A = vector.extract_strided_slice %mul3A_509 {offsets = [0], sizes = [1], strides = [1]} : vector<16xi32> to vector<1xi32>
          %squeeze3A = vector.extract %slice3A[0] : i32 from vector<1xi32>
          %get3A_524 = arith.index_cast %squeeze3A : i32 to index
          %get3A_525 = tpu.vector_load %arg9[%get3A_524] {strides = array<i32>} : memref<3200xf32, #tpu.memory_space<vmem>>, vector<16xf32>,
          %slice3A_526 = vector.extract_strided_slice %mul3A_514 {offsets = [0], sizes = [1], strides = [1]} : vector<16xi32> to vector<1xi32>
          %squeeze3A_527 = vector.extract %slice3A_526[0] : i32 from vector<1xi32>
          %get3A_528 = arith.index_cast %squeeze3A_527 : i32 to index
          %get3A_529 = tpu.vector_load %arg9[%get3A_528] {strides = array<i32>} : memref<3200xf32, #tpu.memory_space<vmem>>, vector<16xf32>,
          %slice3A_530 = vector.extract_strided_slice %mul3A_519 {offsets = [0], sizes = [1], strides = [1]} : vector<16xi32> to vector<1xi32>
          %squeeze3A_531 = vector.extract %slice3A_530[0] : i32 from vector<1xi32>
          %get3A_532 = arith.index_cast %squeeze3A_531 : i32 to index
          %get3A_533 = tpu.vector_load %arg10[%get3A_532] {strides = array<i32>} : memref<512xf32, #tpu.memory_space<vmem>>, vector<16xf32>,
          %get3A_534 = arith.index_cast %add3A_523 : i32 to index
          %get3A_535 = arith.constant 0 : index
          %get3A_536 = tpu.vector_load %arg14[%get3A_534, %get3A_535] {strides = array<i32>} : memref<80x16xf32, #tpu.memory_space<vmem>>, vector<16xf32>,
          %add3A_537 = arith.constant 0 : i32
          %add3A_538 = arith.addi %mul3A_505, %add3A_537 : i32
          %add3A_539 = arith.constant 1 : i32
          %add3A_540 = arith.addi %add3A_538, %add3A_539 : i32
          %slice3A_541 = vector.extract_strided_slice %mul3A_509 {offsets = [1], sizes = [1], strides = [1]} : vector<16xi32> to vector<1xi32>
          %squeeze3A_542 = vector.extract %slice3A_541[0] : i32 from vector<1xi32>
          %get3A_543 = arith.index_cast %squeeze3A_542 : i32 to index
          %get3A_544 = tpu.vector_load %arg9[%get3A_543] {strides = array<i32>} : memref<3200xf32, #tpu.memory_space<vmem>>, vector<16xf32>,
          %slice3A_545 = vector.extract_strided_slice %mul3A_514 {offsets = [1], sizes = [1], strides = [1]} : vector<16xi32> to vector<1xi32>
          %squeeze3A_546 = vector.extract %slice3A_545[0] : i32 from vector<1xi32>
          %get3A_547 = arith.index_cast %squeeze3A_546 : i32 to index
          %get3A_548 = tpu.vector_load %arg9[%get3A_547] {strides = array<i32>} : memref<3200xf32, #tpu.memory_space<vmem>>, vector<16xf32>,
          %slice3A_549 = vector.extract_strided_slice %mul3A_519 {offsets = [1], sizes = [1], strides = [1]} : vector<16xi32> to vector<1xi32>
          %squeeze3A_550 = vector.extract %slice3A_549[0] : i32 from vector<1xi32>
          %get3A_551 = arith.index_cast %squeeze3A_550 : i32 to index
          %get3A_552 = tpu.vector_load %arg10[%get3A_551] {strides = array<i32>} : memref<512xf32, #tpu.memory_space<vmem>>, vector<16xf32>,
          %get3A_553 = arith.index_cast %add3A_540 : i32 to index
          %get3A_554 = arith.constant 0 : index
          %get3A_555 = tpu.vector_load %arg14[%get3A_553, %get3A_554] {strides = array<i32>} : memref<80x16xf32, #tpu.memory_space<vmem>>, vector<16xf32>,
          %add3A_556 = arith.constant 0 : i32
          %add3A_557 = arith.addi %mul3A_505, %add3A_556 : i32
          %add3A_558 = arith.constant 2 : i32
          %add3A_559 = arith.addi %add3A_557, %add3A_558 : i32
          %slice3A_560 = vector.extract_strided_slice %mul3A_509 {offsets = [2], sizes = [1], strides = [1]} : vector<16xi32> to vector<1xi32>
          %squeeze3A_561 = vector.extract %slice3A_560[0] : i32 from vector<1xi32>
          %get3A_562 = arith.index_cast %squeeze3A_561 : i32 to index
          %get3A_563 = tpu.vector_load %arg9[%get3A_562] {strides = array<i32>} : memref<3200xf32, #tpu.memory_space<vmem>>, vector<16xf32>,
          %slice3A_564 = vector.extract_strided_slice %mul3A_514 {offsets = [2], sizes = [1], strides = [1]} : vector<16xi32> to vector<1xi32>
          %squeeze3A_565 = vector.extract %slice3A_564[0] : i32 from vector<1xi32>
          %get3A_566 = arith.index_cast %squeeze3A_565 : i32 to index
          %get3A_567 = tpu.vector_load %arg9[%get3A_566] {strides = array<i32>} : memref<3200xf32, #tpu.memory_space<vmem>>, vector<16xf32>,
          %slice3A_568 = vector.extract_strided_slice %mul3A_519 {offsets = [2], sizes = [1], strides = [1]} : vector<16xi32> to vector<1xi32>
          %squeeze3A_569 = vector.extract %slice3A_568[0] : i32 from vector<1xi32>
          %get3A_570 = arith.index_cast %squeeze3A_569 : i32 to index
          %get3A_571 = tpu.vector_load %arg10[%get3A_570] {strides = array<i32>} : memref<512xf32, #tpu.memory_space<vmem>>, vector<16xf32>,
          %get3A_572 = arith.index_cast %add3A_559 : i32 to index
          %get3A_573 = arith.constant 0 : index
          %get3A_574 = tpu.vector_load %arg14[%get3A_572, %get3A_573] {strides = array<i32>} : memref<80x16xf32, #tpu.memory_space<vmem>>, vector<16xf32>,
          %add3A_575 = arith.constant 0 : i32
          %add3A_576 = arith.addi %mul3A_505, %add3A_575 : i32
          %add3A_577 = arith.constant 3 : i32
          %add3A_578 = arith.addi %add3A_576, %add3A_577 : i32
          %slice3A_579 = vector.extract_strided_slice %mul3A_509 {offsets = [3], sizes = [1], strides = [1]} : vector<16xi32> to vector<1xi32>
          %squeeze3A_580 = vector.extract %slice3A_579[0] : i32 from vector<1xi32>
          %get3A_581 = arith.index_cast %squeeze3A_580 : i32 to index
          %get3A_582 = tpu.vector_load %arg9[%get3A_581] {strides = array<i32>} : memref<3200xf32, #tpu.memory_space<vmem>>, vector<16xf32>,
          %slice3A_583 = vector.extract_strided_slice %mul3A_514 {offsets = [3], sizes = [1], strides = [1]} : vector<16xi32> to vector<1xi32>
          %squeeze3A_584 = vector.extract %slice3A_583[0] : i32 from vector<1xi32>
          %get3A_585 = arith.index_cast %squeeze3A_584 : i32 to index
          %get3A_586 = tpu.vector_load %arg9[%get3A_585] {strides = array<i32>} : memref<3200xf32, #tpu.memory_space<vmem>>, vector<16xf32>,
          %slice3A_587 = vector.extract_strided_slice %mul3A_519 {offsets = [3], sizes = [1], strides = [1]} : vector<16xi32> to vector<1xi32>
          %squeeze3A_588 = vector.extract %slice3A_587[0] : i32 from vector<1xi32>
          %get3A_589 = arith.index_cast %squeeze3A_588 : i32 to index
          %get3A_590 = tpu.vector_load %arg10[%get3A_589] {strides = array<i32>} : memref<512xf32, #tpu.memory_space<vmem>>, vector<16xf32>,
          %get3A_591 = arith.index_cast %add3A_578 : i32 to index
          %get3A_592 = arith.constant 0 : index
          %get3A_593 = tpu.vector_load %arg14[%get3A_591, %get3A_592] {strides = array<i32>} : memref<80x16xf32, #tpu.memory_space<vmem>>, vector<16xf32>,
          %add3A_594 = arith.constant 0 : i32
          %add3A_595 = arith.addi %mul3A_505, %add3A_594 : i32
          %add3A_596 = arith.constant 4 : i32
          %add3A_597 = arith.addi %add3A_595, %add3A_596 : i32
          %slice3A_598 = vector.extract_strided_slice %mul3A_509 {offsets = [4], sizes = [1], strides = [1]} : vector<16xi32> to vector<1xi32>
          %squeeze3A_599 = vector.extract %slice3A_598[0] : i32 from vector<1xi32>
          %get3A_600 = arith.index_cast %squeeze3A_599 : i32 to index
          %get3A_601 = tpu.vector_load %arg9[%get3A_600] {strides = array<i32>} : memref<3200xf32, #tpu.memory_space<vmem>>, vector<16xf32>,
          %slice3A_602 = vector.extract_strided_slice %mul3A_514 {offsets = [4], sizes = [1], strides = [1]} : vector<16xi32> to vector<1xi32>
          %squeeze3A_603 = vector.extract %slice3A_602[0] : i32 from vector<1xi32>
          %get3A_604 = arith.index_cast %squeeze3A_603 : i32 to index
          %get3A_605 = tpu.vector_load %arg9[%get3A_604] {strides = array<i32>} : memref<3200xf32, #tpu.memory_space<vmem>>, vector<16xf32>,
          %slice3A_606 = vector.extract_strided_slice %mul3A_519 {offsets = [4], sizes = [1], strides = [1]} : vector<16xi32> to vector<1xi32>
          %squeeze3A_607 = vector.extract %slice3A_606[0] : i32 from vector<1xi32>
          %get3A_608 = arith.index_cast %squeeze3A_607 : i32 to index
          %get3A_609 = tpu.vector_load %arg10[%get3A_608] {strides = array<i32>} : memref<512xf32, #tpu.memory_space<vmem>>, vector<16xf32>,
          %get3A_610 = arith.index_cast %add3A_597 : i32 to index
          %get3A_611 = arith.constant 0 : index
          %get3A_612 = tpu.vector_load %arg14[%get3A_610, %get3A_611] {strides = array<i32>} : memref<80x16xf32, #tpu.memory_space<vmem>>, vector<16xf32>,
          %add3A_613 = arith.constant 0 : i32
          %add3A_614 = arith.addi %mul3A_505, %add3A_613 : i32
          %add3A_615 = arith.constant 5 : i32
          %add3A_616 = arith.addi %add3A_614, %add3A_615 : i32
          %slice3A_617 = vector.extract_strided_slice %mul3A_509 {offsets = [5], sizes = [1], strides = [1]} : vector<16xi32> to vector<1xi32>
          %squeeze3A_618 = vector.extract %slice3A_617[0] : i32 from vector<1xi32>
          %get3A_619 = arith.index_cast %squeeze3A_618 : i32 to index
          %get3A_620 = tpu.vector_load %arg9[%get3A_619] {strides = array<i32>} : memref<3200xf32, #tpu.memory_space<vmem>>, vector<16xf32>,
          %slice3A_621 = vector.extract_strided_slice %mul3A_514 {offsets = [5], sizes = [1], strides = [1]} : vector<16xi32> to vector<1xi32>
          %squeeze3A_622 = vector.extract %slice3A_621[0] : i32 from vector<1xi32>
          %get3A_623 = arith.index_cast %squeeze3A_622 : i32 to index
          %get3A_624 = tpu.vector_load %arg9[%get3A_623] {strides = array<i32>} : memref<3200xf32, #tpu.memory_space<vmem>>, vector<16xf32>,
          %slice3A_625 = vector.extract_strided_slice %mul3A_519 {offsets = [5], sizes = [1], strides = [1]} : vector<16xi32> to vector<1xi32>
          %squeeze3A_626 = vector.extract %slice3A_625[0] : i32 from vector<1xi32>
          %get3A_627 = arith.index_cast %squeeze3A_626 : i32 to index
          %get3A_628 = tpu.vector_load %arg10[%get3A_627] {strides = array<i32>} : memref<512xf32, #tpu.memory_space<vmem>>, vector<16xf32>,
          %get3A_629 = arith.index_cast %add3A_616 : i32 to index
          %get3A_630 = arith.constant 0 : index
          %get3A_631 = tpu.vector_load %arg14[%get3A_629, %get3A_630] {strides = array<i32>} : memref<80x16xf32, #tpu.memory_space<vmem>>, vector<16xf32>,
          %add3A_632 = arith.constant 0 : i32
          %add3A_633 = arith.addi %mul3A_505, %add3A_632 : i32
          %add3A_634 = arith.constant 6 : i32
          %add3A_635 = arith.addi %add3A_633, %add3A_634 : i32
          %slice3A_636 = vector.extract_strided_slice %mul3A_509 {offsets = [6], sizes = [1], strides = [1]} : vector<16xi32> to vector<1xi32>
          %squeeze3A_637 = vector.extract %slice3A_636[0] : i32 from vector<1xi32>
          %get3A_638 = arith.index_cast %squeeze3A_637 : i32 to index
          %get3A_639 = tpu.vector_load %arg9[%get3A_638] {strides = array<i32>} : memref<3200xf32, #tpu.memory_space<vmem>>, vector<16xf32>,
          %slice3A_640 = vector.extract_strided_slice %mul3A_514 {offsets = [6], sizes = [1], strides = [1]} : vector<16xi32> to vector<1xi32>
          %squeeze3A_641 = vector.extract %slice3A_640[0] : i32 from vector<1xi32>
          %get3A_642 = arith.index_cast %squeeze3A_641 : i32 to index
          %get3A_643 = tpu.vector_load %arg9[%get3A_642] {strides = array<i32>} : memref<3200xf32, #tpu.memory_space<vmem>>, vector<16xf32>,
          %slice3A_644 = vector.extract_strided_slice %mul3A_519 {offsets = [6], sizes = [1], strides = [1]} : vector<16xi32> to vector<1xi32>
          %squeeze3A_645 = vector.extract %slice3A_644[0] : i32 from vector<1xi32>
          %get3A_646 = arith.index_cast %squeeze3A_645 : i32 to index
          %get3A_647 = tpu.vector_load %arg10[%get3A_646] {strides = array<i32>} : memref<512xf32, #tpu.memory_space<vmem>>, vector<16xf32>,
          %get3A_648 = arith.index_cast %add3A_635 : i32 to index
          %get3A_649 = arith.constant 0 : index
          %get3A_650 = tpu.vector_load %arg14[%get3A_648, %get3A_649] {strides = array<i32>} : memref<80x16xf32, #tpu.memory_space<vmem>>, vector<16xf32>,
          %add3A_651 = arith.constant 0 : i32
          %add3A_652 = arith.addi %mul3A_505, %add3A_651 : i32
          %add3A_653 = arith.constant 7 : i32
          %add3A_654 = arith.addi %add3A_652, %add3A_653 : i32
          %slice3A_655 = vector.extract_strided_slice %mul3A_509 {offsets = [7], sizes = [1], strides = [1]} : vector<16xi32> to vector<1xi32>
          %squeeze3A_656 = vector.extract %slice3A_655[0] : i32 from vector<1xi32>
          %get3A_657 = arith.index_cast %squeeze3A_656 : i32 to index
          %get3A_658 = tpu.vector_load %arg9[%get3A_657] {strides = array<i32>} : memref<3200xf32, #tpu.memory_space<vmem>>, vector<16xf32>,
          %slice3A_659 = vector.extract_strided_slice %mul3A_514 {offsets = [7], sizes = [1], strides = [1]} : vector<16xi32> to vector<1xi32>
          %squeeze3A_660 = vector.extract %slice3A_659[0] : i32 from vector<1xi32>
          %get3A_661 = arith.index_cast %squeeze3A_660 : i32 to index
          %get3A_662 = tpu.vector_load %arg9[%get3A_661] {strides = array<i32>} : memref<3200xf32, #tpu.memory_space<vmem>>, vector<16xf32>,
          %slice3A_663 = vector.extract_strided_slice %mul3A_519 {offsets = [7], sizes = [1], strides = [1]} : vector<16xi32> to vector<1xi32>
          %squeeze3A_664 = vector.extract %slice3A_663[0] : i32 from vector<1xi32>
          %get3A_665 = arith.index_cast %squeeze3A_664 : i32 to index
          %get3A_666 = tpu.vector_load %arg10[%get3A_665] {strides = array<i32>} : memref<512xf32, #tpu.memory_space<vmem>>, vector<16xf32>,
          %get3A_667 = arith.index_cast %add3A_654 : i32 to index
          %get3A_668 = arith.constant 0 : index
          %get3A_669 = tpu.vector_load %arg14[%get3A_667, %get3A_668] {strides = array<i32>} : memref<80x16xf32, #tpu.memory_space<vmem>>, vector<16xf32>,
          %add3A_670 = arith.constant 0 : i32
          %add3A_671 = arith.addi %mul3A_505, %add3A_670 : i32
          %add3A_672 = arith.constant 0 : i32
          %add3A_673 = arith.addi %add3A_671, %add3A_672 : i32
          %swap3A = arith.index_cast %add3A_673 : i32 to index
          %swap3A_674 = arith.constant 0 : index
          %swap3A_675 = tpu.vector_load %arg15[%swap3A, %swap3A_674] {strides = array<i32>} : memref<80x56xf32, #tpu.memory_space<vmem>>, vector<16xf32>,
          tpu.vector_store %arg15[%swap3A, %swap3A_674], %get3A_525 {strides = array<i32>} : memref<80x56xf32, #tpu.memory_space<vmem>>, vector<16xf32>,
          %swap3A_676 = arith.index_cast %add3A_673 : i32 to index
          %swap3A_677 = arith.constant 16 : index
          %swap3A_678 = tpu.vector_load %arg15[%swap3A_676, %swap3A_677] {strides = array<i32>} : memref<80x56xf32, #tpu.memory_space<vmem>>, vector<16xf32>,
          tpu.vector_store %arg15[%swap3A_676, %swap3A_677], %get3A_529 {strides = array<i32>} : memref<80x56xf32, #tpu.memory_space<vmem>>, vector<16xf32>,
          %swap3A_679 = arith.index_cast %add3A_673 : i32 to index
          %swap3A_680 = arith.constant 32 : index
          %swap3A_681 = tpu.vector_load %arg15[%swap3A_679, %swap3A_680] {strides = array<i32>} : memref<80x56xf32, #tpu.memory_space<vmem>>, vector<16xf32>,
          tpu.vector_store %arg15[%swap3A_679, %swap3A_680], %get3A_533 {strides = array<i32>} : memref<80x56xf32, #tpu.memory_space<vmem>>, vector<16xf32>,
          %swap3A_682 = arith.index_cast %add3A_673 : i32 to index
          %swap3A_683 = arith.constant 40 : index
          %swap3A_684 = tpu.vector_load %arg15[%swap3A_682, %swap3A_683] {strides = array<i32>} : memref<80x56xf32, #tpu.memory_space<vmem>>, vector<16xf32>,
          tpu.vector_store %arg15[%swap3A_682, %swap3A_683], %get3A_536 {strides = array<i32>} : memref<80x56xf32, #tpu.memory_space<vmem>>, vector<16xf32>,
          %add3A_685 = arith.constant 0 : i32
          %add3A_686 = arith.addi %mul3A_505, %add3A_685 : i32
          %add3A_687 = arith.constant 1 : i32
          %add3A_688 = arith.addi %add3A_686, %add3A_687 : i32
          %swap3A_689 = arith.index_cast %add3A_688 : i32 to index
          %swap3A_690 = arith.constant 0 : index
          %swap3A_691 = tpu.vector_load %arg15[%swap3A_689, %swap3A_690] {strides = array<i32>} : memref<80x56xf32, #tpu.memory_space<vmem>>, vector<16xf32>,
          tpu.vector_store %arg15[%swap3A_689, %swap3A_690], %get3A_544 {strides = array<i32>} : memref<80x56xf32, #tpu.memory_space<vmem>>, vector<16xf32>,
          %swap3A_692 = arith.index_cast %add3A_688 : i32 to index
          %swap3A_693 = arith.constant 16 : index
          %swap3A_694 = tpu.vector_load %arg15[%swap3A_692, %swap3A_693] {strides = array<i32>} : memref<80x56xf32, #tpu.memory_space<vmem>>, vector<16xf32>,
          tpu.vector_store %arg15[%swap3A_692, %swap3A_693], %get3A_548 {strides = array<i32>} : memref<80x56xf32, #tpu.memory_space<vmem>>, vector<16xf32>,
          %swap3A_695 = arith.index_cast %add3A_688 : i32 to index
          %swap3A_696 = arith.constant 32 : index
          %swap3A_697 = tpu.vector_load %arg15[%swap3A_695, %swap3A_696] {strides = array<i32>} : memref<80x56xf32, #tpu.memory_space<vmem>>, vector<16xf32>,
          tpu.vector_store %arg15[%swap3A_695, %swap3A_696], %get3A_552 {strides = array<i32>} : memref<80x56xf32, #tpu.memory_space<vmem>>, vector<16xf32>,
          %swap3A_698 = arith.index_cast %add3A_688 : i32 to index
          %swap3A_699 = arith.constant 40 : index
          %swap3A_700 = tpu.vector_load %arg15[%swap3A_698, %swap3A_699] {strides = array<i32>} : memref<80x56xf32, #tpu.memory_space<vmem>>, vector<16xf32>,
          tpu.vector_store %arg15[%swap3A_698, %swap3A_699], %get3A_555 {strides = array<i32>} : memref<80x56xf32, #tpu.memory_space<vmem>>, vector<16xf32>,
          %add3A_701 = arith.constant 0 : i32
          %add3A_702 = arith.addi %mul3A_505, %add3A_701 : i32
          %add3A_703 = arith.constant 2 : i32
          %add3A_704 = arith.addi %add3A_702, %add3A_703 : i32
          %swap3A_705 = arith.index_cast %add3A_704 : i32 to index
          %swap3A_706 = arith.constant 0 : index
          %swap3A_707 = tpu.vector_load %arg15[%swap3A_705, %swap3A_706] {strides = array<i32>} : memref<80x56xf32, #tpu.memory_space<vmem>>, vector<16xf32>,
          tpu.vector_store %arg15[%swap3A_705, %swap3A_706], %get3A_563 {strides = array<i32>} : memref<80x56xf32, #tpu.memory_space<vmem>>, vector<16xf32>,
          %swap3A_708 = arith.index_cast %add3A_704 : i32 to index
          %swap3A_709 = arith.constant 16 : index
          %swap3A_710 = tpu.vector_load %arg15[%swap3A_708, %swap3A_709] {strides = array<i32>} : memref<80x56xf32, #tpu.memory_space<vmem>>, vector<16xf32>,
          tpu.vector_store %arg15[%swap3A_708, %swap3A_709], %get3A_567 {strides = array<i32>} : memref<80x56xf32, #tpu.memory_space<vmem>>, vector<16xf32>,
          %swap3A_711 = arith.index_cast %add3A_704 : i32 to index
          %swap3A_712 = arith.constant 32 : index
          %swap3A_713 = tpu.vector_load %arg15[%swap3A_711, %swap3A_712] {strides = array<i32>} : memref<80x56xf32, #tpu.memory_space<vmem>>, vector<16xf32>,
          tpu.vector_store %arg15[%swap3A_711, %swap3A_712], %get3A_571 {strides = array<i32>} : memref<80x56xf32, #tpu.memory_space<vmem>>, vector<16xf32>,
          %swap3A_714 = arith.index_cast %add3A_704 : i32 to index
          %swap3A_715 = arith.constant 40 : index
          %swap3A_716 = tpu.vector_load %arg15[%swap3A_714, %swap3A_715] {strides = array<i32>} : memref<80x56xf32, #tpu.memory_space<vmem>>, vector<16xf32>,
          tpu.vector_store %arg15[%swap3A_714, %swap3A_715], %get3A_574 {strides = array<i32>} : memref<80x56xf32, #tpu.memory_space<vmem>>, vector<16xf32>,
          %add3A_717 = arith.constant 0 : i32
          %add3A_718 = arith.addi %mul3A_505, %add3A_717 : i32
          %add3A_719 = arith.constant 3 : i32
          %add3A_720 = arith.addi %add3A_718, %add3A_719 : i32
          %swap3A_721 = arith.index_cast %add3A_720 : i32 to index
          %swap3A_722 = arith.constant 0 : index
          %swap3A_723 = tpu.vector_load %arg15[%swap3A_721, %swap3A_722] {strides = array<i32>} : memref<80x56xf32, #tpu.memory_space<vmem>>, vector<16xf32>,
          tpu.vector_store %arg15[%swap3A_721, %swap3A_722], %get3A_582 {strides = array<i32>} : memref<80x56xf32, #tpu.memory_space<vmem>>, vector<16xf32>,
          %swap3A_724 = arith.index_cast %add3A_720 : i32 to index
          %swap3A_725 = arith.constant 16 : index
          %swap3A_726 = tpu.vector_load %arg15[%swap3A_724, %swap3A_725] {strides = array<i32>} : memref<80x56xf32, #tpu.memory_space<vmem>>, vector<16xf32>,
          tpu.vector_store %arg15[%swap3A_724, %swap3A_725], %get3A_586 {strides = array<i32>} : memref<80x56xf32, #tpu.memory_space<vmem>>, vector<16xf32>,
          %swap3A_727 = arith.index_cast %add3A_720 : i32 to index
          %swap3A_728 = arith.constant 32 : index
          %swap3A_729 = tpu.vector_load %arg15[%swap3A_727, %swap3A_728] {strides = array<i32>} : memref<80x56xf32, #tpu.memory_space<vmem>>, vector<16xf32>,
          tpu.vector_store %arg15[%swap3A_727, %swap3A_728], %get3A_590 {strides = array<i32>} : memref<80x56xf32, #tpu.memory_space<vmem>>, vector<16xf32>,
          %swap3A_730 = arith.index_cast %add3A_720 : i32 to index
          %swap3A_731 = arith.constant 40 : index
          %swap3A_732 = tpu.vector_load %arg15[%swap3A_730, %swap3A_731] {strides = array<i32>} : memref<80x56xf32, #tpu.memory_space<vmem>>, vector<16xf32>,
          tpu.vector_store %arg15[%swap3A_730, %swap3A_731], %get3A_593 {strides = array<i32>} : memref<80x56xf32, #tpu.memory_space<vmem>>, vector<16xf32>,
          %add3A_733 = arith.constant 0 : i32
          %add3A_734 = arith.addi %mul3A_505, %add3A_733 : i32
          %add3A_735 = arith.constant 4 : i32
          %add3A_736 = arith.addi %add3A_734, %add3A_735 : i32
          %swap3A_737 = arith.index_cast %add3A_736 : i32 to index
          %swap3A_738 = arith.constant 0 : index
          %swap3A_739 = tpu.vector_load %arg15[%swap3A_737, %swap3A_738] {strides = array<i32>} : memref<80x56xf32, #tpu.memory_space<vmem>>, vector<16xf32>,
          tpu.vector_store %arg15[%swap3A_737, %swap3A_738], %get3A_601 {strides = array<i32>} : memref<80x56xf32, #tpu.memory_space<vmem>>, vector<16xf32>,
          %swap3A_740 = arith.index_cast %add3A_736 : i32 to index
          %swap3A_741 = arith.constant 16 : index
          %swap3A_742 = tpu.vector_load %arg15[%swap3A_740, %swap3A_741] {strides = array<i32>} : memref<80x56xf32, #tpu.memory_space<vmem>>, vector<16xf32>,
          tpu.vector_store %arg15[%swap3A_740, %swap3A_741], %get3A_605 {strides = array<i32>} : memref<80x56xf32, #tpu.memory_space<vmem>>, vector<16xf32>,
          %swap3A_743 = arith.index_cast %add3A_736 : i32 to index
          %swap3A_744 = arith.constant 32 : index
          %swap3A_745 = tpu.vector_load %arg15[%swap3A_743, %swap3A_744] {strides = array<i32>} : memref<80x56xf32, #tpu.memory_space<vmem>>, vector<16xf32>,
          tpu.vector_store %arg15[%swap3A_743, %swap3A_744], %get3A_609 {strides = array<i32>} : memref<80x56xf32, #tpu.memory_space<vmem>>, vector<16xf32>,
          %swap3A_746 = arith.index_cast %add3A_736 : i32 to index
          %swap3A_747 = arith.constant 40 : index
          %swap3A_748 = tpu.vector_load %arg15[%swap3A_746, %swap3A_747] {strides = array<i32>} : memref<80x56xf32, #tpu.memory_space<vmem>>, vector<16xf32>,
          tpu.vector_store %arg15[%swap3A_746, %swap3A_747], %get3A_612 {strides = array<i32>} : memref<80x56xf32, #tpu.memory_space<vmem>>, vector<16xf32>,
          %add3A_749 = arith.constant 0 : i32
          %add3A_750 = arith.addi %mul3A_505, %add3A_749 : i32
          %add3A_751 = arith.constant 5 : i32
          %add3A_752 = arith.addi %add3A_750, %add3A_751 : i32
          %swap3A_753 = arith.index_cast %add3A_752 : i32 to index
          %swap3A_754 = arith.constant 0 : index
          %swap3A_755 = tpu.vector_load %arg15[%swap3A_753, %swap3A_754] {strides = array<i32>} : memref<80x56xf32, #tpu.memory_space<vmem>>, vector<16xf32>,
          tpu.vector_store %arg15[%swap3A_753, %swap3A_754], %get3A_620 {strides = array<i32>} : memref<80x56xf32, #tpu.memory_space<vmem>>, vector<16xf32>,
          %swap3A_756 = arith.index_cast %add3A_752 : i32 to index
          %swap3A_757 = arith.constant 16 : index
          %swap3A_758 = tpu.vector_load %arg15[%swap3A_756, %swap3A_757] {strides = array<i32>} : memref<80x56xf32, #tpu.memory_space<vmem>>, vector<16xf32>,
          tpu.vector_store %arg15[%swap3A_756, %swap3A_757], %get3A_624 {strides = array<i32>} : memref<80x56xf32, #tpu.memory_space<vmem>>, vector<16xf32>,
          %swap3A_759 = arith.index_cast %add3A_752 : i32 to index
          %swap3A_760 = arith.constant 32 : index
          %swap3A_761 = tpu.vector_load %arg15[%swap3A_759, %swap3A_760] {strides = array<i32>} : memref<80x56xf32, #tpu.memory_space<vmem>>, vector<16xf32>,
          tpu.vector_store %arg15[%swap3A_759, %swap3A_760], %get3A_628 {strides = array<i32>} : memref<80x56xf32, #tpu.memory_space<vmem>>, vector<16xf32>,
          %swap3A_762 = arith.index_cast %add3A_752 : i32 to index
          %swap3A_763 = arith.constant 40 : index
          %swap3A_764 = tpu.vector_load %arg15[%swap3A_762, %swap3A_763] {strides = array<i32>} : memref<80x56xf32, #tpu.memory_space<vmem>>, vector<16xf32>,
          tpu.vector_store %arg15[%swap3A_762, %swap3A_763], %get3A_631 {strides = array<i32>} : memref<80x56xf32, #tpu.memory_space<vmem>>, vector<16xf32>,
          %add3A_765 = arith.constant 0 : i32
          %add3A_766 = arith.addi %mul3A_505, %add3A_765 : i32
          %add3A_767 = arith.constant 6 : i32
          %add3A_768 = arith.addi %add3A_766, %add3A_767 : i32
          %swap3A_769 = arith.index_cast %add3A_768 : i32 to index
          %swap3A_770 = arith.constant 0 : index
          %swap3A_771 = tpu.vector_load %arg15[%swap3A_769, %swap3A_770] {strides = array<i32>} : memref<80x56xf32, #tpu.memory_space<vmem>>, vector<16xf32>,
          tpu.vector_store %arg15[%swap3A_769, %swap3A_770], %get3A_639 {strides = array<i32>} : memref<80x56xf32, #tpu.memory_space<vmem>>, vector<16xf32>,
          %swap3A_772 = arith.index_cast %add3A_768 : i32 to index
          %swap3A_773 = arith.constant 16 : index
          %swap3A_774 = tpu.vector_load %arg15[%swap3A_772, %swap3A_773] {strides = array<i32>} : memref<80x56xf32, #tpu.memory_space<vmem>>, vector<16xf32>,
          tpu.vector_store %arg15[%swap3A_772, %swap3A_773], %get3A_643 {strides = array<i32>} : memref<80x56xf32, #tpu.memory_space<vmem>>, vector<16xf32>,
          %swap3A_775 = arith.index_cast %add3A_768 : i32 to index
          %swap3A_776 = arith.constant 32 : index
          %swap3A_777 = tpu.vector_load %arg15[%swap3A_775, %swap3A_776] {strides = array<i32>} : memref<80x56xf32, #tpu.memory_space<vmem>>, vector<16xf32>,
          tpu.vector_store %arg15[%swap3A_775, %swap3A_776], %get3A_647 {strides = array<i32>} : memref<80x56xf32, #tpu.memory_space<vmem>>, vector<16xf32>,
          %swap3A_778 = arith.index_cast %add3A_768 : i32 to index
          %swap3A_779 = arith.constant 40 : index
          %swap3A_780 = tpu.vector_load %arg15[%swap3A_778, %swap3A_779] {strides = array<i32>} : memref<80x56xf32, #tpu.memory_space<vmem>>, vector<16xf32>,
          tpu.vector_store %arg15[%swap3A_778, %swap3A_779], %get3A_650 {strides = array<i32>} : memref<80x56xf32, #tpu.memory_space<vmem>>, vector<16xf32>,
          %add3A_781 = arith.constant 0 : i32
          %add3A_782 = arith.addi %mul3A_505, %add3A_781 : i32
          %add3A_783 = arith.constant 7 : i32
          %add3A_784 = arith.addi %add3A_782, %add3A_783 : i32
          %swap3A_785 = arith.index_cast %add3A_784 : i32 to index
          %swap3A_786 = arith.constant 0 : index
          %swap3A_787 = tpu.vector_load %arg15[%swap3A_785, %swap3A_786] {strides = array<i32>} : memref<80x56xf32, #tpu.memory_space<vmem>>, vector<16xf32>,
          tpu.vector_store %arg15[%swap3A_785, %swap3A_786], %get3A_658 {strides = array<i32>} : memref<80x56xf32, #tpu.memory_space<vmem>>, vector<16xf32>,
          %swap3A_788 = arith.index_cast %add3A_784 : i32 to index
          %swap3A_789 = arith.constant 16 : index
          %swap3A_790 = tpu.vector_load %arg15[%swap3A_788, %swap3A_789] {strides = array<i32>} : memref<80x56xf32, #tpu.memory_space<vmem>>, vector<16xf32>,
          tpu.vector_store %arg15[%swap3A_788, %swap3A_789], %get3A_662 {strides = array<i32>} : memref<80x56xf32, #tpu.memory_space<vmem>>, vector<16xf32>,
          %swap3A_791 = arith.index_cast %add3A_784 : i32 to index
          %swap3A_792 = arith.constant 32 : index
          %swap3A_793 = tpu.vector_load %arg15[%swap3A_791, %swap3A_792] {strides = array<i32>} : memref<80x56xf32, #tpu.memory_space<vmem>>, vector<16xf32>,
          tpu.vector_store %arg15[%swap3A_791, %swap3A_792], %get3A_666 {strides = array<i32>} : memref<80x56xf32, #tpu.memory_space<vmem>>, vector<16xf32>,
          %swap3A_794 = arith.index_cast %add3A_784 : i32 to index
          %swap3A_795 = arith.constant 40 : index
          %swap3A_796 = tpu.vector_load %arg15[%swap3A_794, %swap3A_795] {strides = array<i32>} : memref<80x56xf32, #tpu.memory_space<vmem>>, vector<16xf32>,
          tpu.vector_store %arg15[%swap3A_794, %swap3A_795], %get3A_669 {strides = array<i32>} : memref<80x56xf32, #tpu.memory_space<vmem>>, vector<16xf32>,
          %add3A_797 = arith.constant 8 : i32
          %add3A_798 = arith.addi %mul3A_505, %add3A_797 : i32
          %add3A_799 = arith.constant 0 : i32
          %add3A_800 = arith.addi %add3A_798, %add3A_799 : i32
          %slice3A_801 = vector.extract_strided_slice %mul3A_509 {offsets = [8], sizes = [1], strides = [1]} : vector<16xi32> to vector<1xi32>
          %squeeze3A_802 = vector.extract %slice3A_801[0] : i32 from vector<1xi32>
          %get3A_803 = arith.index_cast %squeeze3A_802 : i32 to index
          %get3A_804 = tpu.vector_load %arg9[%get3A_803] {strides = array<i32>} : memref<3200xf32, #tpu.memory_space<vmem>>, vector<16xf32>,
          %slice3A_805 = vector.extract_strided_slice %mul3A_514 {offsets = [8], sizes = [1], strides = [1]} : vector<16xi32> to vector<1xi32>
          %squeeze3A_806 = vector.extract %slice3A_805[0] : i32 from vector<1xi32>
          %get3A_807 = arith.index_cast %squeeze3A_806 : i32 to index
          %get3A_808 = tpu.vector_load %arg9[%get3A_807] {strides = array<i32>} : memref<3200xf32, #tpu.memory_space<vmem>>, vector<16xf32>,
          %slice3A_809 = vector.extract_strided_slice %mul3A_519 {offsets = [8], sizes = [1], strides = [1]} : vector<16xi32> to vector<1xi32>
          %squeeze3A_810 = vector.extract %slice3A_809[0] : i32 from vector<1xi32>
          %get3A_811 = arith.index_cast %squeeze3A_810 : i32 to index
          %get3A_812 = tpu.vector_load %arg10[%get3A_811] {strides = array<i32>} : memref<512xf32, #tpu.memory_space<vmem>>, vector<16xf32>,
          %get3A_813 = arith.index_cast %add3A_800 : i32 to index
          %get3A_814 = arith.constant 0 : index
          %get3A_815 = tpu.vector_load %arg14[%get3A_813, %get3A_814] {strides = array<i32>} : memref<80x16xf32, #tpu.memory_space<vmem>>, vector<16xf32>,
          %add3A_816 = arith.constant 8 : i32
          %add3A_817 = arith.addi %mul3A_505, %add3A_816 : i32
          %add3A_818 = arith.constant 1 : i32
          %add3A_819 = arith.addi %add3A_817, %add3A_818 : i32
          %slice3A_820 = vector.extract_strided_slice %mul3A_509 {offsets = [9], sizes = [1], strides = [1]} : vector<16xi32> to vector<1xi32>
          %squeeze3A_821 = vector.extract %slice3A_820[0] : i32 from vector<1xi32>
          %get3A_822 = arith.index_cast %squeeze3A_821 : i32 to index
          %get3A_823 = tpu.vector_load %arg9[%get3A_822] {strides = array<i32>} : memref<3200xf32, #tpu.memory_space<vmem>>, vector<16xf32>,
          %slice3A_824 = vector.extract_strided_slice %mul3A_514 {offsets = [9], sizes = [1], strides = [1]} : vector<16xi32> to vector<1xi32>
          %squeeze3A_825 = vector.extract %slice3A_824[0] : i32 from vector<1xi32>
          %get3A_826 = arith.index_cast %squeeze3A_825 : i32 to index
          %get3A_827 = tpu.vector_load %arg9[%get3A_826] {strides = array<i32>} : memref<3200xf32, #tpu.memory_space<vmem>>, vector<16xf32>,
          %slice3A_828 = vector.extract_strided_slice %mul3A_519 {offsets = [9], sizes = [1], strides = [1]} : vector<16xi32> to vector<1xi32>
          %squeeze3A_829 = vector.extract %slice3A_828[0] : i32 from vector<1xi32>
          %get3A_830 = arith.index_cast %squeeze3A_829 : i32 to index
          %get3A_831 = tpu.vector_load %arg10[%get3A_830] {strides = array<i32>} : memref<512xf32, #tpu.memory_space<vmem>>, vector<16xf32>,
          %get3A_832 = arith.index_cast %add3A_819 : i32 to index
          %get3A_833 = arith.constant 0 : index
          %get3A_834 = tpu.vector_load %arg14[%get3A_832, %get3A_833] {strides = array<i32>} : memref<80x16xf32, #tpu.memory_space<vmem>>, vector<16xf32>,
          %add3A_835 = arith.constant 8 : i32
          %add3A_836 = arith.addi %mul3A_505, %add3A_835 : i32
          %add3A_837 = arith.constant 2 : i32
          %add3A_838 = arith.addi %add3A_836, %add3A_837 : i32
          %slice3A_839 = vector.extract_strided_slice %mul3A_509 {offsets = [10], sizes = [1], strides = [1]} : vector<16xi32> to vector<1xi32>
          %squeeze3A_840 = vector.extract %slice3A_839[0] : i32 from vector<1xi32>
          %get3A_841 = arith.index_cast %squeeze3A_840 : i32 to index
          %get3A_842 = tpu.vector_load %arg9[%get3A_841] {strides = array<i32>} : memref<3200xf32, #tpu.memory_space<vmem>>, vector<16xf32>,
          %slice3A_843 = vector.extract_strided_slice %mul3A_514 {offsets = [10], sizes = [1], strides = [1]} : vector<16xi32> to vector<1xi32>
          %squeeze3A_844 = vector.extract %slice3A_843[0] : i32 from vector<1xi32>
          %get3A_845 = arith.index_cast %squeeze3A_844 : i32 to index
          %get3A_846 = tpu.vector_load %arg9[%get3A_845] {strides = array<i32>} : memref<3200xf32, #tpu.memory_space<vmem>>, vector<16xf32>,
          %slice3A_847 = vector.extract_strided_slice %mul3A_519 {offsets = [10], sizes = [1], strides = [1]} : vector<16xi32> to vector<1xi32>
          %squeeze3A_848 = vector.extract %slice3A_847[0] : i32 from vector<1xi32>
          %get3A_849 = arith.index_cast %squeeze3A_848 : i32 to index
          %get3A_850 = tpu.vector_load %arg10[%get3A_849] {strides = array<i32>} : memref<512xf32, #tpu.memory_space<vmem>>, vector<16xf32>,
          %get3A_851 = arith.index_cast %add3A_838 : i32 to index
          %get3A_852 = arith.constant 0 : index
          %get3A_853 = tpu.vector_load %arg14[%get3A_851, %get3A_852] {strides = array<i32>} : memref<80x16xf32, #tpu.memory_space<vmem>>, vector<16xf32>,
          %add3A_854 = arith.constant 8 : i32
          %add3A_855 = arith.addi %mul3A_505, %add3A_854 : i32
          %add3A_856 = arith.constant 3 : i32
          %add3A_857 = arith.addi %add3A_855, %add3A_856 : i32
          %slice3A_858 = vector.extract_strided_slice %mul3A_509 {offsets = [11], sizes = [1], strides = [1]} : vector<16xi32> to vector<1xi32>
          %squeeze3A_859 = vector.extract %slice3A_858[0] : i32 from vector<1xi32>
          %get3A_860 = arith.index_cast %squeeze3A_859 : i32 to index
          %get3A_861 = tpu.vector_load %arg9[%get3A_860] {strides = array<i32>} : memref<3200xf32, #tpu.memory_space<vmem>>, vector<16xf32>,
          %slice3A_862 = vector.extract_strided_slice %mul3A_514 {offsets = [11], sizes = [1], strides = [1]} : vector<16xi32> to vector<1xi32>
          %squeeze3A_863 = vector.extract %slice3A_862[0] : i32 from vector<1xi32>
          %get3A_864 = arith.index_cast %squeeze3A_863 : i32 to index
          %get3A_865 = tpu.vector_load %arg9[%get3A_864] {strides = array<i32>} : memref<3200xf32, #tpu.memory_space<vmem>>, vector<16xf32>,
          %slice3A_866 = vector.extract_strided_slice %mul3A_519 {offsets = [11], sizes = [1], strides = [1]} : vector<16xi32> to vector<1xi32>
          %squeeze3A_867 = vector.extract %slice3A_866[0] : i32 from vector<1xi32>
          %get3A_868 = arith.index_cast %squeeze3A_867 : i32 to index
          %get3A_869 = tpu.vector_load %arg10[%get3A_868] {strides = array<i32>} : memref<512xf32, #tpu.memory_space<vmem>>, vector<16xf32>,
          %get3A_870 = arith.index_cast %add3A_857 : i32 to index
          %get3A_871 = arith.constant 0 : index
          %get3A_872 = tpu.vector_load %arg14[%get3A_870, %get3A_871] {strides = array<i32>} : memref<80x16xf32, #tpu.memory_space<vmem>>, vector<16xf32>,
          %add3A_873 = arith.constant 8 : i32
          %add3A_874 = arith.addi %mul3A_505, %add3A_873 : i32
          %add3A_875 = arith.constant 4 : i32
          %add3A_876 = arith.addi %add3A_874, %add3A_875 : i32
          %slice3A_877 = vector.extract_strided_slice %mul3A_509 {offsets = [12], sizes = [1], strides = [1]} : vector<16xi32> to vector<1xi32>
          %squeeze3A_878 = vector.extract %slice3A_877[0] : i32 from vector<1xi32>
          %get3A_879 = arith.index_cast %squeeze3A_878 : i32 to index
          %get3A_880 = tpu.vector_load %arg9[%get3A_879] {strides = array<i32>} : memref<3200xf32, #tpu.memory_space<vmem>>, vector<16xf32>,
          %slice3A_881 = vector.extract_strided_slice %mul3A_514 {offsets = [12], sizes = [1], strides = [1]} : vector<16xi32> to vector<1xi32>
          %squeeze3A_882 = vector.extract %slice3A_881[0] : i32 from vector<1xi32>
          %get3A_883 = arith.index_cast %squeeze3A_882 : i32 to index
          %get3A_884 = tpu.vector_load %arg9[%get3A_883] {strides = array<i32>} : memref<3200xf32, #tpu.memory_space<vmem>>, vector<16xf32>,
          %slice3A_885 = vector.extract_strided_slice %mul3A_519 {offsets = [12], sizes = [1], strides = [1]} : vector<16xi32> to vector<1xi32>
          %squeeze3A_886 = vector.extract %slice3A_885[0] : i32 from vector<1xi32>
          %get3A_887 = arith.index_cast %squeeze3A_886 : i32 to index
          %get3A_888 = tpu.vector_load %arg10[%get3A_887] {strides = array<i32>} : memref<512xf32, #tpu.memory_space<vmem>>, vector<16xf32>,
          %get3A_889 = arith.index_cast %add3A_876 : i32 to index
          %get3A_890 = arith.constant 0 : index
          %get3A_891 = tpu.vector_load %arg14[%get3A_889, %get3A_890] {strides = array<i32>} : memref<80x16xf32, #tpu.memory_space<vmem>>, vector<16xf32>,
          %add3A_892 = arith.constant 8 : i32
          %add3A_893 = arith.addi %mul3A_505, %add3A_892 : i32
          %add3A_894 = arith.constant 5 : i32
          %add3A_895 = arith.addi %add3A_893, %add3A_894 : i32
          %slice3A_896 = vector.extract_strided_slice %mul3A_509 {offsets = [13], sizes = [1], strides = [1]} : vector<16xi32> to vector<1xi32>
          %squeeze3A_897 = vector.extract %slice3A_896[0] : i32 from vector<1xi32>
          %get3A_898 = arith.index_cast %squeeze3A_897 : i32 to index
          %get3A_899 = tpu.vector_load %arg9[%get3A_898] {strides = array<i32>} : memref<3200xf32, #tpu.memory_space<vmem>>, vector<16xf32>,
          %slice3A_900 = vector.extract_strided_slice %mul3A_514 {offsets = [13], sizes = [1], strides = [1]} : vector<16xi32> to vector<1xi32>
          %squeeze3A_901 = vector.extract %slice3A_900[0] : i32 from vector<1xi32>
          %get3A_902 = arith.index_cast %squeeze3A_901 : i32 to index
          %get3A_903 = tpu.vector_load %arg9[%get3A_902] {strides = array<i32>} : memref<3200xf32, #tpu.memory_space<vmem>>, vector<16xf32>,
          %slice3A_904 = vector.extract_strided_slice %mul3A_519 {offsets = [13], sizes = [1], strides = [1]} : vector<16xi32> to vector<1xi32>
          %squeeze3A_905 = vector.extract %slice3A_904[0] : i32 from vector<1xi32>
          %get3A_906 = arith.index_cast %squeeze3A_905 : i32 to index
          %get3A_907 = tpu.vector_load %arg10[%get3A_906] {strides = array<i32>} : memref<512xf32, #tpu.memory_space<vmem>>, vector<16xf32>,
          %get3A_908 = arith.index_cast %add3A_895 : i32 to index
          %get3A_909 = arith.constant 0 : index
          %get3A_910 = tpu.vector_load %arg14[%get3A_908, %get3A_909] {strides = array<i32>} : memref<80x16xf32, #tpu.memory_space<vmem>>, vector<16xf32>,
          %add3A_911 = arith.constant 8 : i32
          %add3A_912 = arith.addi %mul3A_505, %add3A_911 : i32
          %add3A_913 = arith.constant 6 : i32
          %add3A_914 = arith.addi %add3A_912, %add3A_913 : i32
          %slice3A_915 = vector.extract_strided_slice %mul3A_509 {offsets = [14], sizes = [1], strides = [1]} : vector<16xi32> to vector<1xi32>
          %squeeze3A_916 = vector.extract %slice3A_915[0] : i32 from vector<1xi32>
          %get3A_917 = arith.index_cast %squeeze3A_916 : i32 to index
          %get3A_918 = tpu.vector_load %arg9[%get3A_917] {strides = array<i32>} : memref<3200xf32, #tpu.memory_space<vmem>>, vector<16xf32>,
          %slice3A_919 = vector.extract_strided_slice %mul3A_514 {offsets = [14], sizes = [1], strides = [1]} : vector<16xi32> to vector<1xi32>
          %squeeze3A_920 = vector.extract %slice3A_919[0] : i32 from vector<1xi32>
          %get3A_921 = arith.index_cast %squeeze3A_920 : i32 to index
          %get3A_922 = tpu.vector_load %arg9[%get3A_921] {strides = array<i32>} : memref<3200xf32, #tpu.memory_space<vmem>>, vector<16xf32>,
          %slice3A_923 = vector.extract_strided_slice %mul3A_519 {offsets = [14], sizes = [1], strides = [1]} : vector<16xi32> to vector<1xi32>
          %squeeze3A_924 = vector.extract %slice3A_923[0] : i32 from vector<1xi32>
          %get3A_925 = arith.index_cast %squeeze3A_924 : i32 to index
          %get3A_926 = tpu.vector_load %arg10[%get3A_925] {strides = array<i32>} : memref<512xf32, #tpu.memory_space<vmem>>, vector<16xf32>,
          %get3A_927 = arith.index_cast %add3A_914 : i32 to index
          %get3A_928 = arith.constant 0 : index
          %get3A_929 = tpu.vector_load %arg14[%get3A_927, %get3A_928] {strides = array<i32>} : memref<80x16xf32, #tpu.memory_space<vmem>>, vector<16xf32>,
          %add3A_930 = arith.constant 8 : i32
          %add3A_931 = arith.addi %mul3A_505, %add3A_930 : i32
          %add3A_932 = arith.constant 7 : i32
          %add3A_933 = arith.addi %add3A_931, %add3A_932 : i32
          %slice3A_934 = vector.extract_strided_slice %mul3A_509 {offsets = [15], sizes = [1], strides = [1]} : vector<16xi32> to vector<1xi32>
          %squeeze3A_935 = vector.extract %slice3A_934[0] : i32 from vector<1xi32>
          %get3A_936 = arith.index_cast %squeeze3A_935 : i32 to index
          %get3A_937 = tpu.vector_load %arg9[%get3A_936] {strides = array<i32>} : memref<3200xf32, #tpu.memory_space<vmem>>, vector<16xf32>,
          %slice3A_938 = vector.extract_strided_slice %mul3A_514 {offsets = [15], sizes = [1], strides = [1]} : vector<16xi32> to vector<1xi32>
          %squeeze3A_939 = vector.extract %slice3A_938[0] : i32 from vector<1xi32>
          %get3A_940 = arith.index_cast %squeeze3A_939 : i32 to index
          %get3A_941 = tpu.vector_load %arg9[%get3A_940] {strides = array<i32>} : memref<3200xf32, #tpu.memory_space<vmem>>, vector<16xf32>,
          %slice3A_942 = vector.extract_strided_slice %mul3A_519 {offsets = [15], sizes = [1], strides = [1]} : vector<16xi32> to vector<1xi32>
          %squeeze3A_943 = vector.extract %slice3A_942[0] : i32 from vector<1xi32>
          %get3A_944 = arith.index_cast %squeeze3A_943 : i32 to index
          %get3A_945 = tpu.vector_load %arg10[%get3A_944] {strides = array<i32>} : memref<512xf32, #tpu.memory_space<vmem>>, vector<16xf32>,
          %get3A_946 = arith.index_cast %add3A_933 : i32 to index
          %get3A_947 = arith.constant 0 : index
          %get3A_948 = tpu.vector_load %arg14[%get3A_946, %get3A_947] {strides = array<i32>} : memref<80x16xf32, #tpu.memory_space<vmem>>, vector<16xf32>,
          %add3A_949 = arith.constant 8 : i32
          %add3A_950 = arith.addi %mul3A_505, %add3A_949 : i32
          %add3A_951 = arith.constant 0 : i32
          %add3A_952 = arith.addi %add3A_950, %add3A_951 : i32
          %swap3A_953 = arith.index_cast %add3A_952 : i32 to index
          %swap3A_954 = arith.constant 0 : index
          %swap3A_955 = tpu.vector_load %arg15[%swap3A_953, %swap3A_954] {strides = array<i32>} : memref<80x56xf32, #tpu.memory_space<vmem>>, vector<16xf32>,
          tpu.vector_store %arg15[%swap3A_953, %swap3A_954], %get3A_804 {strides = array<i32>} : memref<80x56xf32, #tpu.memory_space<vmem>>, vector<16xf32>,
          %swap3A_956 = arith.index_cast %add3A_952 : i32 to index
          %swap3A_957 = arith.constant 16 : index
          %swap3A_958 = tpu.vector_load %arg15[%swap3A_956, %swap3A_957] {strides = array<i32>} : memref<80x56xf32, #tpu.memory_space<vmem>>, vector<16xf32>,
          tpu.vector_store %arg15[%swap3A_956, %swap3A_957], %get3A_808 {strides = array<i32>} : memref<80x56xf32, #tpu.memory_space<vmem>>, vector<16xf32>,
          %swap3A_959 = arith.index_cast %add3A_952 : i32 to index
          %swap3A_960 = arith.constant 32 : index
          %swap3A_961 = tpu.vector_load %arg15[%swap3A_959, %swap3A_960] {strides = array<i32>} : memref<80x56xf32, #tpu.memory_space<vmem>>, vector<16xf32>,
          tpu.vector_store %arg15[%swap3A_959, %swap3A_960], %get3A_812 {strides = array<i32>} : memref<80x56xf32, #tpu.memory_space<vmem>>, vector<16xf32>,
          %swap3A_962 = arith.index_cast %add3A_952 : i32 to index
          %swap3A_963 = arith.constant 40 : index
          %swap3A_964 = tpu.vector_load %arg15[%swap3A_962, %swap3A_963] {strides = array<i32>} : memref<80x56xf32, #tpu.memory_space<vmem>>, vector<16xf32>,
          tpu.vector_store %arg15[%swap3A_962, %swap3A_963], %get3A_815 {strides = array<i32>} : memref<80x56xf32, #tpu.memory_space<vmem>>, vector<16xf32>,
          %add3A_965 = arith.constant 8 : i32
          %add3A_966 = arith.addi %mul3A_505, %add3A_965 : i32
          %add3A_967 = arith.constant 1 : i32
          %add3A_968 = arith.addi %add3A_966, %add3A_967 : i32
          %swap3A_969 = arith.index_cast %add3A_968 : i32 to index
          %swap3A_970 = arith.constant 0 : index
          %swap3A_971 = tpu.vector_load %arg15[%swap3A_969, %swap3A_970] {strides = array<i32>} : memref<80x56xf32, #tpu.memory_space<vmem>>, vector<16xf32>,
          tpu.vector_store %arg15[%swap3A_969, %swap3A_970], %get3A_823 {strides = array<i32>} : memref<80x56xf32, #tpu.memory_space<vmem>>, vector<16xf32>,
          %swap3A_972 = arith.index_cast %add3A_968 : i32 to index
          %swap3A_973 = arith.constant 16 : index
          %swap3A_974 = tpu.vector_load %arg15[%swap3A_972, %swap3A_973] {strides = array<i32>} : memref<80x56xf32, #tpu.memory_space<vmem>>, vector<16xf32>,
          tpu.vector_store %arg15[%swap3A_972, %swap3A_973], %get3A_827 {strides = array<i32>} : memref<80x56xf32, #tpu.memory_space<vmem>>, vector<16xf32>,
          %swap3A_975 = arith.index_cast %add3A_968 : i32 to index
          %swap3A_976 = arith.constant 32 : index
          %swap3A_977 = tpu.vector_load %arg15[%swap3A_975, %swap3A_976] {strides = array<i32>} : memref<80x56xf32, #tpu.memory_space<vmem>>, vector<16xf32>,
          tpu.vector_store %arg15[%swap3A_975, %swap3A_976], %get3A_831 {strides = array<i32>} : memref<80x56xf32, #tpu.memory_space<vmem>>, vector<16xf32>,
          %swap3A_978 = arith.index_cast %add3A_968 : i32 to index
          %swap3A_979 = arith.constant 40 : index
          %swap3A_980 = tpu.vector_load %arg15[%swap3A_978, %swap3A_979] {strides = array<i32>} : memref<80x56xf32, #tpu.memory_space<vmem>>, vector<16xf32>,
          tpu.vector_store %arg15[%swap3A_978, %swap3A_979], %get3A_834 {strides = array<i32>} : memref<80x56xf32, #tpu.memory_space<vmem>>, vector<16xf32>,
          %add3A_981 = arith.constant 8 : i32
          %add3A_982 = arith.addi %mul3A_505, %add3A_981 : i32
          %add3A_983 = arith.constant 2 : i32
          %add3A_984 = arith.addi %add3A_982, %add3A_983 : i32
          %swap3A_985 = arith.index_cast %add3A_984 : i32 to index
          %swap3A_986 = arith.constant 0 : index
          %swap3A_987 = tpu.vector_load %arg15[%swap3A_985, %swap3A_986] {strides = array<i32>} : memref<80x56xf32, #tpu.memory_space<vmem>>, vector<16xf32>,
          tpu.vector_store %arg15[%swap3A_985, %swap3A_986], %get3A_842 {strides = array<i32>} : memref<80x56xf32, #tpu.memory_space<vmem>>, vector<16xf32>,
          %swap3A_988 = arith.index_cast %add3A_984 : i32 to index
          %swap3A_989 = arith.constant 16 : index
          %swap3A_990 = tpu.vector_load %arg15[%swap3A_988, %swap3A_989] {strides = array<i32>} : memref<80x56xf32, #tpu.memory_space<vmem>>, vector<16xf32>,
          tpu.vector_store %arg15[%swap3A_988, %swap3A_989], %get3A_846 {strides = array<i32>} : memref<80x56xf32, #tpu.memory_space<vmem>>, vector<16xf32>,
          %swap3A_991 = arith.index_cast %add3A_984 : i32 to index
          %swap3A_992 = arith.constant 32 : index
          %swap3A_993 = tpu.vector_load %arg15[%swap3A_991, %swap3A_992] {strides = array<i32>} : memref<80x56xf32, #tpu.memory_space<vmem>>, vector<16xf32>,
          tpu.vector_store %arg15[%swap3A_991, %swap3A_992], %get3A_850 {strides = array<i32>} : memref<80x56xf32, #tpu.memory_space<vmem>>, vector<16xf32>,
          %swap3A_994 = arith.index_cast %add3A_984 : i32 to index
          %swap3A_995 = arith.constant 40 : index
          %swap3A_996 = tpu.vector_load %arg15[%swap3A_994, %swap3A_995] {strides = array<i32>} : memref<80x56xf32, #tpu.memory_space<vmem>>, vector<16xf32>,
          tpu.vector_store %arg15[%swap3A_994, %swap3A_995], %get3A_853 {strides = array<i32>} : memref<80x56xf32, #tpu.memory_space<vmem>>, vector<16xf32>,
          %add3A_997 = arith.constant 8 : i32
          %add3A_998 = arith.addi %mul3A_505, %add3A_997 : i32
          %add3A_999 = arith.constant 3 : i32
          %add3A_1000 = arith.addi %add3A_998, %add3A_999 : i32
          %swap3A_1001 = arith.index_cast %add3A_1000 : i32 to index
          %swap3A_1002 = arith.constant 0 : index
          %swap3A_1003 = tpu.vector_load %arg15[%swap3A_1001, %swap3A_1002] {strides = array<i32>} : memref<80x56xf32, #tpu.memory_space<vmem>>, vector<16xf32>,
          tpu.vector_store %arg15[%swap3A_1001, %swap3A_1002], %get3A_861 {strides = array<i32>} : memref<80x56xf32, #tpu.memory_space<vmem>>, vector<16xf32>,
          %swap3A_1004 = arith.index_cast %add3A_1000 : i32 to index
          %swap3A_1005 = arith.constant 16 : index
          %swap3A_1006 = tpu.vector_load %arg15[%swap3A_1004, %swap3A_1005] {strides = array<i32>} : memref<80x56xf32, #tpu.memory_space<vmem>>, vector<16xf32>,
          tpu.vector_store %arg15[%swap3A_1004, %swap3A_1005], %get3A_865 {strides = array<i32>} : memref<80x56xf32, #tpu.memory_space<vmem>>, vector<16xf32>,
          %swap3A_1007 = arith.index_cast %add3A_1000 : i32 to index
          %swap3A_1008 = arith.constant 32 : index
          %swap3A_1009 = tpu.vector_load %arg15[%swap3A_1007, %swap3A_1008] {strides = array<i32>} : memref<80x56xf32, #tpu.memory_space<vmem>>, vector<16xf32>,
          tpu.vector_store %arg15[%swap3A_1007, %swap3A_1008], %get3A_869 {strides = array<i32>} : memref<80x56xf32, #tpu.memory_space<vmem>>, vector<16xf32>,
          %swap3A_1010 = arith.index_cast %add3A_1000 : i32 to index
          %swap3A_1011 = arith.constant 40 : index
          %swap3A_1012 = tpu.vector_load %arg15[%swap3A_1010, %swap3A_1011] {strides = array<i32>} : memref<80x56xf32, #tpu.memory_space<vmem>>, vector<16xf32>,
          tpu.vector_store %arg15[%swap3A_1010, %swap3A_1011], %get3A_872 {strides = array<i32>} : memref<80x56xf32, #tpu.memory_space<vmem>>, vector<16xf32>,
          %add3A_1013 = arith.constant 8 : i32
          %add3A_1014 = arith.addi %mul3A_505, %add3A_1013 : i32
          %add3A_1015 = arith.constant 4 : i32
          %add3A_1016 = arith.addi %add3A_1014, %add3A_1015 : i32
          %swap3A_1017 = arith.index_cast %add3A_1016 : i32 to index
          %swap3A_1018 = arith.constant 0 : index
          %swap3A_1019 = tpu.vector_load %arg15[%swap3A_1017, %swap3A_1018] {strides = array<i32>} : memref<80x56xf32, #tpu.memory_space<vmem>>, vector<16xf32>,
          tpu.vector_store %arg15[%swap3A_1017, %swap3A_1018], %get3A_880 {strides = array<i32>} : memref<80x56xf32, #tpu.memory_space<vmem>>, vector<16xf32>,
          %swap3A_1020 = arith.index_cast %add3A_1016 : i32 to index
          %swap3A_1021 = arith.constant 16 : index
          %swap3A_1022 = tpu.vector_load %arg15[%swap3A_1020, %swap3A_1021] {strides = array<i32>} : memref<80x56xf32, #tpu.memory_space<vmem>>, vector<16xf32>,
          tpu.vector_store %arg15[%swap3A_1020, %swap3A_1021], %get3A_884 {strides = array<i32>} : memref<80x56xf32, #tpu.memory_space<vmem>>, vector<16xf32>,
          %swap3A_1023 = arith.index_cast %add3A_1016 : i32 to index
          %swap3A_1024 = arith.constant 32 : index
          %swap3A_1025 = tpu.vector_load %arg15[%swap3A_1023, %swap3A_1024] {strides = array<i32>} : memref<80x56xf32, #tpu.memory_space<vmem>>, vector<16xf32>,
          tpu.vector_store %arg15[%swap3A_1023, %swap3A_1024], %get3A_888 {strides = array<i32>} : memref<80x56xf32, #tpu.memory_space<vmem>>, vector<16xf32>,
          %swap3A_1026 = arith.index_cast %add3A_1016 : i32 to index
          %swap3A_1027 = arith.constant 40 : index
          %swap3A_1028 = tpu.vector_load %arg15[%swap3A_1026, %swap3A_1027] {strides = array<i32>} : memref<80x56xf32, #tpu.memory_space<vmem>>, vector<16xf32>,
          tpu.vector_store %arg15[%swap3A_1026, %swap3A_1027], %get3A_891 {strides = array<i32>} : memref<80x56xf32, #tpu.memory_space<vmem>>, vector<16xf32>,
          %add3A_1029 = arith.constant 8 : i32
          %add3A_1030 = arith.addi %mul3A_505, %add3A_1029 : i32
          %add3A_1031 = arith.constant 5 : i32
          %add3A_1032 = arith.addi %add3A_1030, %add3A_1031 : i32
          %swap3A_1033 = arith.index_cast %add3A_1032 : i32 to index
          %swap3A_1034 = arith.constant 0 : index
          %swap3A_1035 = tpu.vector_load %arg15[%swap3A_1033, %swap3A_1034] {strides = array<i32>} : memref<80x56xf32, #tpu.memory_space<vmem>>, vector<16xf32>,
          tpu.vector_store %arg15[%swap3A_1033, %swap3A_1034], %get3A_899 {strides = array<i32>} : memref<80x56xf32, #tpu.memory_space<vmem>>, vector<16xf32>,
          %swap3A_1036 = arith.index_cast %add3A_1032 : i32 to index
          %swap3A_1037 = arith.constant 16 : index
          %swap3A_1038 = tpu.vector_load %arg15[%swap3A_1036, %swap3A_1037] {strides = array<i32>} : memref<80x56xf32, #tpu.memory_space<vmem>>, vector<16xf32>,
          tpu.vector_store %arg15[%swap3A_1036, %swap3A_1037], %get3A_903 {strides = array<i32>} : memref<80x56xf32, #tpu.memory_space<vmem>>, vector<16xf32>,
          %swap3A_1039 = arith.index_cast %add3A_1032 : i32 to index
          %swap3A_1040 = arith.constant 32 : index
          %swap3A_1041 = tpu.vector_load %arg15[%swap3A_1039, %swap3A_1040] {strides = array<i32>} : memref<80x56xf32, #tpu.memory_space<vmem>>, vector<16xf32>,
          tpu.vector_store %arg15[%swap3A_1039, %swap3A_1040], %get3A_907 {strides = array<i32>} : memref<80x56xf32, #tpu.memory_space<vmem>>, vector<16xf32>,
          %swap3A_1042 = arith.index_cast %add3A_1032 : i32 to index
          %swap3A_1043 = arith.constant 40 : index
          %swap3A_1044 = tpu.vector_load %arg15[%swap3A_1042, %swap3A_1043] {strides = array<i32>} : memref<80x56xf32, #tpu.memory_space<vmem>>, vector<16xf32>,
          tpu.vector_store %arg15[%swap3A_1042, %swap3A_1043], %get3A_910 {strides = array<i32>} : memref<80x56xf32, #tpu.memory_space<vmem>>, vector<16xf32>,
          %add3A_1045 = arith.constant 8 : i32
          %add3A_1046 = arith.addi %mul3A_505, %add3A_1045 : i32
          %add3A_1047 = arith.constant 6 : i32
          %add3A_1048 = arith.addi %add3A_1046, %add3A_1047 : i32
          %swap3A_1049 = arith.index_cast %add3A_1048 : i32 to index
          %swap3A_1050 = arith.constant 0 : index
          %swap3A_1051 = tpu.vector_load %arg15[%swap3A_1049, %swap3A_1050] {strides = array<i32>} : memref<80x56xf32, #tpu.memory_space<vmem>>, vector<16xf32>,
          tpu.vector_store %arg15[%swap3A_1049, %swap3A_1050], %get3A_918 {strides = array<i32>} : memref<80x56xf32, #tpu.memory_space<vmem>>, vector<16xf32>,
          %swap3A_1052 = arith.index_cast %add3A_1048 : i32 to index
          %swap3A_1053 = arith.constant 16 : index
          %swap3A_1054 = tpu.vector_load %arg15[%swap3A_1052, %swap3A_1053] {strides = array<i32>} : memref<80x56xf32, #tpu.memory_space<vmem>>, vector<16xf32>,
          tpu.vector_store %arg15[%swap3A_1052, %swap3A_1053], %get3A_922 {strides = array<i32>} : memref<80x56xf32, #tpu.memory_space<vmem>>, vector<16xf32>,
          %swap3A_1055 = arith.index_cast %add3A_1048 : i32 to index
          %swap3A_1056 = arith.constant 32 : index
          %swap3A_1057 = tpu.vector_load %arg15[%swap3A_1055, %swap3A_1056] {strides = array<i32>} : memref<80x56xf32, #tpu.memory_space<vmem>>, vector<16xf32>,
          tpu.vector_store %arg15[%swap3A_1055, %swap3A_1056], %get3A_926 {strides = array<i32>} : memref<80x56xf32, #tpu.memory_space<vmem>>, vector<16xf32>,
          %swap3A_1058 = arith.index_cast %add3A_1048 : i32 to index
          %swap3A_1059 = arith.constant 40 : index
          %swap3A_1060 = tpu.vector_load %arg15[%swap3A_1058, %swap3A_1059] {strides = array<i32>} : memref<80x56xf32, #tpu.memory_space<vmem>>, vector<16xf32>,
          tpu.vector_store %arg15[%swap3A_1058, %swap3A_1059], %get3A_929 {strides = array<i32>} : memref<80x56xf32, #tpu.memory_space<vmem>>, vector<16xf32>,
          %add3A_1061 = arith.constant 8 : i32
          %add3A_1062 = arith.addi %mul3A_505, %add3A_1061 : i32
          %add3A_1063 = arith.constant 7 : i32
          %add3A_1064 = arith.addi %add3A_1062, %add3A_1063 : i32
          %swap3A_1065 = arith.index_cast %add3A_1064 : i32 to index
          %swap3A_1066 = arith.constant 0 : index
          %swap3A_1067 = tpu.vector_load %arg15[%swap3A_1065, %swap3A_1066] {strides = array<i32>} : memref<80x56xf32, #tpu.memory_space<vmem>>, vector<16xf32>,
          tpu.vector_store %arg15[%swap3A_1065, %swap3A_1066], %get3A_937 {strides = array<i32>} : memref<80x56xf32, #tpu.memory_space<vmem>>, vector<16xf32>,
          %swap3A_1068 = arith.index_cast %add3A_1064 : i32 to index
          %swap3A_1069 = arith.constant 16 : index
          %swap3A_1070 = tpu.vector_load %arg15[%swap3A_1068, %swap3A_1069] {strides = array<i32>} : memref<80x56xf32, #tpu.memory_space<vmem>>, vector<16xf32>,
          tpu.vector_store %arg15[%swap3A_1068, %swap3A_1069], %get3A_941 {strides = array<i32>} : memref<80x56xf32, #tpu.memory_space<vmem>>, vector<16xf32>,
          %swap3A_1071 = arith.index_cast %add3A_1064 : i32 to index
          %swap3A_1072 = arith.constant 32 : index
          %swap3A_1073 = tpu.vector_load %arg15[%swap3A_1071, %swap3A_1072] {strides = array<i32>} : memref<80x56xf32, #tpu.memory_space<vmem>>, vector<16xf32>,
          tpu.vector_store %arg15[%swap3A_1071, %swap3A_1072], %get3A_945 {strides = array<i32>} : memref<80x56xf32, #tpu.memory_space<vmem>>, vector<16xf32>,
          %swap3A_1074 = arith.index_cast %add3A_1064 : i32 to index
          %swap3A_1075 = arith.constant 40 : index
          %swap3A_1076 = tpu.vector_load %arg15[%swap3A_1074, %swap3A_1075] {strides = array<i32>} : memref<80x56xf32, #tpu.memory_space<vmem>>, vector<16xf32>,
          tpu.vector_store %arg15[%swap3A_1074, %swap3A_1075], %get3A_948 {strides = array<i32>} : memref<80x56xf32, #tpu.memory_space<vmem>>, vector<16xf32>,
        }
        %scan3A_237 = arith.constant 5 : i32
        %add3A_238 = arith.constant 5 : i32
        %add3A_239 = arith.addi %add3A_200, %add3A_238 : i32
        %lt3A = arith.constant 250 : i32
        %lt3A_240 = arith.cmpi slt, %add3A_239, %lt3A : i32
        %convert_element_type3A_241 = arith.extui %lt3A_240 : i1 to i32
        %cond3A_242 = arith.constant 0 : i32
        %cond3A_243 = arith.cmpi ne, %convert_element_type3A_241, %cond3A_242 : i32
        scf.if %cond3A_243 {
          %add3A_503 = arith.constant 5 : i32
          %add3A_504 = arith.addi %add3A_200, %add3A_503 : i32
          %mul3A_505 = arith.constant 80 : i32
          %mul3A_506 = arith.muli %add3A_504, %mul3A_505 : i32
          %add3A_507 = arith.addi %mul3A_2, %mul3A_506 : i32
          %dma_start3A_508 = arith.constant 0 : i32
          %dma_start3A_509 = arith.constant 0 : i32
          %dma_start3A_510 = tpu.memref_slice %arg2[%add3A_507] : memref<640000xi32, #tpu.memory_space<hbm>> -> memref<80xi32, #tpu.memory_space<hbm>>
          %dma_start3A_511 = tpu.memref_slice %run_scoped3A[%dma_start3A_508, %dma_start3A_509] : memref<5x5x!tpu.dma_semaphore, #tpu.memory_space<semaphore_mem>> -> memref<1x1x!tpu.dma_semaphore, #tpu.memory_space<semaphore_mem>>
          %dma_start3A_512 = tpu.memref_squeeze %dma_start3A_511 : memref<1x1x!tpu.dma_semaphore, #tpu.memory_space<semaphore_mem>> -> memref<!tpu.dma_semaphore, #tpu.memory_space<semaphore_mem>>
          %dma_start3A_513 = tpu.memref_slice %arg2[%add3A_507] : memref<640000xi32, #tpu.memory_space<hbm>> -> memref<80xi32, #tpu.memory_space<hbm>>
          tpu.enqueue_dma source(%dma_start3A_513 : memref<80xi32, #tpu.memory_space<hbm>>) target(%arg11 : memref<80xi32, #tpu.memory_space<vmem>>) target_semaphore(%dma_start3A_512 : memref<!tpu.dma_semaphore, #tpu.memory_space<semaphore_mem>>)
          %dma_start3A_514 = arith.constant 0 : i32
          %dma_start3A_515 = arith.constant 1 : i32
          %dma_start3A_516 = tpu.memref_slice %arg3[%add3A_507] : memref<640000xi32, #tpu.memory_space<hbm>> -> memref<80xi32, #tpu.memory_space<hbm>>
          %dma_start3A_517 = tpu.memref_slice %run_scoped3A[%dma_start3A_514, %dma_start3A_515] : memref<5x5x!tpu.dma_semaphore, #tpu.memory_space<semaphore_mem>> -> memref<1x1x!tpu.dma_semaphore, #tpu.memory_space<semaphore_mem>>
          %dma_start3A_518 = tpu.memref_squeeze %dma_start3A_517 : memref<1x1x!tpu.dma_semaphore, #tpu.memory_space<semaphore_mem>> -> memref<!tpu.dma_semaphore, #tpu.memory_space<semaphore_mem>>
          %dma_start3A_519 = tpu.memref_slice %arg3[%add3A_507] : memref<640000xi32, #tpu.memory_space<hbm>> -> memref<80xi32, #tpu.memory_space<hbm>>
          tpu.enqueue_dma source(%dma_start3A_519 : memref<80xi32, #tpu.memory_space<hbm>>) target(%arg12 : memref<80xi32, #tpu.memory_space<vmem>>) target_semaphore(%dma_start3A_518 : memref<!tpu.dma_semaphore, #tpu.memory_space<semaphore_mem>>)
          %dma_start3A_520 = arith.constant 0 : i32
          %dma_start3A_521 = arith.constant 2 : i32
          %dma_start3A_522 = tpu.memref_slice %arg4[%add3A_507] : memref<640000xi32, #tpu.memory_space<hbm>> -> memref<80xi32, #tpu.memory_space<hbm>>
          %dma_start3A_523 = tpu.memref_slice %run_scoped3A[%dma_start3A_520, %dma_start3A_521] : memref<5x5x!tpu.dma_semaphore, #tpu.memory_space<semaphore_mem>> -> memref<1x1x!tpu.dma_semaphore, #tpu.memory_space<semaphore_mem>>
          %dma_start3A_524 = tpu.memref_squeeze %dma_start3A_523 : memref<1x1x!tpu.dma_semaphore, #tpu.memory_space<semaphore_mem>> -> memref<!tpu.dma_semaphore, #tpu.memory_space<semaphore_mem>>
          %dma_start3A_525 = tpu.memref_slice %arg4[%add3A_507] : memref<640000xi32, #tpu.memory_space<hbm>> -> memref<80xi32, #tpu.memory_space<hbm>>
          tpu.enqueue_dma source(%dma_start3A_525 : memref<80xi32, #tpu.memory_space<hbm>>) target(%arg13 : memref<80xi32, #tpu.memory_space<vmem>>) target_semaphore(%dma_start3A_524 : memref<!tpu.dma_semaphore, #tpu.memory_space<semaphore_mem>>)
          %dma_start3A_526 = arith.constant 0 : i32
          %dma_start3A_527 = arith.constant 3 : i32
          %dma_start3A_528 = arith.constant 0 : i32
          %dma_start3A_529 = tpu.memref_slice %arg5[%add3A_507, %dma_start3A_528] : memref<640000x16xf32, #tpu.memory_space<hbm>> -> memref<80x16xf32, #tpu.memory_space<hbm>>
          %dma_start3A_530 = tpu.memref_slice %run_scoped3A[%dma_start3A_526, %dma_start3A_527] : memref<5x5x!tpu.dma_semaphore, #tpu.memory_space<semaphore_mem>> -> memref<1x1x!tpu.dma_semaphore, #tpu.memory_space<semaphore_mem>>
          %dma_start3A_531 = tpu.memref_squeeze %dma_start3A_530 : memref<1x1x!tpu.dma_semaphore, #tpu.memory_space<semaphore_mem>> -> memref<!tpu.dma_semaphore, #tpu.memory_space<semaphore_mem>>
          %dma_start3A_532 = arith.constant 0 : i32
          %dma_start3A_533 = tpu.memref_slice %arg5[%add3A_507, %dma_start3A_532] : memref<640000x16xf32, #tpu.memory_space<hbm>> -> memref<80x16xf32, #tpu.memory_space<hbm>>
          tpu.enqueue_dma source(%dma_start3A_533 : memref<80x16xf32, #tpu.memory_space<hbm>>) target(%arg14 : memref<80x16xf32, #tpu.memory_space<vmem>>) target_semaphore(%dma_start3A_531 : memref<!tpu.dma_semaphore, #tpu.memory_space<semaphore_mem>>)
        } else {
        }
        %mul3A_244 = arith.constant 80 : i32
        %mul3A_245 = arith.muli %add3A_200, %mul3A_244 : i32
        %add3A_246 = arith.addi %mul3A_2, %mul3A_245 : i32
        %dma_start3A_247 = arith.constant 0 : i32
        %dma_start3A_248 = arith.constant 4 : i32
        %dma_start3A_249 = arith.constant 0 : i32
        %dma_start3A_250 = tpu.memref_slice %arg8[%add3A_246, %dma_start3A_249] : memref<640000x56xf32, #tpu.memory_space<hbm>> -> memref<80x56xf32, #tpu.memory_space<hbm>>
        %dma_start3A_251 = tpu.memref_slice %run_scoped3A[%dma_start3A_247, %dma_start3A_248] : memref<5x5x!tpu.dma_semaphore, #tpu.memory_space<semaphore_mem>> -> memref<1x1x!tpu.dma_semaphore, #tpu.memory_space<semaphore_mem>>
        %dma_start3A_252 = tpu.memref_squeeze %dma_start3A_251 : memref<1x1x!tpu.dma_semaphore, #tpu.memory_space<semaphore_mem>> -> memref<!tpu.dma_semaphore, #tpu.memory_space<semaphore_mem>>
        %dma_start3A_253 = arith.constant 0 : i32
        %dma_start3A_254 = tpu.memref_slice %arg8[%add3A_246, %dma_start3A_253] : memref<640000x56xf32, #tpu.memory_space<hbm>> -> memref<80x56xf32, #tpu.memory_space<hbm>>
        tpu.enqueue_dma source(%arg15 : memref<80x56xf32, #tpu.memory_space<vmem>>) target(%dma_start3A_254 : memref<80x56xf32, #tpu.memory_space<hbm>>) target_semaphore(%dma_start3A_252 : memref<!tpu.dma_semaphore, #tpu.memory_space<semaphore_mem>>)
        %mul3A_255 = arith.constant 5 : i32
        %mul3A_256 = arith.muli %mul3A_255, %scan3A_196 : i32
        %add3A_257 = arith.constant 1 : i32
        %add3A_258 = arith.addi %mul3A_256, %add3A_257 : i32
        %mul3A_259 = arith.constant 80 : i32
        %mul3A_260 = arith.muli %add3A_258, %mul3A_259 : i32
        %add3A_261 = arith.addi %mul3A_2, %mul3A_260 : i32
        %dma_wait3A_262 = arith.constant 1 : i32
        %dma_wait3A_263 = arith.constant 0 : i32
        %dma_wait3A_264 = tpu.memref_slice %arg2[%add3A_261] : memref<640000xi32, #tpu.memory_space<hbm>> -> memref<80xi32, #tpu.memory_space<hbm>>
        %dma_wait3A_265 = tpu.memref_slice %run_scoped3A[%dma_wait3A_262, %dma_wait3A_263] : memref<5x5x!tpu.dma_semaphore, #tpu.memory_space<semaphore_mem>> -> memref<1x1x!tpu.dma_semaphore, #tpu.memory_space<semaphore_mem>>
        %dma_wait3A_266 = tpu.memref_squeeze %dma_wait3A_265 : memref<1x1x!tpu.dma_semaphore, #tpu.memory_space<semaphore_mem>> -> memref<!tpu.dma_semaphore, #tpu.memory_space<semaphore_mem>>
        %dma_wait3A_267 = tpu.memref_slice %arg2[%add3A_261] : memref<640000xi32, #tpu.memory_space<hbm>> -> memref<80xi32, #tpu.memory_space<hbm>>
        tpu.wait_dma2 semaphore(%dma_wait3A_266 : memref<!tpu.dma_semaphore, #tpu.memory_space<semaphore_mem>>) src(%dma_wait3A_267 : memref<80xi32, #tpu.memory_space<hbm>>) dst(%arg16 : memref<80xi32, #tpu.memory_space<vmem>>)
        %dma_wait3A_268 = arith.constant 1 : i32
        %dma_wait3A_269 = arith.constant 1 : i32
        %dma_wait3A_270 = tpu.memref_slice %arg3[%add3A_261] : memref<640000xi32, #tpu.memory_space<hbm>> -> memref<80xi32, #tpu.memory_space<hbm>>
        %dma_wait3A_271 = tpu.memref_slice %run_scoped3A[%dma_wait3A_268, %dma_wait3A_269] : memref<5x5x!tpu.dma_semaphore, #tpu.memory_space<semaphore_mem>> -> memref<1x1x!tpu.dma_semaphore, #tpu.memory_space<semaphore_mem>>
        %dma_wait3A_272 = tpu.memref_squeeze %dma_wait3A_271 : memref<1x1x!tpu.dma_semaphore, #tpu.memory_space<semaphore_mem>> -> memref<!tpu.dma_semaphore, #tpu.memory_space<semaphore_mem>>
        %dma_wait3A_273 = tpu.memref_slice %arg3[%add3A_261] : memref<640000xi32, #tpu.memory_space<hbm>> -> memref<80xi32, #tpu.memory_space<hbm>>
        tpu.wait_dma2 semaphore(%dma_wait3A_272 : memref<!tpu.dma_semaphore, #tpu.memory_space<semaphore_mem>>) src(%dma_wait3A_273 : memref<80xi32, #tpu.memory_space<hbm>>) dst(%arg17 : memref<80xi32, #tpu.memory_space<vmem>>)
        %dma_wait3A_274 = arith.constant 1 : i32
        %dma_wait3A_275 = arith.constant 2 : i32
        %dma_wait3A_276 = tpu.memref_slice %arg4[%add3A_261] : memref<640000xi32, #tpu.memory_space<hbm>> -> memref<80xi32, #tpu.memory_space<hbm>>
        %dma_wait3A_277 = tpu.memref_slice %run_scoped3A[%dma_wait3A_274, %dma_wait3A_275] : memref<5x5x!tpu.dma_semaphore, #tpu.memory_space<semaphore_mem>> -> memref<1x1x!tpu.dma_semaphore, #tpu.memory_space<semaphore_mem>>
        %dma_wait3A_278 = tpu.memref_squeeze %dma_wait3A_277 : memref<1x1x!tpu.dma_semaphore, #tpu.memory_space<semaphore_mem>> -> memref<!tpu.dma_semaphore, #tpu.memory_space<semaphore_mem>>
        %dma_wait3A_279 = tpu.memref_slice %arg4[%add3A_261] : memref<640000xi32, #tpu.memory_space<hbm>> -> memref<80xi32, #tpu.memory_space<hbm>>
        tpu.wait_dma2 semaphore(%dma_wait3A_278 : memref<!tpu.dma_semaphore, #tpu.memory_space<semaphore_mem>>) src(%dma_wait3A_279 : memref<80xi32, #tpu.memory_space<hbm>>) dst(%arg18 : memref<80xi32, #tpu.memory_space<vmem>>)
        %dma_wait3A_280 = arith.constant 1 : i32
        %dma_wait3A_281 = arith.constant 3 : i32
        %dma_wait3A_282 = arith.constant 0 : i32
        %dma_wait3A_283 = tpu.memref_slice %arg5[%add3A_261, %dma_wait3A_282] : memref<640000x16xf32, #tpu.memory_space<hbm>> -> memref<80x16xf32, #tpu.memory_space<hbm>>
        %dma_wait3A_284 = tpu.memref_slice %run_scoped3A[%dma_wait3A_280, %dma_wait3A_281] : memref<5x5x!tpu.dma_semaphore, #tpu.memory_space<semaphore_mem>> -> memref<1x1x!tpu.dma_semaphore, #tpu.memory_space<semaphore_mem>>
        %dma_wait3A_285 = tpu.memref_squeeze %dma_wait3A_284 : memref<1x1x!tpu.dma_semaphore, #tpu.memory_space<semaphore_mem>> -> memref<!tpu.dma_semaphore, #tpu.memory_space<semaphore_mem>>
        %dma_wait3A_286 = arith.constant 0 : i32
        %dma_wait3A_287 = tpu.memref_slice %arg5[%add3A_261, %dma_wait3A_286] : memref<640000x16xf32, #tpu.memory_space<hbm>> -> memref<80x16xf32, #tpu.memory_space<hbm>>
        tpu.wait_dma2 semaphore(%dma_wait3A_285 : memref<!tpu.dma_semaphore, #tpu.memory_space<semaphore_mem>>) src(%dma_wait3A_287 : memref<80x16xf32, #tpu.memory_space<hbm>>) dst(%arg19 : memref<80x16xf32, #tpu.memory_space<vmem>>)
        %gt3A_288 = arith.constant 0 : i32
        %gt3A_289 = arith.cmpi sgt, %scan3A_196, %gt3A_288 : i32
        %convert_element_type3A_290 = arith.extui %gt3A_289 : i1 to i32
        %cond3A_291 = arith.constant 0 : i32
        %cond3A_292 = arith.cmpi ne, %convert_element_type3A_290, %cond3A_291 : i32
        scf.if %cond3A_292 {
          %sub3A = arith.constant 5 : i32
          %sub3A_503 = arith.subi %add3A_258, %sub3A : i32
          %mul3A_504 = arith.constant 80 : i32
          %mul3A_505 = arith.muli %sub3A_503, %mul3A_504 : i32
          %add3A_506 = arith.addi %mul3A_2, %mul3A_505 : i32
          %dma_wait3A_507 = arith.constant 1 : i32
          %dma_wait3A_508 = arith.constant 4 : i32
          %dma_wait3A_509 = arith.constant 0 : i32
          %dma_wait3A_510 = tpu.memref_slice %arg8[%add3A_506, %dma_wait3A_509] : memref<640000x56xf32, #tpu.memory_space<hbm>> -> memref<80x56xf32, #tpu.memory_space<hbm>>
          %dma_wait3A_511 = tpu.memref_slice %run_scoped3A[%dma_wait3A_507, %dma_wait3A_508] : memref<5x5x!tpu.dma_semaphore, #tpu.memory_space<semaphore_mem>> -> memref<1x1x!tpu.dma_semaphore, #tpu.memory_space<semaphore_mem>>
          %dma_wait3A_512 = tpu.memref_squeeze %dma_wait3A_511 : memref<1x1x!tpu.dma_semaphore, #tpu.memory_space<semaphore_mem>> -> memref<!tpu.dma_semaphore, #tpu.memory_space<semaphore_mem>>
          %dma_wait3A_513 = arith.constant 0 : i32
          %dma_wait3A_514 = tpu.memref_slice %arg8[%add3A_506, %dma_wait3A_513] : memref<640000x56xf32, #tpu.memory_space<hbm>> -> memref<80x56xf32, #tpu.memory_space<hbm>>
          tpu.wait_dma2 semaphore(%dma_wait3A_512 : memref<!tpu.dma_semaphore, #tpu.memory_space<semaphore_mem>>) src(%arg20 : memref<80x56xf32, #tpu.memory_space<vmem>>) dst(%dma_wait3A_514 : memref<80x56xf32, #tpu.memory_space<hbm>>)
        } else {
        }
        %scan3A_293 = arith.constant 0 : i32
        %scan3A_294 = arith.constant 0 : i32
        %scan3A_295 = arith.constant 5 : i32
        %scan3A_296 = arith.addi %scan3A_294, %scan3A_295 : i32
        %scan3A_297 = arith.constant 1 : i32
        scf.for %scan3A_503 = %scan3A_294 to %scan3A_296 step %scan3A_297  : i32 {
          %mul3A_504 = arith.constant 16 : i32
          %mul3A_505 = arith.muli %scan3A_503, %mul3A_504 : i32
          %get3A = arith.index_cast %mul3A_505 : i32 to index
          %get3A_506 = tpu.vector_load %arg16[%get3A] {strides = array<i32>} : memref<80xi32, #tpu.memory_space<vmem>>, vector<16xi32>,
          %mul3A_507 = arith.constant 16 : i32
          %mul3A_508 = vector.broadcast %mul3A_507 : i32 to vector<16xi32>
          %mul3A_509 = arith.muli %get3A_506, %mul3A_508 : vector<16xi32>
          %get3A_510 = arith.index_cast %mul3A_505 : i32 to index
          %get3A_511 = tpu.vector_load %arg17[%get3A_510] {strides = array<i32>} : memref<80xi32, #tpu.memory_space<vmem>>, vector<16xi32>,
          %mul3A_512 = arith.constant 16 : i32
          %mul3A_513 = vector.broadcast %mul3A_512 : i32 to vector<16xi32>
          %mul3A_514 = arith.muli %get3A_511, %mul3A_513 : vector<16xi32>
          %get3A_515 = arith.index_cast %mul3A_505 : i32 to index
          %get3A_516 = tpu.vector_load %arg18[%get3A_515] {strides = array<i32>} : memref<80xi32, #tpu.memory_space<vmem>>, vector<16xi32>,
          %mul3A_517 = arith.constant 16 : i32
          %mul3A_518 = vector.broadcast %mul3A_517 : i32 to vector<16xi32>
          %mul3A_519 = arith.muli %get3A_516, %mul3A_518 : vector<16xi32>
          %add3A_520 = arith.constant 0 : i32
          %add3A_521 = arith.addi %mul3A_505, %add3A_520 : i32
          %add3A_522 = arith.constant 0 : i32
          %add3A_523 = arith.addi %add3A_521, %add3A_522 : i32
          %slice3A = vector.extract_strided_slice %mul3A_509 {offsets = [0], sizes = [1], strides = [1]} : vector<16xi32> to vector<1xi32>
          %squeeze3A = vector.extract %slice3A[0] : i32 from vector<1xi32>
          %get3A_524 = arith.index_cast %squeeze3A : i32 to index
          %get3A_525 = tpu.vector_load %arg9[%get3A_524] {strides = array<i32>} : memref<3200xf32, #tpu.memory_space<vmem>>, vector<16xf32>,
          %slice3A_526 = vector.extract_strided_slice %mul3A_514 {offsets = [0], sizes = [1], strides = [1]} : vector<16xi32> to vector<1xi32>
          %squeeze3A_527 = vector.extract %slice3A_526[0] : i32 from vector<1xi32>
          %get3A_528 = arith.index_cast %squeeze3A_527 : i32 to index
          %get3A_529 = tpu.vector_load %arg9[%get3A_528] {strides = array<i32>} : memref<3200xf32, #tpu.memory_space<vmem>>, vector<16xf32>,
          %slice3A_530 = vector.extract_strided_slice %mul3A_519 {offsets = [0], sizes = [1], strides = [1]} : vector<16xi32> to vector<1xi32>
          %squeeze3A_531 = vector.extract %slice3A_530[0] : i32 from vector<1xi32>
          %get3A_532 = arith.index_cast %squeeze3A_531 : i32 to index
          %get3A_533 = tpu.vector_load %arg10[%get3A_532] {strides = array<i32>} : memref<512xf32, #tpu.memory_space<vmem>>, vector<16xf32>,
          %get3A_534 = arith.index_cast %add3A_523 : i32 to index
          %get3A_535 = arith.constant 0 : index
          %get3A_536 = tpu.vector_load %arg19[%get3A_534, %get3A_535] {strides = array<i32>} : memref<80x16xf32, #tpu.memory_space<vmem>>, vector<16xf32>,
          %add3A_537 = arith.constant 0 : i32
          %add3A_538 = arith.addi %mul3A_505, %add3A_537 : i32
          %add3A_539 = arith.constant 1 : i32
          %add3A_540 = arith.addi %add3A_538, %add3A_539 : i32
          %slice3A_541 = vector.extract_strided_slice %mul3A_509 {offsets = [1], sizes = [1], strides = [1]} : vector<16xi32> to vector<1xi32>
          %squeeze3A_542 = vector.extract %slice3A_541[0] : i32 from vector<1xi32>
          %get3A_543 = arith.index_cast %squeeze3A_542 : i32 to index
          %get3A_544 = tpu.vector_load %arg9[%get3A_543] {strides = array<i32>} : memref<3200xf32, #tpu.memory_space<vmem>>, vector<16xf32>,
          %slice3A_545 = vector.extract_strided_slice %mul3A_514 {offsets = [1], sizes = [1], strides = [1]} : vector<16xi32> to vector<1xi32>
          %squeeze3A_546 = vector.extract %slice3A_545[0] : i32 from vector<1xi32>
          %get3A_547 = arith.index_cast %squeeze3A_546 : i32 to index
          %get3A_548 = tpu.vector_load %arg9[%get3A_547] {strides = array<i32>} : memref<3200xf32, #tpu.memory_space<vmem>>, vector<16xf32>,
          %slice3A_549 = vector.extract_strided_slice %mul3A_519 {offsets = [1], sizes = [1], strides = [1]} : vector<16xi32> to vector<1xi32>
          %squeeze3A_550 = vector.extract %slice3A_549[0] : i32 from vector<1xi32>
          %get3A_551 = arith.index_cast %squeeze3A_550 : i32 to index
          %get3A_552 = tpu.vector_load %arg10[%get3A_551] {strides = array<i32>} : memref<512xf32, #tpu.memory_space<vmem>>, vector<16xf32>,
          %get3A_553 = arith.index_cast %add3A_540 : i32 to index
          %get3A_554 = arith.constant 0 : index
          %get3A_555 = tpu.vector_load %arg19[%get3A_553, %get3A_554] {strides = array<i32>} : memref<80x16xf32, #tpu.memory_space<vmem>>, vector<16xf32>,
          %add3A_556 = arith.constant 0 : i32
          %add3A_557 = arith.addi %mul3A_505, %add3A_556 : i32
          %add3A_558 = arith.constant 2 : i32
          %add3A_559 = arith.addi %add3A_557, %add3A_558 : i32
          %slice3A_560 = vector.extract_strided_slice %mul3A_509 {offsets = [2], sizes = [1], strides = [1]} : vector<16xi32> to vector<1xi32>
          %squeeze3A_561 = vector.extract %slice3A_560[0] : i32 from vector<1xi32>
          %get3A_562 = arith.index_cast %squeeze3A_561 : i32 to index
          %get3A_563 = tpu.vector_load %arg9[%get3A_562] {strides = array<i32>} : memref<3200xf32, #tpu.memory_space<vmem>>, vector<16xf32>,
          %slice3A_564 = vector.extract_strided_slice %mul3A_514 {offsets = [2], sizes = [1], strides = [1]} : vector<16xi32> to vector<1xi32>
          %squeeze3A_565 = vector.extract %slice3A_564[0] : i32 from vector<1xi32>
          %get3A_566 = arith.index_cast %squeeze3A_565 : i32 to index
          %get3A_567 = tpu.vector_load %arg9[%get3A_566] {strides = array<i32>} : memref<3200xf32, #tpu.memory_space<vmem>>, vector<16xf32>,
          %slice3A_568 = vector.extract_strided_slice %mul3A_519 {offsets = [2], sizes = [1], strides = [1]} : vector<16xi32> to vector<1xi32>
          %squeeze3A_569 = vector.extract %slice3A_568[0] : i32 from vector<1xi32>
          %get3A_570 = arith.index_cast %squeeze3A_569 : i32 to index
          %get3A_571 = tpu.vector_load %arg10[%get3A_570] {strides = array<i32>} : memref<512xf32, #tpu.memory_space<vmem>>, vector<16xf32>,
          %get3A_572 = arith.index_cast %add3A_559 : i32 to index
          %get3A_573 = arith.constant 0 : index
          %get3A_574 = tpu.vector_load %arg19[%get3A_572, %get3A_573] {strides = array<i32>} : memref<80x16xf32, #tpu.memory_space<vmem>>, vector<16xf32>,
          %add3A_575 = arith.constant 0 : i32
          %add3A_576 = arith.addi %mul3A_505, %add3A_575 : i32
          %add3A_577 = arith.constant 3 : i32
          %add3A_578 = arith.addi %add3A_576, %add3A_577 : i32
          %slice3A_579 = vector.extract_strided_slice %mul3A_509 {offsets = [3], sizes = [1], strides = [1]} : vector<16xi32> to vector<1xi32>
          %squeeze3A_580 = vector.extract %slice3A_579[0] : i32 from vector<1xi32>
          %get3A_581 = arith.index_cast %squeeze3A_580 : i32 to index
          %get3A_582 = tpu.vector_load %arg9[%get3A_581] {strides = array<i32>} : memref<3200xf32, #tpu.memory_space<vmem>>, vector<16xf32>,
          %slice3A_583 = vector.extract_strided_slice %mul3A_514 {offsets = [3], sizes = [1], strides = [1]} : vector<16xi32> to vector<1xi32>
          %squeeze3A_584 = vector.extract %slice3A_583[0] : i32 from vector<1xi32>
          %get3A_585 = arith.index_cast %squeeze3A_584 : i32 to index
          %get3A_586 = tpu.vector_load %arg9[%get3A_585] {strides = array<i32>} : memref<3200xf32, #tpu.memory_space<vmem>>, vector<16xf32>,
          %slice3A_587 = vector.extract_strided_slice %mul3A_519 {offsets = [3], sizes = [1], strides = [1]} : vector<16xi32> to vector<1xi32>
          %squeeze3A_588 = vector.extract %slice3A_587[0] : i32 from vector<1xi32>
          %get3A_589 = arith.index_cast %squeeze3A_588 : i32 to index
          %get3A_590 = tpu.vector_load %arg10[%get3A_589] {strides = array<i32>} : memref<512xf32, #tpu.memory_space<vmem>>, vector<16xf32>,
          %get3A_591 = arith.index_cast %add3A_578 : i32 to index
          %get3A_592 = arith.constant 0 : index
          %get3A_593 = tpu.vector_load %arg19[%get3A_591, %get3A_592] {strides = array<i32>} : memref<80x16xf32, #tpu.memory_space<vmem>>, vector<16xf32>,
          %add3A_594 = arith.constant 0 : i32
          %add3A_595 = arith.addi %mul3A_505, %add3A_594 : i32
          %add3A_596 = arith.constant 4 : i32
          %add3A_597 = arith.addi %add3A_595, %add3A_596 : i32
          %slice3A_598 = vector.extract_strided_slice %mul3A_509 {offsets = [4], sizes = [1], strides = [1]} : vector<16xi32> to vector<1xi32>
          %squeeze3A_599 = vector.extract %slice3A_598[0] : i32 from vector<1xi32>
          %get3A_600 = arith.index_cast %squeeze3A_599 : i32 to index
          %get3A_601 = tpu.vector_load %arg9[%get3A_600] {strides = array<i32>} : memref<3200xf32, #tpu.memory_space<vmem>>, vector<16xf32>,
          %slice3A_602 = vector.extract_strided_slice %mul3A_514 {offsets = [4], sizes = [1], strides = [1]} : vector<16xi32> to vector<1xi32>
          %squeeze3A_603 = vector.extract %slice3A_602[0] : i32 from vector<1xi32>
          %get3A_604 = arith.index_cast %squeeze3A_603 : i32 to index
          %get3A_605 = tpu.vector_load %arg9[%get3A_604] {strides = array<i32>} : memref<3200xf32, #tpu.memory_space<vmem>>, vector<16xf32>,
          %slice3A_606 = vector.extract_strided_slice %mul3A_519 {offsets = [4], sizes = [1], strides = [1]} : vector<16xi32> to vector<1xi32>
          %squeeze3A_607 = vector.extract %slice3A_606[0] : i32 from vector<1xi32>
          %get3A_608 = arith.index_cast %squeeze3A_607 : i32 to index
          %get3A_609 = tpu.vector_load %arg10[%get3A_608] {strides = array<i32>} : memref<512xf32, #tpu.memory_space<vmem>>, vector<16xf32>,
          %get3A_610 = arith.index_cast %add3A_597 : i32 to index
          %get3A_611 = arith.constant 0 : index
          %get3A_612 = tpu.vector_load %arg19[%get3A_610, %get3A_611] {strides = array<i32>} : memref<80x16xf32, #tpu.memory_space<vmem>>, vector<16xf32>,
          %add3A_613 = arith.constant 0 : i32
          %add3A_614 = arith.addi %mul3A_505, %add3A_613 : i32
          %add3A_615 = arith.constant 5 : i32
          %add3A_616 = arith.addi %add3A_614, %add3A_615 : i32
          %slice3A_617 = vector.extract_strided_slice %mul3A_509 {offsets = [5], sizes = [1], strides = [1]} : vector<16xi32> to vector<1xi32>
          %squeeze3A_618 = vector.extract %slice3A_617[0] : i32 from vector<1xi32>
          %get3A_619 = arith.index_cast %squeeze3A_618 : i32 to index
          %get3A_620 = tpu.vector_load %arg9[%get3A_619] {strides = array<i32>} : memref<3200xf32, #tpu.memory_space<vmem>>, vector<16xf32>,
          %slice3A_621 = vector.extract_strided_slice %mul3A_514 {offsets = [5], sizes = [1], strides = [1]} : vector<16xi32> to vector<1xi32>
          %squeeze3A_622 = vector.extract %slice3A_621[0] : i32 from vector<1xi32>
          %get3A_623 = arith.index_cast %squeeze3A_622 : i32 to index
          %get3A_624 = tpu.vector_load %arg9[%get3A_623] {strides = array<i32>} : memref<3200xf32, #tpu.memory_space<vmem>>, vector<16xf32>,
          %slice3A_625 = vector.extract_strided_slice %mul3A_519 {offsets = [5], sizes = [1], strides = [1]} : vector<16xi32> to vector<1xi32>
          %squeeze3A_626 = vector.extract %slice3A_625[0] : i32 from vector<1xi32>
          %get3A_627 = arith.index_cast %squeeze3A_626 : i32 to index
          %get3A_628 = tpu.vector_load %arg10[%get3A_627] {strides = array<i32>} : memref<512xf32, #tpu.memory_space<vmem>>, vector<16xf32>,
          %get3A_629 = arith.index_cast %add3A_616 : i32 to index
          %get3A_630 = arith.constant 0 : index
          %get3A_631 = tpu.vector_load %arg19[%get3A_629, %get3A_630] {strides = array<i32>} : memref<80x16xf32, #tpu.memory_space<vmem>>, vector<16xf32>,
          %add3A_632 = arith.constant 0 : i32
          %add3A_633 = arith.addi %mul3A_505, %add3A_632 : i32
          %add3A_634 = arith.constant 6 : i32
          %add3A_635 = arith.addi %add3A_633, %add3A_634 : i32
          %slice3A_636 = vector.extract_strided_slice %mul3A_509 {offsets = [6], sizes = [1], strides = [1]} : vector<16xi32> to vector<1xi32>
          %squeeze3A_637 = vector.extract %slice3A_636[0] : i32 from vector<1xi32>
          %get3A_638 = arith.index_cast %squeeze3A_637 : i32 to index
          %get3A_639 = tpu.vector_load %arg9[%get3A_638] {strides = array<i32>} : memref<3200xf32, #tpu.memory_space<vmem>>, vector<16xf32>,
          %slice3A_640 = vector.extract_strided_slice %mul3A_514 {offsets = [6], sizes = [1], strides = [1]} : vector<16xi32> to vector<1xi32>
          %squeeze3A_641 = vector.extract %slice3A_640[0] : i32 from vector<1xi32>
          %get3A_642 = arith.index_cast %squeeze3A_641 : i32 to index
          %get3A_643 = tpu.vector_load %arg9[%get3A_642] {strides = array<i32>} : memref<3200xf32, #tpu.memory_space<vmem>>, vector<16xf32>,
          %slice3A_644 = vector.extract_strided_slice %mul3A_519 {offsets = [6], sizes = [1], strides = [1]} : vector<16xi32> to vector<1xi32>
          %squeeze3A_645 = vector.extract %slice3A_644[0] : i32 from vector<1xi32>
          %get3A_646 = arith.index_cast %squeeze3A_645 : i32 to index
          %get3A_647 = tpu.vector_load %arg10[%get3A_646] {strides = array<i32>} : memref<512xf32, #tpu.memory_space<vmem>>, vector<16xf32>,
          %get3A_648 = arith.index_cast %add3A_635 : i32 to index
          %get3A_649 = arith.constant 0 : index
          %get3A_650 = tpu.vector_load %arg19[%get3A_648, %get3A_649] {strides = array<i32>} : memref<80x16xf32, #tpu.memory_space<vmem>>, vector<16xf32>,
          %add3A_651 = arith.constant 0 : i32
          %add3A_652 = arith.addi %mul3A_505, %add3A_651 : i32
          %add3A_653 = arith.constant 7 : i32
          %add3A_654 = arith.addi %add3A_652, %add3A_653 : i32
          %slice3A_655 = vector.extract_strided_slice %mul3A_509 {offsets = [7], sizes = [1], strides = [1]} : vector<16xi32> to vector<1xi32>
          %squeeze3A_656 = vector.extract %slice3A_655[0] : i32 from vector<1xi32>
          %get3A_657 = arith.index_cast %squeeze3A_656 : i32 to index
          %get3A_658 = tpu.vector_load %arg9[%get3A_657] {strides = array<i32>} : memref<3200xf32, #tpu.memory_space<vmem>>, vector<16xf32>,
          %slice3A_659 = vector.extract_strided_slice %mul3A_514 {offsets = [7], sizes = [1], strides = [1]} : vector<16xi32> to vector<1xi32>
          %squeeze3A_660 = vector.extract %slice3A_659[0] : i32 from vector<1xi32>
          %get3A_661 = arith.index_cast %squeeze3A_660 : i32 to index
          %get3A_662 = tpu.vector_load %arg9[%get3A_661] {strides = array<i32>} : memref<3200xf32, #tpu.memory_space<vmem>>, vector<16xf32>,
          %slice3A_663 = vector.extract_strided_slice %mul3A_519 {offsets = [7], sizes = [1], strides = [1]} : vector<16xi32> to vector<1xi32>
          %squeeze3A_664 = vector.extract %slice3A_663[0] : i32 from vector<1xi32>
          %get3A_665 = arith.index_cast %squeeze3A_664 : i32 to index
          %get3A_666 = tpu.vector_load %arg10[%get3A_665] {strides = array<i32>} : memref<512xf32, #tpu.memory_space<vmem>>, vector<16xf32>,
          %get3A_667 = arith.index_cast %add3A_654 : i32 to index
          %get3A_668 = arith.constant 0 : index
          %get3A_669 = tpu.vector_load %arg19[%get3A_667, %get3A_668] {strides = array<i32>} : memref<80x16xf32, #tpu.memory_space<vmem>>, vector<16xf32>,
          %add3A_670 = arith.constant 0 : i32
          %add3A_671 = arith.addi %mul3A_505, %add3A_670 : i32
          %add3A_672 = arith.constant 0 : i32
          %add3A_673 = arith.addi %add3A_671, %add3A_672 : i32
          %swap3A = arith.index_cast %add3A_673 : i32 to index
          %swap3A_674 = arith.constant 0 : index
          %swap3A_675 = tpu.vector_load %arg20[%swap3A, %swap3A_674] {strides = array<i32>} : memref<80x56xf32, #tpu.memory_space<vmem>>, vector<16xf32>,
          tpu.vector_store %arg20[%swap3A, %swap3A_674], %get3A_525 {strides = array<i32>} : memref<80x56xf32, #tpu.memory_space<vmem>>, vector<16xf32>,
          %swap3A_676 = arith.index_cast %add3A_673 : i32 to index
          %swap3A_677 = arith.constant 16 : index
          %swap3A_678 = tpu.vector_load %arg20[%swap3A_676, %swap3A_677] {strides = array<i32>} : memref<80x56xf32, #tpu.memory_space<vmem>>, vector<16xf32>,
          tpu.vector_store %arg20[%swap3A_676, %swap3A_677], %get3A_529 {strides = array<i32>} : memref<80x56xf32, #tpu.memory_space<vmem>>, vector<16xf32>,
          %swap3A_679 = arith.index_cast %add3A_673 : i32 to index
          %swap3A_680 = arith.constant 32 : index
          %swap3A_681 = tpu.vector_load %arg20[%swap3A_679, %swap3A_680] {strides = array<i32>} : memref<80x56xf32, #tpu.memory_space<vmem>>, vector<16xf32>,
          tpu.vector_store %arg20[%swap3A_679, %swap3A_680], %get3A_533 {strides = array<i32>} : memref<80x56xf32, #tpu.memory_space<vmem>>, vector<16xf32>,
          %swap3A_682 = arith.index_cast %add3A_673 : i32 to index
          %swap3A_683 = arith.constant 40 : index
          %swap3A_684 = tpu.vector_load %arg20[%swap3A_682, %swap3A_683] {strides = array<i32>} : memref<80x56xf32, #tpu.memory_space<vmem>>, vector<16xf32>,
          tpu.vector_store %arg20[%swap3A_682, %swap3A_683], %get3A_536 {strides = array<i32>} : memref<80x56xf32, #tpu.memory_space<vmem>>, vector<16xf32>,
          %add3A_685 = arith.constant 0 : i32
          %add3A_686 = arith.addi %mul3A_505, %add3A_685 : i32
          %add3A_687 = arith.constant 1 : i32
          %add3A_688 = arith.addi %add3A_686, %add3A_687 : i32
          %swap3A_689 = arith.index_cast %add3A_688 : i32 to index
          %swap3A_690 = arith.constant 0 : index
          %swap3A_691 = tpu.vector_load %arg20[%swap3A_689, %swap3A_690] {strides = array<i32>} : memref<80x56xf32, #tpu.memory_space<vmem>>, vector<16xf32>,
          tpu.vector_store %arg20[%swap3A_689, %swap3A_690], %get3A_544 {strides = array<i32>} : memref<80x56xf32, #tpu.memory_space<vmem>>, vector<16xf32>,
          %swap3A_692 = arith.index_cast %add3A_688 : i32 to index
          %swap3A_693 = arith.constant 16 : index
          %swap3A_694 = tpu.vector_load %arg20[%swap3A_692, %swap3A_693] {strides = array<i32>} : memref<80x56xf32, #tpu.memory_space<vmem>>, vector<16xf32>,
          tpu.vector_store %arg20[%swap3A_692, %swap3A_693], %get3A_548 {strides = array<i32>} : memref<80x56xf32, #tpu.memory_space<vmem>>, vector<16xf32>,
          %swap3A_695 = arith.index_cast %add3A_688 : i32 to index
          %swap3A_696 = arith.constant 32 : index
          %swap3A_697 = tpu.vector_load %arg20[%swap3A_695, %swap3A_696] {strides = array<i32>} : memref<80x56xf32, #tpu.memory_space<vmem>>, vector<16xf32>,
          tpu.vector_store %arg20[%swap3A_695, %swap3A_696], %get3A_552 {strides = array<i32>} : memref<80x56xf32, #tpu.memory_space<vmem>>, vector<16xf32>,
          %swap3A_698 = arith.index_cast %add3A_688 : i32 to index
          %swap3A_699 = arith.constant 40 : index
          %swap3A_700 = tpu.vector_load %arg20[%swap3A_698, %swap3A_699] {strides = array<i32>} : memref<80x56xf32, #tpu.memory_space<vmem>>, vector<16xf32>,
          tpu.vector_store %arg20[%swap3A_698, %swap3A_699], %get3A_555 {strides = array<i32>} : memref<80x56xf32, #tpu.memory_space<vmem>>, vector<16xf32>,
          %add3A_701 = arith.constant 0 : i32
          %add3A_702 = arith.addi %mul3A_505, %add3A_701 : i32
          %add3A_703 = arith.constant 2 : i32
          %add3A_704 = arith.addi %add3A_702, %add3A_703 : i32
          %swap3A_705 = arith.index_cast %add3A_704 : i32 to index
          %swap3A_706 = arith.constant 0 : index
          %swap3A_707 = tpu.vector_load %arg20[%swap3A_705, %swap3A_706] {strides = array<i32>} : memref<80x56xf32, #tpu.memory_space<vmem>>, vector<16xf32>,
          tpu.vector_store %arg20[%swap3A_705, %swap3A_706], %get3A_563 {strides = array<i32>} : memref<80x56xf32, #tpu.memory_space<vmem>>, vector<16xf32>,
          %swap3A_708 = arith.index_cast %add3A_704 : i32 to index
          %swap3A_709 = arith.constant 16 : index
          %swap3A_710 = tpu.vector_load %arg20[%swap3A_708, %swap3A_709] {strides = array<i32>} : memref<80x56xf32, #tpu.memory_space<vmem>>, vector<16xf32>,
          tpu.vector_store %arg20[%swap3A_708, %swap3A_709], %get3A_567 {strides = array<i32>} : memref<80x56xf32, #tpu.memory_space<vmem>>, vector<16xf32>,
          %swap3A_711 = arith.index_cast %add3A_704 : i32 to index
          %swap3A_712 = arith.constant 32 : index
          %swap3A_713 = tpu.vector_load %arg20[%swap3A_711, %swap3A_712] {strides = array<i32>} : memref<80x56xf32, #tpu.memory_space<vmem>>, vector<16xf32>,
          tpu.vector_store %arg20[%swap3A_711, %swap3A_712], %get3A_571 {strides = array<i32>} : memref<80x56xf32, #tpu.memory_space<vmem>>, vector<16xf32>,
          %swap3A_714 = arith.index_cast %add3A_704 : i32 to index
          %swap3A_715 = arith.constant 40 : index
          %swap3A_716 = tpu.vector_load %arg20[%swap3A_714, %swap3A_715] {strides = array<i32>} : memref<80x56xf32, #tpu.memory_space<vmem>>, vector<16xf32>,
          tpu.vector_store %arg20[%swap3A_714, %swap3A_715], %get3A_574 {strides = array<i32>} : memref<80x56xf32, #tpu.memory_space<vmem>>, vector<16xf32>,
          %add3A_717 = arith.constant 0 : i32
          %add3A_718 = arith.addi %mul3A_505, %add3A_717 : i32
          %add3A_719 = arith.constant 3 : i32
          %add3A_720 = arith.addi %add3A_718, %add3A_719 : i32
          %swap3A_721 = arith.index_cast %add3A_720 : i32 to index
          %swap3A_722 = arith.constant 0 : index
          %swap3A_723 = tpu.vector_load %arg20[%swap3A_721, %swap3A_722] {strides = array<i32>} : memref<80x56xf32, #tpu.memory_space<vmem>>, vector<16xf32>,
          tpu.vector_store %arg20[%swap3A_721, %swap3A_722], %get3A_582 {strides = array<i32>} : memref<80x56xf32, #tpu.memory_space<vmem>>, vector<16xf32>,
          %swap3A_724 = arith.index_cast %add3A_720 : i32 to index
          %swap3A_725 = arith.constant 16 : index
          %swap3A_726 = tpu.vector_load %arg20[%swap3A_724, %swap3A_725] {strides = array<i32>} : memref<80x56xf32, #tpu.memory_space<vmem>>, vector<16xf32>,
          tpu.vector_store %arg20[%swap3A_724, %swap3A_725], %get3A_586 {strides = array<i32>} : memref<80x56xf32, #tpu.memory_space<vmem>>, vector<16xf32>,
          %swap3A_727 = arith.index_cast %add3A_720 : i32 to index
          %swap3A_728 = arith.constant 32 : index
          %swap3A_729 = tpu.vector_load %arg20[%swap3A_727, %swap3A_728] {strides = array<i32>} : memref<80x56xf32, #tpu.memory_space<vmem>>, vector<16xf32>,
          tpu.vector_store %arg20[%swap3A_727, %swap3A_728], %get3A_590 {strides = array<i32>} : memref<80x56xf32, #tpu.memory_space<vmem>>, vector<16xf32>,
          %swap3A_730 = arith.index_cast %add3A_720 : i32 to index
          %swap3A_731 = arith.constant 40 : index
          %swap3A_732 = tpu.vector_load %arg20[%swap3A_730, %swap3A_731] {strides = array<i32>} : memref<80x56xf32, #tpu.memory_space<vmem>>, vector<16xf32>,
          tpu.vector_store %arg20[%swap3A_730, %swap3A_731], %get3A_593 {strides = array<i32>} : memref<80x56xf32, #tpu.memory_space<vmem>>, vector<16xf32>,
          %add3A_733 = arith.constant 0 : i32
          %add3A_734 = arith.addi %mul3A_505, %add3A_733 : i32
          %add3A_735 = arith.constant 4 : i32
          %add3A_736 = arith.addi %add3A_734, %add3A_735 : i32
          %swap3A_737 = arith.index_cast %add3A_736 : i32 to index
          %swap3A_738 = arith.constant 0 : index
          %swap3A_739 = tpu.vector_load %arg20[%swap3A_737, %swap3A_738] {strides = array<i32>} : memref<80x56xf32, #tpu.memory_space<vmem>>, vector<16xf32>,
          tpu.vector_store %arg20[%swap3A_737, %swap3A_738], %get3A_601 {strides = array<i32>} : memref<80x56xf32, #tpu.memory_space<vmem>>, vector<16xf32>,
          %swap3A_740 = arith.index_cast %add3A_736 : i32 to index
          %swap3A_741 = arith.constant 16 : index
          %swap3A_742 = tpu.vector_load %arg20[%swap3A_740, %swap3A_741] {strides = array<i32>} : memref<80x56xf32, #tpu.memory_space<vmem>>, vector<16xf32>,
          tpu.vector_store %arg20[%swap3A_740, %swap3A_741], %get3A_605 {strides = array<i32>} : memref<80x56xf32, #tpu.memory_space<vmem>>, vector<16xf32>,
          %swap3A_743 = arith.index_cast %add3A_736 : i32 to index
          %swap3A_744 = arith.constant 32 : index
          %swap3A_745 = tpu.vector_load %arg20[%swap3A_743, %swap3A_744] {strides = array<i32>} : memref<80x56xf32, #tpu.memory_space<vmem>>, vector<16xf32>,
          tpu.vector_store %arg20[%swap3A_743, %swap3A_744], %get3A_609 {strides = array<i32>} : memref<80x56xf32, #tpu.memory_space<vmem>>, vector<16xf32>,
          %swap3A_746 = arith.index_cast %add3A_736 : i32 to index
          %swap3A_747 = arith.constant 40 : index
          %swap3A_748 = tpu.vector_load %arg20[%swap3A_746, %swap3A_747] {strides = array<i32>} : memref<80x56xf32, #tpu.memory_space<vmem>>, vector<16xf32>,
          tpu.vector_store %arg20[%swap3A_746, %swap3A_747], %get3A_612 {strides = array<i32>} : memref<80x56xf32, #tpu.memory_space<vmem>>, vector<16xf32>,
          %add3A_749 = arith.constant 0 : i32
          %add3A_750 = arith.addi %mul3A_505, %add3A_749 : i32
          %add3A_751 = arith.constant 5 : i32
          %add3A_752 = arith.addi %add3A_750, %add3A_751 : i32
          %swap3A_753 = arith.index_cast %add3A_752 : i32 to index
          %swap3A_754 = arith.constant 0 : index
          %swap3A_755 = tpu.vector_load %arg20[%swap3A_753, %swap3A_754] {strides = array<i32>} : memref<80x56xf32, #tpu.memory_space<vmem>>, vector<16xf32>,
          tpu.vector_store %arg20[%swap3A_753, %swap3A_754], %get3A_620 {strides = array<i32>} : memref<80x56xf32, #tpu.memory_space<vmem>>, vector<16xf32>,
          %swap3A_756 = arith.index_cast %add3A_752 : i32 to index
          %swap3A_757 = arith.constant 16 : index
          %swap3A_758 = tpu.vector_load %arg20[%swap3A_756, %swap3A_757] {strides = array<i32>} : memref<80x56xf32, #tpu.memory_space<vmem>>, vector<16xf32>,
          tpu.vector_store %arg20[%swap3A_756, %swap3A_757], %get3A_624 {strides = array<i32>} : memref<80x56xf32, #tpu.memory_space<vmem>>, vector<16xf32>,
          %swap3A_759 = arith.index_cast %add3A_752 : i32 to index
          %swap3A_760 = arith.constant 32 : index
          %swap3A_761 = tpu.vector_load %arg20[%swap3A_759, %swap3A_760] {strides = array<i32>} : memref<80x56xf32, #tpu.memory_space<vmem>>, vector<16xf32>,
          tpu.vector_store %arg20[%swap3A_759, %swap3A_760], %get3A_628 {strides = array<i32>} : memref<80x56xf32, #tpu.memory_space<vmem>>, vector<16xf32>,
          %swap3A_762 = arith.index_cast %add3A_752 : i32 to index
          %swap3A_763 = arith.constant 40 : index
          %swap3A_764 = tpu.vector_load %arg20[%swap3A_762, %swap3A_763] {strides = array<i32>} : memref<80x56xf32, #tpu.memory_space<vmem>>, vector<16xf32>,
          tpu.vector_store %arg20[%swap3A_762, %swap3A_763], %get3A_631 {strides = array<i32>} : memref<80x56xf32, #tpu.memory_space<vmem>>, vector<16xf32>,
          %add3A_765 = arith.constant 0 : i32
          %add3A_766 = arith.addi %mul3A_505, %add3A_765 : i32
          %add3A_767 = arith.constant 6 : i32
          %add3A_768 = arith.addi %add3A_766, %add3A_767 : i32
          %swap3A_769 = arith.index_cast %add3A_768 : i32 to index
          %swap3A_770 = arith.constant 0 : index
          %swap3A_771 = tpu.vector_load %arg20[%swap3A_769, %swap3A_770] {strides = array<i32>} : memref<80x56xf32, #tpu.memory_space<vmem>>, vector<16xf32>,
          tpu.vector_store %arg20[%swap3A_769, %swap3A_770], %get3A_639 {strides = array<i32>} : memref<80x56xf32, #tpu.memory_space<vmem>>, vector<16xf32>,
          %swap3A_772 = arith.index_cast %add3A_768 : i32 to index
          %swap3A_773 = arith.constant 16 : index
          %swap3A_774 = tpu.vector_load %arg20[%swap3A_772, %swap3A_773] {strides = array<i32>} : memref<80x56xf32, #tpu.memory_space<vmem>>, vector<16xf32>,
          tpu.vector_store %arg20[%swap3A_772, %swap3A_773], %get3A_643 {strides = array<i32>} : memref<80x56xf32, #tpu.memory_space<vmem>>, vector<16xf32>,
          %swap3A_775 = arith.index_cast %add3A_768 : i32 to index
          %swap3A_776 = arith.constant 32 : index
          %swap3A_777 = tpu.vector_load %arg20[%swap3A_775, %swap3A_776] {strides = array<i32>} : memref<80x56xf32, #tpu.memory_space<vmem>>, vector<16xf32>,
          tpu.vector_store %arg20[%swap3A_775, %swap3A_776], %get3A_647 {strides = array<i32>} : memref<80x56xf32, #tpu.memory_space<vmem>>, vector<16xf32>,
          %swap3A_778 = arith.index_cast %add3A_768 : i32 to index
          %swap3A_779 = arith.constant 40 : index
          %swap3A_780 = tpu.vector_load %arg20[%swap3A_778, %swap3A_779] {strides = array<i32>} : memref<80x56xf32, #tpu.memory_space<vmem>>, vector<16xf32>,
          tpu.vector_store %arg20[%swap3A_778, %swap3A_779], %get3A_650 {strides = array<i32>} : memref<80x56xf32, #tpu.memory_space<vmem>>, vector<16xf32>,
          %add3A_781 = arith.constant 0 : i32
          %add3A_782 = arith.addi %mul3A_505, %add3A_781 : i32
          %add3A_783 = arith.constant 7 : i32
          %add3A_784 = arith.addi %add3A_782, %add3A_783 : i32
          %swap3A_785 = arith.index_cast %add3A_784 : i32 to index
          %swap3A_786 = arith.constant 0 : index
          %swap3A_787 = tpu.vector_load %arg20[%swap3A_785, %swap3A_786] {strides = array<i32>} : memref<80x56xf32, #tpu.memory_space<vmem>>, vector<16xf32>,
          tpu.vector_store %arg20[%swap3A_785, %swap3A_786], %get3A_658 {strides = array<i32>} : memref<80x56xf32, #tpu.memory_space<vmem>>, vector<16xf32>,
          %swap3A_788 = arith.index_cast %add3A_784 : i32 to index
          %swap3A_789 = arith.constant 16 : index
          %swap3A_790 = tpu.vector_load %arg20[%swap3A_788, %swap3A_789] {strides = array<i32>} : memref<80x56xf32, #tpu.memory_space<vmem>>, vector<16xf32>,
          tpu.vector_store %arg20[%swap3A_788, %swap3A_789], %get3A_662 {strides = array<i32>} : memref<80x56xf32, #tpu.memory_space<vmem>>, vector<16xf32>,
          %swap3A_791 = arith.index_cast %add3A_784 : i32 to index
          %swap3A_792 = arith.constant 32 : index
          %swap3A_793 = tpu.vector_load %arg20[%swap3A_791, %swap3A_792] {strides = array<i32>} : memref<80x56xf32, #tpu.memory_space<vmem>>, vector<16xf32>,
          tpu.vector_store %arg20[%swap3A_791, %swap3A_792], %get3A_666 {strides = array<i32>} : memref<80x56xf32, #tpu.memory_space<vmem>>, vector<16xf32>,
          %swap3A_794 = arith.index_cast %add3A_784 : i32 to index
          %swap3A_795 = arith.constant 40 : index
          %swap3A_796 = tpu.vector_load %arg20[%swap3A_794, %swap3A_795] {strides = array<i32>} : memref<80x56xf32, #tpu.memory_space<vmem>>, vector<16xf32>,
          tpu.vector_store %arg20[%swap3A_794, %swap3A_795], %get3A_669 {strides = array<i32>} : memref<80x56xf32, #tpu.memory_space<vmem>>, vector<16xf32>,
          %add3A_797 = arith.constant 8 : i32
          %add3A_798 = arith.addi %mul3A_505, %add3A_797 : i32
          %add3A_799 = arith.constant 0 : i32
          %add3A_800 = arith.addi %add3A_798, %add3A_799 : i32
          %slice3A_801 = vector.extract_strided_slice %mul3A_509 {offsets = [8], sizes = [1], strides = [1]} : vector<16xi32> to vector<1xi32>
          %squeeze3A_802 = vector.extract %slice3A_801[0] : i32 from vector<1xi32>
          %get3A_803 = arith.index_cast %squeeze3A_802 : i32 to index
          %get3A_804 = tpu.vector_load %arg9[%get3A_803] {strides = array<i32>} : memref<3200xf32, #tpu.memory_space<vmem>>, vector<16xf32>,
          %slice3A_805 = vector.extract_strided_slice %mul3A_514 {offsets = [8], sizes = [1], strides = [1]} : vector<16xi32> to vector<1xi32>
          %squeeze3A_806 = vector.extract %slice3A_805[0] : i32 from vector<1xi32>
          %get3A_807 = arith.index_cast %squeeze3A_806 : i32 to index
          %get3A_808 = tpu.vector_load %arg9[%get3A_807] {strides = array<i32>} : memref<3200xf32, #tpu.memory_space<vmem>>, vector<16xf32>,
          %slice3A_809 = vector.extract_strided_slice %mul3A_519 {offsets = [8], sizes = [1], strides = [1]} : vector<16xi32> to vector<1xi32>
          %squeeze3A_810 = vector.extract %slice3A_809[0] : i32 from vector<1xi32>
          %get3A_811 = arith.index_cast %squeeze3A_810 : i32 to index
          %get3A_812 = tpu.vector_load %arg10[%get3A_811] {strides = array<i32>} : memref<512xf32, #tpu.memory_space<vmem>>, vector<16xf32>,
          %get3A_813 = arith.index_cast %add3A_800 : i32 to index
          %get3A_814 = arith.constant 0 : index
          %get3A_815 = tpu.vector_load %arg19[%get3A_813, %get3A_814] {strides = array<i32>} : memref<80x16xf32, #tpu.memory_space<vmem>>, vector<16xf32>,
          %add3A_816 = arith.constant 8 : i32
          %add3A_817 = arith.addi %mul3A_505, %add3A_816 : i32
          %add3A_818 = arith.constant 1 : i32
          %add3A_819 = arith.addi %add3A_817, %add3A_818 : i32
          %slice3A_820 = vector.extract_strided_slice %mul3A_509 {offsets = [9], sizes = [1], strides = [1]} : vector<16xi32> to vector<1xi32>
          %squeeze3A_821 = vector.extract %slice3A_820[0] : i32 from vector<1xi32>
          %get3A_822 = arith.index_cast %squeeze3A_821 : i32 to index
          %get3A_823 = tpu.vector_load %arg9[%get3A_822] {strides = array<i32>} : memref<3200xf32, #tpu.memory_space<vmem>>, vector<16xf32>,
          %slice3A_824 = vector.extract_strided_slice %mul3A_514 {offsets = [9], sizes = [1], strides = [1]} : vector<16xi32> to vector<1xi32>
          %squeeze3A_825 = vector.extract %slice3A_824[0] : i32 from vector<1xi32>
          %get3A_826 = arith.index_cast %squeeze3A_825 : i32 to index
          %get3A_827 = tpu.vector_load %arg9[%get3A_826] {strides = array<i32>} : memref<3200xf32, #tpu.memory_space<vmem>>, vector<16xf32>,
          %slice3A_828 = vector.extract_strided_slice %mul3A_519 {offsets = [9], sizes = [1], strides = [1]} : vector<16xi32> to vector<1xi32>
          %squeeze3A_829 = vector.extract %slice3A_828[0] : i32 from vector<1xi32>
          %get3A_830 = arith.index_cast %squeeze3A_829 : i32 to index
          %get3A_831 = tpu.vector_load %arg10[%get3A_830] {strides = array<i32>} : memref<512xf32, #tpu.memory_space<vmem>>, vector<16xf32>,
          %get3A_832 = arith.index_cast %add3A_819 : i32 to index
          %get3A_833 = arith.constant 0 : index
          %get3A_834 = tpu.vector_load %arg19[%get3A_832, %get3A_833] {strides = array<i32>} : memref<80x16xf32, #tpu.memory_space<vmem>>, vector<16xf32>,
          %add3A_835 = arith.constant 8 : i32
          %add3A_836 = arith.addi %mul3A_505, %add3A_835 : i32
          %add3A_837 = arith.constant 2 : i32
          %add3A_838 = arith.addi %add3A_836, %add3A_837 : i32
          %slice3A_839 = vector.extract_strided_slice %mul3A_509 {offsets = [10], sizes = [1], strides = [1]} : vector<16xi32> to vector<1xi32>
          %squeeze3A_840 = vector.extract %slice3A_839[0] : i32 from vector<1xi32>
          %get3A_841 = arith.index_cast %squeeze3A_840 : i32 to index
          %get3A_842 = tpu.vector_load %arg9[%get3A_841] {strides = array<i32>} : memref<3200xf32, #tpu.memory_space<vmem>>, vector<16xf32>,
          %slice3A_843 = vector.extract_strided_slice %mul3A_514 {offsets = [10], sizes = [1], strides = [1]} : vector<16xi32> to vector<1xi32>
          %squeeze3A_844 = vector.extract %slice3A_843[0] : i32 from vector<1xi32>
          %get3A_845 = arith.index_cast %squeeze3A_844 : i32 to index
          %get3A_846 = tpu.vector_load %arg9[%get3A_845] {strides = array<i32>} : memref<3200xf32, #tpu.memory_space<vmem>>, vector<16xf32>,
          %slice3A_847 = vector.extract_strided_slice %mul3A_519 {offsets = [10], sizes = [1], strides = [1]} : vector<16xi32> to vector<1xi32>
          %squeeze3A_848 = vector.extract %slice3A_847[0] : i32 from vector<1xi32>
          %get3A_849 = arith.index_cast %squeeze3A_848 : i32 to index
          %get3A_850 = tpu.vector_load %arg10[%get3A_849] {strides = array<i32>} : memref<512xf32, #tpu.memory_space<vmem>>, vector<16xf32>,
          %get3A_851 = arith.index_cast %add3A_838 : i32 to index
          %get3A_852 = arith.constant 0 : index
          %get3A_853 = tpu.vector_load %arg19[%get3A_851, %get3A_852] {strides = array<i32>} : memref<80x16xf32, #tpu.memory_space<vmem>>, vector<16xf32>,
          %add3A_854 = arith.constant 8 : i32
          %add3A_855 = arith.addi %mul3A_505, %add3A_854 : i32
          %add3A_856 = arith.constant 3 : i32
          %add3A_857 = arith.addi %add3A_855, %add3A_856 : i32
          %slice3A_858 = vector.extract_strided_slice %mul3A_509 {offsets = [11], sizes = [1], strides = [1]} : vector<16xi32> to vector<1xi32>
          %squeeze3A_859 = vector.extract %slice3A_858[0] : i32 from vector<1xi32>
          %get3A_860 = arith.index_cast %squeeze3A_859 : i32 to index
          %get3A_861 = tpu.vector_load %arg9[%get3A_860] {strides = array<i32>} : memref<3200xf32, #tpu.memory_space<vmem>>, vector<16xf32>,
          %slice3A_862 = vector.extract_strided_slice %mul3A_514 {offsets = [11], sizes = [1], strides = [1]} : vector<16xi32> to vector<1xi32>
          %squeeze3A_863 = vector.extract %slice3A_862[0] : i32 from vector<1xi32>
          %get3A_864 = arith.index_cast %squeeze3A_863 : i32 to index
          %get3A_865 = tpu.vector_load %arg9[%get3A_864] {strides = array<i32>} : memref<3200xf32, #tpu.memory_space<vmem>>, vector<16xf32>,
          %slice3A_866 = vector.extract_strided_slice %mul3A_519 {offsets = [11], sizes = [1], strides = [1]} : vector<16xi32> to vector<1xi32>
          %squeeze3A_867 = vector.extract %slice3A_866[0] : i32 from vector<1xi32>
          %get3A_868 = arith.index_cast %squeeze3A_867 : i32 to index
          %get3A_869 = tpu.vector_load %arg10[%get3A_868] {strides = array<i32>} : memref<512xf32, #tpu.memory_space<vmem>>, vector<16xf32>,
          %get3A_870 = arith.index_cast %add3A_857 : i32 to index
          %get3A_871 = arith.constant 0 : index
          %get3A_872 = tpu.vector_load %arg19[%get3A_870, %get3A_871] {strides = array<i32>} : memref<80x16xf32, #tpu.memory_space<vmem>>, vector<16xf32>,
          %add3A_873 = arith.constant 8 : i32
          %add3A_874 = arith.addi %mul3A_505, %add3A_873 : i32
          %add3A_875 = arith.constant 4 : i32
          %add3A_876 = arith.addi %add3A_874, %add3A_875 : i32
          %slice3A_877 = vector.extract_strided_slice %mul3A_509 {offsets = [12], sizes = [1], strides = [1]} : vector<16xi32> to vector<1xi32>
          %squeeze3A_878 = vector.extract %slice3A_877[0] : i32 from vector<1xi32>
          %get3A_879 = arith.index_cast %squeeze3A_878 : i32 to index
          %get3A_880 = tpu.vector_load %arg9[%get3A_879] {strides = array<i32>} : memref<3200xf32, #tpu.memory_space<vmem>>, vector<16xf32>,
          %slice3A_881 = vector.extract_strided_slice %mul3A_514 {offsets = [12], sizes = [1], strides = [1]} : vector<16xi32> to vector<1xi32>
          %squeeze3A_882 = vector.extract %slice3A_881[0] : i32 from vector<1xi32>
          %get3A_883 = arith.index_cast %squeeze3A_882 : i32 to index
          %get3A_884 = tpu.vector_load %arg9[%get3A_883] {strides = array<i32>} : memref<3200xf32, #tpu.memory_space<vmem>>, vector<16xf32>,
          %slice3A_885 = vector.extract_strided_slice %mul3A_519 {offsets = [12], sizes = [1], strides = [1]} : vector<16xi32> to vector<1xi32>
          %squeeze3A_886 = vector.extract %slice3A_885[0] : i32 from vector<1xi32>
          %get3A_887 = arith.index_cast %squeeze3A_886 : i32 to index
          %get3A_888 = tpu.vector_load %arg10[%get3A_887] {strides = array<i32>} : memref<512xf32, #tpu.memory_space<vmem>>, vector<16xf32>,
          %get3A_889 = arith.index_cast %add3A_876 : i32 to index
          %get3A_890 = arith.constant 0 : index
          %get3A_891 = tpu.vector_load %arg19[%get3A_889, %get3A_890] {strides = array<i32>} : memref<80x16xf32, #tpu.memory_space<vmem>>, vector<16xf32>,
          %add3A_892 = arith.constant 8 : i32
          %add3A_893 = arith.addi %mul3A_505, %add3A_892 : i32
          %add3A_894 = arith.constant 5 : i32
          %add3A_895 = arith.addi %add3A_893, %add3A_894 : i32
          %slice3A_896 = vector.extract_strided_slice %mul3A_509 {offsets = [13], sizes = [1], strides = [1]} : vector<16xi32> to vector<1xi32>
          %squeeze3A_897 = vector.extract %slice3A_896[0] : i32 from vector<1xi32>
          %get3A_898 = arith.index_cast %squeeze3A_897 : i32 to index
          %get3A_899 = tpu.vector_load %arg9[%get3A_898] {strides = array<i32>} : memref<3200xf32, #tpu.memory_space<vmem>>, vector<16xf32>,
          %slice3A_900 = vector.extract_strided_slice %mul3A_514 {offsets = [13], sizes = [1], strides = [1]} : vector<16xi32> to vector<1xi32>
          %squeeze3A_901 = vector.extract %slice3A_900[0] : i32 from vector<1xi32>
          %get3A_902 = arith.index_cast %squeeze3A_901 : i32 to index
          %get3A_903 = tpu.vector_load %arg9[%get3A_902] {strides = array<i32>} : memref<3200xf32, #tpu.memory_space<vmem>>, vector<16xf32>,
          %slice3A_904 = vector.extract_strided_slice %mul3A_519 {offsets = [13], sizes = [1], strides = [1]} : vector<16xi32> to vector<1xi32>
          %squeeze3A_905 = vector.extract %slice3A_904[0] : i32 from vector<1xi32>
          %get3A_906 = arith.index_cast %squeeze3A_905 : i32 to index
          %get3A_907 = tpu.vector_load %arg10[%get3A_906] {strides = array<i32>} : memref<512xf32, #tpu.memory_space<vmem>>, vector<16xf32>,
          %get3A_908 = arith.index_cast %add3A_895 : i32 to index
          %get3A_909 = arith.constant 0 : index
          %get3A_910 = tpu.vector_load %arg19[%get3A_908, %get3A_909] {strides = array<i32>} : memref<80x16xf32, #tpu.memory_space<vmem>>, vector<16xf32>,
          %add3A_911 = arith.constant 8 : i32
          %add3A_912 = arith.addi %mul3A_505, %add3A_911 : i32
          %add3A_913 = arith.constant 6 : i32
          %add3A_914 = arith.addi %add3A_912, %add3A_913 : i32
          %slice3A_915 = vector.extract_strided_slice %mul3A_509 {offsets = [14], sizes = [1], strides = [1]} : vector<16xi32> to vector<1xi32>
          %squeeze3A_916 = vector.extract %slice3A_915[0] : i32 from vector<1xi32>
          %get3A_917 = arith.index_cast %squeeze3A_916 : i32 to index
          %get3A_918 = tpu.vector_load %arg9[%get3A_917] {strides = array<i32>} : memref<3200xf32, #tpu.memory_space<vmem>>, vector<16xf32>,
          %slice3A_919 = vector.extract_strided_slice %mul3A_514 {offsets = [14], sizes = [1], strides = [1]} : vector<16xi32> to vector<1xi32>
          %squeeze3A_920 = vector.extract %slice3A_919[0] : i32 from vector<1xi32>
          %get3A_921 = arith.index_cast %squeeze3A_920 : i32 to index
          %get3A_922 = tpu.vector_load %arg9[%get3A_921] {strides = array<i32>} : memref<3200xf32, #tpu.memory_space<vmem>>, vector<16xf32>,
          %slice3A_923 = vector.extract_strided_slice %mul3A_519 {offsets = [14], sizes = [1], strides = [1]} : vector<16xi32> to vector<1xi32>
          %squeeze3A_924 = vector.extract %slice3A_923[0] : i32 from vector<1xi32>
          %get3A_925 = arith.index_cast %squeeze3A_924 : i32 to index
          %get3A_926 = tpu.vector_load %arg10[%get3A_925] {strides = array<i32>} : memref<512xf32, #tpu.memory_space<vmem>>, vector<16xf32>,
          %get3A_927 = arith.index_cast %add3A_914 : i32 to index
          %get3A_928 = arith.constant 0 : index
          %get3A_929 = tpu.vector_load %arg19[%get3A_927, %get3A_928] {strides = array<i32>} : memref<80x16xf32, #tpu.memory_space<vmem>>, vector<16xf32>,
          %add3A_930 = arith.constant 8 : i32
          %add3A_931 = arith.addi %mul3A_505, %add3A_930 : i32
          %add3A_932 = arith.constant 7 : i32
          %add3A_933 = arith.addi %add3A_931, %add3A_932 : i32
          %slice3A_934 = vector.extract_strided_slice %mul3A_509 {offsets = [15], sizes = [1], strides = [1]} : vector<16xi32> to vector<1xi32>
          %squeeze3A_935 = vector.extract %slice3A_934[0] : i32 from vector<1xi32>
          %get3A_936 = arith.index_cast %squeeze3A_935 : i32 to index
          %get3A_937 = tpu.vector_load %arg9[%get3A_936] {strides = array<i32>} : memref<3200xf32, #tpu.memory_space<vmem>>, vector<16xf32>,
          %slice3A_938 = vector.extract_strided_slice %mul3A_514 {offsets = [15], sizes = [1], strides = [1]} : vector<16xi32> to vector<1xi32>
          %squeeze3A_939 = vector.extract %slice3A_938[0] : i32 from vector<1xi32>
          %get3A_940 = arith.index_cast %squeeze3A_939 : i32 to index
          %get3A_941 = tpu.vector_load %arg9[%get3A_940] {strides = array<i32>} : memref<3200xf32, #tpu.memory_space<vmem>>, vector<16xf32>,
          %slice3A_942 = vector.extract_strided_slice %mul3A_519 {offsets = [15], sizes = [1], strides = [1]} : vector<16xi32> to vector<1xi32>
          %squeeze3A_943 = vector.extract %slice3A_942[0] : i32 from vector<1xi32>
          %get3A_944 = arith.index_cast %squeeze3A_943 : i32 to index
          %get3A_945 = tpu.vector_load %arg10[%get3A_944] {strides = array<i32>} : memref<512xf32, #tpu.memory_space<vmem>>, vector<16xf32>,
          %get3A_946 = arith.index_cast %add3A_933 : i32 to index
          %get3A_947 = arith.constant 0 : index
          %get3A_948 = tpu.vector_load %arg19[%get3A_946, %get3A_947] {strides = array<i32>} : memref<80x16xf32, #tpu.memory_space<vmem>>, vector<16xf32>,
          %add3A_949 = arith.constant 8 : i32
          %add3A_950 = arith.addi %mul3A_505, %add3A_949 : i32
          %add3A_951 = arith.constant 0 : i32
          %add3A_952 = arith.addi %add3A_950, %add3A_951 : i32
          %swap3A_953 = arith.index_cast %add3A_952 : i32 to index
          %swap3A_954 = arith.constant 0 : index
          %swap3A_955 = tpu.vector_load %arg20[%swap3A_953, %swap3A_954] {strides = array<i32>} : memref<80x56xf32, #tpu.memory_space<vmem>>, vector<16xf32>,
          tpu.vector_store %arg20[%swap3A_953, %swap3A_954], %get3A_804 {strides = array<i32>} : memref<80x56xf32, #tpu.memory_space<vmem>>, vector<16xf32>,
          %swap3A_956 = arith.index_cast %add3A_952 : i32 to index
          %swap3A_957 = arith.constant 16 : index
          %swap3A_958 = tpu.vector_load %arg20[%swap3A_956, %swap3A_957] {strides = array<i32>} : memref<80x56xf32, #tpu.memory_space<vmem>>, vector<16xf32>,
          tpu.vector_store %arg20[%swap3A_956, %swap3A_957], %get3A_808 {strides = array<i32>} : memref<80x56xf32, #tpu.memory_space<vmem>>, vector<16xf32>,
          %swap3A_959 = arith.index_cast %add3A_952 : i32 to index
          %swap3A_960 = arith.constant 32 : index
          %swap3A_961 = tpu.vector_load %arg20[%swap3A_959, %swap3A_960] {strides = array<i32>} : memref<80x56xf32, #tpu.memory_space<vmem>>, vector<16xf32>,
          tpu.vector_store %arg20[%swap3A_959, %swap3A_960], %get3A_812 {strides = array<i32>} : memref<80x56xf32, #tpu.memory_space<vmem>>, vector<16xf32>,
          %swap3A_962 = arith.index_cast %add3A_952 : i32 to index
          %swap3A_963 = arith.constant 40 : index
          %swap3A_964 = tpu.vector_load %arg20[%swap3A_962, %swap3A_963] {strides = array<i32>} : memref<80x56xf32, #tpu.memory_space<vmem>>, vector<16xf32>,
          tpu.vector_store %arg20[%swap3A_962, %swap3A_963], %get3A_815 {strides = array<i32>} : memref<80x56xf32, #tpu.memory_space<vmem>>, vector<16xf32>,
          %add3A_965 = arith.constant 8 : i32
          %add3A_966 = arith.addi %mul3A_505, %add3A_965 : i32
          %add3A_967 = arith.constant 1 : i32
          %add3A_968 = arith.addi %add3A_966, %add3A_967 : i32
          %swap3A_969 = arith.index_cast %add3A_968 : i32 to index
          %swap3A_970 = arith.constant 0 : index
          %swap3A_971 = tpu.vector_load %arg20[%swap3A_969, %swap3A_970] {strides = array<i32>} : memref<80x56xf32, #tpu.memory_space<vmem>>, vector<16xf32>,
          tpu.vector_store %arg20[%swap3A_969, %swap3A_970], %get3A_823 {strides = array<i32>} : memref<80x56xf32, #tpu.memory_space<vmem>>, vector<16xf32>,
          %swap3A_972 = arith.index_cast %add3A_968 : i32 to index
          %swap3A_973 = arith.constant 16 : index
          %swap3A_974 = tpu.vector_load %arg20[%swap3A_972, %swap3A_973] {strides = array<i32>} : memref<80x56xf32, #tpu.memory_space<vmem>>, vector<16xf32>,
          tpu.vector_store %arg20[%swap3A_972, %swap3A_973], %get3A_827 {strides = array<i32>} : memref<80x56xf32, #tpu.memory_space<vmem>>, vector<16xf32>,
          %swap3A_975 = arith.index_cast %add3A_968 : i32 to index
          %swap3A_976 = arith.constant 32 : index
          %swap3A_977 = tpu.vector_load %arg20[%swap3A_975, %swap3A_976] {strides = array<i32>} : memref<80x56xf32, #tpu.memory_space<vmem>>, vector<16xf32>,
          tpu.vector_store %arg20[%swap3A_975, %swap3A_976], %get3A_831 {strides = array<i32>} : memref<80x56xf32, #tpu.memory_space<vmem>>, vector<16xf32>,
          %swap3A_978 = arith.index_cast %add3A_968 : i32 to index
          %swap3A_979 = arith.constant 40 : index
          %swap3A_980 = tpu.vector_load %arg20[%swap3A_978, %swap3A_979] {strides = array<i32>} : memref<80x56xf32, #tpu.memory_space<vmem>>, vector<16xf32>,
          tpu.vector_store %arg20[%swap3A_978, %swap3A_979], %get3A_834 {strides = array<i32>} : memref<80x56xf32, #tpu.memory_space<vmem>>, vector<16xf32>,
          %add3A_981 = arith.constant 8 : i32
          %add3A_982 = arith.addi %mul3A_505, %add3A_981 : i32
          %add3A_983 = arith.constant 2 : i32
          %add3A_984 = arith.addi %add3A_982, %add3A_983 : i32
          %swap3A_985 = arith.index_cast %add3A_984 : i32 to index
          %swap3A_986 = arith.constant 0 : index
          %swap3A_987 = tpu.vector_load %arg20[%swap3A_985, %swap3A_986] {strides = array<i32>} : memref<80x56xf32, #tpu.memory_space<vmem>>, vector<16xf32>,
          tpu.vector_store %arg20[%swap3A_985, %swap3A_986], %get3A_842 {strides = array<i32>} : memref<80x56xf32, #tpu.memory_space<vmem>>, vector<16xf32>,
          %swap3A_988 = arith.index_cast %add3A_984 : i32 to index
          %swap3A_989 = arith.constant 16 : index
          %swap3A_990 = tpu.vector_load %arg20[%swap3A_988, %swap3A_989] {strides = array<i32>} : memref<80x56xf32, #tpu.memory_space<vmem>>, vector<16xf32>,
          tpu.vector_store %arg20[%swap3A_988, %swap3A_989], %get3A_846 {strides = array<i32>} : memref<80x56xf32, #tpu.memory_space<vmem>>, vector<16xf32>,
          %swap3A_991 = arith.index_cast %add3A_984 : i32 to index
          %swap3A_992 = arith.constant 32 : index
          %swap3A_993 = tpu.vector_load %arg20[%swap3A_991, %swap3A_992] {strides = array<i32>} : memref<80x56xf32, #tpu.memory_space<vmem>>, vector<16xf32>,
          tpu.vector_store %arg20[%swap3A_991, %swap3A_992], %get3A_850 {strides = array<i32>} : memref<80x56xf32, #tpu.memory_space<vmem>>, vector<16xf32>,
          %swap3A_994 = arith.index_cast %add3A_984 : i32 to index
          %swap3A_995 = arith.constant 40 : index
          %swap3A_996 = tpu.vector_load %arg20[%swap3A_994, %swap3A_995] {strides = array<i32>} : memref<80x56xf32, #tpu.memory_space<vmem>>, vector<16xf32>,
          tpu.vector_store %arg20[%swap3A_994, %swap3A_995], %get3A_853 {strides = array<i32>} : memref<80x56xf32, #tpu.memory_space<vmem>>, vector<16xf32>,
          %add3A_997 = arith.constant 8 : i32
          %add3A_998 = arith.addi %mul3A_505, %add3A_997 : i32
          %add3A_999 = arith.constant 3 : i32
          %add3A_1000 = arith.addi %add3A_998, %add3A_999 : i32
          %swap3A_1001 = arith.index_cast %add3A_1000 : i32 to index
          %swap3A_1002 = arith.constant 0 : index
          %swap3A_1003 = tpu.vector_load %arg20[%swap3A_1001, %swap3A_1002] {strides = array<i32>} : memref<80x56xf32, #tpu.memory_space<vmem>>, vector<16xf32>,
          tpu.vector_store %arg20[%swap3A_1001, %swap3A_1002], %get3A_861 {strides = array<i32>} : memref<80x56xf32, #tpu.memory_space<vmem>>, vector<16xf32>,
          %swap3A_1004 = arith.index_cast %add3A_1000 : i32 to index
          %swap3A_1005 = arith.constant 16 : index
          %swap3A_1006 = tpu.vector_load %arg20[%swap3A_1004, %swap3A_1005] {strides = array<i32>} : memref<80x56xf32, #tpu.memory_space<vmem>>, vector<16xf32>,
          tpu.vector_store %arg20[%swap3A_1004, %swap3A_1005], %get3A_865 {strides = array<i32>} : memref<80x56xf32, #tpu.memory_space<vmem>>, vector<16xf32>,
          %swap3A_1007 = arith.index_cast %add3A_1000 : i32 to index
          %swap3A_1008 = arith.constant 32 : index
          %swap3A_1009 = tpu.vector_load %arg20[%swap3A_1007, %swap3A_1008] {strides = array<i32>} : memref<80x56xf32, #tpu.memory_space<vmem>>, vector<16xf32>,
          tpu.vector_store %arg20[%swap3A_1007, %swap3A_1008], %get3A_869 {strides = array<i32>} : memref<80x56xf32, #tpu.memory_space<vmem>>, vector<16xf32>,
          %swap3A_1010 = arith.index_cast %add3A_1000 : i32 to index
          %swap3A_1011 = arith.constant 40 : index
          %swap3A_1012 = tpu.vector_load %arg20[%swap3A_1010, %swap3A_1011] {strides = array<i32>} : memref<80x56xf32, #tpu.memory_space<vmem>>, vector<16xf32>,
          tpu.vector_store %arg20[%swap3A_1010, %swap3A_1011], %get3A_872 {strides = array<i32>} : memref<80x56xf32, #tpu.memory_space<vmem>>, vector<16xf32>,
          %add3A_1013 = arith.constant 8 : i32
          %add3A_1014 = arith.addi %mul3A_505, %add3A_1013 : i32
          %add3A_1015 = arith.constant 4 : i32
          %add3A_1016 = arith.addi %add3A_1014, %add3A_1015 : i32
          %swap3A_1017 = arith.index_cast %add3A_1016 : i32 to index
          %swap3A_1018 = arith.constant 0 : index
          %swap3A_1019 = tpu.vector_load %arg20[%swap3A_1017, %swap3A_1018] {strides = array<i32>} : memref<80x56xf32, #tpu.memory_space<vmem>>, vector<16xf32>,
          tpu.vector_store %arg20[%swap3A_1017, %swap3A_1018], %get3A_880 {strides = array<i32>} : memref<80x56xf32, #tpu.memory_space<vmem>>, vector<16xf32>,
          %swap3A_1020 = arith.index_cast %add3A_1016 : i32 to index
          %swap3A_1021 = arith.constant 16 : index
          %swap3A_1022 = tpu.vector_load %arg20[%swap3A_1020, %swap3A_1021] {strides = array<i32>} : memref<80x56xf32, #tpu.memory_space<vmem>>, vector<16xf32>,
          tpu.vector_store %arg20[%swap3A_1020, %swap3A_1021], %get3A_884 {strides = array<i32>} : memref<80x56xf32, #tpu.memory_space<vmem>>, vector<16xf32>,
          %swap3A_1023 = arith.index_cast %add3A_1016 : i32 to index
          %swap3A_1024 = arith.constant 32 : index
          %swap3A_1025 = tpu.vector_load %arg20[%swap3A_1023, %swap3A_1024] {strides = array<i32>} : memref<80x56xf32, #tpu.memory_space<vmem>>, vector<16xf32>,
          tpu.vector_store %arg20[%swap3A_1023, %swap3A_1024], %get3A_888 {strides = array<i32>} : memref<80x56xf32, #tpu.memory_space<vmem>>, vector<16xf32>,
          %swap3A_1026 = arith.index_cast %add3A_1016 : i32 to index
          %swap3A_1027 = arith.constant 40 : index
          %swap3A_1028 = tpu.vector_load %arg20[%swap3A_1026, %swap3A_1027] {strides = array<i32>} : memref<80x56xf32, #tpu.memory_space<vmem>>, vector<16xf32>,
          tpu.vector_store %arg20[%swap3A_1026, %swap3A_1027], %get3A_891 {strides = array<i32>} : memref<80x56xf32, #tpu.memory_space<vmem>>, vector<16xf32>,
          %add3A_1029 = arith.constant 8 : i32
          %add3A_1030 = arith.addi %mul3A_505, %add3A_1029 : i32
          %add3A_1031 = arith.constant 5 : i32
          %add3A_1032 = arith.addi %add3A_1030, %add3A_1031 : i32
          %swap3A_1033 = arith.index_cast %add3A_1032 : i32 to index
          %swap3A_1034 = arith.constant 0 : index
          %swap3A_1035 = tpu.vector_load %arg20[%swap3A_1033, %swap3A_1034] {strides = array<i32>} : memref<80x56xf32, #tpu.memory_space<vmem>>, vector<16xf32>,
          tpu.vector_store %arg20[%swap3A_1033, %swap3A_1034], %get3A_899 {strides = array<i32>} : memref<80x56xf32, #tpu.memory_space<vmem>>, vector<16xf32>,
          %swap3A_1036 = arith.index_cast %add3A_1032 : i32 to index
          %swap3A_1037 = arith.constant 16 : index
          %swap3A_1038 = tpu.vector_load %arg20[%swap3A_1036, %swap3A_1037] {strides = array<i32>} : memref<80x56xf32, #tpu.memory_space<vmem>>, vector<16xf32>,
          tpu.vector_store %arg20[%swap3A_1036, %swap3A_1037], %get3A_903 {strides = array<i32>} : memref<80x56xf32, #tpu.memory_space<vmem>>, vector<16xf32>,
          %swap3A_1039 = arith.index_cast %add3A_1032 : i32 to index
          %swap3A_1040 = arith.constant 32 : index
          %swap3A_1041 = tpu.vector_load %arg20[%swap3A_1039, %swap3A_1040] {strides = array<i32>} : memref<80x56xf32, #tpu.memory_space<vmem>>, vector<16xf32>,
          tpu.vector_store %arg20[%swap3A_1039, %swap3A_1040], %get3A_907 {strides = array<i32>} : memref<80x56xf32, #tpu.memory_space<vmem>>, vector<16xf32>,
          %swap3A_1042 = arith.index_cast %add3A_1032 : i32 to index
          %swap3A_1043 = arith.constant 40 : index
          %swap3A_1044 = tpu.vector_load %arg20[%swap3A_1042, %swap3A_1043] {strides = array<i32>} : memref<80x56xf32, #tpu.memory_space<vmem>>, vector<16xf32>,
          tpu.vector_store %arg20[%swap3A_1042, %swap3A_1043], %get3A_910 {strides = array<i32>} : memref<80x56xf32, #tpu.memory_space<vmem>>, vector<16xf32>,
          %add3A_1045 = arith.constant 8 : i32
          %add3A_1046 = arith.addi %mul3A_505, %add3A_1045 : i32
          %add3A_1047 = arith.constant 6 : i32
          %add3A_1048 = arith.addi %add3A_1046, %add3A_1047 : i32
          %swap3A_1049 = arith.index_cast %add3A_1048 : i32 to index
          %swap3A_1050 = arith.constant 0 : index
          %swap3A_1051 = tpu.vector_load %arg20[%swap3A_1049, %swap3A_1050] {strides = array<i32>} : memref<80x56xf32, #tpu.memory_space<vmem>>, vector<16xf32>,
          tpu.vector_store %arg20[%swap3A_1049, %swap3A_1050], %get3A_918 {strides = array<i32>} : memref<80x56xf32, #tpu.memory_space<vmem>>, vector<16xf32>,
          %swap3A_1052 = arith.index_cast %add3A_1048 : i32 to index
          %swap3A_1053 = arith.constant 16 : index
          %swap3A_1054 = tpu.vector_load %arg20[%swap3A_1052, %swap3A_1053] {strides = array<i32>} : memref<80x56xf32, #tpu.memory_space<vmem>>, vector<16xf32>,
          tpu.vector_store %arg20[%swap3A_1052, %swap3A_1053], %get3A_922 {strides = array<i32>} : memref<80x56xf32, #tpu.memory_space<vmem>>, vector<16xf32>,
          %swap3A_1055 = arith.index_cast %add3A_1048 : i32 to index
          %swap3A_1056 = arith.constant 32 : index
          %swap3A_1057 = tpu.vector_load %arg20[%swap3A_1055, %swap3A_1056] {strides = array<i32>} : memref<80x56xf32, #tpu.memory_space<vmem>>, vector<16xf32>,
          tpu.vector_store %arg20[%swap3A_1055, %swap3A_1056], %get3A_926 {strides = array<i32>} : memref<80x56xf32, #tpu.memory_space<vmem>>, vector<16xf32>,
          %swap3A_1058 = arith.index_cast %add3A_1048 : i32 to index
          %swap3A_1059 = arith.constant 40 : index
          %swap3A_1060 = tpu.vector_load %arg20[%swap3A_1058, %swap3A_1059] {strides = array<i32>} : memref<80x56xf32, #tpu.memory_space<vmem>>, vector<16xf32>,
          tpu.vector_store %arg20[%swap3A_1058, %swap3A_1059], %get3A_929 {strides = array<i32>} : memref<80x56xf32, #tpu.memory_space<vmem>>, vector<16xf32>,
          %add3A_1061 = arith.constant 8 : i32
          %add3A_1062 = arith.addi %mul3A_505, %add3A_1061 : i32
          %add3A_1063 = arith.constant 7 : i32
          %add3A_1064 = arith.addi %add3A_1062, %add3A_1063 : i32
          %swap3A_1065 = arith.index_cast %add3A_1064 : i32 to index
          %swap3A_1066 = arith.constant 0 : index
          %swap3A_1067 = tpu.vector_load %arg20[%swap3A_1065, %swap3A_1066] {strides = array<i32>} : memref<80x56xf32, #tpu.memory_space<vmem>>, vector<16xf32>,
          tpu.vector_store %arg20[%swap3A_1065, %swap3A_1066], %get3A_937 {strides = array<i32>} : memref<80x56xf32, #tpu.memory_space<vmem>>, vector<16xf32>,
          %swap3A_1068 = arith.index_cast %add3A_1064 : i32 to index
          %swap3A_1069 = arith.constant 16 : index
          %swap3A_1070 = tpu.vector_load %arg20[%swap3A_1068, %swap3A_1069] {strides = array<i32>} : memref<80x56xf32, #tpu.memory_space<vmem>>, vector<16xf32>,
          tpu.vector_store %arg20[%swap3A_1068, %swap3A_1069], %get3A_941 {strides = array<i32>} : memref<80x56xf32, #tpu.memory_space<vmem>>, vector<16xf32>,
          %swap3A_1071 = arith.index_cast %add3A_1064 : i32 to index
          %swap3A_1072 = arith.constant 32 : index
          %swap3A_1073 = tpu.vector_load %arg20[%swap3A_1071, %swap3A_1072] {strides = array<i32>} : memref<80x56xf32, #tpu.memory_space<vmem>>, vector<16xf32>,
          tpu.vector_store %arg20[%swap3A_1071, %swap3A_1072], %get3A_945 {strides = array<i32>} : memref<80x56xf32, #tpu.memory_space<vmem>>, vector<16xf32>,
          %swap3A_1074 = arith.index_cast %add3A_1064 : i32 to index
          %swap3A_1075 = arith.constant 40 : index
          %swap3A_1076 = tpu.vector_load %arg20[%swap3A_1074, %swap3A_1075] {strides = array<i32>} : memref<80x56xf32, #tpu.memory_space<vmem>>, vector<16xf32>,
          tpu.vector_store %arg20[%swap3A_1074, %swap3A_1075], %get3A_948 {strides = array<i32>} : memref<80x56xf32, #tpu.memory_space<vmem>>, vector<16xf32>,
        }
        %scan3A_298 = arith.constant 5 : i32
        %add3A_299 = arith.constant 5 : i32
        %add3A_300 = arith.addi %add3A_258, %add3A_299 : i32
        %lt3A_301 = arith.constant 250 : i32
        %lt3A_302 = arith.cmpi slt, %add3A_300, %lt3A_301 : i32
        %convert_element_type3A_303 = arith.extui %lt3A_302 : i1 to i32
        %cond3A_304 = arith.constant 0 : i32
        %cond3A_305 = arith.cmpi ne, %convert_element_type3A_303, %cond3A_304 : i32
        scf.if %cond3A_305 {
          %add3A_503 = arith.constant 5 : i32
          %add3A_504 = arith.addi %add3A_258, %add3A_503 : i32
          %mul3A_505 = arith.constant 80 : i32
          %mul3A_506 = arith.muli %add3A_504, %mul3A_505 : i32
          %add3A_507 = arith.addi %mul3A_2, %mul3A_506 : i32
          %dma_start3A_508 = arith.constant 1 : i32
          %dma_start3A_509 = arith.constant 0 : i32
          %dma_start3A_510 = tpu.memref_slice %arg2[%add3A_507] : memref<640000xi32, #tpu.memory_space<hbm>> -> memref<80xi32, #tpu.memory_space<hbm>>
          %dma_start3A_511 = tpu.memref_slice %run_scoped3A[%dma_start3A_508, %dma_start3A_509] : memref<5x5x!tpu.dma_semaphore, #tpu.memory_space<semaphore_mem>> -> memref<1x1x!tpu.dma_semaphore, #tpu.memory_space<semaphore_mem>>
          %dma_start3A_512 = tpu.memref_squeeze %dma_start3A_511 : memref<1x1x!tpu.dma_semaphore, #tpu.memory_space<semaphore_mem>> -> memref<!tpu.dma_semaphore, #tpu.memory_space<semaphore_mem>>
          %dma_start3A_513 = tpu.memref_slice %arg2[%add3A_507] : memref<640000xi32, #tpu.memory_space<hbm>> -> memref<80xi32, #tpu.memory_space<hbm>>
          tpu.enqueue_dma source(%dma_start3A_513 : memref<80xi32, #tpu.memory_space<hbm>>) target(%arg16 : memref<80xi32, #tpu.memory_space<vmem>>) target_semaphore(%dma_start3A_512 : memref<!tpu.dma_semaphore, #tpu.memory_space<semaphore_mem>>)
          %dma_start3A_514 = arith.constant 1 : i32
          %dma_start3A_515 = arith.constant 1 : i32
          %dma_start3A_516 = tpu.memref_slice %arg3[%add3A_507] : memref<640000xi32, #tpu.memory_space<hbm>> -> memref<80xi32, #tpu.memory_space<hbm>>
          %dma_start3A_517 = tpu.memref_slice %run_scoped3A[%dma_start3A_514, %dma_start3A_515] : memref<5x5x!tpu.dma_semaphore, #tpu.memory_space<semaphore_mem>> -> memref<1x1x!tpu.dma_semaphore, #tpu.memory_space<semaphore_mem>>
          %dma_start3A_518 = tpu.memref_squeeze %dma_start3A_517 : memref<1x1x!tpu.dma_semaphore, #tpu.memory_space<semaphore_mem>> -> memref<!tpu.dma_semaphore, #tpu.memory_space<semaphore_mem>>
          %dma_start3A_519 = tpu.memref_slice %arg3[%add3A_507] : memref<640000xi32, #tpu.memory_space<hbm>> -> memref<80xi32, #tpu.memory_space<hbm>>
          tpu.enqueue_dma source(%dma_start3A_519 : memref<80xi32, #tpu.memory_space<hbm>>) target(%arg17 : memref<80xi32, #tpu.memory_space<vmem>>) target_semaphore(%dma_start3A_518 : memref<!tpu.dma_semaphore, #tpu.memory_space<semaphore_mem>>)
          %dma_start3A_520 = arith.constant 1 : i32
          %dma_start3A_521 = arith.constant 2 : i32
          %dma_start3A_522 = tpu.memref_slice %arg4[%add3A_507] : memref<640000xi32, #tpu.memory_space<hbm>> -> memref<80xi32, #tpu.memory_space<hbm>>
          %dma_start3A_523 = tpu.memref_slice %run_scoped3A[%dma_start3A_520, %dma_start3A_521] : memref<5x5x!tpu.dma_semaphore, #tpu.memory_space<semaphore_mem>> -> memref<1x1x!tpu.dma_semaphore, #tpu.memory_space<semaphore_mem>>
          %dma_start3A_524 = tpu.memref_squeeze %dma_start3A_523 : memref<1x1x!tpu.dma_semaphore, #tpu.memory_space<semaphore_mem>> -> memref<!tpu.dma_semaphore, #tpu.memory_space<semaphore_mem>>
          %dma_start3A_525 = tpu.memref_slice %arg4[%add3A_507] : memref<640000xi32, #tpu.memory_space<hbm>> -> memref<80xi32, #tpu.memory_space<hbm>>
          tpu.enqueue_dma source(%dma_start3A_525 : memref<80xi32, #tpu.memory_space<hbm>>) target(%arg18 : memref<80xi32, #tpu.memory_space<vmem>>) target_semaphore(%dma_start3A_524 : memref<!tpu.dma_semaphore, #tpu.memory_space<semaphore_mem>>)
          %dma_start3A_526 = arith.constant 1 : i32
          %dma_start3A_527 = arith.constant 3 : i32
          %dma_start3A_528 = arith.constant 0 : i32
          %dma_start3A_529 = tpu.memref_slice %arg5[%add3A_507, %dma_start3A_528] : memref<640000x16xf32, #tpu.memory_space<hbm>> -> memref<80x16xf32, #tpu.memory_space<hbm>>
          %dma_start3A_530 = tpu.memref_slice %run_scoped3A[%dma_start3A_526, %dma_start3A_527] : memref<5x5x!tpu.dma_semaphore, #tpu.memory_space<semaphore_mem>> -> memref<1x1x!tpu.dma_semaphore, #tpu.memory_space<semaphore_mem>>
          %dma_start3A_531 = tpu.memref_squeeze %dma_start3A_530 : memref<1x1x!tpu.dma_semaphore, #tpu.memory_space<semaphore_mem>> -> memref<!tpu.dma_semaphore, #tpu.memory_space<semaphore_mem>>
          %dma_start3A_532 = arith.constant 0 : i32
          %dma_start3A_533 = tpu.memref_slice %arg5[%add3A_507, %dma_start3A_532] : memref<640000x16xf32, #tpu.memory_space<hbm>> -> memref<80x16xf32, #tpu.memory_space<hbm>>
          tpu.enqueue_dma source(%dma_start3A_533 : memref<80x16xf32, #tpu.memory_space<hbm>>) target(%arg19 : memref<80x16xf32, #tpu.memory_space<vmem>>) target_semaphore(%dma_start3A_531 : memref<!tpu.dma_semaphore, #tpu.memory_space<semaphore_mem>>)
        } else {
        }
        %mul3A_306 = arith.constant 80 : i32
        %mul3A_307 = arith.muli %add3A_258, %mul3A_306 : i32
        %add3A_308 = arith.addi %mul3A_2, %mul3A_307 : i32
        %dma_start3A_309 = arith.constant 1 : i32
        %dma_start3A_310 = arith.constant 4 : i32
        %dma_start3A_311 = arith.constant 0 : i32
        %dma_start3A_312 = tpu.memref_slice %arg8[%add3A_308, %dma_start3A_311] : memref<640000x56xf32, #tpu.memory_space<hbm>> -> memref<80x56xf32, #tpu.memory_space<hbm>>
        %dma_start3A_313 = tpu.memref_slice %run_scoped3A[%dma_start3A_309, %dma_start3A_310] : memref<5x5x!tpu.dma_semaphore, #tpu.memory_space<semaphore_mem>> -> memref<1x1x!tpu.dma_semaphore, #tpu.memory_space<semaphore_mem>>
        %dma_start3A_314 = tpu.memref_squeeze %dma_start3A_313 : memref<1x1x!tpu.dma_semaphore, #tpu.memory_space<semaphore_mem>> -> memref<!tpu.dma_semaphore, #tpu.memory_space<semaphore_mem>>
        %dma_start3A_315 = arith.constant 0 : i32
        %dma_start3A_316 = tpu.memref_slice %arg8[%add3A_308, %dma_start3A_315] : memref<640000x56xf32, #tpu.memory_space<hbm>> -> memref<80x56xf32, #tpu.memory_space<hbm>>
        tpu.enqueue_dma source(%arg20 : memref<80x56xf32, #tpu.memory_space<vmem>>) target(%dma_start3A_316 : memref<80x56xf32, #tpu.memory_space<hbm>>) target_semaphore(%dma_start3A_314 : memref<!tpu.dma_semaphore, #tpu.memory_space<semaphore_mem>>)
        %mul3A_317 = arith.constant 5 : i32
        %mul3A_318 = arith.muli %mul3A_317, %scan3A_196 : i32
        %add3A_319 = arith.constant 2 : i32
        %add3A_320 = arith.addi %mul3A_318, %add3A_319 : i32
        %mul3A_321 = arith.constant 80 : i32
        %mul3A_322 = arith.muli %add3A_320, %mul3A_321 : i32
        %add3A_323 = arith.addi %mul3A_2, %mul3A_322 : i32
        %dma_wait3A_324 = arith.constant 2 : i32
        %dma_wait3A_325 = arith.constant 0 : i32
        %dma_wait3A_326 = tpu.memref_slice %arg2[%add3A_323] : memref<640000xi32, #tpu.memory_space<hbm>> -> memref<80xi32, #tpu.memory_space<hbm>>
        %dma_wait3A_327 = tpu.memref_slice %run_scoped3A[%dma_wait3A_324, %dma_wait3A_325] : memref<5x5x!tpu.dma_semaphore, #tpu.memory_space<semaphore_mem>> -> memref<1x1x!tpu.dma_semaphore, #tpu.memory_space<semaphore_mem>>
        %dma_wait3A_328 = tpu.memref_squeeze %dma_wait3A_327 : memref<1x1x!tpu.dma_semaphore, #tpu.memory_space<semaphore_mem>> -> memref<!tpu.dma_semaphore, #tpu.memory_space<semaphore_mem>>
        %dma_wait3A_329 = tpu.memref_slice %arg2[%add3A_323] : memref<640000xi32, #tpu.memory_space<hbm>> -> memref<80xi32, #tpu.memory_space<hbm>>
        tpu.wait_dma2 semaphore(%dma_wait3A_328 : memref<!tpu.dma_semaphore, #tpu.memory_space<semaphore_mem>>) src(%dma_wait3A_329 : memref<80xi32, #tpu.memory_space<hbm>>) dst(%arg21 : memref<80xi32, #tpu.memory_space<vmem>>)
        %dma_wait3A_330 = arith.constant 2 : i32
        %dma_wait3A_331 = arith.constant 1 : i32
        %dma_wait3A_332 = tpu.memref_slice %arg3[%add3A_323] : memref<640000xi32, #tpu.memory_space<hbm>> -> memref<80xi32, #tpu.memory_space<hbm>>
        %dma_wait3A_333 = tpu.memref_slice %run_scoped3A[%dma_wait3A_330, %dma_wait3A_331] : memref<5x5x!tpu.dma_semaphore, #tpu.memory_space<semaphore_mem>> -> memref<1x1x!tpu.dma_semaphore, #tpu.memory_space<semaphore_mem>>
        %dma_wait3A_334 = tpu.memref_squeeze %dma_wait3A_333 : memref<1x1x!tpu.dma_semaphore, #tpu.memory_space<semaphore_mem>> -> memref<!tpu.dma_semaphore, #tpu.memory_space<semaphore_mem>>
        %dma_wait3A_335 = tpu.memref_slice %arg3[%add3A_323] : memref<640000xi32, #tpu.memory_space<hbm>> -> memref<80xi32, #tpu.memory_space<hbm>>
        tpu.wait_dma2 semaphore(%dma_wait3A_334 : memref<!tpu.dma_semaphore, #tpu.memory_space<semaphore_mem>>) src(%dma_wait3A_335 : memref<80xi32, #tpu.memory_space<hbm>>) dst(%arg22 : memref<80xi32, #tpu.memory_space<vmem>>)
        %dma_wait3A_336 = arith.constant 2 : i32
        %dma_wait3A_337 = arith.constant 2 : i32
        %dma_wait3A_338 = tpu.memref_slice %arg4[%add3A_323] : memref<640000xi32, #tpu.memory_space<hbm>> -> memref<80xi32, #tpu.memory_space<hbm>>
        %dma_wait3A_339 = tpu.memref_slice %run_scoped3A[%dma_wait3A_336, %dma_wait3A_337] : memref<5x5x!tpu.dma_semaphore, #tpu.memory_space<semaphore_mem>> -> memref<1x1x!tpu.dma_semaphore, #tpu.memory_space<semaphore_mem>>
        %dma_wait3A_340 = tpu.memref_squeeze %dma_wait3A_339 : memref<1x1x!tpu.dma_semaphore, #tpu.memory_space<semaphore_mem>> -> memref<!tpu.dma_semaphore, #tpu.memory_space<semaphore_mem>>
        %dma_wait3A_341 = tpu.memref_slice %arg4[%add3A_323] : memref<640000xi32, #tpu.memory_space<hbm>> -> memref<80xi32, #tpu.memory_space<hbm>>
        tpu.wait_dma2 semaphore(%dma_wait3A_340 : memref<!tpu.dma_semaphore, #tpu.memory_space<semaphore_mem>>) src(%dma_wait3A_341 : memref<80xi32, #tpu.memory_space<hbm>>) dst(%arg23 : memref<80xi32, #tpu.memory_space<vmem>>)
        %dma_wait3A_342 = arith.constant 2 : i32
        %dma_wait3A_343 = arith.constant 3 : i32
        %dma_wait3A_344 = arith.constant 0 : i32
        %dma_wait3A_345 = tpu.memref_slice %arg5[%add3A_323, %dma_wait3A_344] : memref<640000x16xf32, #tpu.memory_space<hbm>> -> memref<80x16xf32, #tpu.memory_space<hbm>>
        %dma_wait3A_346 = tpu.memref_slice %run_scoped3A[%dma_wait3A_342, %dma_wait3A_343] : memref<5x5x!tpu.dma_semaphore, #tpu.memory_space<semaphore_mem>> -> memref<1x1x!tpu.dma_semaphore, #tpu.memory_space<semaphore_mem>>
        %dma_wait3A_347 = tpu.memref_squeeze %dma_wait3A_346 : memref<1x1x!tpu.dma_semaphore, #tpu.memory_space<semaphore_mem>> -> memref<!tpu.dma_semaphore, #tpu.memory_space<semaphore_mem>>
        %dma_wait3A_348 = arith.constant 0 : i32
        %dma_wait3A_349 = tpu.memref_slice %arg5[%add3A_323, %dma_wait3A_348] : memref<640000x16xf32, #tpu.memory_space<hbm>> -> memref<80x16xf32, #tpu.memory_space<hbm>>
        tpu.wait_dma2 semaphore(%dma_wait3A_347 : memref<!tpu.dma_semaphore, #tpu.memory_space<semaphore_mem>>) src(%dma_wait3A_349 : memref<80x16xf32, #tpu.memory_space<hbm>>) dst(%arg24 : memref<80x16xf32, #tpu.memory_space<vmem>>)
        %gt3A_350 = arith.constant 0 : i32
        %gt3A_351 = arith.cmpi sgt, %scan3A_196, %gt3A_350 : i32
        %convert_element_type3A_352 = arith.extui %gt3A_351 : i1 to i32
        %cond3A_353 = arith.constant 0 : i32
        %cond3A_354 = arith.cmpi ne, %convert_element_type3A_352, %cond3A_353 : i32
        scf.if %cond3A_354 {
          %sub3A = arith.constant 5 : i32
          %sub3A_503 = arith.subi %add3A_320, %sub3A : i32
          %mul3A_504 = arith.constant 80 : i32
          %mul3A_505 = arith.muli %sub3A_503, %mul3A_504 : i32
          %add3A_506 = arith.addi %mul3A_2, %mul3A_505 : i32
          %dma_wait3A_507 = arith.constant 2 : i32
          %dma_wait3A_508 = arith.constant 4 : i32
          %dma_wait3A_509 = arith.constant 0 : i32
          %dma_wait3A_510 = tpu.memref_slice %arg8[%add3A_506, %dma_wait3A_509] : memref<640000x56xf32, #tpu.memory_space<hbm>> -> memref<80x56xf32, #tpu.memory_space<hbm>>
          %dma_wait3A_511 = tpu.memref_slice %run_scoped3A[%dma_wait3A_507, %dma_wait3A_508] : memref<5x5x!tpu.dma_semaphore, #tpu.memory_space<semaphore_mem>> -> memref<1x1x!tpu.dma_semaphore, #tpu.memory_space<semaphore_mem>>
          %dma_wait3A_512 = tpu.memref_squeeze %dma_wait3A_511 : memref<1x1x!tpu.dma_semaphore, #tpu.memory_space<semaphore_mem>> -> memref<!tpu.dma_semaphore, #tpu.memory_space<semaphore_mem>>
          %dma_wait3A_513 = arith.constant 0 : i32
          %dma_wait3A_514 = tpu.memref_slice %arg8[%add3A_506, %dma_wait3A_513] : memref<640000x56xf32, #tpu.memory_space<hbm>> -> memref<80x56xf32, #tpu.memory_space<hbm>>
          tpu.wait_dma2 semaphore(%dma_wait3A_512 : memref<!tpu.dma_semaphore, #tpu.memory_space<semaphore_mem>>) src(%arg25 : memref<80x56xf32, #tpu.memory_space<vmem>>) dst(%dma_wait3A_514 : memref<80x56xf32, #tpu.memory_space<hbm>>)
        } else {
        }
        %scan3A_355 = arith.constant 0 : i32
        %scan3A_356 = arith.constant 0 : i32
        %scan3A_357 = arith.constant 5 : i32
        %scan3A_358 = arith.addi %scan3A_356, %scan3A_357 : i32
        %scan3A_359 = arith.constant 1 : i32
        scf.for %scan3A_503 = %scan3A_356 to %scan3A_358 step %scan3A_359  : i32 {
          %mul3A_504 = arith.constant 16 : i32
          %mul3A_505 = arith.muli %scan3A_503, %mul3A_504 : i32
          %get3A = arith.index_cast %mul3A_505 : i32 to index
          %get3A_506 = tpu.vector_load %arg21[%get3A] {strides = array<i32>} : memref<80xi32, #tpu.memory_space<vmem>>, vector<16xi32>,
          %mul3A_507 = arith.constant 16 : i32
          %mul3A_508 = vector.broadcast %mul3A_507 : i32 to vector<16xi32>
          %mul3A_509 = arith.muli %get3A_506, %mul3A_508 : vector<16xi32>
          %get3A_510 = arith.index_cast %mul3A_505 : i32 to index
          %get3A_511 = tpu.vector_load %arg22[%get3A_510] {strides = array<i32>} : memref<80xi32, #tpu.memory_space<vmem>>, vector<16xi32>,
          %mul3A_512 = arith.constant 16 : i32
          %mul3A_513 = vector.broadcast %mul3A_512 : i32 to vector<16xi32>
          %mul3A_514 = arith.muli %get3A_511, %mul3A_513 : vector<16xi32>
          %get3A_515 = arith.index_cast %mul3A_505 : i32 to index
          %get3A_516 = tpu.vector_load %arg23[%get3A_515] {strides = array<i32>} : memref<80xi32, #tpu.memory_space<vmem>>, vector<16xi32>,
          %mul3A_517 = arith.constant 16 : i32
          %mul3A_518 = vector.broadcast %mul3A_517 : i32 to vector<16xi32>
          %mul3A_519 = arith.muli %get3A_516, %mul3A_518 : vector<16xi32>
          %add3A_520 = arith.constant 0 : i32
          %add3A_521 = arith.addi %mul3A_505, %add3A_520 : i32
          %add3A_522 = arith.constant 0 : i32
          %add3A_523 = arith.addi %add3A_521, %add3A_522 : i32
          %slice3A = vector.extract_strided_slice %mul3A_509 {offsets = [0], sizes = [1], strides = [1]} : vector<16xi32> to vector<1xi32>
          %squeeze3A = vector.extract %slice3A[0] : i32 from vector<1xi32>
          %get3A_524 = arith.index_cast %squeeze3A : i32 to index
          %get3A_525 = tpu.vector_load %arg9[%get3A_524] {strides = array<i32>} : memref<3200xf32, #tpu.memory_space<vmem>>, vector<16xf32>,
          %slice3A_526 = vector.extract_strided_slice %mul3A_514 {offsets = [0], sizes = [1], strides = [1]} : vector<16xi32> to vector<1xi32>
          %squeeze3A_527 = vector.extract %slice3A_526[0] : i32 from vector<1xi32>
          %get3A_528 = arith.index_cast %squeeze3A_527 : i32 to index
          %get3A_529 = tpu.vector_load %arg9[%get3A_528] {strides = array<i32>} : memref<3200xf32, #tpu.memory_space<vmem>>, vector<16xf32>,
          %slice3A_530 = vector.extract_strided_slice %mul3A_519 {offsets = [0], sizes = [1], strides = [1]} : vector<16xi32> to vector<1xi32>
          %squeeze3A_531 = vector.extract %slice3A_530[0] : i32 from vector<1xi32>
          %get3A_532 = arith.index_cast %squeeze3A_531 : i32 to index
          %get3A_533 = tpu.vector_load %arg10[%get3A_532] {strides = array<i32>} : memref<512xf32, #tpu.memory_space<vmem>>, vector<16xf32>,
          %get3A_534 = arith.index_cast %add3A_523 : i32 to index
          %get3A_535 = arith.constant 0 : index
          %get3A_536 = tpu.vector_load %arg24[%get3A_534, %get3A_535] {strides = array<i32>} : memref<80x16xf32, #tpu.memory_space<vmem>>, vector<16xf32>,
          %add3A_537 = arith.constant 0 : i32
          %add3A_538 = arith.addi %mul3A_505, %add3A_537 : i32
          %add3A_539 = arith.constant 1 : i32
          %add3A_540 = arith.addi %add3A_538, %add3A_539 : i32
          %slice3A_541 = vector.extract_strided_slice %mul3A_509 {offsets = [1], sizes = [1], strides = [1]} : vector<16xi32> to vector<1xi32>
          %squeeze3A_542 = vector.extract %slice3A_541[0] : i32 from vector<1xi32>
          %get3A_543 = arith.index_cast %squeeze3A_542 : i32 to index
          %get3A_544 = tpu.vector_load %arg9[%get3A_543] {strides = array<i32>} : memref<3200xf32, #tpu.memory_space<vmem>>, vector<16xf32>,
          %slice3A_545 = vector.extract_strided_slice %mul3A_514 {offsets = [1], sizes = [1], strides = [1]} : vector<16xi32> to vector<1xi32>
          %squeeze3A_546 = vector.extract %slice3A_545[0] : i32 from vector<1xi32>
          %get3A_547 = arith.index_cast %squeeze3A_546 : i32 to index
          %get3A_548 = tpu.vector_load %arg9[%get3A_547] {strides = array<i32>} : memref<3200xf32, #tpu.memory_space<vmem>>, vector<16xf32>,
          %slice3A_549 = vector.extract_strided_slice %mul3A_519 {offsets = [1], sizes = [1], strides = [1]} : vector<16xi32> to vector<1xi32>
          %squeeze3A_550 = vector.extract %slice3A_549[0] : i32 from vector<1xi32>
          %get3A_551 = arith.index_cast %squeeze3A_550 : i32 to index
          %get3A_552 = tpu.vector_load %arg10[%get3A_551] {strides = array<i32>} : memref<512xf32, #tpu.memory_space<vmem>>, vector<16xf32>,
          %get3A_553 = arith.index_cast %add3A_540 : i32 to index
          %get3A_554 = arith.constant 0 : index
          %get3A_555 = tpu.vector_load %arg24[%get3A_553, %get3A_554] {strides = array<i32>} : memref<80x16xf32, #tpu.memory_space<vmem>>, vector<16xf32>,
          %add3A_556 = arith.constant 0 : i32
          %add3A_557 = arith.addi %mul3A_505, %add3A_556 : i32
          %add3A_558 = arith.constant 2 : i32
          %add3A_559 = arith.addi %add3A_557, %add3A_558 : i32
          %slice3A_560 = vector.extract_strided_slice %mul3A_509 {offsets = [2], sizes = [1], strides = [1]} : vector<16xi32> to vector<1xi32>
          %squeeze3A_561 = vector.extract %slice3A_560[0] : i32 from vector<1xi32>
          %get3A_562 = arith.index_cast %squeeze3A_561 : i32 to index
          %get3A_563 = tpu.vector_load %arg9[%get3A_562] {strides = array<i32>} : memref<3200xf32, #tpu.memory_space<vmem>>, vector<16xf32>,
          %slice3A_564 = vector.extract_strided_slice %mul3A_514 {offsets = [2], sizes = [1], strides = [1]} : vector<16xi32> to vector<1xi32>
          %squeeze3A_565 = vector.extract %slice3A_564[0] : i32 from vector<1xi32>
          %get3A_566 = arith.index_cast %squeeze3A_565 : i32 to index
          %get3A_567 = tpu.vector_load %arg9[%get3A_566] {strides = array<i32>} : memref<3200xf32, #tpu.memory_space<vmem>>, vector<16xf32>,
          %slice3A_568 = vector.extract_strided_slice %mul3A_519 {offsets = [2], sizes = [1], strides = [1]} : vector<16xi32> to vector<1xi32>
          %squeeze3A_569 = vector.extract %slice3A_568[0] : i32 from vector<1xi32>
          %get3A_570 = arith.index_cast %squeeze3A_569 : i32 to index
          %get3A_571 = tpu.vector_load %arg10[%get3A_570] {strides = array<i32>} : memref<512xf32, #tpu.memory_space<vmem>>, vector<16xf32>,
          %get3A_572 = arith.index_cast %add3A_559 : i32 to index
          %get3A_573 = arith.constant 0 : index
          %get3A_574 = tpu.vector_load %arg24[%get3A_572, %get3A_573] {strides = array<i32>} : memref<80x16xf32, #tpu.memory_space<vmem>>, vector<16xf32>,
          %add3A_575 = arith.constant 0 : i32
          %add3A_576 = arith.addi %mul3A_505, %add3A_575 : i32
          %add3A_577 = arith.constant 3 : i32
          %add3A_578 = arith.addi %add3A_576, %add3A_577 : i32
          %slice3A_579 = vector.extract_strided_slice %mul3A_509 {offsets = [3], sizes = [1], strides = [1]} : vector<16xi32> to vector<1xi32>
          %squeeze3A_580 = vector.extract %slice3A_579[0] : i32 from vector<1xi32>
          %get3A_581 = arith.index_cast %squeeze3A_580 : i32 to index
          %get3A_582 = tpu.vector_load %arg9[%get3A_581] {strides = array<i32>} : memref<3200xf32, #tpu.memory_space<vmem>>, vector<16xf32>,
          %slice3A_583 = vector.extract_strided_slice %mul3A_514 {offsets = [3], sizes = [1], strides = [1]} : vector<16xi32> to vector<1xi32>
          %squeeze3A_584 = vector.extract %slice3A_583[0] : i32 from vector<1xi32>
          %get3A_585 = arith.index_cast %squeeze3A_584 : i32 to index
          %get3A_586 = tpu.vector_load %arg9[%get3A_585] {strides = array<i32>} : memref<3200xf32, #tpu.memory_space<vmem>>, vector<16xf32>,
          %slice3A_587 = vector.extract_strided_slice %mul3A_519 {offsets = [3], sizes = [1], strides = [1]} : vector<16xi32> to vector<1xi32>
          %squeeze3A_588 = vector.extract %slice3A_587[0] : i32 from vector<1xi32>
          %get3A_589 = arith.index_cast %squeeze3A_588 : i32 to index
          %get3A_590 = tpu.vector_load %arg10[%get3A_589] {strides = array<i32>} : memref<512xf32, #tpu.memory_space<vmem>>, vector<16xf32>,
          %get3A_591 = arith.index_cast %add3A_578 : i32 to index
          %get3A_592 = arith.constant 0 : index
          %get3A_593 = tpu.vector_load %arg24[%get3A_591, %get3A_592] {strides = array<i32>} : memref<80x16xf32, #tpu.memory_space<vmem>>, vector<16xf32>,
          %add3A_594 = arith.constant 0 : i32
          %add3A_595 = arith.addi %mul3A_505, %add3A_594 : i32
          %add3A_596 = arith.constant 4 : i32
          %add3A_597 = arith.addi %add3A_595, %add3A_596 : i32
          %slice3A_598 = vector.extract_strided_slice %mul3A_509 {offsets = [4], sizes = [1], strides = [1]} : vector<16xi32> to vector<1xi32>
          %squeeze3A_599 = vector.extract %slice3A_598[0] : i32 from vector<1xi32>
          %get3A_600 = arith.index_cast %squeeze3A_599 : i32 to index
          %get3A_601 = tpu.vector_load %arg9[%get3A_600] {strides = array<i32>} : memref<3200xf32, #tpu.memory_space<vmem>>, vector<16xf32>,
          %slice3A_602 = vector.extract_strided_slice %mul3A_514 {offsets = [4], sizes = [1], strides = [1]} : vector<16xi32> to vector<1xi32>
          %squeeze3A_603 = vector.extract %slice3A_602[0] : i32 from vector<1xi32>
          %get3A_604 = arith.index_cast %squeeze3A_603 : i32 to index
          %get3A_605 = tpu.vector_load %arg9[%get3A_604] {strides = array<i32>} : memref<3200xf32, #tpu.memory_space<vmem>>, vector<16xf32>,
          %slice3A_606 = vector.extract_strided_slice %mul3A_519 {offsets = [4], sizes = [1], strides = [1]} : vector<16xi32> to vector<1xi32>
          %squeeze3A_607 = vector.extract %slice3A_606[0] : i32 from vector<1xi32>
          %get3A_608 = arith.index_cast %squeeze3A_607 : i32 to index
          %get3A_609 = tpu.vector_load %arg10[%get3A_608] {strides = array<i32>} : memref<512xf32, #tpu.memory_space<vmem>>, vector<16xf32>,
          %get3A_610 = arith.index_cast %add3A_597 : i32 to index
          %get3A_611 = arith.constant 0 : index
          %get3A_612 = tpu.vector_load %arg24[%get3A_610, %get3A_611] {strides = array<i32>} : memref<80x16xf32, #tpu.memory_space<vmem>>, vector<16xf32>,
          %add3A_613 = arith.constant 0 : i32
          %add3A_614 = arith.addi %mul3A_505, %add3A_613 : i32
          %add3A_615 = arith.constant 5 : i32
          %add3A_616 = arith.addi %add3A_614, %add3A_615 : i32
          %slice3A_617 = vector.extract_strided_slice %mul3A_509 {offsets = [5], sizes = [1], strides = [1]} : vector<16xi32> to vector<1xi32>
          %squeeze3A_618 = vector.extract %slice3A_617[0] : i32 from vector<1xi32>
          %get3A_619 = arith.index_cast %squeeze3A_618 : i32 to index
          %get3A_620 = tpu.vector_load %arg9[%get3A_619] {strides = array<i32>} : memref<3200xf32, #tpu.memory_space<vmem>>, vector<16xf32>,
          %slice3A_621 = vector.extract_strided_slice %mul3A_514 {offsets = [5], sizes = [1], strides = [1]} : vector<16xi32> to vector<1xi32>
          %squeeze3A_622 = vector.extract %slice3A_621[0] : i32 from vector<1xi32>
          %get3A_623 = arith.index_cast %squeeze3A_622 : i32 to index
          %get3A_624 = tpu.vector_load %arg9[%get3A_623] {strides = array<i32>} : memref<3200xf32, #tpu.memory_space<vmem>>, vector<16xf32>,
          %slice3A_625 = vector.extract_strided_slice %mul3A_519 {offsets = [5], sizes = [1], strides = [1]} : vector<16xi32> to vector<1xi32>
          %squeeze3A_626 = vector.extract %slice3A_625[0] : i32 from vector<1xi32>
          %get3A_627 = arith.index_cast %squeeze3A_626 : i32 to index
          %get3A_628 = tpu.vector_load %arg10[%get3A_627] {strides = array<i32>} : memref<512xf32, #tpu.memory_space<vmem>>, vector<16xf32>,
          %get3A_629 = arith.index_cast %add3A_616 : i32 to index
          %get3A_630 = arith.constant 0 : index
          %get3A_631 = tpu.vector_load %arg24[%get3A_629, %get3A_630] {strides = array<i32>} : memref<80x16xf32, #tpu.memory_space<vmem>>, vector<16xf32>,
          %add3A_632 = arith.constant 0 : i32
          %add3A_633 = arith.addi %mul3A_505, %add3A_632 : i32
          %add3A_634 = arith.constant 6 : i32
          %add3A_635 = arith.addi %add3A_633, %add3A_634 : i32
          %slice3A_636 = vector.extract_strided_slice %mul3A_509 {offsets = [6], sizes = [1], strides = [1]} : vector<16xi32> to vector<1xi32>
          %squeeze3A_637 = vector.extract %slice3A_636[0] : i32 from vector<1xi32>
          %get3A_638 = arith.index_cast %squeeze3A_637 : i32 to index
          %get3A_639 = tpu.vector_load %arg9[%get3A_638] {strides = array<i32>} : memref<3200xf32, #tpu.memory_space<vmem>>, vector<16xf32>,
          %slice3A_640 = vector.extract_strided_slice %mul3A_514 {offsets = [6], sizes = [1], strides = [1]} : vector<16xi32> to vector<1xi32>
          %squeeze3A_641 = vector.extract %slice3A_640[0] : i32 from vector<1xi32>
          %get3A_642 = arith.index_cast %squeeze3A_641 : i32 to index
          %get3A_643 = tpu.vector_load %arg9[%get3A_642] {strides = array<i32>} : memref<3200xf32, #tpu.memory_space<vmem>>, vector<16xf32>,
          %slice3A_644 = vector.extract_strided_slice %mul3A_519 {offsets = [6], sizes = [1], strides = [1]} : vector<16xi32> to vector<1xi32>
          %squeeze3A_645 = vector.extract %slice3A_644[0] : i32 from vector<1xi32>
          %get3A_646 = arith.index_cast %squeeze3A_645 : i32 to index
          %get3A_647 = tpu.vector_load %arg10[%get3A_646] {strides = array<i32>} : memref<512xf32, #tpu.memory_space<vmem>>, vector<16xf32>,
          %get3A_648 = arith.index_cast %add3A_635 : i32 to index
          %get3A_649 = arith.constant 0 : index
          %get3A_650 = tpu.vector_load %arg24[%get3A_648, %get3A_649] {strides = array<i32>} : memref<80x16xf32, #tpu.memory_space<vmem>>, vector<16xf32>,
          %add3A_651 = arith.constant 0 : i32
          %add3A_652 = arith.addi %mul3A_505, %add3A_651 : i32
          %add3A_653 = arith.constant 7 : i32
          %add3A_654 = arith.addi %add3A_652, %add3A_653 : i32
          %slice3A_655 = vector.extract_strided_slice %mul3A_509 {offsets = [7], sizes = [1], strides = [1]} : vector<16xi32> to vector<1xi32>
          %squeeze3A_656 = vector.extract %slice3A_655[0] : i32 from vector<1xi32>
          %get3A_657 = arith.index_cast %squeeze3A_656 : i32 to index
          %get3A_658 = tpu.vector_load %arg9[%get3A_657] {strides = array<i32>} : memref<3200xf32, #tpu.memory_space<vmem>>, vector<16xf32>,
          %slice3A_659 = vector.extract_strided_slice %mul3A_514 {offsets = [7], sizes = [1], strides = [1]} : vector<16xi32> to vector<1xi32>
          %squeeze3A_660 = vector.extract %slice3A_659[0] : i32 from vector<1xi32>
          %get3A_661 = arith.index_cast %squeeze3A_660 : i32 to index
          %get3A_662 = tpu.vector_load %arg9[%get3A_661] {strides = array<i32>} : memref<3200xf32, #tpu.memory_space<vmem>>, vector<16xf32>,
          %slice3A_663 = vector.extract_strided_slice %mul3A_519 {offsets = [7], sizes = [1], strides = [1]} : vector<16xi32> to vector<1xi32>
          %squeeze3A_664 = vector.extract %slice3A_663[0] : i32 from vector<1xi32>
          %get3A_665 = arith.index_cast %squeeze3A_664 : i32 to index
          %get3A_666 = tpu.vector_load %arg10[%get3A_665] {strides = array<i32>} : memref<512xf32, #tpu.memory_space<vmem>>, vector<16xf32>,
          %get3A_667 = arith.index_cast %add3A_654 : i32 to index
          %get3A_668 = arith.constant 0 : index
          %get3A_669 = tpu.vector_load %arg24[%get3A_667, %get3A_668] {strides = array<i32>} : memref<80x16xf32, #tpu.memory_space<vmem>>, vector<16xf32>,
          %add3A_670 = arith.constant 0 : i32
          %add3A_671 = arith.addi %mul3A_505, %add3A_670 : i32
          %add3A_672 = arith.constant 0 : i32
          %add3A_673 = arith.addi %add3A_671, %add3A_672 : i32
          %swap3A = arith.index_cast %add3A_673 : i32 to index
          %swap3A_674 = arith.constant 0 : index
          %swap3A_675 = tpu.vector_load %arg25[%swap3A, %swap3A_674] {strides = array<i32>} : memref<80x56xf32, #tpu.memory_space<vmem>>, vector<16xf32>,
          tpu.vector_store %arg25[%swap3A, %swap3A_674], %get3A_525 {strides = array<i32>} : memref<80x56xf32, #tpu.memory_space<vmem>>, vector<16xf32>,
          %swap3A_676 = arith.index_cast %add3A_673 : i32 to index
          %swap3A_677 = arith.constant 16 : index
          %swap3A_678 = tpu.vector_load %arg25[%swap3A_676, %swap3A_677] {strides = array<i32>} : memref<80x56xf32, #tpu.memory_space<vmem>>, vector<16xf32>,
          tpu.vector_store %arg25[%swap3A_676, %swap3A_677], %get3A_529 {strides = array<i32>} : memref<80x56xf32, #tpu.memory_space<vmem>>, vector<16xf32>,
          %swap3A_679 = arith.index_cast %add3A_673 : i32 to index
          %swap3A_680 = arith.constant 32 : index
          %swap3A_681 = tpu.vector_load %arg25[%swap3A_679, %swap3A_680] {strides = array<i32>} : memref<80x56xf32, #tpu.memory_space<vmem>>, vector<16xf32>,
          tpu.vector_store %arg25[%swap3A_679, %swap3A_680], %get3A_533 {strides = array<i32>} : memref<80x56xf32, #tpu.memory_space<vmem>>, vector<16xf32>,
          %swap3A_682 = arith.index_cast %add3A_673 : i32 to index
          %swap3A_683 = arith.constant 40 : index
          %swap3A_684 = tpu.vector_load %arg25[%swap3A_682, %swap3A_683] {strides = array<i32>} : memref<80x56xf32, #tpu.memory_space<vmem>>, vector<16xf32>,
          tpu.vector_store %arg25[%swap3A_682, %swap3A_683], %get3A_536 {strides = array<i32>} : memref<80x56xf32, #tpu.memory_space<vmem>>, vector<16xf32>,
          %add3A_685 = arith.constant 0 : i32
          %add3A_686 = arith.addi %mul3A_505, %add3A_685 : i32
          %add3A_687 = arith.constant 1 : i32
          %add3A_688 = arith.addi %add3A_686, %add3A_687 : i32
          %swap3A_689 = arith.index_cast %add3A_688 : i32 to index
          %swap3A_690 = arith.constant 0 : index
          %swap3A_691 = tpu.vector_load %arg25[%swap3A_689, %swap3A_690] {strides = array<i32>} : memref<80x56xf32, #tpu.memory_space<vmem>>, vector<16xf32>,
          tpu.vector_store %arg25[%swap3A_689, %swap3A_690], %get3A_544 {strides = array<i32>} : memref<80x56xf32, #tpu.memory_space<vmem>>, vector<16xf32>,
          %swap3A_692 = arith.index_cast %add3A_688 : i32 to index
          %swap3A_693 = arith.constant 16 : index
          %swap3A_694 = tpu.vector_load %arg25[%swap3A_692, %swap3A_693] {strides = array<i32>} : memref<80x56xf32, #tpu.memory_space<vmem>>, vector<16xf32>,
          tpu.vector_store %arg25[%swap3A_692, %swap3A_693], %get3A_548 {strides = array<i32>} : memref<80x56xf32, #tpu.memory_space<vmem>>, vector<16xf32>,
          %swap3A_695 = arith.index_cast %add3A_688 : i32 to index
          %swap3A_696 = arith.constant 32 : index
          %swap3A_697 = tpu.vector_load %arg25[%swap3A_695, %swap3A_696] {strides = array<i32>} : memref<80x56xf32, #tpu.memory_space<vmem>>, vector<16xf32>,
          tpu.vector_store %arg25[%swap3A_695, %swap3A_696], %get3A_552 {strides = array<i32>} : memref<80x56xf32, #tpu.memory_space<vmem>>, vector<16xf32>,
          %swap3A_698 = arith.index_cast %add3A_688 : i32 to index
          %swap3A_699 = arith.constant 40 : index
          %swap3A_700 = tpu.vector_load %arg25[%swap3A_698, %swap3A_699] {strides = array<i32>} : memref<80x56xf32, #tpu.memory_space<vmem>>, vector<16xf32>,
          tpu.vector_store %arg25[%swap3A_698, %swap3A_699], %get3A_555 {strides = array<i32>} : memref<80x56xf32, #tpu.memory_space<vmem>>, vector<16xf32>,
          %add3A_701 = arith.constant 0 : i32
          %add3A_702 = arith.addi %mul3A_505, %add3A_701 : i32
          %add3A_703 = arith.constant 2 : i32
          %add3A_704 = arith.addi %add3A_702, %add3A_703 : i32
          %swap3A_705 = arith.index_cast %add3A_704 : i32 to index
          %swap3A_706 = arith.constant 0 : index
          %swap3A_707 = tpu.vector_load %arg25[%swap3A_705, %swap3A_706] {strides = array<i32>} : memref<80x56xf32, #tpu.memory_space<vmem>>, vector<16xf32>,
          tpu.vector_store %arg25[%swap3A_705, %swap3A_706], %get3A_563 {strides = array<i32>} : memref<80x56xf32, #tpu.memory_space<vmem>>, vector<16xf32>,
          %swap3A_708 = arith.index_cast %add3A_704 : i32 to index
          %swap3A_709 = arith.constant 16 : index
          %swap3A_710 = tpu.vector_load %arg25[%swap3A_708, %swap3A_709] {strides = array<i32>} : memref<80x56xf32, #tpu.memory_space<vmem>>, vector<16xf32>,
          tpu.vector_store %arg25[%swap3A_708, %swap3A_709], %get3A_567 {strides = array<i32>} : memref<80x56xf32, #tpu.memory_space<vmem>>, vector<16xf32>,
          %swap3A_711 = arith.index_cast %add3A_704 : i32 to index
          %swap3A_712 = arith.constant 32 : index
          %swap3A_713 = tpu.vector_load %arg25[%swap3A_711, %swap3A_712] {strides = array<i32>} : memref<80x56xf32, #tpu.memory_space<vmem>>, vector<16xf32>,
          tpu.vector_store %arg25[%swap3A_711, %swap3A_712], %get3A_571 {strides = array<i32>} : memref<80x56xf32, #tpu.memory_space<vmem>>, vector<16xf32>,
          %swap3A_714 = arith.index_cast %add3A_704 : i32 to index
          %swap3A_715 = arith.constant 40 : index
          %swap3A_716 = tpu.vector_load %arg25[%swap3A_714, %swap3A_715] {strides = array<i32>} : memref<80x56xf32, #tpu.memory_space<vmem>>, vector<16xf32>,
          tpu.vector_store %arg25[%swap3A_714, %swap3A_715], %get3A_574 {strides = array<i32>} : memref<80x56xf32, #tpu.memory_space<vmem>>, vector<16xf32>,
          %add3A_717 = arith.constant 0 : i32
          %add3A_718 = arith.addi %mul3A_505, %add3A_717 : i32
          %add3A_719 = arith.constant 3 : i32
          %add3A_720 = arith.addi %add3A_718, %add3A_719 : i32
          %swap3A_721 = arith.index_cast %add3A_720 : i32 to index
          %swap3A_722 = arith.constant 0 : index
          %swap3A_723 = tpu.vector_load %arg25[%swap3A_721, %swap3A_722] {strides = array<i32>} : memref<80x56xf32, #tpu.memory_space<vmem>>, vector<16xf32>,
          tpu.vector_store %arg25[%swap3A_721, %swap3A_722], %get3A_582 {strides = array<i32>} : memref<80x56xf32, #tpu.memory_space<vmem>>, vector<16xf32>,
          %swap3A_724 = arith.index_cast %add3A_720 : i32 to index
          %swap3A_725 = arith.constant 16 : index
          %swap3A_726 = tpu.vector_load %arg25[%swap3A_724, %swap3A_725] {strides = array<i32>} : memref<80x56xf32, #tpu.memory_space<vmem>>, vector<16xf32>,
          tpu.vector_store %arg25[%swap3A_724, %swap3A_725], %get3A_586 {strides = array<i32>} : memref<80x56xf32, #tpu.memory_space<vmem>>, vector<16xf32>,
          %swap3A_727 = arith.index_cast %add3A_720 : i32 to index
          %swap3A_728 = arith.constant 32 : index
          %swap3A_729 = tpu.vector_load %arg25[%swap3A_727, %swap3A_728] {strides = array<i32>} : memref<80x56xf32, #tpu.memory_space<vmem>>, vector<16xf32>,
          tpu.vector_store %arg25[%swap3A_727, %swap3A_728], %get3A_590 {strides = array<i32>} : memref<80x56xf32, #tpu.memory_space<vmem>>, vector<16xf32>,
          %swap3A_730 = arith.index_cast %add3A_720 : i32 to index
          %swap3A_731 = arith.constant 40 : index
          %swap3A_732 = tpu.vector_load %arg25[%swap3A_730, %swap3A_731] {strides = array<i32>} : memref<80x56xf32, #tpu.memory_space<vmem>>, vector<16xf32>,
          tpu.vector_store %arg25[%swap3A_730, %swap3A_731], %get3A_593 {strides = array<i32>} : memref<80x56xf32, #tpu.memory_space<vmem>>, vector<16xf32>,
          %add3A_733 = arith.constant 0 : i32
          %add3A_734 = arith.addi %mul3A_505, %add3A_733 : i32
          %add3A_735 = arith.constant 4 : i32
          %add3A_736 = arith.addi %add3A_734, %add3A_735 : i32
          %swap3A_737 = arith.index_cast %add3A_736 : i32 to index
          %swap3A_738 = arith.constant 0 : index
          %swap3A_739 = tpu.vector_load %arg25[%swap3A_737, %swap3A_738] {strides = array<i32>} : memref<80x56xf32, #tpu.memory_space<vmem>>, vector<16xf32>,
          tpu.vector_store %arg25[%swap3A_737, %swap3A_738], %get3A_601 {strides = array<i32>} : memref<80x56xf32, #tpu.memory_space<vmem>>, vector<16xf32>,
          %swap3A_740 = arith.index_cast %add3A_736 : i32 to index
          %swap3A_741 = arith.constant 16 : index
          %swap3A_742 = tpu.vector_load %arg25[%swap3A_740, %swap3A_741] {strides = array<i32>} : memref<80x56xf32, #tpu.memory_space<vmem>>, vector<16xf32>,
          tpu.vector_store %arg25[%swap3A_740, %swap3A_741], %get3A_605 {strides = array<i32>} : memref<80x56xf32, #tpu.memory_space<vmem>>, vector<16xf32>,
          %swap3A_743 = arith.index_cast %add3A_736 : i32 to index
          %swap3A_744 = arith.constant 32 : index
          %swap3A_745 = tpu.vector_load %arg25[%swap3A_743, %swap3A_744] {strides = array<i32>} : memref<80x56xf32, #tpu.memory_space<vmem>>, vector<16xf32>,
          tpu.vector_store %arg25[%swap3A_743, %swap3A_744], %get3A_609 {strides = array<i32>} : memref<80x56xf32, #tpu.memory_space<vmem>>, vector<16xf32>,
          %swap3A_746 = arith.index_cast %add3A_736 : i32 to index
          %swap3A_747 = arith.constant 40 : index
          %swap3A_748 = tpu.vector_load %arg25[%swap3A_746, %swap3A_747] {strides = array<i32>} : memref<80x56xf32, #tpu.memory_space<vmem>>, vector<16xf32>,
          tpu.vector_store %arg25[%swap3A_746, %swap3A_747], %get3A_612 {strides = array<i32>} : memref<80x56xf32, #tpu.memory_space<vmem>>, vector<16xf32>,
          %add3A_749 = arith.constant 0 : i32
          %add3A_750 = arith.addi %mul3A_505, %add3A_749 : i32
          %add3A_751 = arith.constant 5 : i32
          %add3A_752 = arith.addi %add3A_750, %add3A_751 : i32
          %swap3A_753 = arith.index_cast %add3A_752 : i32 to index
          %swap3A_754 = arith.constant 0 : index
          %swap3A_755 = tpu.vector_load %arg25[%swap3A_753, %swap3A_754] {strides = array<i32>} : memref<80x56xf32, #tpu.memory_space<vmem>>, vector<16xf32>,
          tpu.vector_store %arg25[%swap3A_753, %swap3A_754], %get3A_620 {strides = array<i32>} : memref<80x56xf32, #tpu.memory_space<vmem>>, vector<16xf32>,
          %swap3A_756 = arith.index_cast %add3A_752 : i32 to index
          %swap3A_757 = arith.constant 16 : index
          %swap3A_758 = tpu.vector_load %arg25[%swap3A_756, %swap3A_757] {strides = array<i32>} : memref<80x56xf32, #tpu.memory_space<vmem>>, vector<16xf32>,
          tpu.vector_store %arg25[%swap3A_756, %swap3A_757], %get3A_624 {strides = array<i32>} : memref<80x56xf32, #tpu.memory_space<vmem>>, vector<16xf32>,
          %swap3A_759 = arith.index_cast %add3A_752 : i32 to index
          %swap3A_760 = arith.constant 32 : index
          %swap3A_761 = tpu.vector_load %arg25[%swap3A_759, %swap3A_760] {strides = array<i32>} : memref<80x56xf32, #tpu.memory_space<vmem>>, vector<16xf32>,
          tpu.vector_store %arg25[%swap3A_759, %swap3A_760], %get3A_628 {strides = array<i32>} : memref<80x56xf32, #tpu.memory_space<vmem>>, vector<16xf32>,
          %swap3A_762 = arith.index_cast %add3A_752 : i32 to index
          %swap3A_763 = arith.constant 40 : index
          %swap3A_764 = tpu.vector_load %arg25[%swap3A_762, %swap3A_763] {strides = array<i32>} : memref<80x56xf32, #tpu.memory_space<vmem>>, vector<16xf32>,
          tpu.vector_store %arg25[%swap3A_762, %swap3A_763], %get3A_631 {strides = array<i32>} : memref<80x56xf32, #tpu.memory_space<vmem>>, vector<16xf32>,
          %add3A_765 = arith.constant 0 : i32
          %add3A_766 = arith.addi %mul3A_505, %add3A_765 : i32
          %add3A_767 = arith.constant 6 : i32
          %add3A_768 = arith.addi %add3A_766, %add3A_767 : i32
          %swap3A_769 = arith.index_cast %add3A_768 : i32 to index
          %swap3A_770 = arith.constant 0 : index
          %swap3A_771 = tpu.vector_load %arg25[%swap3A_769, %swap3A_770] {strides = array<i32>} : memref<80x56xf32, #tpu.memory_space<vmem>>, vector<16xf32>,
          tpu.vector_store %arg25[%swap3A_769, %swap3A_770], %get3A_639 {strides = array<i32>} : memref<80x56xf32, #tpu.memory_space<vmem>>, vector<16xf32>,
          %swap3A_772 = arith.index_cast %add3A_768 : i32 to index
          %swap3A_773 = arith.constant 16 : index
          %swap3A_774 = tpu.vector_load %arg25[%swap3A_772, %swap3A_773] {strides = array<i32>} : memref<80x56xf32, #tpu.memory_space<vmem>>, vector<16xf32>,
          tpu.vector_store %arg25[%swap3A_772, %swap3A_773], %get3A_643 {strides = array<i32>} : memref<80x56xf32, #tpu.memory_space<vmem>>, vector<16xf32>,
          %swap3A_775 = arith.index_cast %add3A_768 : i32 to index
          %swap3A_776 = arith.constant 32 : index
          %swap3A_777 = tpu.vector_load %arg25[%swap3A_775, %swap3A_776] {strides = array<i32>} : memref<80x56xf32, #tpu.memory_space<vmem>>, vector<16xf32>,
          tpu.vector_store %arg25[%swap3A_775, %swap3A_776], %get3A_647 {strides = array<i32>} : memref<80x56xf32, #tpu.memory_space<vmem>>, vector<16xf32>,
          %swap3A_778 = arith.index_cast %add3A_768 : i32 to index
          %swap3A_779 = arith.constant 40 : index
          %swap3A_780 = tpu.vector_load %arg25[%swap3A_778, %swap3A_779] {strides = array<i32>} : memref<80x56xf32, #tpu.memory_space<vmem>>, vector<16xf32>,
          tpu.vector_store %arg25[%swap3A_778, %swap3A_779], %get3A_650 {strides = array<i32>} : memref<80x56xf32, #tpu.memory_space<vmem>>, vector<16xf32>,
          %add3A_781 = arith.constant 0 : i32
          %add3A_782 = arith.addi %mul3A_505, %add3A_781 : i32
          %add3A_783 = arith.constant 7 : i32
          %add3A_784 = arith.addi %add3A_782, %add3A_783 : i32
          %swap3A_785 = arith.index_cast %add3A_784 : i32 to index
          %swap3A_786 = arith.constant 0 : index
          %swap3A_787 = tpu.vector_load %arg25[%swap3A_785, %swap3A_786] {strides = array<i32>} : memref<80x56xf32, #tpu.memory_space<vmem>>, vector<16xf32>,
          tpu.vector_store %arg25[%swap3A_785, %swap3A_786], %get3A_658 {strides = array<i32>} : memref<80x56xf32, #tpu.memory_space<vmem>>, vector<16xf32>,
          %swap3A_788 = arith.index_cast %add3A_784 : i32 to index
          %swap3A_789 = arith.constant 16 : index
          %swap3A_790 = tpu.vector_load %arg25[%swap3A_788, %swap3A_789] {strides = array<i32>} : memref<80x56xf32, #tpu.memory_space<vmem>>, vector<16xf32>,
          tpu.vector_store %arg25[%swap3A_788, %swap3A_789], %get3A_662 {strides = array<i32>} : memref<80x56xf32, #tpu.memory_space<vmem>>, vector<16xf32>,
          %swap3A_791 = arith.index_cast %add3A_784 : i32 to index
          %swap3A_792 = arith.constant 32 : index
          %swap3A_793 = tpu.vector_load %arg25[%swap3A_791, %swap3A_792] {strides = array<i32>} : memref<80x56xf32, #tpu.memory_space<vmem>>, vector<16xf32>,
          tpu.vector_store %arg25[%swap3A_791, %swap3A_792], %get3A_666 {strides = array<i32>} : memref<80x56xf32, #tpu.memory_space<vmem>>, vector<16xf32>,
          %swap3A_794 = arith.index_cast %add3A_784 : i32 to index
          %swap3A_795 = arith.constant 40 : index
          %swap3A_796 = tpu.vector_load %arg25[%swap3A_794, %swap3A_795] {strides = array<i32>} : memref<80x56xf32, #tpu.memory_space<vmem>>, vector<16xf32>,
          tpu.vector_store %arg25[%swap3A_794, %swap3A_795], %get3A_669 {strides = array<i32>} : memref<80x56xf32, #tpu.memory_space<vmem>>, vector<16xf32>,
          %add3A_797 = arith.constant 8 : i32
          %add3A_798 = arith.addi %mul3A_505, %add3A_797 : i32
          %add3A_799 = arith.constant 0 : i32
          %add3A_800 = arith.addi %add3A_798, %add3A_799 : i32
          %slice3A_801 = vector.extract_strided_slice %mul3A_509 {offsets = [8], sizes = [1], strides = [1]} : vector<16xi32> to vector<1xi32>
          %squeeze3A_802 = vector.extract %slice3A_801[0] : i32 from vector<1xi32>
          %get3A_803 = arith.index_cast %squeeze3A_802 : i32 to index
          %get3A_804 = tpu.vector_load %arg9[%get3A_803] {strides = array<i32>} : memref<3200xf32, #tpu.memory_space<vmem>>, vector<16xf32>,
          %slice3A_805 = vector.extract_strided_slice %mul3A_514 {offsets = [8], sizes = [1], strides = [1]} : vector<16xi32> to vector<1xi32>
          %squeeze3A_806 = vector.extract %slice3A_805[0] : i32 from vector<1xi32>
          %get3A_807 = arith.index_cast %squeeze3A_806 : i32 to index
          %get3A_808 = tpu.vector_load %arg9[%get3A_807] {strides = array<i32>} : memref<3200xf32, #tpu.memory_space<vmem>>, vector<16xf32>,
          %slice3A_809 = vector.extract_strided_slice %mul3A_519 {offsets = [8], sizes = [1], strides = [1]} : vector<16xi32> to vector<1xi32>
          %squeeze3A_810 = vector.extract %slice3A_809[0] : i32 from vector<1xi32>
          %get3A_811 = arith.index_cast %squeeze3A_810 : i32 to index
          %get3A_812 = tpu.vector_load %arg10[%get3A_811] {strides = array<i32>} : memref<512xf32, #tpu.memory_space<vmem>>, vector<16xf32>,
          %get3A_813 = arith.index_cast %add3A_800 : i32 to index
          %get3A_814 = arith.constant 0 : index
          %get3A_815 = tpu.vector_load %arg24[%get3A_813, %get3A_814] {strides = array<i32>} : memref<80x16xf32, #tpu.memory_space<vmem>>, vector<16xf32>,
          %add3A_816 = arith.constant 8 : i32
          %add3A_817 = arith.addi %mul3A_505, %add3A_816 : i32
          %add3A_818 = arith.constant 1 : i32
          %add3A_819 = arith.addi %add3A_817, %add3A_818 : i32
          %slice3A_820 = vector.extract_strided_slice %mul3A_509 {offsets = [9], sizes = [1], strides = [1]} : vector<16xi32> to vector<1xi32>
          %squeeze3A_821 = vector.extract %slice3A_820[0] : i32 from vector<1xi32>
          %get3A_822 = arith.index_cast %squeeze3A_821 : i32 to index
          %get3A_823 = tpu.vector_load %arg9[%get3A_822] {strides = array<i32>} : memref<3200xf32, #tpu.memory_space<vmem>>, vector<16xf32>,
          %slice3A_824 = vector.extract_strided_slice %mul3A_514 {offsets = [9], sizes = [1], strides = [1]} : vector<16xi32> to vector<1xi32>
          %squeeze3A_825 = vector.extract %slice3A_824[0] : i32 from vector<1xi32>
          %get3A_826 = arith.index_cast %squeeze3A_825 : i32 to index
          %get3A_827 = tpu.vector_load %arg9[%get3A_826] {strides = array<i32>} : memref<3200xf32, #tpu.memory_space<vmem>>, vector<16xf32>,
          %slice3A_828 = vector.extract_strided_slice %mul3A_519 {offsets = [9], sizes = [1], strides = [1]} : vector<16xi32> to vector<1xi32>
          %squeeze3A_829 = vector.extract %slice3A_828[0] : i32 from vector<1xi32>
          %get3A_830 = arith.index_cast %squeeze3A_829 : i32 to index
          %get3A_831 = tpu.vector_load %arg10[%get3A_830] {strides = array<i32>} : memref<512xf32, #tpu.memory_space<vmem>>, vector<16xf32>,
          %get3A_832 = arith.index_cast %add3A_819 : i32 to index
          %get3A_833 = arith.constant 0 : index
          %get3A_834 = tpu.vector_load %arg24[%get3A_832, %get3A_833] {strides = array<i32>} : memref<80x16xf32, #tpu.memory_space<vmem>>, vector<16xf32>,
          %add3A_835 = arith.constant 8 : i32
          %add3A_836 = arith.addi %mul3A_505, %add3A_835 : i32
          %add3A_837 = arith.constant 2 : i32
          %add3A_838 = arith.addi %add3A_836, %add3A_837 : i32
          %slice3A_839 = vector.extract_strided_slice %mul3A_509 {offsets = [10], sizes = [1], strides = [1]} : vector<16xi32> to vector<1xi32>
          %squeeze3A_840 = vector.extract %slice3A_839[0] : i32 from vector<1xi32>
          %get3A_841 = arith.index_cast %squeeze3A_840 : i32 to index
          %get3A_842 = tpu.vector_load %arg9[%get3A_841] {strides = array<i32>} : memref<3200xf32, #tpu.memory_space<vmem>>, vector<16xf32>,
          %slice3A_843 = vector.extract_strided_slice %mul3A_514 {offsets = [10], sizes = [1], strides = [1]} : vector<16xi32> to vector<1xi32>
          %squeeze3A_844 = vector.extract %slice3A_843[0] : i32 from vector<1xi32>
          %get3A_845 = arith.index_cast %squeeze3A_844 : i32 to index
          %get3A_846 = tpu.vector_load %arg9[%get3A_845] {strides = array<i32>} : memref<3200xf32, #tpu.memory_space<vmem>>, vector<16xf32>,
          %slice3A_847 = vector.extract_strided_slice %mul3A_519 {offsets = [10], sizes = [1], strides = [1]} : vector<16xi32> to vector<1xi32>
          %squeeze3A_848 = vector.extract %slice3A_847[0] : i32 from vector<1xi32>
          %get3A_849 = arith.index_cast %squeeze3A_848 : i32 to index
          %get3A_850 = tpu.vector_load %arg10[%get3A_849] {strides = array<i32>} : memref<512xf32, #tpu.memory_space<vmem>>, vector<16xf32>,
          %get3A_851 = arith.index_cast %add3A_838 : i32 to index
          %get3A_852 = arith.constant 0 : index
          %get3A_853 = tpu.vector_load %arg24[%get3A_851, %get3A_852] {strides = array<i32>} : memref<80x16xf32, #tpu.memory_space<vmem>>, vector<16xf32>,
          %add3A_854 = arith.constant 8 : i32
          %add3A_855 = arith.addi %mul3A_505, %add3A_854 : i32
          %add3A_856 = arith.constant 3 : i32
          %add3A_857 = arith.addi %add3A_855, %add3A_856 : i32
          %slice3A_858 = vector.extract_strided_slice %mul3A_509 {offsets = [11], sizes = [1], strides = [1]} : vector<16xi32> to vector<1xi32>
          %squeeze3A_859 = vector.extract %slice3A_858[0] : i32 from vector<1xi32>
          %get3A_860 = arith.index_cast %squeeze3A_859 : i32 to index
          %get3A_861 = tpu.vector_load %arg9[%get3A_860] {strides = array<i32>} : memref<3200xf32, #tpu.memory_space<vmem>>, vector<16xf32>,
          %slice3A_862 = vector.extract_strided_slice %mul3A_514 {offsets = [11], sizes = [1], strides = [1]} : vector<16xi32> to vector<1xi32>
          %squeeze3A_863 = vector.extract %slice3A_862[0] : i32 from vector<1xi32>
          %get3A_864 = arith.index_cast %squeeze3A_863 : i32 to index
          %get3A_865 = tpu.vector_load %arg9[%get3A_864] {strides = array<i32>} : memref<3200xf32, #tpu.memory_space<vmem>>, vector<16xf32>,
          %slice3A_866 = vector.extract_strided_slice %mul3A_519 {offsets = [11], sizes = [1], strides = [1]} : vector<16xi32> to vector<1xi32>
          %squeeze3A_867 = vector.extract %slice3A_866[0] : i32 from vector<1xi32>
          %get3A_868 = arith.index_cast %squeeze3A_867 : i32 to index
          %get3A_869 = tpu.vector_load %arg10[%get3A_868] {strides = array<i32>} : memref<512xf32, #tpu.memory_space<vmem>>, vector<16xf32>,
          %get3A_870 = arith.index_cast %add3A_857 : i32 to index
          %get3A_871 = arith.constant 0 : index
          %get3A_872 = tpu.vector_load %arg24[%get3A_870, %get3A_871] {strides = array<i32>} : memref<80x16xf32, #tpu.memory_space<vmem>>, vector<16xf32>,
          %add3A_873 = arith.constant 8 : i32
          %add3A_874 = arith.addi %mul3A_505, %add3A_873 : i32
          %add3A_875 = arith.constant 4 : i32
          %add3A_876 = arith.addi %add3A_874, %add3A_875 : i32
          %slice3A_877 = vector.extract_strided_slice %mul3A_509 {offsets = [12], sizes = [1], strides = [1]} : vector<16xi32> to vector<1xi32>
          %squeeze3A_878 = vector.extract %slice3A_877[0] : i32 from vector<1xi32>
          %get3A_879 = arith.index_cast %squeeze3A_878 : i32 to index
          %get3A_880 = tpu.vector_load %arg9[%get3A_879] {strides = array<i32>} : memref<3200xf32, #tpu.memory_space<vmem>>, vector<16xf32>,
          %slice3A_881 = vector.extract_strided_slice %mul3A_514 {offsets = [12], sizes = [1], strides = [1]} : vector<16xi32> to vector<1xi32>
          %squeeze3A_882 = vector.extract %slice3A_881[0] : i32 from vector<1xi32>
          %get3A_883 = arith.index_cast %squeeze3A_882 : i32 to index
          %get3A_884 = tpu.vector_load %arg9[%get3A_883] {strides = array<i32>} : memref<3200xf32, #tpu.memory_space<vmem>>, vector<16xf32>,
          %slice3A_885 = vector.extract_strided_slice %mul3A_519 {offsets = [12], sizes = [1], strides = [1]} : vector<16xi32> to vector<1xi32>
          %squeeze3A_886 = vector.extract %slice3A_885[0] : i32 from vector<1xi32>
          %get3A_887 = arith.index_cast %squeeze3A_886 : i32 to index
          %get3A_888 = tpu.vector_load %arg10[%get3A_887] {strides = array<i32>} : memref<512xf32, #tpu.memory_space<vmem>>, vector<16xf32>,
          %get3A_889 = arith.index_cast %add3A_876 : i32 to index
          %get3A_890 = arith.constant 0 : index
          %get3A_891 = tpu.vector_load %arg24[%get3A_889, %get3A_890] {strides = array<i32>} : memref<80x16xf32, #tpu.memory_space<vmem>>, vector<16xf32>,
          %add3A_892 = arith.constant 8 : i32
          %add3A_893 = arith.addi %mul3A_505, %add3A_892 : i32
          %add3A_894 = arith.constant 5 : i32
          %add3A_895 = arith.addi %add3A_893, %add3A_894 : i32
          %slice3A_896 = vector.extract_strided_slice %mul3A_509 {offsets = [13], sizes = [1], strides = [1]} : vector<16xi32> to vector<1xi32>
          %squeeze3A_897 = vector.extract %slice3A_896[0] : i32 from vector<1xi32>
          %get3A_898 = arith.index_cast %squeeze3A_897 : i32 to index
          %get3A_899 = tpu.vector_load %arg9[%get3A_898] {strides = array<i32>} : memref<3200xf32, #tpu.memory_space<vmem>>, vector<16xf32>,
          %slice3A_900 = vector.extract_strided_slice %mul3A_514 {offsets = [13], sizes = [1], strides = [1]} : vector<16xi32> to vector<1xi32>
          %squeeze3A_901 = vector.extract %slice3A_900[0] : i32 from vector<1xi32>
          %get3A_902 = arith.index_cast %squeeze3A_901 : i32 to index
          %get3A_903 = tpu.vector_load %arg9[%get3A_902] {strides = array<i32>} : memref<3200xf32, #tpu.memory_space<vmem>>, vector<16xf32>,
          %slice3A_904 = vector.extract_strided_slice %mul3A_519 {offsets = [13], sizes = [1], strides = [1]} : vector<16xi32> to vector<1xi32>
          %squeeze3A_905 = vector.extract %slice3A_904[0] : i32 from vector<1xi32>
          %get3A_906 = arith.index_cast %squeeze3A_905 : i32 to index
          %get3A_907 = tpu.vector_load %arg10[%get3A_906] {strides = array<i32>} : memref<512xf32, #tpu.memory_space<vmem>>, vector<16xf32>,
          %get3A_908 = arith.index_cast %add3A_895 : i32 to index
          %get3A_909 = arith.constant 0 : index
          %get3A_910 = tpu.vector_load %arg24[%get3A_908, %get3A_909] {strides = array<i32>} : memref<80x16xf32, #tpu.memory_space<vmem>>, vector<16xf32>,
          %add3A_911 = arith.constant 8 : i32
          %add3A_912 = arith.addi %mul3A_505, %add3A_911 : i32
          %add3A_913 = arith.constant 6 : i32
          %add3A_914 = arith.addi %add3A_912, %add3A_913 : i32
          %slice3A_915 = vector.extract_strided_slice %mul3A_509 {offsets = [14], sizes = [1], strides = [1]} : vector<16xi32> to vector<1xi32>
          %squeeze3A_916 = vector.extract %slice3A_915[0] : i32 from vector<1xi32>
          %get3A_917 = arith.index_cast %squeeze3A_916 : i32 to index
          %get3A_918 = tpu.vector_load %arg9[%get3A_917] {strides = array<i32>} : memref<3200xf32, #tpu.memory_space<vmem>>, vector<16xf32>,
          %slice3A_919 = vector.extract_strided_slice %mul3A_514 {offsets = [14], sizes = [1], strides = [1]} : vector<16xi32> to vector<1xi32>
          %squeeze3A_920 = vector.extract %slice3A_919[0] : i32 from vector<1xi32>
          %get3A_921 = arith.index_cast %squeeze3A_920 : i32 to index
          %get3A_922 = tpu.vector_load %arg9[%get3A_921] {strides = array<i32>} : memref<3200xf32, #tpu.memory_space<vmem>>, vector<16xf32>,
          %slice3A_923 = vector.extract_strided_slice %mul3A_519 {offsets = [14], sizes = [1], strides = [1]} : vector<16xi32> to vector<1xi32>
          %squeeze3A_924 = vector.extract %slice3A_923[0] : i32 from vector<1xi32>
          %get3A_925 = arith.index_cast %squeeze3A_924 : i32 to index
          %get3A_926 = tpu.vector_load %arg10[%get3A_925] {strides = array<i32>} : memref<512xf32, #tpu.memory_space<vmem>>, vector<16xf32>,
          %get3A_927 = arith.index_cast %add3A_914 : i32 to index
          %get3A_928 = arith.constant 0 : index
          %get3A_929 = tpu.vector_load %arg24[%get3A_927, %get3A_928] {strides = array<i32>} : memref<80x16xf32, #tpu.memory_space<vmem>>, vector<16xf32>,
          %add3A_930 = arith.constant 8 : i32
          %add3A_931 = arith.addi %mul3A_505, %add3A_930 : i32
          %add3A_932 = arith.constant 7 : i32
          %add3A_933 = arith.addi %add3A_931, %add3A_932 : i32
          %slice3A_934 = vector.extract_strided_slice %mul3A_509 {offsets = [15], sizes = [1], strides = [1]} : vector<16xi32> to vector<1xi32>
          %squeeze3A_935 = vector.extract %slice3A_934[0] : i32 from vector<1xi32>
          %get3A_936 = arith.index_cast %squeeze3A_935 : i32 to index
          %get3A_937 = tpu.vector_load %arg9[%get3A_936] {strides = array<i32>} : memref<3200xf32, #tpu.memory_space<vmem>>, vector<16xf32>,
          %slice3A_938 = vector.extract_strided_slice %mul3A_514 {offsets = [15], sizes = [1], strides = [1]} : vector<16xi32> to vector<1xi32>
          %squeeze3A_939 = vector.extract %slice3A_938[0] : i32 from vector<1xi32>
          %get3A_940 = arith.index_cast %squeeze3A_939 : i32 to index
          %get3A_941 = tpu.vector_load %arg9[%get3A_940] {strides = array<i32>} : memref<3200xf32, #tpu.memory_space<vmem>>, vector<16xf32>,
          %slice3A_942 = vector.extract_strided_slice %mul3A_519 {offsets = [15], sizes = [1], strides = [1]} : vector<16xi32> to vector<1xi32>
          %squeeze3A_943 = vector.extract %slice3A_942[0] : i32 from vector<1xi32>
          %get3A_944 = arith.index_cast %squeeze3A_943 : i32 to index
          %get3A_945 = tpu.vector_load %arg10[%get3A_944] {strides = array<i32>} : memref<512xf32, #tpu.memory_space<vmem>>, vector<16xf32>,
          %get3A_946 = arith.index_cast %add3A_933 : i32 to index
          %get3A_947 = arith.constant 0 : index
          %get3A_948 = tpu.vector_load %arg24[%get3A_946, %get3A_947] {strides = array<i32>} : memref<80x16xf32, #tpu.memory_space<vmem>>, vector<16xf32>,
          %add3A_949 = arith.constant 8 : i32
          %add3A_950 = arith.addi %mul3A_505, %add3A_949 : i32
          %add3A_951 = arith.constant 0 : i32
          %add3A_952 = arith.addi %add3A_950, %add3A_951 : i32
          %swap3A_953 = arith.index_cast %add3A_952 : i32 to index
          %swap3A_954 = arith.constant 0 : index
          %swap3A_955 = tpu.vector_load %arg25[%swap3A_953, %swap3A_954] {strides = array<i32>} : memref<80x56xf32, #tpu.memory_space<vmem>>, vector<16xf32>,
          tpu.vector_store %arg25[%swap3A_953, %swap3A_954], %get3A_804 {strides = array<i32>} : memref<80x56xf32, #tpu.memory_space<vmem>>, vector<16xf32>,
          %swap3A_956 = arith.index_cast %add3A_952 : i32 to index
          %swap3A_957 = arith.constant 16 : index
          %swap3A_958 = tpu.vector_load %arg25[%swap3A_956, %swap3A_957] {strides = array<i32>} : memref<80x56xf32, #tpu.memory_space<vmem>>, vector<16xf32>,
          tpu.vector_store %arg25[%swap3A_956, %swap3A_957], %get3A_808 {strides = array<i32>} : memref<80x56xf32, #tpu.memory_space<vmem>>, vector<16xf32>,
          %swap3A_959 = arith.index_cast %add3A_952 : i32 to index
          %swap3A_960 = arith.constant 32 : index
          %swap3A_961 = tpu.vector_load %arg25[%swap3A_959, %swap3A_960] {strides = array<i32>} : memref<80x56xf32, #tpu.memory_space<vmem>>, vector<16xf32>,
          tpu.vector_store %arg25[%swap3A_959, %swap3A_960], %get3A_812 {strides = array<i32>} : memref<80x56xf32, #tpu.memory_space<vmem>>, vector<16xf32>,
          %swap3A_962 = arith.index_cast %add3A_952 : i32 to index
          %swap3A_963 = arith.constant 40 : index
          %swap3A_964 = tpu.vector_load %arg25[%swap3A_962, %swap3A_963] {strides = array<i32>} : memref<80x56xf32, #tpu.memory_space<vmem>>, vector<16xf32>,
          tpu.vector_store %arg25[%swap3A_962, %swap3A_963], %get3A_815 {strides = array<i32>} : memref<80x56xf32, #tpu.memory_space<vmem>>, vector<16xf32>,
          %add3A_965 = arith.constant 8 : i32
          %add3A_966 = arith.addi %mul3A_505, %add3A_965 : i32
          %add3A_967 = arith.constant 1 : i32
          %add3A_968 = arith.addi %add3A_966, %add3A_967 : i32
          %swap3A_969 = arith.index_cast %add3A_968 : i32 to index
          %swap3A_970 = arith.constant 0 : index
          %swap3A_971 = tpu.vector_load %arg25[%swap3A_969, %swap3A_970] {strides = array<i32>} : memref<80x56xf32, #tpu.memory_space<vmem>>, vector<16xf32>,
          tpu.vector_store %arg25[%swap3A_969, %swap3A_970], %get3A_823 {strides = array<i32>} : memref<80x56xf32, #tpu.memory_space<vmem>>, vector<16xf32>,
          %swap3A_972 = arith.index_cast %add3A_968 : i32 to index
          %swap3A_973 = arith.constant 16 : index
          %swap3A_974 = tpu.vector_load %arg25[%swap3A_972, %swap3A_973] {strides = array<i32>} : memref<80x56xf32, #tpu.memory_space<vmem>>, vector<16xf32>,
          tpu.vector_store %arg25[%swap3A_972, %swap3A_973], %get3A_827 {strides = array<i32>} : memref<80x56xf32, #tpu.memory_space<vmem>>, vector<16xf32>,
          %swap3A_975 = arith.index_cast %add3A_968 : i32 to index
          %swap3A_976 = arith.constant 32 : index
          %swap3A_977 = tpu.vector_load %arg25[%swap3A_975, %swap3A_976] {strides = array<i32>} : memref<80x56xf32, #tpu.memory_space<vmem>>, vector<16xf32>,
          tpu.vector_store %arg25[%swap3A_975, %swap3A_976], %get3A_831 {strides = array<i32>} : memref<80x56xf32, #tpu.memory_space<vmem>>, vector<16xf32>,
          %swap3A_978 = arith.index_cast %add3A_968 : i32 to index
          %swap3A_979 = arith.constant 40 : index
          %swap3A_980 = tpu.vector_load %arg25[%swap3A_978, %swap3A_979] {strides = array<i32>} : memref<80x56xf32, #tpu.memory_space<vmem>>, vector<16xf32>,
          tpu.vector_store %arg25[%swap3A_978, %swap3A_979], %get3A_834 {strides = array<i32>} : memref<80x56xf32, #tpu.memory_space<vmem>>, vector<16xf32>,
          %add3A_981 = arith.constant 8 : i32
          %add3A_982 = arith.addi %mul3A_505, %add3A_981 : i32
          %add3A_983 = arith.constant 2 : i32
          %add3A_984 = arith.addi %add3A_982, %add3A_983 : i32
          %swap3A_985 = arith.index_cast %add3A_984 : i32 to index
          %swap3A_986 = arith.constant 0 : index
          %swap3A_987 = tpu.vector_load %arg25[%swap3A_985, %swap3A_986] {strides = array<i32>} : memref<80x56xf32, #tpu.memory_space<vmem>>, vector<16xf32>,
          tpu.vector_store %arg25[%swap3A_985, %swap3A_986], %get3A_842 {strides = array<i32>} : memref<80x56xf32, #tpu.memory_space<vmem>>, vector<16xf32>,
          %swap3A_988 = arith.index_cast %add3A_984 : i32 to index
          %swap3A_989 = arith.constant 16 : index
          %swap3A_990 = tpu.vector_load %arg25[%swap3A_988, %swap3A_989] {strides = array<i32>} : memref<80x56xf32, #tpu.memory_space<vmem>>, vector<16xf32>,
          tpu.vector_store %arg25[%swap3A_988, %swap3A_989], %get3A_846 {strides = array<i32>} : memref<80x56xf32, #tpu.memory_space<vmem>>, vector<16xf32>,
          %swap3A_991 = arith.index_cast %add3A_984 : i32 to index
          %swap3A_992 = arith.constant 32 : index
          %swap3A_993 = tpu.vector_load %arg25[%swap3A_991, %swap3A_992] {strides = array<i32>} : memref<80x56xf32, #tpu.memory_space<vmem>>, vector<16xf32>,
          tpu.vector_store %arg25[%swap3A_991, %swap3A_992], %get3A_850 {strides = array<i32>} : memref<80x56xf32, #tpu.memory_space<vmem>>, vector<16xf32>,
          %swap3A_994 = arith.index_cast %add3A_984 : i32 to index
          %swap3A_995 = arith.constant 40 : index
          %swap3A_996 = tpu.vector_load %arg25[%swap3A_994, %swap3A_995] {strides = array<i32>} : memref<80x56xf32, #tpu.memory_space<vmem>>, vector<16xf32>,
          tpu.vector_store %arg25[%swap3A_994, %swap3A_995], %get3A_853 {strides = array<i32>} : memref<80x56xf32, #tpu.memory_space<vmem>>, vector<16xf32>,
          %add3A_997 = arith.constant 8 : i32
          %add3A_998 = arith.addi %mul3A_505, %add3A_997 : i32
          %add3A_999 = arith.constant 3 : i32
          %add3A_1000 = arith.addi %add3A_998, %add3A_999 : i32
          %swap3A_1001 = arith.index_cast %add3A_1000 : i32 to index
          %swap3A_1002 = arith.constant 0 : index
          %swap3A_1003 = tpu.vector_load %arg25[%swap3A_1001, %swap3A_1002] {strides = array<i32>} : memref<80x56xf32, #tpu.memory_space<vmem>>, vector<16xf32>,
          tpu.vector_store %arg25[%swap3A_1001, %swap3A_1002], %get3A_861 {strides = array<i32>} : memref<80x56xf32, #tpu.memory_space<vmem>>, vector<16xf32>,
          %swap3A_1004 = arith.index_cast %add3A_1000 : i32 to index
          %swap3A_1005 = arith.constant 16 : index
          %swap3A_1006 = tpu.vector_load %arg25[%swap3A_1004, %swap3A_1005] {strides = array<i32>} : memref<80x56xf32, #tpu.memory_space<vmem>>, vector<16xf32>,
          tpu.vector_store %arg25[%swap3A_1004, %swap3A_1005], %get3A_865 {strides = array<i32>} : memref<80x56xf32, #tpu.memory_space<vmem>>, vector<16xf32>,
          %swap3A_1007 = arith.index_cast %add3A_1000 : i32 to index
          %swap3A_1008 = arith.constant 32 : index
          %swap3A_1009 = tpu.vector_load %arg25[%swap3A_1007, %swap3A_1008] {strides = array<i32>} : memref<80x56xf32, #tpu.memory_space<vmem>>, vector<16xf32>,
          tpu.vector_store %arg25[%swap3A_1007, %swap3A_1008], %get3A_869 {strides = array<i32>} : memref<80x56xf32, #tpu.memory_space<vmem>>, vector<16xf32>,
          %swap3A_1010 = arith.index_cast %add3A_1000 : i32 to index
          %swap3A_1011 = arith.constant 40 : index
          %swap3A_1012 = tpu.vector_load %arg25[%swap3A_1010, %swap3A_1011] {strides = array<i32>} : memref<80x56xf32, #tpu.memory_space<vmem>>, vector<16xf32>,
          tpu.vector_store %arg25[%swap3A_1010, %swap3A_1011], %get3A_872 {strides = array<i32>} : memref<80x56xf32, #tpu.memory_space<vmem>>, vector<16xf32>,
          %add3A_1013 = arith.constant 8 : i32
          %add3A_1014 = arith.addi %mul3A_505, %add3A_1013 : i32
          %add3A_1015 = arith.constant 4 : i32
          %add3A_1016 = arith.addi %add3A_1014, %add3A_1015 : i32
          %swap3A_1017 = arith.index_cast %add3A_1016 : i32 to index
          %swap3A_1018 = arith.constant 0 : index
          %swap3A_1019 = tpu.vector_load %arg25[%swap3A_1017, %swap3A_1018] {strides = array<i32>} : memref<80x56xf32, #tpu.memory_space<vmem>>, vector<16xf32>,
          tpu.vector_store %arg25[%swap3A_1017, %swap3A_1018], %get3A_880 {strides = array<i32>} : memref<80x56xf32, #tpu.memory_space<vmem>>, vector<16xf32>,
          %swap3A_1020 = arith.index_cast %add3A_1016 : i32 to index
          %swap3A_1021 = arith.constant 16 : index
          %swap3A_1022 = tpu.vector_load %arg25[%swap3A_1020, %swap3A_1021] {strides = array<i32>} : memref<80x56xf32, #tpu.memory_space<vmem>>, vector<16xf32>,
          tpu.vector_store %arg25[%swap3A_1020, %swap3A_1021], %get3A_884 {strides = array<i32>} : memref<80x56xf32, #tpu.memory_space<vmem>>, vector<16xf32>,
          %swap3A_1023 = arith.index_cast %add3A_1016 : i32 to index
          %swap3A_1024 = arith.constant 32 : index
          %swap3A_1025 = tpu.vector_load %arg25[%swap3A_1023, %swap3A_1024] {strides = array<i32>} : memref<80x56xf32, #tpu.memory_space<vmem>>, vector<16xf32>,
          tpu.vector_store %arg25[%swap3A_1023, %swap3A_1024], %get3A_888 {strides = array<i32>} : memref<80x56xf32, #tpu.memory_space<vmem>>, vector<16xf32>,
          %swap3A_1026 = arith.index_cast %add3A_1016 : i32 to index
          %swap3A_1027 = arith.constant 40 : index
          %swap3A_1028 = tpu.vector_load %arg25[%swap3A_1026, %swap3A_1027] {strides = array<i32>} : memref<80x56xf32, #tpu.memory_space<vmem>>, vector<16xf32>,
          tpu.vector_store %arg25[%swap3A_1026, %swap3A_1027], %get3A_891 {strides = array<i32>} : memref<80x56xf32, #tpu.memory_space<vmem>>, vector<16xf32>,
          %add3A_1029 = arith.constant 8 : i32
          %add3A_1030 = arith.addi %mul3A_505, %add3A_1029 : i32
          %add3A_1031 = arith.constant 5 : i32
          %add3A_1032 = arith.addi %add3A_1030, %add3A_1031 : i32
          %swap3A_1033 = arith.index_cast %add3A_1032 : i32 to index
          %swap3A_1034 = arith.constant 0 : index
          %swap3A_1035 = tpu.vector_load %arg25[%swap3A_1033, %swap3A_1034] {strides = array<i32>} : memref<80x56xf32, #tpu.memory_space<vmem>>, vector<16xf32>,
          tpu.vector_store %arg25[%swap3A_1033, %swap3A_1034], %get3A_899 {strides = array<i32>} : memref<80x56xf32, #tpu.memory_space<vmem>>, vector<16xf32>,
          %swap3A_1036 = arith.index_cast %add3A_1032 : i32 to index
          %swap3A_1037 = arith.constant 16 : index
          %swap3A_1038 = tpu.vector_load %arg25[%swap3A_1036, %swap3A_1037] {strides = array<i32>} : memref<80x56xf32, #tpu.memory_space<vmem>>, vector<16xf32>,
          tpu.vector_store %arg25[%swap3A_1036, %swap3A_1037], %get3A_903 {strides = array<i32>} : memref<80x56xf32, #tpu.memory_space<vmem>>, vector<16xf32>,
          %swap3A_1039 = arith.index_cast %add3A_1032 : i32 to index
          %swap3A_1040 = arith.constant 32 : index
          %swap3A_1041 = tpu.vector_load %arg25[%swap3A_1039, %swap3A_1040] {strides = array<i32>} : memref<80x56xf32, #tpu.memory_space<vmem>>, vector<16xf32>,
          tpu.vector_store %arg25[%swap3A_1039, %swap3A_1040], %get3A_907 {strides = array<i32>} : memref<80x56xf32, #tpu.memory_space<vmem>>, vector<16xf32>,
          %swap3A_1042 = arith.index_cast %add3A_1032 : i32 to index
          %swap3A_1043 = arith.constant 40 : index
          %swap3A_1044 = tpu.vector_load %arg25[%swap3A_1042, %swap3A_1043] {strides = array<i32>} : memref<80x56xf32, #tpu.memory_space<vmem>>, vector<16xf32>,
          tpu.vector_store %arg25[%swap3A_1042, %swap3A_1043], %get3A_910 {strides = array<i32>} : memref<80x56xf32, #tpu.memory_space<vmem>>, vector<16xf32>,
          %add3A_1045 = arith.constant 8 : i32
          %add3A_1046 = arith.addi %mul3A_505, %add3A_1045 : i32
          %add3A_1047 = arith.constant 6 : i32
          %add3A_1048 = arith.addi %add3A_1046, %add3A_1047 : i32
          %swap3A_1049 = arith.index_cast %add3A_1048 : i32 to index
          %swap3A_1050 = arith.constant 0 : index
          %swap3A_1051 = tpu.vector_load %arg25[%swap3A_1049, %swap3A_1050] {strides = array<i32>} : memref<80x56xf32, #tpu.memory_space<vmem>>, vector<16xf32>,
          tpu.vector_store %arg25[%swap3A_1049, %swap3A_1050], %get3A_918 {strides = array<i32>} : memref<80x56xf32, #tpu.memory_space<vmem>>, vector<16xf32>,
          %swap3A_1052 = arith.index_cast %add3A_1048 : i32 to index
          %swap3A_1053 = arith.constant 16 : index
          %swap3A_1054 = tpu.vector_load %arg25[%swap3A_1052, %swap3A_1053] {strides = array<i32>} : memref<80x56xf32, #tpu.memory_space<vmem>>, vector<16xf32>,
          tpu.vector_store %arg25[%swap3A_1052, %swap3A_1053], %get3A_922 {strides = array<i32>} : memref<80x56xf32, #tpu.memory_space<vmem>>, vector<16xf32>,
          %swap3A_1055 = arith.index_cast %add3A_1048 : i32 to index
          %swap3A_1056 = arith.constant 32 : index
          %swap3A_1057 = tpu.vector_load %arg25[%swap3A_1055, %swap3A_1056] {strides = array<i32>} : memref<80x56xf32, #tpu.memory_space<vmem>>, vector<16xf32>,
          tpu.vector_store %arg25[%swap3A_1055, %swap3A_1056], %get3A_926 {strides = array<i32>} : memref<80x56xf32, #tpu.memory_space<vmem>>, vector<16xf32>,
          %swap3A_1058 = arith.index_cast %add3A_1048 : i32 to index
          %swap3A_1059 = arith.constant 40 : index
          %swap3A_1060 = tpu.vector_load %arg25[%swap3A_1058, %swap3A_1059] {strides = array<i32>} : memref<80x56xf32, #tpu.memory_space<vmem>>, vector<16xf32>,
          tpu.vector_store %arg25[%swap3A_1058, %swap3A_1059], %get3A_929 {strides = array<i32>} : memref<80x56xf32, #tpu.memory_space<vmem>>, vector<16xf32>,
          %add3A_1061 = arith.constant 8 : i32
          %add3A_1062 = arith.addi %mul3A_505, %add3A_1061 : i32
          %add3A_1063 = arith.constant 7 : i32
          %add3A_1064 = arith.addi %add3A_1062, %add3A_1063 : i32
          %swap3A_1065 = arith.index_cast %add3A_1064 : i32 to index
          %swap3A_1066 = arith.constant 0 : index
          %swap3A_1067 = tpu.vector_load %arg25[%swap3A_1065, %swap3A_1066] {strides = array<i32>} : memref<80x56xf32, #tpu.memory_space<vmem>>, vector<16xf32>,
          tpu.vector_store %arg25[%swap3A_1065, %swap3A_1066], %get3A_937 {strides = array<i32>} : memref<80x56xf32, #tpu.memory_space<vmem>>, vector<16xf32>,
          %swap3A_1068 = arith.index_cast %add3A_1064 : i32 to index
          %swap3A_1069 = arith.constant 16 : index
          %swap3A_1070 = tpu.vector_load %arg25[%swap3A_1068, %swap3A_1069] {strides = array<i32>} : memref<80x56xf32, #tpu.memory_space<vmem>>, vector<16xf32>,
          tpu.vector_store %arg25[%swap3A_1068, %swap3A_1069], %get3A_941 {strides = array<i32>} : memref<80x56xf32, #tpu.memory_space<vmem>>, vector<16xf32>,
          %swap3A_1071 = arith.index_cast %add3A_1064 : i32 to index
          %swap3A_1072 = arith.constant 32 : index
          %swap3A_1073 = tpu.vector_load %arg25[%swap3A_1071, %swap3A_1072] {strides = array<i32>} : memref<80x56xf32, #tpu.memory_space<vmem>>, vector<16xf32>,
          tpu.vector_store %arg25[%swap3A_1071, %swap3A_1072], %get3A_945 {strides = array<i32>} : memref<80x56xf32, #tpu.memory_space<vmem>>, vector<16xf32>,
          %swap3A_1074 = arith.index_cast %add3A_1064 : i32 to index
          %swap3A_1075 = arith.constant 40 : index
          %swap3A_1076 = tpu.vector_load %arg25[%swap3A_1074, %swap3A_1075] {strides = array<i32>} : memref<80x56xf32, #tpu.memory_space<vmem>>, vector<16xf32>,
          tpu.vector_store %arg25[%swap3A_1074, %swap3A_1075], %get3A_948 {strides = array<i32>} : memref<80x56xf32, #tpu.memory_space<vmem>>, vector<16xf32>,
        }
        %scan3A_360 = arith.constant 5 : i32
        %add3A_361 = arith.constant 5 : i32
        %add3A_362 = arith.addi %add3A_320, %add3A_361 : i32
        %lt3A_363 = arith.constant 250 : i32
        %lt3A_364 = arith.cmpi slt, %add3A_362, %lt3A_363 : i32
        %convert_element_type3A_365 = arith.extui %lt3A_364 : i1 to i32
        %cond3A_366 = arith.constant 0 : i32
        %cond3A_367 = arith.cmpi ne, %convert_element_type3A_365, %cond3A_366 : i32
        scf.if %cond3A_367 {
          %add3A_503 = arith.constant 5 : i32
          %add3A_504 = arith.addi %add3A_320, %add3A_503 : i32
          %mul3A_505 = arith.constant 80 : i32
          %mul3A_506 = arith.muli %add3A_504, %mul3A_505 : i32
          %add3A_507 = arith.addi %mul3A_2, %mul3A_506 : i32
          %dma_start3A_508 = arith.constant 2 : i32
          %dma_start3A_509 = arith.constant 0 : i32
          %dma_start3A_510 = tpu.memref_slice %arg2[%add3A_507] : memref<640000xi32, #tpu.memory_space<hbm>> -> memref<80xi32, #tpu.memory_space<hbm>>
          %dma_start3A_511 = tpu.memref_slice %run_scoped3A[%dma_start3A_508, %dma_start3A_509] : memref<5x5x!tpu.dma_semaphore, #tpu.memory_space<semaphore_mem>> -> memref<1x1x!tpu.dma_semaphore, #tpu.memory_space<semaphore_mem>>
          %dma_start3A_512 = tpu.memref_squeeze %dma_start3A_511 : memref<1x1x!tpu.dma_semaphore, #tpu.memory_space<semaphore_mem>> -> memref<!tpu.dma_semaphore, #tpu.memory_space<semaphore_mem>>
          %dma_start3A_513 = tpu.memref_slice %arg2[%add3A_507] : memref<640000xi32, #tpu.memory_space<hbm>> -> memref<80xi32, #tpu.memory_space<hbm>>
          tpu.enqueue_dma source(%dma_start3A_513 : memref<80xi32, #tpu.memory_space<hbm>>) target(%arg21 : memref<80xi32, #tpu.memory_space<vmem>>) target_semaphore(%dma_start3A_512 : memref<!tpu.dma_semaphore, #tpu.memory_space<semaphore_mem>>)
          %dma_start3A_514 = arith.constant 2 : i32
          %dma_start3A_515 = arith.constant 1 : i32
          %dma_start3A_516 = tpu.memref_slice %arg3[%add3A_507] : memref<640000xi32, #tpu.memory_space<hbm>> -> memref<80xi32, #tpu.memory_space<hbm>>
          %dma_start3A_517 = tpu.memref_slice %run_scoped3A[%dma_start3A_514, %dma_start3A_515] : memref<5x5x!tpu.dma_semaphore, #tpu.memory_space<semaphore_mem>> -> memref<1x1x!tpu.dma_semaphore, #tpu.memory_space<semaphore_mem>>
          %dma_start3A_518 = tpu.memref_squeeze %dma_start3A_517 : memref<1x1x!tpu.dma_semaphore, #tpu.memory_space<semaphore_mem>> -> memref<!tpu.dma_semaphore, #tpu.memory_space<semaphore_mem>>
          %dma_start3A_519 = tpu.memref_slice %arg3[%add3A_507] : memref<640000xi32, #tpu.memory_space<hbm>> -> memref<80xi32, #tpu.memory_space<hbm>>
          tpu.enqueue_dma source(%dma_start3A_519 : memref<80xi32, #tpu.memory_space<hbm>>) target(%arg22 : memref<80xi32, #tpu.memory_space<vmem>>) target_semaphore(%dma_start3A_518 : memref<!tpu.dma_semaphore, #tpu.memory_space<semaphore_mem>>)
          %dma_start3A_520 = arith.constant 2 : i32
          %dma_start3A_521 = arith.constant 2 : i32
          %dma_start3A_522 = tpu.memref_slice %arg4[%add3A_507] : memref<640000xi32, #tpu.memory_space<hbm>> -> memref<80xi32, #tpu.memory_space<hbm>>
          %dma_start3A_523 = tpu.memref_slice %run_scoped3A[%dma_start3A_520, %dma_start3A_521] : memref<5x5x!tpu.dma_semaphore, #tpu.memory_space<semaphore_mem>> -> memref<1x1x!tpu.dma_semaphore, #tpu.memory_space<semaphore_mem>>
          %dma_start3A_524 = tpu.memref_squeeze %dma_start3A_523 : memref<1x1x!tpu.dma_semaphore, #tpu.memory_space<semaphore_mem>> -> memref<!tpu.dma_semaphore, #tpu.memory_space<semaphore_mem>>
          %dma_start3A_525 = tpu.memref_slice %arg4[%add3A_507] : memref<640000xi32, #tpu.memory_space<hbm>> -> memref<80xi32, #tpu.memory_space<hbm>>
          tpu.enqueue_dma source(%dma_start3A_525 : memref<80xi32, #tpu.memory_space<hbm>>) target(%arg23 : memref<80xi32, #tpu.memory_space<vmem>>) target_semaphore(%dma_start3A_524 : memref<!tpu.dma_semaphore, #tpu.memory_space<semaphore_mem>>)
          %dma_start3A_526 = arith.constant 2 : i32
          %dma_start3A_527 = arith.constant 3 : i32
          %dma_start3A_528 = arith.constant 0 : i32
          %dma_start3A_529 = tpu.memref_slice %arg5[%add3A_507, %dma_start3A_528] : memref<640000x16xf32, #tpu.memory_space<hbm>> -> memref<80x16xf32, #tpu.memory_space<hbm>>
          %dma_start3A_530 = tpu.memref_slice %run_scoped3A[%dma_start3A_526, %dma_start3A_527] : memref<5x5x!tpu.dma_semaphore, #tpu.memory_space<semaphore_mem>> -> memref<1x1x!tpu.dma_semaphore, #tpu.memory_space<semaphore_mem>>
          %dma_start3A_531 = tpu.memref_squeeze %dma_start3A_530 : memref<1x1x!tpu.dma_semaphore, #tpu.memory_space<semaphore_mem>> -> memref<!tpu.dma_semaphore, #tpu.memory_space<semaphore_mem>>
          %dma_start3A_532 = arith.constant 0 : i32
          %dma_start3A_533 = tpu.memref_slice %arg5[%add3A_507, %dma_start3A_532] : memref<640000x16xf32, #tpu.memory_space<hbm>> -> memref<80x16xf32, #tpu.memory_space<hbm>>
          tpu.enqueue_dma source(%dma_start3A_533 : memref<80x16xf32, #tpu.memory_space<hbm>>) target(%arg24 : memref<80x16xf32, #tpu.memory_space<vmem>>) target_semaphore(%dma_start3A_531 : memref<!tpu.dma_semaphore, #tpu.memory_space<semaphore_mem>>)
        } else {
        }
        %mul3A_368 = arith.constant 80 : i32
        %mul3A_369 = arith.muli %add3A_320, %mul3A_368 : i32
        %add3A_370 = arith.addi %mul3A_2, %mul3A_369 : i32
        %dma_start3A_371 = arith.constant 2 : i32
        %dma_start3A_372 = arith.constant 4 : i32
        %dma_start3A_373 = arith.constant 0 : i32
        %dma_start3A_374 = tpu.memref_slice %arg8[%add3A_370, %dma_start3A_373] : memref<640000x56xf32, #tpu.memory_space<hbm>> -> memref<80x56xf32, #tpu.memory_space<hbm>>
        %dma_start3A_375 = tpu.memref_slice %run_scoped3A[%dma_start3A_371, %dma_start3A_372] : memref<5x5x!tpu.dma_semaphore, #tpu.memory_space<semaphore_mem>> -> memref<1x1x!tpu.dma_semaphore, #tpu.memory_space<semaphore_mem>>
        %dma_start3A_376 = tpu.memref_squeeze %dma_start3A_375 : memref<1x1x!tpu.dma_semaphore, #tpu.memory_space<semaphore_mem>> -> memref<!tpu.dma_semaphore, #tpu.memory_space<semaphore_mem>>
        %dma_start3A_377 = arith.constant 0 : i32
        %dma_start3A_378 = tpu.memref_slice %arg8[%add3A_370, %dma_start3A_377] : memref<640000x56xf32, #tpu.memory_space<hbm>> -> memref<80x56xf32, #tpu.memory_space<hbm>>
        tpu.enqueue_dma source(%arg25 : memref<80x56xf32, #tpu.memory_space<vmem>>) target(%dma_start3A_378 : memref<80x56xf32, #tpu.memory_space<hbm>>) target_semaphore(%dma_start3A_376 : memref<!tpu.dma_semaphore, #tpu.memory_space<semaphore_mem>>)
        %mul3A_379 = arith.constant 5 : i32
        %mul3A_380 = arith.muli %mul3A_379, %scan3A_196 : i32
        %add3A_381 = arith.constant 3 : i32
        %add3A_382 = arith.addi %mul3A_380, %add3A_381 : i32
        %mul3A_383 = arith.constant 80 : i32
        %mul3A_384 = arith.muli %add3A_382, %mul3A_383 : i32
        %add3A_385 = arith.addi %mul3A_2, %mul3A_384 : i32
        %dma_wait3A_386 = arith.constant 3 : i32
        %dma_wait3A_387 = arith.constant 0 : i32
        %dma_wait3A_388 = tpu.memref_slice %arg2[%add3A_385] : memref<640000xi32, #tpu.memory_space<hbm>> -> memref<80xi32, #tpu.memory_space<hbm>>
        %dma_wait3A_389 = tpu.memref_slice %run_scoped3A[%dma_wait3A_386, %dma_wait3A_387] : memref<5x5x!tpu.dma_semaphore, #tpu.memory_space<semaphore_mem>> -> memref<1x1x!tpu.dma_semaphore, #tpu.memory_space<semaphore_mem>>
        %dma_wait3A_390 = tpu.memref_squeeze %dma_wait3A_389 : memref<1x1x!tpu.dma_semaphore, #tpu.memory_space<semaphore_mem>> -> memref<!tpu.dma_semaphore, #tpu.memory_space<semaphore_mem>>
        %dma_wait3A_391 = tpu.memref_slice %arg2[%add3A_385] : memref<640000xi32, #tpu.memory_space<hbm>> -> memref<80xi32, #tpu.memory_space<hbm>>
        tpu.wait_dma2 semaphore(%dma_wait3A_390 : memref<!tpu.dma_semaphore, #tpu.memory_space<semaphore_mem>>) src(%dma_wait3A_391 : memref<80xi32, #tpu.memory_space<hbm>>) dst(%arg26 : memref<80xi32, #tpu.memory_space<vmem>>)
        %dma_wait3A_392 = arith.constant 3 : i32
        %dma_wait3A_393 = arith.constant 1 : i32
        %dma_wait3A_394 = tpu.memref_slice %arg3[%add3A_385] : memref<640000xi32, #tpu.memory_space<hbm>> -> memref<80xi32, #tpu.memory_space<hbm>>
        %dma_wait3A_395 = tpu.memref_slice %run_scoped3A[%dma_wait3A_392, %dma_wait3A_393] : memref<5x5x!tpu.dma_semaphore, #tpu.memory_space<semaphore_mem>> -> memref<1x1x!tpu.dma_semaphore, #tpu.memory_space<semaphore_mem>>
        %dma_wait3A_396 = tpu.memref_squeeze %dma_wait3A_395 : memref<1x1x!tpu.dma_semaphore, #tpu.memory_space<semaphore_mem>> -> memref<!tpu.dma_semaphore, #tpu.memory_space<semaphore_mem>>
        %dma_wait3A_397 = tpu.memref_slice %arg3[%add3A_385] : memref<640000xi32, #tpu.memory_space<hbm>> -> memref<80xi32, #tpu.memory_space<hbm>>
        tpu.wait_dma2 semaphore(%dma_wait3A_396 : memref<!tpu.dma_semaphore, #tpu.memory_space<semaphore_mem>>) src(%dma_wait3A_397 : memref<80xi32, #tpu.memory_space<hbm>>) dst(%arg27 : memref<80xi32, #tpu.memory_space<vmem>>)
        %dma_wait3A_398 = arith.constant 3 : i32
        %dma_wait3A_399 = arith.constant 2 : i32
        %dma_wait3A_400 = tpu.memref_slice %arg4[%add3A_385] : memref<640000xi32, #tpu.memory_space<hbm>> -> memref<80xi32, #tpu.memory_space<hbm>>
        %dma_wait3A_401 = tpu.memref_slice %run_scoped3A[%dma_wait3A_398, %dma_wait3A_399] : memref<5x5x!tpu.dma_semaphore, #tpu.memory_space<semaphore_mem>> -> memref<1x1x!tpu.dma_semaphore, #tpu.memory_space<semaphore_mem>>
        %dma_wait3A_402 = tpu.memref_squeeze %dma_wait3A_401 : memref<1x1x!tpu.dma_semaphore, #tpu.memory_space<semaphore_mem>> -> memref<!tpu.dma_semaphore, #tpu.memory_space<semaphore_mem>>
        %dma_wait3A_403 = tpu.memref_slice %arg4[%add3A_385] : memref<640000xi32, #tpu.memory_space<hbm>> -> memref<80xi32, #tpu.memory_space<hbm>>
        tpu.wait_dma2 semaphore(%dma_wait3A_402 : memref<!tpu.dma_semaphore, #tpu.memory_space<semaphore_mem>>) src(%dma_wait3A_403 : memref<80xi32, #tpu.memory_space<hbm>>) dst(%arg28 : memref<80xi32, #tpu.memory_space<vmem>>)
        %dma_wait3A_404 = arith.constant 3 : i32
        %dma_wait3A_405 = arith.constant 3 : i32
        %dma_wait3A_406 = arith.constant 0 : i32
        %dma_wait3A_407 = tpu.memref_slice %arg5[%add3A_385, %dma_wait3A_406] : memref<640000x16xf32, #tpu.memory_space<hbm>> -> memref<80x16xf32, #tpu.memory_space<hbm>>
        %dma_wait3A_408 = tpu.memref_slice %run_scoped3A[%dma_wait3A_404, %dma_wait3A_405] : memref<5x5x!tpu.dma_semaphore, #tpu.memory_space<semaphore_mem>> -> memref<1x1x!tpu.dma_semaphore, #tpu.memory_space<semaphore_mem>>
        %dma_wait3A_409 = tpu.memref_squeeze %dma_wait3A_408 : memref<1x1x!tpu.dma_semaphore, #tpu.memory_space<semaphore_mem>> -> memref<!tpu.dma_semaphore, #tpu.memory_space<semaphore_mem>>
        %dma_wait3A_410 = arith.constant 0 : i32
        %dma_wait3A_411 = tpu.memref_slice %arg5[%add3A_385, %dma_wait3A_410] : memref<640000x16xf32, #tpu.memory_space<hbm>> -> memref<80x16xf32, #tpu.memory_space<hbm>>
        tpu.wait_dma2 semaphore(%dma_wait3A_409 : memref<!tpu.dma_semaphore, #tpu.memory_space<semaphore_mem>>) src(%dma_wait3A_411 : memref<80x16xf32, #tpu.memory_space<hbm>>) dst(%arg29 : memref<80x16xf32, #tpu.memory_space<vmem>>)
        %gt3A_412 = arith.constant 0 : i32
        %gt3A_413 = arith.cmpi sgt, %scan3A_196, %gt3A_412 : i32
        %convert_element_type3A_414 = arith.extui %gt3A_413 : i1 to i32
        %cond3A_415 = arith.constant 0 : i32
        %cond3A_416 = arith.cmpi ne, %convert_element_type3A_414, %cond3A_415 : i32
        scf.if %cond3A_416 {
          %sub3A = arith.constant 5 : i32
          %sub3A_503 = arith.subi %add3A_382, %sub3A : i32
          %mul3A_504 = arith.constant 80 : i32
          %mul3A_505 = arith.muli %sub3A_503, %mul3A_504 : i32
          %add3A_506 = arith.addi %mul3A_2, %mul3A_505 : i32
          %dma_wait3A_507 = arith.constant 3 : i32
          %dma_wait3A_508 = arith.constant 4 : i32
          %dma_wait3A_509 = arith.constant 0 : i32
          %dma_wait3A_510 = tpu.memref_slice %arg8[%add3A_506, %dma_wait3A_509] : memref<640000x56xf32, #tpu.memory_space<hbm>> -> memref<80x56xf32, #tpu.memory_space<hbm>>
          %dma_wait3A_511 = tpu.memref_slice %run_scoped3A[%dma_wait3A_507, %dma_wait3A_508] : memref<5x5x!tpu.dma_semaphore, #tpu.memory_space<semaphore_mem>> -> memref<1x1x!tpu.dma_semaphore, #tpu.memory_space<semaphore_mem>>
          %dma_wait3A_512 = tpu.memref_squeeze %dma_wait3A_511 : memref<1x1x!tpu.dma_semaphore, #tpu.memory_space<semaphore_mem>> -> memref<!tpu.dma_semaphore, #tpu.memory_space<semaphore_mem>>
          %dma_wait3A_513 = arith.constant 0 : i32
          %dma_wait3A_514 = tpu.memref_slice %arg8[%add3A_506, %dma_wait3A_513] : memref<640000x56xf32, #tpu.memory_space<hbm>> -> memref<80x56xf32, #tpu.memory_space<hbm>>
          tpu.wait_dma2 semaphore(%dma_wait3A_512 : memref<!tpu.dma_semaphore, #tpu.memory_space<semaphore_mem>>) src(%arg30 : memref<80x56xf32, #tpu.memory_space<vmem>>) dst(%dma_wait3A_514 : memref<80x56xf32, #tpu.memory_space<hbm>>)
        } else {
        }
        %scan3A_417 = arith.constant 0 : i32
        %scan3A_418 = arith.constant 0 : i32
        %scan3A_419 = arith.constant 5 : i32
        %scan3A_420 = arith.addi %scan3A_418, %scan3A_419 : i32
        %scan3A_421 = arith.constant 1 : i32
        scf.for %scan3A_503 = %scan3A_418 to %scan3A_420 step %scan3A_421  : i32 {
          %mul3A_504 = arith.constant 16 : i32
          %mul3A_505 = arith.muli %scan3A_503, %mul3A_504 : i32
          %get3A = arith.index_cast %mul3A_505 : i32 to index
          %get3A_506 = tpu.vector_load %arg26[%get3A] {strides = array<i32>} : memref<80xi32, #tpu.memory_space<vmem>>, vector<16xi32>,
          %mul3A_507 = arith.constant 16 : i32
          %mul3A_508 = vector.broadcast %mul3A_507 : i32 to vector<16xi32>
          %mul3A_509 = arith.muli %get3A_506, %mul3A_508 : vector<16xi32>
          %get3A_510 = arith.index_cast %mul3A_505 : i32 to index
          %get3A_511 = tpu.vector_load %arg27[%get3A_510] {strides = array<i32>} : memref<80xi32, #tpu.memory_space<vmem>>, vector<16xi32>,
          %mul3A_512 = arith.constant 16 : i32
          %mul3A_513 = vector.broadcast %mul3A_512 : i32 to vector<16xi32>
          %mul3A_514 = arith.muli %get3A_511, %mul3A_513 : vector<16xi32>
          %get3A_515 = arith.index_cast %mul3A_505 : i32 to index
          %get3A_516 = tpu.vector_load %arg28[%get3A_515] {strides = array<i32>} : memref<80xi32, #tpu.memory_space<vmem>>, vector<16xi32>,
          %mul3A_517 = arith.constant 16 : i32
          %mul3A_518 = vector.broadcast %mul3A_517 : i32 to vector<16xi32>
          %mul3A_519 = arith.muli %get3A_516, %mul3A_518 : vector<16xi32>
          %add3A_520 = arith.constant 0 : i32
          %add3A_521 = arith.addi %mul3A_505, %add3A_520 : i32
          %add3A_522 = arith.constant 0 : i32
          %add3A_523 = arith.addi %add3A_521, %add3A_522 : i32
          %slice3A = vector.extract_strided_slice %mul3A_509 {offsets = [0], sizes = [1], strides = [1]} : vector<16xi32> to vector<1xi32>
          %squeeze3A = vector.extract %slice3A[0] : i32 from vector<1xi32>
          %get3A_524 = arith.index_cast %squeeze3A : i32 to index
          %get3A_525 = tpu.vector_load %arg9[%get3A_524] {strides = array<i32>} : memref<3200xf32, #tpu.memory_space<vmem>>, vector<16xf32>,
          %slice3A_526 = vector.extract_strided_slice %mul3A_514 {offsets = [0], sizes = [1], strides = [1]} : vector<16xi32> to vector<1xi32>
          %squeeze3A_527 = vector.extract %slice3A_526[0] : i32 from vector<1xi32>
          %get3A_528 = arith.index_cast %squeeze3A_527 : i32 to index
          %get3A_529 = tpu.vector_load %arg9[%get3A_528] {strides = array<i32>} : memref<3200xf32, #tpu.memory_space<vmem>>, vector<16xf32>,
          %slice3A_530 = vector.extract_strided_slice %mul3A_519 {offsets = [0], sizes = [1], strides = [1]} : vector<16xi32> to vector<1xi32>
          %squeeze3A_531 = vector.extract %slice3A_530[0] : i32 from vector<1xi32>
          %get3A_532 = arith.index_cast %squeeze3A_531 : i32 to index
          %get3A_533 = tpu.vector_load %arg10[%get3A_532] {strides = array<i32>} : memref<512xf32, #tpu.memory_space<vmem>>, vector<16xf32>,
          %get3A_534 = arith.index_cast %add3A_523 : i32 to index
          %get3A_535 = arith.constant 0 : index
          %get3A_536 = tpu.vector_load %arg29[%get3A_534, %get3A_535] {strides = array<i32>} : memref<80x16xf32, #tpu.memory_space<vmem>>, vector<16xf32>,
          %add3A_537 = arith.constant 0 : i32
          %add3A_538 = arith.addi %mul3A_505, %add3A_537 : i32
          %add3A_539 = arith.constant 1 : i32
          %add3A_540 = arith.addi %add3A_538, %add3A_539 : i32
          %slice3A_541 = vector.extract_strided_slice %mul3A_509 {offsets = [1], sizes = [1], strides = [1]} : vector<16xi32> to vector<1xi32>
          %squeeze3A_542 = vector.extract %slice3A_541[0] : i32 from vector<1xi32>
          %get3A_543 = arith.index_cast %squeeze3A_542 : i32 to index
          %get3A_544 = tpu.vector_load %arg9[%get3A_543] {strides = array<i32>} : memref<3200xf32, #tpu.memory_space<vmem>>, vector<16xf32>,
          %slice3A_545 = vector.extract_strided_slice %mul3A_514 {offsets = [1], sizes = [1], strides = [1]} : vector<16xi32> to vector<1xi32>
          %squeeze3A_546 = vector.extract %slice3A_545[0] : i32 from vector<1xi32>
          %get3A_547 = arith.index_cast %squeeze3A_546 : i32 to index
          %get3A_548 = tpu.vector_load %arg9[%get3A_547] {strides = array<i32>} : memref<3200xf32, #tpu.memory_space<vmem>>, vector<16xf32>,
          %slice3A_549 = vector.extract_strided_slice %mul3A_519 {offsets = [1], sizes = [1], strides = [1]} : vector<16xi32> to vector<1xi32>
          %squeeze3A_550 = vector.extract %slice3A_549[0] : i32 from vector<1xi32>
          %get3A_551 = arith.index_cast %squeeze3A_550 : i32 to index
          %get3A_552 = tpu.vector_load %arg10[%get3A_551] {strides = array<i32>} : memref<512xf32, #tpu.memory_space<vmem>>, vector<16xf32>,
          %get3A_553 = arith.index_cast %add3A_540 : i32 to index
          %get3A_554 = arith.constant 0 : index
          %get3A_555 = tpu.vector_load %arg29[%get3A_553, %get3A_554] {strides = array<i32>} : memref<80x16xf32, #tpu.memory_space<vmem>>, vector<16xf32>,
          %add3A_556 = arith.constant 0 : i32
          %add3A_557 = arith.addi %mul3A_505, %add3A_556 : i32
          %add3A_558 = arith.constant 2 : i32
          %add3A_559 = arith.addi %add3A_557, %add3A_558 : i32
          %slice3A_560 = vector.extract_strided_slice %mul3A_509 {offsets = [2], sizes = [1], strides = [1]} : vector<16xi32> to vector<1xi32>
          %squeeze3A_561 = vector.extract %slice3A_560[0] : i32 from vector<1xi32>
          %get3A_562 = arith.index_cast %squeeze3A_561 : i32 to index
          %get3A_563 = tpu.vector_load %arg9[%get3A_562] {strides = array<i32>} : memref<3200xf32, #tpu.memory_space<vmem>>, vector<16xf32>,
          %slice3A_564 = vector.extract_strided_slice %mul3A_514 {offsets = [2], sizes = [1], strides = [1]} : vector<16xi32> to vector<1xi32>
          %squeeze3A_565 = vector.extract %slice3A_564[0] : i32 from vector<1xi32>
          %get3A_566 = arith.index_cast %squeeze3A_565 : i32 to index
          %get3A_567 = tpu.vector_load %arg9[%get3A_566] {strides = array<i32>} : memref<3200xf32, #tpu.memory_space<vmem>>, vector<16xf32>,
          %slice3A_568 = vector.extract_strided_slice %mul3A_519 {offsets = [2], sizes = [1], strides = [1]} : vector<16xi32> to vector<1xi32>
          %squeeze3A_569 = vector.extract %slice3A_568[0] : i32 from vector<1xi32>
          %get3A_570 = arith.index_cast %squeeze3A_569 : i32 to index
          %get3A_571 = tpu.vector_load %arg10[%get3A_570] {strides = array<i32>} : memref<512xf32, #tpu.memory_space<vmem>>, vector<16xf32>,
          %get3A_572 = arith.index_cast %add3A_559 : i32 to index
          %get3A_573 = arith.constant 0 : index
          %get3A_574 = tpu.vector_load %arg29[%get3A_572, %get3A_573] {strides = array<i32>} : memref<80x16xf32, #tpu.memory_space<vmem>>, vector<16xf32>,
          %add3A_575 = arith.constant 0 : i32
          %add3A_576 = arith.addi %mul3A_505, %add3A_575 : i32
          %add3A_577 = arith.constant 3 : i32
          %add3A_578 = arith.addi %add3A_576, %add3A_577 : i32
          %slice3A_579 = vector.extract_strided_slice %mul3A_509 {offsets = [3], sizes = [1], strides = [1]} : vector<16xi32> to vector<1xi32>
          %squeeze3A_580 = vector.extract %slice3A_579[0] : i32 from vector<1xi32>
          %get3A_581 = arith.index_cast %squeeze3A_580 : i32 to index
          %get3A_582 = tpu.vector_load %arg9[%get3A_581] {strides = array<i32>} : memref<3200xf32, #tpu.memory_space<vmem>>, vector<16xf32>,
          %slice3A_583 = vector.extract_strided_slice %mul3A_514 {offsets = [3], sizes = [1], strides = [1]} : vector<16xi32> to vector<1xi32>
          %squeeze3A_584 = vector.extract %slice3A_583[0] : i32 from vector<1xi32>
          %get3A_585 = arith.index_cast %squeeze3A_584 : i32 to index
          %get3A_586 = tpu.vector_load %arg9[%get3A_585] {strides = array<i32>} : memref<3200xf32, #tpu.memory_space<vmem>>, vector<16xf32>,
          %slice3A_587 = vector.extract_strided_slice %mul3A_519 {offsets = [3], sizes = [1], strides = [1]} : vector<16xi32> to vector<1xi32>
          %squeeze3A_588 = vector.extract %slice3A_587[0] : i32 from vector<1xi32>
          %get3A_589 = arith.index_cast %squeeze3A_588 : i32 to index
          %get3A_590 = tpu.vector_load %arg10[%get3A_589] {strides = array<i32>} : memref<512xf32, #tpu.memory_space<vmem>>, vector<16xf32>,
          %get3A_591 = arith.index_cast %add3A_578 : i32 to index
          %get3A_592 = arith.constant 0 : index
          %get3A_593 = tpu.vector_load %arg29[%get3A_591, %get3A_592] {strides = array<i32>} : memref<80x16xf32, #tpu.memory_space<vmem>>, vector<16xf32>,
          %add3A_594 = arith.constant 0 : i32
          %add3A_595 = arith.addi %mul3A_505, %add3A_594 : i32
          %add3A_596 = arith.constant 4 : i32
          %add3A_597 = arith.addi %add3A_595, %add3A_596 : i32
          %slice3A_598 = vector.extract_strided_slice %mul3A_509 {offsets = [4], sizes = [1], strides = [1]} : vector<16xi32> to vector<1xi32>
          %squeeze3A_599 = vector.extract %slice3A_598[0] : i32 from vector<1xi32>
          %get3A_600 = arith.index_cast %squeeze3A_599 : i32 to index
          %get3A_601 = tpu.vector_load %arg9[%get3A_600] {strides = array<i32>} : memref<3200xf32, #tpu.memory_space<vmem>>, vector<16xf32>,
          %slice3A_602 = vector.extract_strided_slice %mul3A_514 {offsets = [4], sizes = [1], strides = [1]} : vector<16xi32> to vector<1xi32>
          %squeeze3A_603 = vector.extract %slice3A_602[0] : i32 from vector<1xi32>
          %get3A_604 = arith.index_cast %squeeze3A_603 : i32 to index
          %get3A_605 = tpu.vector_load %arg9[%get3A_604] {strides = array<i32>} : memref<3200xf32, #tpu.memory_space<vmem>>, vector<16xf32>,
          %slice3A_606 = vector.extract_strided_slice %mul3A_519 {offsets = [4], sizes = [1], strides = [1]} : vector<16xi32> to vector<1xi32>
          %squeeze3A_607 = vector.extract %slice3A_606[0] : i32 from vector<1xi32>
          %get3A_608 = arith.index_cast %squeeze3A_607 : i32 to index
          %get3A_609 = tpu.vector_load %arg10[%get3A_608] {strides = array<i32>} : memref<512xf32, #tpu.memory_space<vmem>>, vector<16xf32>,
          %get3A_610 = arith.index_cast %add3A_597 : i32 to index
          %get3A_611 = arith.constant 0 : index
          %get3A_612 = tpu.vector_load %arg29[%get3A_610, %get3A_611] {strides = array<i32>} : memref<80x16xf32, #tpu.memory_space<vmem>>, vector<16xf32>,
          %add3A_613 = arith.constant 0 : i32
          %add3A_614 = arith.addi %mul3A_505, %add3A_613 : i32
          %add3A_615 = arith.constant 5 : i32
          %add3A_616 = arith.addi %add3A_614, %add3A_615 : i32
          %slice3A_617 = vector.extract_strided_slice %mul3A_509 {offsets = [5], sizes = [1], strides = [1]} : vector<16xi32> to vector<1xi32>
          %squeeze3A_618 = vector.extract %slice3A_617[0] : i32 from vector<1xi32>
          %get3A_619 = arith.index_cast %squeeze3A_618 : i32 to index
          %get3A_620 = tpu.vector_load %arg9[%get3A_619] {strides = array<i32>} : memref<3200xf32, #tpu.memory_space<vmem>>, vector<16xf32>,
          %slice3A_621 = vector.extract_strided_slice %mul3A_514 {offsets = [5], sizes = [1], strides = [1]} : vector<16xi32> to vector<1xi32>
          %squeeze3A_622 = vector.extract %slice3A_621[0] : i32 from vector<1xi32>
          %get3A_623 = arith.index_cast %squeeze3A_622 : i32 to index
          %get3A_624 = tpu.vector_load %arg9[%get3A_623] {strides = array<i32>} : memref<3200xf32, #tpu.memory_space<vmem>>, vector<16xf32>,
          %slice3A_625 = vector.extract_strided_slice %mul3A_519 {offsets = [5], sizes = [1], strides = [1]} : vector<16xi32> to vector<1xi32>
          %squeeze3A_626 = vector.extract %slice3A_625[0] : i32 from vector<1xi32>
          %get3A_627 = arith.index_cast %squeeze3A_626 : i32 to index
          %get3A_628 = tpu.vector_load %arg10[%get3A_627] {strides = array<i32>} : memref<512xf32, #tpu.memory_space<vmem>>, vector<16xf32>,
          %get3A_629 = arith.index_cast %add3A_616 : i32 to index
          %get3A_630 = arith.constant 0 : index
          %get3A_631 = tpu.vector_load %arg29[%get3A_629, %get3A_630] {strides = array<i32>} : memref<80x16xf32, #tpu.memory_space<vmem>>, vector<16xf32>,
          %add3A_632 = arith.constant 0 : i32
          %add3A_633 = arith.addi %mul3A_505, %add3A_632 : i32
          %add3A_634 = arith.constant 6 : i32
          %add3A_635 = arith.addi %add3A_633, %add3A_634 : i32
          %slice3A_636 = vector.extract_strided_slice %mul3A_509 {offsets = [6], sizes = [1], strides = [1]} : vector<16xi32> to vector<1xi32>
          %squeeze3A_637 = vector.extract %slice3A_636[0] : i32 from vector<1xi32>
          %get3A_638 = arith.index_cast %squeeze3A_637 : i32 to index
          %get3A_639 = tpu.vector_load %arg9[%get3A_638] {strides = array<i32>} : memref<3200xf32, #tpu.memory_space<vmem>>, vector<16xf32>,
          %slice3A_640 = vector.extract_strided_slice %mul3A_514 {offsets = [6], sizes = [1], strides = [1]} : vector<16xi32> to vector<1xi32>
          %squeeze3A_641 = vector.extract %slice3A_640[0] : i32 from vector<1xi32>
          %get3A_642 = arith.index_cast %squeeze3A_641 : i32 to index
          %get3A_643 = tpu.vector_load %arg9[%get3A_642] {strides = array<i32>} : memref<3200xf32, #tpu.memory_space<vmem>>, vector<16xf32>,
          %slice3A_644 = vector.extract_strided_slice %mul3A_519 {offsets = [6], sizes = [1], strides = [1]} : vector<16xi32> to vector<1xi32>
          %squeeze3A_645 = vector.extract %slice3A_644[0] : i32 from vector<1xi32>
          %get3A_646 = arith.index_cast %squeeze3A_645 : i32 to index
          %get3A_647 = tpu.vector_load %arg10[%get3A_646] {strides = array<i32>} : memref<512xf32, #tpu.memory_space<vmem>>, vector<16xf32>,
          %get3A_648 = arith.index_cast %add3A_635 : i32 to index
          %get3A_649 = arith.constant 0 : index
          %get3A_650 = tpu.vector_load %arg29[%get3A_648, %get3A_649] {strides = array<i32>} : memref<80x16xf32, #tpu.memory_space<vmem>>, vector<16xf32>,
          %add3A_651 = arith.constant 0 : i32
          %add3A_652 = arith.addi %mul3A_505, %add3A_651 : i32
          %add3A_653 = arith.constant 7 : i32
          %add3A_654 = arith.addi %add3A_652, %add3A_653 : i32
          %slice3A_655 = vector.extract_strided_slice %mul3A_509 {offsets = [7], sizes = [1], strides = [1]} : vector<16xi32> to vector<1xi32>
          %squeeze3A_656 = vector.extract %slice3A_655[0] : i32 from vector<1xi32>
          %get3A_657 = arith.index_cast %squeeze3A_656 : i32 to index
          %get3A_658 = tpu.vector_load %arg9[%get3A_657] {strides = array<i32>} : memref<3200xf32, #tpu.memory_space<vmem>>, vector<16xf32>,
          %slice3A_659 = vector.extract_strided_slice %mul3A_514 {offsets = [7], sizes = [1], strides = [1]} : vector<16xi32> to vector<1xi32>
          %squeeze3A_660 = vector.extract %slice3A_659[0] : i32 from vector<1xi32>
          %get3A_661 = arith.index_cast %squeeze3A_660 : i32 to index
          %get3A_662 = tpu.vector_load %arg9[%get3A_661] {strides = array<i32>} : memref<3200xf32, #tpu.memory_space<vmem>>, vector<16xf32>,
          %slice3A_663 = vector.extract_strided_slice %mul3A_519 {offsets = [7], sizes = [1], strides = [1]} : vector<16xi32> to vector<1xi32>
          %squeeze3A_664 = vector.extract %slice3A_663[0] : i32 from vector<1xi32>
          %get3A_665 = arith.index_cast %squeeze3A_664 : i32 to index
          %get3A_666 = tpu.vector_load %arg10[%get3A_665] {strides = array<i32>} : memref<512xf32, #tpu.memory_space<vmem>>, vector<16xf32>,
          %get3A_667 = arith.index_cast %add3A_654 : i32 to index
          %get3A_668 = arith.constant 0 : index
          %get3A_669 = tpu.vector_load %arg29[%get3A_667, %get3A_668] {strides = array<i32>} : memref<80x16xf32, #tpu.memory_space<vmem>>, vector<16xf32>,
          %add3A_670 = arith.constant 0 : i32
          %add3A_671 = arith.addi %mul3A_505, %add3A_670 : i32
          %add3A_672 = arith.constant 0 : i32
          %add3A_673 = arith.addi %add3A_671, %add3A_672 : i32
          %swap3A = arith.index_cast %add3A_673 : i32 to index
          %swap3A_674 = arith.constant 0 : index
          %swap3A_675 = tpu.vector_load %arg30[%swap3A, %swap3A_674] {strides = array<i32>} : memref<80x56xf32, #tpu.memory_space<vmem>>, vector<16xf32>,
          tpu.vector_store %arg30[%swap3A, %swap3A_674], %get3A_525 {strides = array<i32>} : memref<80x56xf32, #tpu.memory_space<vmem>>, vector<16xf32>,
          %swap3A_676 = arith.index_cast %add3A_673 : i32 to index
          %swap3A_677 = arith.constant 16 : index
          %swap3A_678 = tpu.vector_load %arg30[%swap3A_676, %swap3A_677] {strides = array<i32>} : memref<80x56xf32, #tpu.memory_space<vmem>>, vector<16xf32>,
          tpu.vector_store %arg30[%swap3A_676, %swap3A_677], %get3A_529 {strides = array<i32>} : memref<80x56xf32, #tpu.memory_space<vmem>>, vector<16xf32>,
          %swap3A_679 = arith.index_cast %add3A_673 : i32 to index
          %swap3A_680 = arith.constant 32 : index
          %swap3A_681 = tpu.vector_load %arg30[%swap3A_679, %swap3A_680] {strides = array<i32>} : memref<80x56xf32, #tpu.memory_space<vmem>>, vector<16xf32>,
          tpu.vector_store %arg30[%swap3A_679, %swap3A_680], %get3A_533 {strides = array<i32>} : memref<80x56xf32, #tpu.memory_space<vmem>>, vector<16xf32>,
          %swap3A_682 = arith.index_cast %add3A_673 : i32 to index
          %swap3A_683 = arith.constant 40 : index
          %swap3A_684 = tpu.vector_load %arg30[%swap3A_682, %swap3A_683] {strides = array<i32>} : memref<80x56xf32, #tpu.memory_space<vmem>>, vector<16xf32>,
          tpu.vector_store %arg30[%swap3A_682, %swap3A_683], %get3A_536 {strides = array<i32>} : memref<80x56xf32, #tpu.memory_space<vmem>>, vector<16xf32>,
          %add3A_685 = arith.constant 0 : i32
          %add3A_686 = arith.addi %mul3A_505, %add3A_685 : i32
          %add3A_687 = arith.constant 1 : i32
          %add3A_688 = arith.addi %add3A_686, %add3A_687 : i32
          %swap3A_689 = arith.index_cast %add3A_688 : i32 to index
          %swap3A_690 = arith.constant 0 : index
          %swap3A_691 = tpu.vector_load %arg30[%swap3A_689, %swap3A_690] {strides = array<i32>} : memref<80x56xf32, #tpu.memory_space<vmem>>, vector<16xf32>,
          tpu.vector_store %arg30[%swap3A_689, %swap3A_690], %get3A_544 {strides = array<i32>} : memref<80x56xf32, #tpu.memory_space<vmem>>, vector<16xf32>,
          %swap3A_692 = arith.index_cast %add3A_688 : i32 to index
          %swap3A_693 = arith.constant 16 : index
          %swap3A_694 = tpu.vector_load %arg30[%swap3A_692, %swap3A_693] {strides = array<i32>} : memref<80x56xf32, #tpu.memory_space<vmem>>, vector<16xf32>,
          tpu.vector_store %arg30[%swap3A_692, %swap3A_693], %get3A_548 {strides = array<i32>} : memref<80x56xf32, #tpu.memory_space<vmem>>, vector<16xf32>,
          %swap3A_695 = arith.index_cast %add3A_688 : i32 to index
          %swap3A_696 = arith.constant 32 : index
          %swap3A_697 = tpu.vector_load %arg30[%swap3A_695, %swap3A_696] {strides = array<i32>} : memref<80x56xf32, #tpu.memory_space<vmem>>, vector<16xf32>,
          tpu.vector_store %arg30[%swap3A_695, %swap3A_696], %get3A_552 {strides = array<i32>} : memref<80x56xf32, #tpu.memory_space<vmem>>, vector<16xf32>,
          %swap3A_698 = arith.index_cast %add3A_688 : i32 to index
          %swap3A_699 = arith.constant 40 : index
          %swap3A_700 = tpu.vector_load %arg30[%swap3A_698, %swap3A_699] {strides = array<i32>} : memref<80x56xf32, #tpu.memory_space<vmem>>, vector<16xf32>,
          tpu.vector_store %arg30[%swap3A_698, %swap3A_699], %get3A_555 {strides = array<i32>} : memref<80x56xf32, #tpu.memory_space<vmem>>, vector<16xf32>,
          %add3A_701 = arith.constant 0 : i32
          %add3A_702 = arith.addi %mul3A_505, %add3A_701 : i32
          %add3A_703 = arith.constant 2 : i32
          %add3A_704 = arith.addi %add3A_702, %add3A_703 : i32
          %swap3A_705 = arith.index_cast %add3A_704 : i32 to index
          %swap3A_706 = arith.constant 0 : index
          %swap3A_707 = tpu.vector_load %arg30[%swap3A_705, %swap3A_706] {strides = array<i32>} : memref<80x56xf32, #tpu.memory_space<vmem>>, vector<16xf32>,
          tpu.vector_store %arg30[%swap3A_705, %swap3A_706], %get3A_563 {strides = array<i32>} : memref<80x56xf32, #tpu.memory_space<vmem>>, vector<16xf32>,
          %swap3A_708 = arith.index_cast %add3A_704 : i32 to index
          %swap3A_709 = arith.constant 16 : index
          %swap3A_710 = tpu.vector_load %arg30[%swap3A_708, %swap3A_709] {strides = array<i32>} : memref<80x56xf32, #tpu.memory_space<vmem>>, vector<16xf32>,
          tpu.vector_store %arg30[%swap3A_708, %swap3A_709], %get3A_567 {strides = array<i32>} : memref<80x56xf32, #tpu.memory_space<vmem>>, vector<16xf32>,
          %swap3A_711 = arith.index_cast %add3A_704 : i32 to index
          %swap3A_712 = arith.constant 32 : index
          %swap3A_713 = tpu.vector_load %arg30[%swap3A_711, %swap3A_712] {strides = array<i32>} : memref<80x56xf32, #tpu.memory_space<vmem>>, vector<16xf32>,
          tpu.vector_store %arg30[%swap3A_711, %swap3A_712], %get3A_571 {strides = array<i32>} : memref<80x56xf32, #tpu.memory_space<vmem>>, vector<16xf32>,
          %swap3A_714 = arith.index_cast %add3A_704 : i32 to index
          %swap3A_715 = arith.constant 40 : index
          %swap3A_716 = tpu.vector_load %arg30[%swap3A_714, %swap3A_715] {strides = array<i32>} : memref<80x56xf32, #tpu.memory_space<vmem>>, vector<16xf32>,
          tpu.vector_store %arg30[%swap3A_714, %swap3A_715], %get3A_574 {strides = array<i32>} : memref<80x56xf32, #tpu.memory_space<vmem>>, vector<16xf32>,
          %add3A_717 = arith.constant 0 : i32
          %add3A_718 = arith.addi %mul3A_505, %add3A_717 : i32
          %add3A_719 = arith.constant 3 : i32
          %add3A_720 = arith.addi %add3A_718, %add3A_719 : i32
          %swap3A_721 = arith.index_cast %add3A_720 : i32 to index
          %swap3A_722 = arith.constant 0 : index
          %swap3A_723 = tpu.vector_load %arg30[%swap3A_721, %swap3A_722] {strides = array<i32>} : memref<80x56xf32, #tpu.memory_space<vmem>>, vector<16xf32>,
          tpu.vector_store %arg30[%swap3A_721, %swap3A_722], %get3A_582 {strides = array<i32>} : memref<80x56xf32, #tpu.memory_space<vmem>>, vector<16xf32>,
          %swap3A_724 = arith.index_cast %add3A_720 : i32 to index
          %swap3A_725 = arith.constant 16 : index
          %swap3A_726 = tpu.vector_load %arg30[%swap3A_724, %swap3A_725] {strides = array<i32>} : memref<80x56xf32, #tpu.memory_space<vmem>>, vector<16xf32>,
          tpu.vector_store %arg30[%swap3A_724, %swap3A_725], %get3A_586 {strides = array<i32>} : memref<80x56xf32, #tpu.memory_space<vmem>>, vector<16xf32>,
          %swap3A_727 = arith.index_cast %add3A_720 : i32 to index
          %swap3A_728 = arith.constant 32 : index
          %swap3A_729 = tpu.vector_load %arg30[%swap3A_727, %swap3A_728] {strides = array<i32>} : memref<80x56xf32, #tpu.memory_space<vmem>>, vector<16xf32>,
          tpu.vector_store %arg30[%swap3A_727, %swap3A_728], %get3A_590 {strides = array<i32>} : memref<80x56xf32, #tpu.memory_space<vmem>>, vector<16xf32>,
          %swap3A_730 = arith.index_cast %add3A_720 : i32 to index
          %swap3A_731 = arith.constant 40 : index
          %swap3A_732 = tpu.vector_load %arg30[%swap3A_730, %swap3A_731] {strides = array<i32>} : memref<80x56xf32, #tpu.memory_space<vmem>>, vector<16xf32>,
          tpu.vector_store %arg30[%swap3A_730, %swap3A_731], %get3A_593 {strides = array<i32>} : memref<80x56xf32, #tpu.memory_space<vmem>>, vector<16xf32>,
          %add3A_733 = arith.constant 0 : i32
          %add3A_734 = arith.addi %mul3A_505, %add3A_733 : i32
          %add3A_735 = arith.constant 4 : i32
          %add3A_736 = arith.addi %add3A_734, %add3A_735 : i32
          %swap3A_737 = arith.index_cast %add3A_736 : i32 to index
          %swap3A_738 = arith.constant 0 : index
          %swap3A_739 = tpu.vector_load %arg30[%swap3A_737, %swap3A_738] {strides = array<i32>} : memref<80x56xf32, #tpu.memory_space<vmem>>, vector<16xf32>,
          tpu.vector_store %arg30[%swap3A_737, %swap3A_738], %get3A_601 {strides = array<i32>} : memref<80x56xf32, #tpu.memory_space<vmem>>, vector<16xf32>,
          %swap3A_740 = arith.index_cast %add3A_736 : i32 to index
          %swap3A_741 = arith.constant 16 : index
          %swap3A_742 = tpu.vector_load %arg30[%swap3A_740, %swap3A_741] {strides = array<i32>} : memref<80x56xf32, #tpu.memory_space<vmem>>, vector<16xf32>,
          tpu.vector_store %arg30[%swap3A_740, %swap3A_741], %get3A_605 {strides = array<i32>} : memref<80x56xf32, #tpu.memory_space<vmem>>, vector<16xf32>,
          %swap3A_743 = arith.index_cast %add3A_736 : i32 to index
          %swap3A_744 = arith.constant 32 : index
          %swap3A_745 = tpu.vector_load %arg30[%swap3A_743, %swap3A_744] {strides = array<i32>} : memref<80x56xf32, #tpu.memory_space<vmem>>, vector<16xf32>,
          tpu.vector_store %arg30[%swap3A_743, %swap3A_744], %get3A_609 {strides = array<i32>} : memref<80x56xf32, #tpu.memory_space<vmem>>, vector<16xf32>,
          %swap3A_746 = arith.index_cast %add3A_736 : i32 to index
          %swap3A_747 = arith.constant 40 : index
          %swap3A_748 = tpu.vector_load %arg30[%swap3A_746, %swap3A_747] {strides = array<i32>} : memref<80x56xf32, #tpu.memory_space<vmem>>, vector<16xf32>,
          tpu.vector_store %arg30[%swap3A_746, %swap3A_747], %get3A_612 {strides = array<i32>} : memref<80x56xf32, #tpu.memory_space<vmem>>, vector<16xf32>,
          %add3A_749 = arith.constant 0 : i32
          %add3A_750 = arith.addi %mul3A_505, %add3A_749 : i32
          %add3A_751 = arith.constant 5 : i32
          %add3A_752 = arith.addi %add3A_750, %add3A_751 : i32
          %swap3A_753 = arith.index_cast %add3A_752 : i32 to index
          %swap3A_754 = arith.constant 0 : index
          %swap3A_755 = tpu.vector_load %arg30[%swap3A_753, %swap3A_754] {strides = array<i32>} : memref<80x56xf32, #tpu.memory_space<vmem>>, vector<16xf32>,
          tpu.vector_store %arg30[%swap3A_753, %swap3A_754], %get3A_620 {strides = array<i32>} : memref<80x56xf32, #tpu.memory_space<vmem>>, vector<16xf32>,
          %swap3A_756 = arith.index_cast %add3A_752 : i32 to index
          %swap3A_757 = arith.constant 16 : index
          %swap3A_758 = tpu.vector_load %arg30[%swap3A_756, %swap3A_757] {strides = array<i32>} : memref<80x56xf32, #tpu.memory_space<vmem>>, vector<16xf32>,
          tpu.vector_store %arg30[%swap3A_756, %swap3A_757], %get3A_624 {strides = array<i32>} : memref<80x56xf32, #tpu.memory_space<vmem>>, vector<16xf32>,
          %swap3A_759 = arith.index_cast %add3A_752 : i32 to index
          %swap3A_760 = arith.constant 32 : index
          %swap3A_761 = tpu.vector_load %arg30[%swap3A_759, %swap3A_760] {strides = array<i32>} : memref<80x56xf32, #tpu.memory_space<vmem>>, vector<16xf32>,
          tpu.vector_store %arg30[%swap3A_759, %swap3A_760], %get3A_628 {strides = array<i32>} : memref<80x56xf32, #tpu.memory_space<vmem>>, vector<16xf32>,
          %swap3A_762 = arith.index_cast %add3A_752 : i32 to index
          %swap3A_763 = arith.constant 40 : index
          %swap3A_764 = tpu.vector_load %arg30[%swap3A_762, %swap3A_763] {strides = array<i32>} : memref<80x56xf32, #tpu.memory_space<vmem>>, vector<16xf32>,
          tpu.vector_store %arg30[%swap3A_762, %swap3A_763], %get3A_631 {strides = array<i32>} : memref<80x56xf32, #tpu.memory_space<vmem>>, vector<16xf32>,
          %add3A_765 = arith.constant 0 : i32
          %add3A_766 = arith.addi %mul3A_505, %add3A_765 : i32
          %add3A_767 = arith.constant 6 : i32
          %add3A_768 = arith.addi %add3A_766, %add3A_767 : i32
          %swap3A_769 = arith.index_cast %add3A_768 : i32 to index
          %swap3A_770 = arith.constant 0 : index
          %swap3A_771 = tpu.vector_load %arg30[%swap3A_769, %swap3A_770] {strides = array<i32>} : memref<80x56xf32, #tpu.memory_space<vmem>>, vector<16xf32>,
          tpu.vector_store %arg30[%swap3A_769, %swap3A_770], %get3A_639 {strides = array<i32>} : memref<80x56xf32, #tpu.memory_space<vmem>>, vector<16xf32>,
          %swap3A_772 = arith.index_cast %add3A_768 : i32 to index
          %swap3A_773 = arith.constant 16 : index
          %swap3A_774 = tpu.vector_load %arg30[%swap3A_772, %swap3A_773] {strides = array<i32>} : memref<80x56xf32, #tpu.memory_space<vmem>>, vector<16xf32>,
          tpu.vector_store %arg30[%swap3A_772, %swap3A_773], %get3A_643 {strides = array<i32>} : memref<80x56xf32, #tpu.memory_space<vmem>>, vector<16xf32>,
          %swap3A_775 = arith.index_cast %add3A_768 : i32 to index
          %swap3A_776 = arith.constant 32 : index
          %swap3A_777 = tpu.vector_load %arg30[%swap3A_775, %swap3A_776] {strides = array<i32>} : memref<80x56xf32, #tpu.memory_space<vmem>>, vector<16xf32>,
          tpu.vector_store %arg30[%swap3A_775, %swap3A_776], %get3A_647 {strides = array<i32>} : memref<80x56xf32, #tpu.memory_space<vmem>>, vector<16xf32>,
          %swap3A_778 = arith.index_cast %add3A_768 : i32 to index
          %swap3A_779 = arith.constant 40 : index
          %swap3A_780 = tpu.vector_load %arg30[%swap3A_778, %swap3A_779] {strides = array<i32>} : memref<80x56xf32, #tpu.memory_space<vmem>>, vector<16xf32>,
          tpu.vector_store %arg30[%swap3A_778, %swap3A_779], %get3A_650 {strides = array<i32>} : memref<80x56xf32, #tpu.memory_space<vmem>>, vector<16xf32>,
          %add3A_781 = arith.constant 0 : i32
          %add3A_782 = arith.addi %mul3A_505, %add3A_781 : i32
          %add3A_783 = arith.constant 7 : i32
          %add3A_784 = arith.addi %add3A_782, %add3A_783 : i32
          %swap3A_785 = arith.index_cast %add3A_784 : i32 to index
          %swap3A_786 = arith.constant 0 : index
          %swap3A_787 = tpu.vector_load %arg30[%swap3A_785, %swap3A_786] {strides = array<i32>} : memref<80x56xf32, #tpu.memory_space<vmem>>, vector<16xf32>,
          tpu.vector_store %arg30[%swap3A_785, %swap3A_786], %get3A_658 {strides = array<i32>} : memref<80x56xf32, #tpu.memory_space<vmem>>, vector<16xf32>,
          %swap3A_788 = arith.index_cast %add3A_784 : i32 to index
          %swap3A_789 = arith.constant 16 : index
          %swap3A_790 = tpu.vector_load %arg30[%swap3A_788, %swap3A_789] {strides = array<i32>} : memref<80x56xf32, #tpu.memory_space<vmem>>, vector<16xf32>,
          tpu.vector_store %arg30[%swap3A_788, %swap3A_789], %get3A_662 {strides = array<i32>} : memref<80x56xf32, #tpu.memory_space<vmem>>, vector<16xf32>,
          %swap3A_791 = arith.index_cast %add3A_784 : i32 to index
          %swap3A_792 = arith.constant 32 : index
          %swap3A_793 = tpu.vector_load %arg30[%swap3A_791, %swap3A_792] {strides = array<i32>} : memref<80x56xf32, #tpu.memory_space<vmem>>, vector<16xf32>,
          tpu.vector_store %arg30[%swap3A_791, %swap3A_792], %get3A_666 {strides = array<i32>} : memref<80x56xf32, #tpu.memory_space<vmem>>, vector<16xf32>,
          %swap3A_794 = arith.index_cast %add3A_784 : i32 to index
          %swap3A_795 = arith.constant 40 : index
          %swap3A_796 = tpu.vector_load %arg30[%swap3A_794, %swap3A_795] {strides = array<i32>} : memref<80x56xf32, #tpu.memory_space<vmem>>, vector<16xf32>,
          tpu.vector_store %arg30[%swap3A_794, %swap3A_795], %get3A_669 {strides = array<i32>} : memref<80x56xf32, #tpu.memory_space<vmem>>, vector<16xf32>,
          %add3A_797 = arith.constant 8 : i32
          %add3A_798 = arith.addi %mul3A_505, %add3A_797 : i32
          %add3A_799 = arith.constant 0 : i32
          %add3A_800 = arith.addi %add3A_798, %add3A_799 : i32
          %slice3A_801 = vector.extract_strided_slice %mul3A_509 {offsets = [8], sizes = [1], strides = [1]} : vector<16xi32> to vector<1xi32>
          %squeeze3A_802 = vector.extract %slice3A_801[0] : i32 from vector<1xi32>
          %get3A_803 = arith.index_cast %squeeze3A_802 : i32 to index
          %get3A_804 = tpu.vector_load %arg9[%get3A_803] {strides = array<i32>} : memref<3200xf32, #tpu.memory_space<vmem>>, vector<16xf32>,
          %slice3A_805 = vector.extract_strided_slice %mul3A_514 {offsets = [8], sizes = [1], strides = [1]} : vector<16xi32> to vector<1xi32>
          %squeeze3A_806 = vector.extract %slice3A_805[0] : i32 from vector<1xi32>
          %get3A_807 = arith.index_cast %squeeze3A_806 : i32 to index
          %get3A_808 = tpu.vector_load %arg9[%get3A_807] {strides = array<i32>} : memref<3200xf32, #tpu.memory_space<vmem>>, vector<16xf32>,
          %slice3A_809 = vector.extract_strided_slice %mul3A_519 {offsets = [8], sizes = [1], strides = [1]} : vector<16xi32> to vector<1xi32>
          %squeeze3A_810 = vector.extract %slice3A_809[0] : i32 from vector<1xi32>
          %get3A_811 = arith.index_cast %squeeze3A_810 : i32 to index
          %get3A_812 = tpu.vector_load %arg10[%get3A_811] {strides = array<i32>} : memref<512xf32, #tpu.memory_space<vmem>>, vector<16xf32>,
          %get3A_813 = arith.index_cast %add3A_800 : i32 to index
          %get3A_814 = arith.constant 0 : index
          %get3A_815 = tpu.vector_load %arg29[%get3A_813, %get3A_814] {strides = array<i32>} : memref<80x16xf32, #tpu.memory_space<vmem>>, vector<16xf32>,
          %add3A_816 = arith.constant 8 : i32
          %add3A_817 = arith.addi %mul3A_505, %add3A_816 : i32
          %add3A_818 = arith.constant 1 : i32
          %add3A_819 = arith.addi %add3A_817, %add3A_818 : i32
          %slice3A_820 = vector.extract_strided_slice %mul3A_509 {offsets = [9], sizes = [1], strides = [1]} : vector<16xi32> to vector<1xi32>
          %squeeze3A_821 = vector.extract %slice3A_820[0] : i32 from vector<1xi32>
          %get3A_822 = arith.index_cast %squeeze3A_821 : i32 to index
          %get3A_823 = tpu.vector_load %arg9[%get3A_822] {strides = array<i32>} : memref<3200xf32, #tpu.memory_space<vmem>>, vector<16xf32>,
          %slice3A_824 = vector.extract_strided_slice %mul3A_514 {offsets = [9], sizes = [1], strides = [1]} : vector<16xi32> to vector<1xi32>
          %squeeze3A_825 = vector.extract %slice3A_824[0] : i32 from vector<1xi32>
          %get3A_826 = arith.index_cast %squeeze3A_825 : i32 to index
          %get3A_827 = tpu.vector_load %arg9[%get3A_826] {strides = array<i32>} : memref<3200xf32, #tpu.memory_space<vmem>>, vector<16xf32>,
          %slice3A_828 = vector.extract_strided_slice %mul3A_519 {offsets = [9], sizes = [1], strides = [1]} : vector<16xi32> to vector<1xi32>
          %squeeze3A_829 = vector.extract %slice3A_828[0] : i32 from vector<1xi32>
          %get3A_830 = arith.index_cast %squeeze3A_829 : i32 to index
          %get3A_831 = tpu.vector_load %arg10[%get3A_830] {strides = array<i32>} : memref<512xf32, #tpu.memory_space<vmem>>, vector<16xf32>,
          %get3A_832 = arith.index_cast %add3A_819 : i32 to index
          %get3A_833 = arith.constant 0 : index
          %get3A_834 = tpu.vector_load %arg29[%get3A_832, %get3A_833] {strides = array<i32>} : memref<80x16xf32, #tpu.memory_space<vmem>>, vector<16xf32>,
          %add3A_835 = arith.constant 8 : i32
          %add3A_836 = arith.addi %mul3A_505, %add3A_835 : i32
          %add3A_837 = arith.constant 2 : i32
          %add3A_838 = arith.addi %add3A_836, %add3A_837 : i32
          %slice3A_839 = vector.extract_strided_slice %mul3A_509 {offsets = [10], sizes = [1], strides = [1]} : vector<16xi32> to vector<1xi32>
          %squeeze3A_840 = vector.extract %slice3A_839[0] : i32 from vector<1xi32>
          %get3A_841 = arith.index_cast %squeeze3A_840 : i32 to index
          %get3A_842 = tpu.vector_load %arg9[%get3A_841] {strides = array<i32>} : memref<3200xf32, #tpu.memory_space<vmem>>, vector<16xf32>,
          %slice3A_843 = vector.extract_strided_slice %mul3A_514 {offsets = [10], sizes = [1], strides = [1]} : vector<16xi32> to vector<1xi32>
          %squeeze3A_844 = vector.extract %slice3A_843[0] : i32 from vector<1xi32>
          %get3A_845 = arith.index_cast %squeeze3A_844 : i32 to index
          %get3A_846 = tpu.vector_load %arg9[%get3A_845] {strides = array<i32>} : memref<3200xf32, #tpu.memory_space<vmem>>, vector<16xf32>,
          %slice3A_847 = vector.extract_strided_slice %mul3A_519 {offsets = [10], sizes = [1], strides = [1]} : vector<16xi32> to vector<1xi32>
          %squeeze3A_848 = vector.extract %slice3A_847[0] : i32 from vector<1xi32>
          %get3A_849 = arith.index_cast %squeeze3A_848 : i32 to index
          %get3A_850 = tpu.vector_load %arg10[%get3A_849] {strides = array<i32>} : memref<512xf32, #tpu.memory_space<vmem>>, vector<16xf32>,
          %get3A_851 = arith.index_cast %add3A_838 : i32 to index
          %get3A_852 = arith.constant 0 : index
          %get3A_853 = tpu.vector_load %arg29[%get3A_851, %get3A_852] {strides = array<i32>} : memref<80x16xf32, #tpu.memory_space<vmem>>, vector<16xf32>,
          %add3A_854 = arith.constant 8 : i32
          %add3A_855 = arith.addi %mul3A_505, %add3A_854 : i32
          %add3A_856 = arith.constant 3 : i32
          %add3A_857 = arith.addi %add3A_855, %add3A_856 : i32
          %slice3A_858 = vector.extract_strided_slice %mul3A_509 {offsets = [11], sizes = [1], strides = [1]} : vector<16xi32> to vector<1xi32>
          %squeeze3A_859 = vector.extract %slice3A_858[0] : i32 from vector<1xi32>
          %get3A_860 = arith.index_cast %squeeze3A_859 : i32 to index
          %get3A_861 = tpu.vector_load %arg9[%get3A_860] {strides = array<i32>} : memref<3200xf32, #tpu.memory_space<vmem>>, vector<16xf32>,
          %slice3A_862 = vector.extract_strided_slice %mul3A_514 {offsets = [11], sizes = [1], strides = [1]} : vector<16xi32> to vector<1xi32>
          %squeeze3A_863 = vector.extract %slice3A_862[0] : i32 from vector<1xi32>
          %get3A_864 = arith.index_cast %squeeze3A_863 : i32 to index
          %get3A_865 = tpu.vector_load %arg9[%get3A_864] {strides = array<i32>} : memref<3200xf32, #tpu.memory_space<vmem>>, vector<16xf32>,
          %slice3A_866 = vector.extract_strided_slice %mul3A_519 {offsets = [11], sizes = [1], strides = [1]} : vector<16xi32> to vector<1xi32>
          %squeeze3A_867 = vector.extract %slice3A_866[0] : i32 from vector<1xi32>
          %get3A_868 = arith.index_cast %squeeze3A_867 : i32 to index
          %get3A_869 = tpu.vector_load %arg10[%get3A_868] {strides = array<i32>} : memref<512xf32, #tpu.memory_space<vmem>>, vector<16xf32>,
          %get3A_870 = arith.index_cast %add3A_857 : i32 to index
          %get3A_871 = arith.constant 0 : index
          %get3A_872 = tpu.vector_load %arg29[%get3A_870, %get3A_871] {strides = array<i32>} : memref<80x16xf32, #tpu.memory_space<vmem>>, vector<16xf32>,
          %add3A_873 = arith.constant 8 : i32
          %add3A_874 = arith.addi %mul3A_505, %add3A_873 : i32
          %add3A_875 = arith.constant 4 : i32
          %add3A_876 = arith.addi %add3A_874, %add3A_875 : i32
          %slice3A_877 = vector.extract_strided_slice %mul3A_509 {offsets = [12], sizes = [1], strides = [1]} : vector<16xi32> to vector<1xi32>
          %squeeze3A_878 = vector.extract %slice3A_877[0] : i32 from vector<1xi32>
          %get3A_879 = arith.index_cast %squeeze3A_878 : i32 to index
          %get3A_880 = tpu.vector_load %arg9[%get3A_879] {strides = array<i32>} : memref<3200xf32, #tpu.memory_space<vmem>>, vector<16xf32>,
          %slice3A_881 = vector.extract_strided_slice %mul3A_514 {offsets = [12], sizes = [1], strides = [1]} : vector<16xi32> to vector<1xi32>
          %squeeze3A_882 = vector.extract %slice3A_881[0] : i32 from vector<1xi32>
          %get3A_883 = arith.index_cast %squeeze3A_882 : i32 to index
          %get3A_884 = tpu.vector_load %arg9[%get3A_883] {strides = array<i32>} : memref<3200xf32, #tpu.memory_space<vmem>>, vector<16xf32>,
          %slice3A_885 = vector.extract_strided_slice %mul3A_519 {offsets = [12], sizes = [1], strides = [1]} : vector<16xi32> to vector<1xi32>
          %squeeze3A_886 = vector.extract %slice3A_885[0] : i32 from vector<1xi32>
          %get3A_887 = arith.index_cast %squeeze3A_886 : i32 to index
          %get3A_888 = tpu.vector_load %arg10[%get3A_887] {strides = array<i32>} : memref<512xf32, #tpu.memory_space<vmem>>, vector<16xf32>,
          %get3A_889 = arith.index_cast %add3A_876 : i32 to index
          %get3A_890 = arith.constant 0 : index
          %get3A_891 = tpu.vector_load %arg29[%get3A_889, %get3A_890] {strides = array<i32>} : memref<80x16xf32, #tpu.memory_space<vmem>>, vector<16xf32>,
          %add3A_892 = arith.constant 8 : i32
          %add3A_893 = arith.addi %mul3A_505, %add3A_892 : i32
          %add3A_894 = arith.constant 5 : i32
          %add3A_895 = arith.addi %add3A_893, %add3A_894 : i32
          %slice3A_896 = vector.extract_strided_slice %mul3A_509 {offsets = [13], sizes = [1], strides = [1]} : vector<16xi32> to vector<1xi32>
          %squeeze3A_897 = vector.extract %slice3A_896[0] : i32 from vector<1xi32>
          %get3A_898 = arith.index_cast %squeeze3A_897 : i32 to index
          %get3A_899 = tpu.vector_load %arg9[%get3A_898] {strides = array<i32>} : memref<3200xf32, #tpu.memory_space<vmem>>, vector<16xf32>,
          %slice3A_900 = vector.extract_strided_slice %mul3A_514 {offsets = [13], sizes = [1], strides = [1]} : vector<16xi32> to vector<1xi32>
          %squeeze3A_901 = vector.extract %slice3A_900[0] : i32 from vector<1xi32>
          %get3A_902 = arith.index_cast %squeeze3A_901 : i32 to index
          %get3A_903 = tpu.vector_load %arg9[%get3A_902] {strides = array<i32>} : memref<3200xf32, #tpu.memory_space<vmem>>, vector<16xf32>,
          %slice3A_904 = vector.extract_strided_slice %mul3A_519 {offsets = [13], sizes = [1], strides = [1]} : vector<16xi32> to vector<1xi32>
          %squeeze3A_905 = vector.extract %slice3A_904[0] : i32 from vector<1xi32>
          %get3A_906 = arith.index_cast %squeeze3A_905 : i32 to index
          %get3A_907 = tpu.vector_load %arg10[%get3A_906] {strides = array<i32>} : memref<512xf32, #tpu.memory_space<vmem>>, vector<16xf32>,
          %get3A_908 = arith.index_cast %add3A_895 : i32 to index
          %get3A_909 = arith.constant 0 : index
          %get3A_910 = tpu.vector_load %arg29[%get3A_908, %get3A_909] {strides = array<i32>} : memref<80x16xf32, #tpu.memory_space<vmem>>, vector<16xf32>,
          %add3A_911 = arith.constant 8 : i32
          %add3A_912 = arith.addi %mul3A_505, %add3A_911 : i32
          %add3A_913 = arith.constant 6 : i32
          %add3A_914 = arith.addi %add3A_912, %add3A_913 : i32
          %slice3A_915 = vector.extract_strided_slice %mul3A_509 {offsets = [14], sizes = [1], strides = [1]} : vector<16xi32> to vector<1xi32>
          %squeeze3A_916 = vector.extract %slice3A_915[0] : i32 from vector<1xi32>
          %get3A_917 = arith.index_cast %squeeze3A_916 : i32 to index
          %get3A_918 = tpu.vector_load %arg9[%get3A_917] {strides = array<i32>} : memref<3200xf32, #tpu.memory_space<vmem>>, vector<16xf32>,
          %slice3A_919 = vector.extract_strided_slice %mul3A_514 {offsets = [14], sizes = [1], strides = [1]} : vector<16xi32> to vector<1xi32>
          %squeeze3A_920 = vector.extract %slice3A_919[0] : i32 from vector<1xi32>
          %get3A_921 = arith.index_cast %squeeze3A_920 : i32 to index
          %get3A_922 = tpu.vector_load %arg9[%get3A_921] {strides = array<i32>} : memref<3200xf32, #tpu.memory_space<vmem>>, vector<16xf32>,
          %slice3A_923 = vector.extract_strided_slice %mul3A_519 {offsets = [14], sizes = [1], strides = [1]} : vector<16xi32> to vector<1xi32>
          %squeeze3A_924 = vector.extract %slice3A_923[0] : i32 from vector<1xi32>
          %get3A_925 = arith.index_cast %squeeze3A_924 : i32 to index
          %get3A_926 = tpu.vector_load %arg10[%get3A_925] {strides = array<i32>} : memref<512xf32, #tpu.memory_space<vmem>>, vector<16xf32>,
          %get3A_927 = arith.index_cast %add3A_914 : i32 to index
          %get3A_928 = arith.constant 0 : index
          %get3A_929 = tpu.vector_load %arg29[%get3A_927, %get3A_928] {strides = array<i32>} : memref<80x16xf32, #tpu.memory_space<vmem>>, vector<16xf32>,
          %add3A_930 = arith.constant 8 : i32
          %add3A_931 = arith.addi %mul3A_505, %add3A_930 : i32
          %add3A_932 = arith.constant 7 : i32
          %add3A_933 = arith.addi %add3A_931, %add3A_932 : i32
          %slice3A_934 = vector.extract_strided_slice %mul3A_509 {offsets = [15], sizes = [1], strides = [1]} : vector<16xi32> to vector<1xi32>
          %squeeze3A_935 = vector.extract %slice3A_934[0] : i32 from vector<1xi32>
          %get3A_936 = arith.index_cast %squeeze3A_935 : i32 to index
          %get3A_937 = tpu.vector_load %arg9[%get3A_936] {strides = array<i32>} : memref<3200xf32, #tpu.memory_space<vmem>>, vector<16xf32>,
          %slice3A_938 = vector.extract_strided_slice %mul3A_514 {offsets = [15], sizes = [1], strides = [1]} : vector<16xi32> to vector<1xi32>
          %squeeze3A_939 = vector.extract %slice3A_938[0] : i32 from vector<1xi32>
          %get3A_940 = arith.index_cast %squeeze3A_939 : i32 to index
          %get3A_941 = tpu.vector_load %arg9[%get3A_940] {strides = array<i32>} : memref<3200xf32, #tpu.memory_space<vmem>>, vector<16xf32>,
          %slice3A_942 = vector.extract_strided_slice %mul3A_519 {offsets = [15], sizes = [1], strides = [1]} : vector<16xi32> to vector<1xi32>
          %squeeze3A_943 = vector.extract %slice3A_942[0] : i32 from vector<1xi32>
          %get3A_944 = arith.index_cast %squeeze3A_943 : i32 to index
          %get3A_945 = tpu.vector_load %arg10[%get3A_944] {strides = array<i32>} : memref<512xf32, #tpu.memory_space<vmem>>, vector<16xf32>,
          %get3A_946 = arith.index_cast %add3A_933 : i32 to index
          %get3A_947 = arith.constant 0 : index
          %get3A_948 = tpu.vector_load %arg29[%get3A_946, %get3A_947] {strides = array<i32>} : memref<80x16xf32, #tpu.memory_space<vmem>>, vector<16xf32>,
          %add3A_949 = arith.constant 8 : i32
          %add3A_950 = arith.addi %mul3A_505, %add3A_949 : i32
          %add3A_951 = arith.constant 0 : i32
          %add3A_952 = arith.addi %add3A_950, %add3A_951 : i32
          %swap3A_953 = arith.index_cast %add3A_952 : i32 to index
          %swap3A_954 = arith.constant 0 : index
          %swap3A_955 = tpu.vector_load %arg30[%swap3A_953, %swap3A_954] {strides = array<i32>} : memref<80x56xf32, #tpu.memory_space<vmem>>, vector<16xf32>,
          tpu.vector_store %arg30[%swap3A_953, %swap3A_954], %get3A_804 {strides = array<i32>} : memref<80x56xf32, #tpu.memory_space<vmem>>, vector<16xf32>,
          %swap3A_956 = arith.index_cast %add3A_952 : i32 to index
          %swap3A_957 = arith.constant 16 : index
          %swap3A_958 = tpu.vector_load %arg30[%swap3A_956, %swap3A_957] {strides = array<i32>} : memref<80x56xf32, #tpu.memory_space<vmem>>, vector<16xf32>,
          tpu.vector_store %arg30[%swap3A_956, %swap3A_957], %get3A_808 {strides = array<i32>} : memref<80x56xf32, #tpu.memory_space<vmem>>, vector<16xf32>,
          %swap3A_959 = arith.index_cast %add3A_952 : i32 to index
          %swap3A_960 = arith.constant 32 : index
          %swap3A_961 = tpu.vector_load %arg30[%swap3A_959, %swap3A_960] {strides = array<i32>} : memref<80x56xf32, #tpu.memory_space<vmem>>, vector<16xf32>,
          tpu.vector_store %arg30[%swap3A_959, %swap3A_960], %get3A_812 {strides = array<i32>} : memref<80x56xf32, #tpu.memory_space<vmem>>, vector<16xf32>,
          %swap3A_962 = arith.index_cast %add3A_952 : i32 to index
          %swap3A_963 = arith.constant 40 : index
          %swap3A_964 = tpu.vector_load %arg30[%swap3A_962, %swap3A_963] {strides = array<i32>} : memref<80x56xf32, #tpu.memory_space<vmem>>, vector<16xf32>,
          tpu.vector_store %arg30[%swap3A_962, %swap3A_963], %get3A_815 {strides = array<i32>} : memref<80x56xf32, #tpu.memory_space<vmem>>, vector<16xf32>,
          %add3A_965 = arith.constant 8 : i32
          %add3A_966 = arith.addi %mul3A_505, %add3A_965 : i32
          %add3A_967 = arith.constant 1 : i32
          %add3A_968 = arith.addi %add3A_966, %add3A_967 : i32
          %swap3A_969 = arith.index_cast %add3A_968 : i32 to index
          %swap3A_970 = arith.constant 0 : index
          %swap3A_971 = tpu.vector_load %arg30[%swap3A_969, %swap3A_970] {strides = array<i32>} : memref<80x56xf32, #tpu.memory_space<vmem>>, vector<16xf32>,
          tpu.vector_store %arg30[%swap3A_969, %swap3A_970], %get3A_823 {strides = array<i32>} : memref<80x56xf32, #tpu.memory_space<vmem>>, vector<16xf32>,
          %swap3A_972 = arith.index_cast %add3A_968 : i32 to index
          %swap3A_973 = arith.constant 16 : index
          %swap3A_974 = tpu.vector_load %arg30[%swap3A_972, %swap3A_973] {strides = array<i32>} : memref<80x56xf32, #tpu.memory_space<vmem>>, vector<16xf32>,
          tpu.vector_store %arg30[%swap3A_972, %swap3A_973], %get3A_827 {strides = array<i32>} : memref<80x56xf32, #tpu.memory_space<vmem>>, vector<16xf32>,
          %swap3A_975 = arith.index_cast %add3A_968 : i32 to index
          %swap3A_976 = arith.constant 32 : index
          %swap3A_977 = tpu.vector_load %arg30[%swap3A_975, %swap3A_976] {strides = array<i32>} : memref<80x56xf32, #tpu.memory_space<vmem>>, vector<16xf32>,
          tpu.vector_store %arg30[%swap3A_975, %swap3A_976], %get3A_831 {strides = array<i32>} : memref<80x56xf32, #tpu.memory_space<vmem>>, vector<16xf32>,
          %swap3A_978 = arith.index_cast %add3A_968 : i32 to index
          %swap3A_979 = arith.constant 40 : index
          %swap3A_980 = tpu.vector_load %arg30[%swap3A_978, %swap3A_979] {strides = array<i32>} : memref<80x56xf32, #tpu.memory_space<vmem>>, vector<16xf32>,
          tpu.vector_store %arg30[%swap3A_978, %swap3A_979], %get3A_834 {strides = array<i32>} : memref<80x56xf32, #tpu.memory_space<vmem>>, vector<16xf32>,
          %add3A_981 = arith.constant 8 : i32
          %add3A_982 = arith.addi %mul3A_505, %add3A_981 : i32
          %add3A_983 = arith.constant 2 : i32
          %add3A_984 = arith.addi %add3A_982, %add3A_983 : i32
          %swap3A_985 = arith.index_cast %add3A_984 : i32 to index
          %swap3A_986 = arith.constant 0 : index
          %swap3A_987 = tpu.vector_load %arg30[%swap3A_985, %swap3A_986] {strides = array<i32>} : memref<80x56xf32, #tpu.memory_space<vmem>>, vector<16xf32>,
          tpu.vector_store %arg30[%swap3A_985, %swap3A_986], %get3A_842 {strides = array<i32>} : memref<80x56xf32, #tpu.memory_space<vmem>>, vector<16xf32>,
          %swap3A_988 = arith.index_cast %add3A_984 : i32 to index
          %swap3A_989 = arith.constant 16 : index
          %swap3A_990 = tpu.vector_load %arg30[%swap3A_988, %swap3A_989] {strides = array<i32>} : memref<80x56xf32, #tpu.memory_space<vmem>>, vector<16xf32>,
          tpu.vector_store %arg30[%swap3A_988, %swap3A_989], %get3A_846 {strides = array<i32>} : memref<80x56xf32, #tpu.memory_space<vmem>>, vector<16xf32>,
          %swap3A_991 = arith.index_cast %add3A_984 : i32 to index
          %swap3A_992 = arith.constant 32 : index
          %swap3A_993 = tpu.vector_load %arg30[%swap3A_991, %swap3A_992] {strides = array<i32>} : memref<80x56xf32, #tpu.memory_space<vmem>>, vector<16xf32>,
          tpu.vector_store %arg30[%swap3A_991, %swap3A_992], %get3A_850 {strides = array<i32>} : memref<80x56xf32, #tpu.memory_space<vmem>>, vector<16xf32>,
          %swap3A_994 = arith.index_cast %add3A_984 : i32 to index
          %swap3A_995 = arith.constant 40 : index
          %swap3A_996 = tpu.vector_load %arg30[%swap3A_994, %swap3A_995] {strides = array<i32>} : memref<80x56xf32, #tpu.memory_space<vmem>>, vector<16xf32>,
          tpu.vector_store %arg30[%swap3A_994, %swap3A_995], %get3A_853 {strides = array<i32>} : memref<80x56xf32, #tpu.memory_space<vmem>>, vector<16xf32>,
          %add3A_997 = arith.constant 8 : i32
          %add3A_998 = arith.addi %mul3A_505, %add3A_997 : i32
          %add3A_999 = arith.constant 3 : i32
          %add3A_1000 = arith.addi %add3A_998, %add3A_999 : i32
          %swap3A_1001 = arith.index_cast %add3A_1000 : i32 to index
          %swap3A_1002 = arith.constant 0 : index
          %swap3A_1003 = tpu.vector_load %arg30[%swap3A_1001, %swap3A_1002] {strides = array<i32>} : memref<80x56xf32, #tpu.memory_space<vmem>>, vector<16xf32>,
          tpu.vector_store %arg30[%swap3A_1001, %swap3A_1002], %get3A_861 {strides = array<i32>} : memref<80x56xf32, #tpu.memory_space<vmem>>, vector<16xf32>,
          %swap3A_1004 = arith.index_cast %add3A_1000 : i32 to index
          %swap3A_1005 = arith.constant 16 : index
          %swap3A_1006 = tpu.vector_load %arg30[%swap3A_1004, %swap3A_1005] {strides = array<i32>} : memref<80x56xf32, #tpu.memory_space<vmem>>, vector<16xf32>,
          tpu.vector_store %arg30[%swap3A_1004, %swap3A_1005], %get3A_865 {strides = array<i32>} : memref<80x56xf32, #tpu.memory_space<vmem>>, vector<16xf32>,
          %swap3A_1007 = arith.index_cast %add3A_1000 : i32 to index
          %swap3A_1008 = arith.constant 32 : index
          %swap3A_1009 = tpu.vector_load %arg30[%swap3A_1007, %swap3A_1008] {strides = array<i32>} : memref<80x56xf32, #tpu.memory_space<vmem>>, vector<16xf32>,
          tpu.vector_store %arg30[%swap3A_1007, %swap3A_1008], %get3A_869 {strides = array<i32>} : memref<80x56xf32, #tpu.memory_space<vmem>>, vector<16xf32>,
          %swap3A_1010 = arith.index_cast %add3A_1000 : i32 to index
          %swap3A_1011 = arith.constant 40 : index
          %swap3A_1012 = tpu.vector_load %arg30[%swap3A_1010, %swap3A_1011] {strides = array<i32>} : memref<80x56xf32, #tpu.memory_space<vmem>>, vector<16xf32>,
          tpu.vector_store %arg30[%swap3A_1010, %swap3A_1011], %get3A_872 {strides = array<i32>} : memref<80x56xf32, #tpu.memory_space<vmem>>, vector<16xf32>,
          %add3A_1013 = arith.constant 8 : i32
          %add3A_1014 = arith.addi %mul3A_505, %add3A_1013 : i32
          %add3A_1015 = arith.constant 4 : i32
          %add3A_1016 = arith.addi %add3A_1014, %add3A_1015 : i32
          %swap3A_1017 = arith.index_cast %add3A_1016 : i32 to index
          %swap3A_1018 = arith.constant 0 : index
          %swap3A_1019 = tpu.vector_load %arg30[%swap3A_1017, %swap3A_1018] {strides = array<i32>} : memref<80x56xf32, #tpu.memory_space<vmem>>, vector<16xf32>,
          tpu.vector_store %arg30[%swap3A_1017, %swap3A_1018], %get3A_880 {strides = array<i32>} : memref<80x56xf32, #tpu.memory_space<vmem>>, vector<16xf32>,
          %swap3A_1020 = arith.index_cast %add3A_1016 : i32 to index
          %swap3A_1021 = arith.constant 16 : index
          %swap3A_1022 = tpu.vector_load %arg30[%swap3A_1020, %swap3A_1021] {strides = array<i32>} : memref<80x56xf32, #tpu.memory_space<vmem>>, vector<16xf32>,
          tpu.vector_store %arg30[%swap3A_1020, %swap3A_1021], %get3A_884 {strides = array<i32>} : memref<80x56xf32, #tpu.memory_space<vmem>>, vector<16xf32>,
          %swap3A_1023 = arith.index_cast %add3A_1016 : i32 to index
          %swap3A_1024 = arith.constant 32 : index
          %swap3A_1025 = tpu.vector_load %arg30[%swap3A_1023, %swap3A_1024] {strides = array<i32>} : memref<80x56xf32, #tpu.memory_space<vmem>>, vector<16xf32>,
          tpu.vector_store %arg30[%swap3A_1023, %swap3A_1024], %get3A_888 {strides = array<i32>} : memref<80x56xf32, #tpu.memory_space<vmem>>, vector<16xf32>,
          %swap3A_1026 = arith.index_cast %add3A_1016 : i32 to index
          %swap3A_1027 = arith.constant 40 : index
          %swap3A_1028 = tpu.vector_load %arg30[%swap3A_1026, %swap3A_1027] {strides = array<i32>} : memref<80x56xf32, #tpu.memory_space<vmem>>, vector<16xf32>,
          tpu.vector_store %arg30[%swap3A_1026, %swap3A_1027], %get3A_891 {strides = array<i32>} : memref<80x56xf32, #tpu.memory_space<vmem>>, vector<16xf32>,
          %add3A_1029 = arith.constant 8 : i32
          %add3A_1030 = arith.addi %mul3A_505, %add3A_1029 : i32
          %add3A_1031 = arith.constant 5 : i32
          %add3A_1032 = arith.addi %add3A_1030, %add3A_1031 : i32
          %swap3A_1033 = arith.index_cast %add3A_1032 : i32 to index
          %swap3A_1034 = arith.constant 0 : index
          %swap3A_1035 = tpu.vector_load %arg30[%swap3A_1033, %swap3A_1034] {strides = array<i32>} : memref<80x56xf32, #tpu.memory_space<vmem>>, vector<16xf32>,
          tpu.vector_store %arg30[%swap3A_1033, %swap3A_1034], %get3A_899 {strides = array<i32>} : memref<80x56xf32, #tpu.memory_space<vmem>>, vector<16xf32>,
          %swap3A_1036 = arith.index_cast %add3A_1032 : i32 to index
          %swap3A_1037 = arith.constant 16 : index
          %swap3A_1038 = tpu.vector_load %arg30[%swap3A_1036, %swap3A_1037] {strides = array<i32>} : memref<80x56xf32, #tpu.memory_space<vmem>>, vector<16xf32>,
          tpu.vector_store %arg30[%swap3A_1036, %swap3A_1037], %get3A_903 {strides = array<i32>} : memref<80x56xf32, #tpu.memory_space<vmem>>, vector<16xf32>,
          %swap3A_1039 = arith.index_cast %add3A_1032 : i32 to index
          %swap3A_1040 = arith.constant 32 : index
          %swap3A_1041 = tpu.vector_load %arg30[%swap3A_1039, %swap3A_1040] {strides = array<i32>} : memref<80x56xf32, #tpu.memory_space<vmem>>, vector<16xf32>,
          tpu.vector_store %arg30[%swap3A_1039, %swap3A_1040], %get3A_907 {strides = array<i32>} : memref<80x56xf32, #tpu.memory_space<vmem>>, vector<16xf32>,
          %swap3A_1042 = arith.index_cast %add3A_1032 : i32 to index
          %swap3A_1043 = arith.constant 40 : index
          %swap3A_1044 = tpu.vector_load %arg30[%swap3A_1042, %swap3A_1043] {strides = array<i32>} : memref<80x56xf32, #tpu.memory_space<vmem>>, vector<16xf32>,
          tpu.vector_store %arg30[%swap3A_1042, %swap3A_1043], %get3A_910 {strides = array<i32>} : memref<80x56xf32, #tpu.memory_space<vmem>>, vector<16xf32>,
          %add3A_1045 = arith.constant 8 : i32
          %add3A_1046 = arith.addi %mul3A_505, %add3A_1045 : i32
          %add3A_1047 = arith.constant 6 : i32
          %add3A_1048 = arith.addi %add3A_1046, %add3A_1047 : i32
          %swap3A_1049 = arith.index_cast %add3A_1048 : i32 to index
          %swap3A_1050 = arith.constant 0 : index
          %swap3A_1051 = tpu.vector_load %arg30[%swap3A_1049, %swap3A_1050] {strides = array<i32>} : memref<80x56xf32, #tpu.memory_space<vmem>>, vector<16xf32>,
          tpu.vector_store %arg30[%swap3A_1049, %swap3A_1050], %get3A_918 {strides = array<i32>} : memref<80x56xf32, #tpu.memory_space<vmem>>, vector<16xf32>,
          %swap3A_1052 = arith.index_cast %add3A_1048 : i32 to index
          %swap3A_1053 = arith.constant 16 : index
          %swap3A_1054 = tpu.vector_load %arg30[%swap3A_1052, %swap3A_1053] {strides = array<i32>} : memref<80x56xf32, #tpu.memory_space<vmem>>, vector<16xf32>,
          tpu.vector_store %arg30[%swap3A_1052, %swap3A_1053], %get3A_922 {strides = array<i32>} : memref<80x56xf32, #tpu.memory_space<vmem>>, vector<16xf32>,
          %swap3A_1055 = arith.index_cast %add3A_1048 : i32 to index
          %swap3A_1056 = arith.constant 32 : index
          %swap3A_1057 = tpu.vector_load %arg30[%swap3A_1055, %swap3A_1056] {strides = array<i32>} : memref<80x56xf32, #tpu.memory_space<vmem>>, vector<16xf32>,
          tpu.vector_store %arg30[%swap3A_1055, %swap3A_1056], %get3A_926 {strides = array<i32>} : memref<80x56xf32, #tpu.memory_space<vmem>>, vector<16xf32>,
          %swap3A_1058 = arith.index_cast %add3A_1048 : i32 to index
          %swap3A_1059 = arith.constant 40 : index
          %swap3A_1060 = tpu.vector_load %arg30[%swap3A_1058, %swap3A_1059] {strides = array<i32>} : memref<80x56xf32, #tpu.memory_space<vmem>>, vector<16xf32>,
          tpu.vector_store %arg30[%swap3A_1058, %swap3A_1059], %get3A_929 {strides = array<i32>} : memref<80x56xf32, #tpu.memory_space<vmem>>, vector<16xf32>,
          %add3A_1061 = arith.constant 8 : i32
          %add3A_1062 = arith.addi %mul3A_505, %add3A_1061 : i32
          %add3A_1063 = arith.constant 7 : i32
          %add3A_1064 = arith.addi %add3A_1062, %add3A_1063 : i32
          %swap3A_1065 = arith.index_cast %add3A_1064 : i32 to index
          %swap3A_1066 = arith.constant 0 : index
          %swap3A_1067 = tpu.vector_load %arg30[%swap3A_1065, %swap3A_1066] {strides = array<i32>} : memref<80x56xf32, #tpu.memory_space<vmem>>, vector<16xf32>,
          tpu.vector_store %arg30[%swap3A_1065, %swap3A_1066], %get3A_937 {strides = array<i32>} : memref<80x56xf32, #tpu.memory_space<vmem>>, vector<16xf32>,
          %swap3A_1068 = arith.index_cast %add3A_1064 : i32 to index
          %swap3A_1069 = arith.constant 16 : index
          %swap3A_1070 = tpu.vector_load %arg30[%swap3A_1068, %swap3A_1069] {strides = array<i32>} : memref<80x56xf32, #tpu.memory_space<vmem>>, vector<16xf32>,
          tpu.vector_store %arg30[%swap3A_1068, %swap3A_1069], %get3A_941 {strides = array<i32>} : memref<80x56xf32, #tpu.memory_space<vmem>>, vector<16xf32>,
          %swap3A_1071 = arith.index_cast %add3A_1064 : i32 to index
          %swap3A_1072 = arith.constant 32 : index
          %swap3A_1073 = tpu.vector_load %arg30[%swap3A_1071, %swap3A_1072] {strides = array<i32>} : memref<80x56xf32, #tpu.memory_space<vmem>>, vector<16xf32>,
          tpu.vector_store %arg30[%swap3A_1071, %swap3A_1072], %get3A_945 {strides = array<i32>} : memref<80x56xf32, #tpu.memory_space<vmem>>, vector<16xf32>,
          %swap3A_1074 = arith.index_cast %add3A_1064 : i32 to index
          %swap3A_1075 = arith.constant 40 : index
          %swap3A_1076 = tpu.vector_load %arg30[%swap3A_1074, %swap3A_1075] {strides = array<i32>} : memref<80x56xf32, #tpu.memory_space<vmem>>, vector<16xf32>,
          tpu.vector_store %arg30[%swap3A_1074, %swap3A_1075], %get3A_948 {strides = array<i32>} : memref<80x56xf32, #tpu.memory_space<vmem>>, vector<16xf32>,
        }
        %scan3A_422 = arith.constant 5 : i32
        %add3A_423 = arith.constant 5 : i32
        %add3A_424 = arith.addi %add3A_382, %add3A_423 : i32
        %lt3A_425 = arith.constant 250 : i32
        %lt3A_426 = arith.cmpi slt, %add3A_424, %lt3A_425 : i32
        %convert_element_type3A_427 = arith.extui %lt3A_426 : i1 to i32
        %cond3A_428 = arith.constant 0 : i32
        %cond3A_429 = arith.cmpi ne, %convert_element_type3A_427, %cond3A_428 : i32
        scf.if %cond3A_429 {
          %add3A_503 = arith.constant 5 : i32
          %add3A_504 = arith.addi %add3A_382, %add3A_503 : i32
          %mul3A_505 = arith.constant 80 : i32
          %mul3A_506 = arith.muli %add3A_504, %mul3A_505 : i32
          %add3A_507 = arith.addi %mul3A_2, %mul3A_506 : i32
          %dma_start3A_508 = arith.constant 3 : i32
          %dma_start3A_509 = arith.constant 0 : i32
          %dma_start3A_510 = tpu.memref_slice %arg2[%add3A_507] : memref<640000xi32, #tpu.memory_space<hbm>> -> memref<80xi32, #tpu.memory_space<hbm>>
          %dma_start3A_511 = tpu.memref_slice %run_scoped3A[%dma_start3A_508, %dma_start3A_509] : memref<5x5x!tpu.dma_semaphore, #tpu.memory_space<semaphore_mem>> -> memref<1x1x!tpu.dma_semaphore, #tpu.memory_space<semaphore_mem>>
          %dma_start3A_512 = tpu.memref_squeeze %dma_start3A_511 : memref<1x1x!tpu.dma_semaphore, #tpu.memory_space<semaphore_mem>> -> memref<!tpu.dma_semaphore, #tpu.memory_space<semaphore_mem>>
          %dma_start3A_513 = tpu.memref_slice %arg2[%add3A_507] : memref<640000xi32, #tpu.memory_space<hbm>> -> memref<80xi32, #tpu.memory_space<hbm>>
          tpu.enqueue_dma source(%dma_start3A_513 : memref<80xi32, #tpu.memory_space<hbm>>) target(%arg26 : memref<80xi32, #tpu.memory_space<vmem>>) target_semaphore(%dma_start3A_512 : memref<!tpu.dma_semaphore, #tpu.memory_space<semaphore_mem>>)
          %dma_start3A_514 = arith.constant 3 : i32
          %dma_start3A_515 = arith.constant 1 : i32
          %dma_start3A_516 = tpu.memref_slice %arg3[%add3A_507] : memref<640000xi32, #tpu.memory_space<hbm>> -> memref<80xi32, #tpu.memory_space<hbm>>
          %dma_start3A_517 = tpu.memref_slice %run_scoped3A[%dma_start3A_514, %dma_start3A_515] : memref<5x5x!tpu.dma_semaphore, #tpu.memory_space<semaphore_mem>> -> memref<1x1x!tpu.dma_semaphore, #tpu.memory_space<semaphore_mem>>
          %dma_start3A_518 = tpu.memref_squeeze %dma_start3A_517 : memref<1x1x!tpu.dma_semaphore, #tpu.memory_space<semaphore_mem>> -> memref<!tpu.dma_semaphore, #tpu.memory_space<semaphore_mem>>
          %dma_start3A_519 = tpu.memref_slice %arg3[%add3A_507] : memref<640000xi32, #tpu.memory_space<hbm>> -> memref<80xi32, #tpu.memory_space<hbm>>
          tpu.enqueue_dma source(%dma_start3A_519 : memref<80xi32, #tpu.memory_space<hbm>>) target(%arg27 : memref<80xi32, #tpu.memory_space<vmem>>) target_semaphore(%dma_start3A_518 : memref<!tpu.dma_semaphore, #tpu.memory_space<semaphore_mem>>)
          %dma_start3A_520 = arith.constant 3 : i32
          %dma_start3A_521 = arith.constant 2 : i32
          %dma_start3A_522 = tpu.memref_slice %arg4[%add3A_507] : memref<640000xi32, #tpu.memory_space<hbm>> -> memref<80xi32, #tpu.memory_space<hbm>>
          %dma_start3A_523 = tpu.memref_slice %run_scoped3A[%dma_start3A_520, %dma_start3A_521] : memref<5x5x!tpu.dma_semaphore, #tpu.memory_space<semaphore_mem>> -> memref<1x1x!tpu.dma_semaphore, #tpu.memory_space<semaphore_mem>>
          %dma_start3A_524 = tpu.memref_squeeze %dma_start3A_523 : memref<1x1x!tpu.dma_semaphore, #tpu.memory_space<semaphore_mem>> -> memref<!tpu.dma_semaphore, #tpu.memory_space<semaphore_mem>>
          %dma_start3A_525 = tpu.memref_slice %arg4[%add3A_507] : memref<640000xi32, #tpu.memory_space<hbm>> -> memref<80xi32, #tpu.memory_space<hbm>>
          tpu.enqueue_dma source(%dma_start3A_525 : memref<80xi32, #tpu.memory_space<hbm>>) target(%arg28 : memref<80xi32, #tpu.memory_space<vmem>>) target_semaphore(%dma_start3A_524 : memref<!tpu.dma_semaphore, #tpu.memory_space<semaphore_mem>>)
          %dma_start3A_526 = arith.constant 3 : i32
          %dma_start3A_527 = arith.constant 3 : i32
          %dma_start3A_528 = arith.constant 0 : i32
          %dma_start3A_529 = tpu.memref_slice %arg5[%add3A_507, %dma_start3A_528] : memref<640000x16xf32, #tpu.memory_space<hbm>> -> memref<80x16xf32, #tpu.memory_space<hbm>>
          %dma_start3A_530 = tpu.memref_slice %run_scoped3A[%dma_start3A_526, %dma_start3A_527] : memref<5x5x!tpu.dma_semaphore, #tpu.memory_space<semaphore_mem>> -> memref<1x1x!tpu.dma_semaphore, #tpu.memory_space<semaphore_mem>>
          %dma_start3A_531 = tpu.memref_squeeze %dma_start3A_530 : memref<1x1x!tpu.dma_semaphore, #tpu.memory_space<semaphore_mem>> -> memref<!tpu.dma_semaphore, #tpu.memory_space<semaphore_mem>>
          %dma_start3A_532 = arith.constant 0 : i32
          %dma_start3A_533 = tpu.memref_slice %arg5[%add3A_507, %dma_start3A_532] : memref<640000x16xf32, #tpu.memory_space<hbm>> -> memref<80x16xf32, #tpu.memory_space<hbm>>
          tpu.enqueue_dma source(%dma_start3A_533 : memref<80x16xf32, #tpu.memory_space<hbm>>) target(%arg29 : memref<80x16xf32, #tpu.memory_space<vmem>>) target_semaphore(%dma_start3A_531 : memref<!tpu.dma_semaphore, #tpu.memory_space<semaphore_mem>>)
        } else {
        }
        %mul3A_430 = arith.constant 80 : i32
        %mul3A_431 = arith.muli %add3A_382, %mul3A_430 : i32
        %add3A_432 = arith.addi %mul3A_2, %mul3A_431 : i32
        %dma_start3A_433 = arith.constant 3 : i32
        %dma_start3A_434 = arith.constant 4 : i32
        %dma_start3A_435 = arith.constant 0 : i32
        %dma_start3A_436 = tpu.memref_slice %arg8[%add3A_432, %dma_start3A_435] : memref<640000x56xf32, #tpu.memory_space<hbm>> -> memref<80x56xf32, #tpu.memory_space<hbm>>
        %dma_start3A_437 = tpu.memref_slice %run_scoped3A[%dma_start3A_433, %dma_start3A_434] : memref<5x5x!tpu.dma_semaphore, #tpu.memory_space<semaphore_mem>> -> memref<1x1x!tpu.dma_semaphore, #tpu.memory_space<semaphore_mem>>
        %dma_start3A_438 = tpu.memref_squeeze %dma_start3A_437 : memref<1x1x!tpu.dma_semaphore, #tpu.memory_space<semaphore_mem>> -> memref<!tpu.dma_semaphore, #tpu.memory_space<semaphore_mem>>
        %dma_start3A_439 = arith.constant 0 : i32
        %dma_start3A_440 = tpu.memref_slice %arg8[%add3A_432, %dma_start3A_439] : memref<640000x56xf32, #tpu.memory_space<hbm>> -> memref<80x56xf32, #tpu.memory_space<hbm>>
        tpu.enqueue_dma source(%arg30 : memref<80x56xf32, #tpu.memory_space<vmem>>) target(%dma_start3A_440 : memref<80x56xf32, #tpu.memory_space<hbm>>) target_semaphore(%dma_start3A_438 : memref<!tpu.dma_semaphore, #tpu.memory_space<semaphore_mem>>)
        %mul3A_441 = arith.constant 5 : i32
        %mul3A_442 = arith.muli %mul3A_441, %scan3A_196 : i32
        %add3A_443 = arith.constant 4 : i32
        %add3A_444 = arith.addi %mul3A_442, %add3A_443 : i32
        %mul3A_445 = arith.constant 80 : i32
        %mul3A_446 = arith.muli %add3A_444, %mul3A_445 : i32
        %add3A_447 = arith.addi %mul3A_2, %mul3A_446 : i32
        %dma_wait3A_448 = arith.constant 4 : i32
        %dma_wait3A_449 = arith.constant 0 : i32
        %dma_wait3A_450 = tpu.memref_slice %arg2[%add3A_447] : memref<640000xi32, #tpu.memory_space<hbm>> -> memref<80xi32, #tpu.memory_space<hbm>>
        %dma_wait3A_451 = tpu.memref_slice %run_scoped3A[%dma_wait3A_448, %dma_wait3A_449] : memref<5x5x!tpu.dma_semaphore, #tpu.memory_space<semaphore_mem>> -> memref<1x1x!tpu.dma_semaphore, #tpu.memory_space<semaphore_mem>>
        %dma_wait3A_452 = tpu.memref_squeeze %dma_wait3A_451 : memref<1x1x!tpu.dma_semaphore, #tpu.memory_space<semaphore_mem>> -> memref<!tpu.dma_semaphore, #tpu.memory_space<semaphore_mem>>
        %dma_wait3A_453 = tpu.memref_slice %arg2[%add3A_447] : memref<640000xi32, #tpu.memory_space<hbm>> -> memref<80xi32, #tpu.memory_space<hbm>>
        tpu.wait_dma2 semaphore(%dma_wait3A_452 : memref<!tpu.dma_semaphore, #tpu.memory_space<semaphore_mem>>) src(%dma_wait3A_453 : memref<80xi32, #tpu.memory_space<hbm>>) dst(%arg31 : memref<80xi32, #tpu.memory_space<vmem>>)
        %dma_wait3A_454 = arith.constant 4 : i32
        %dma_wait3A_455 = arith.constant 1 : i32
        %dma_wait3A_456 = tpu.memref_slice %arg3[%add3A_447] : memref<640000xi32, #tpu.memory_space<hbm>> -> memref<80xi32, #tpu.memory_space<hbm>>
        %dma_wait3A_457 = tpu.memref_slice %run_scoped3A[%dma_wait3A_454, %dma_wait3A_455] : memref<5x5x!tpu.dma_semaphore, #tpu.memory_space<semaphore_mem>> -> memref<1x1x!tpu.dma_semaphore, #tpu.memory_space<semaphore_mem>>
        %dma_wait3A_458 = tpu.memref_squeeze %dma_wait3A_457 : memref<1x1x!tpu.dma_semaphore, #tpu.memory_space<semaphore_mem>> -> memref<!tpu.dma_semaphore, #tpu.memory_space<semaphore_mem>>
        %dma_wait3A_459 = tpu.memref_slice %arg3[%add3A_447] : memref<640000xi32, #tpu.memory_space<hbm>> -> memref<80xi32, #tpu.memory_space<hbm>>
        tpu.wait_dma2 semaphore(%dma_wait3A_458 : memref<!tpu.dma_semaphore, #tpu.memory_space<semaphore_mem>>) src(%dma_wait3A_459 : memref<80xi32, #tpu.memory_space<hbm>>) dst(%arg32 : memref<80xi32, #tpu.memory_space<vmem>>)
        %dma_wait3A_460 = arith.constant 4 : i32
        %dma_wait3A_461 = arith.constant 2 : i32
        %dma_wait3A_462 = tpu.memref_slice %arg4[%add3A_447] : memref<640000xi32, #tpu.memory_space<hbm>> -> memref<80xi32, #tpu.memory_space<hbm>>
        %dma_wait3A_463 = tpu.memref_slice %run_scoped3A[%dma_wait3A_460, %dma_wait3A_461] : memref<5x5x!tpu.dma_semaphore, #tpu.memory_space<semaphore_mem>> -> memref<1x1x!tpu.dma_semaphore, #tpu.memory_space<semaphore_mem>>
        %dma_wait3A_464 = tpu.memref_squeeze %dma_wait3A_463 : memref<1x1x!tpu.dma_semaphore, #tpu.memory_space<semaphore_mem>> -> memref<!tpu.dma_semaphore, #tpu.memory_space<semaphore_mem>>
        %dma_wait3A_465 = tpu.memref_slice %arg4[%add3A_447] : memref<640000xi32, #tpu.memory_space<hbm>> -> memref<80xi32, #tpu.memory_space<hbm>>
        tpu.wait_dma2 semaphore(%dma_wait3A_464 : memref<!tpu.dma_semaphore, #tpu.memory_space<semaphore_mem>>) src(%dma_wait3A_465 : memref<80xi32, #tpu.memory_space<hbm>>) dst(%arg33 : memref<80xi32, #tpu.memory_space<vmem>>)
        %dma_wait3A_466 = arith.constant 4 : i32
        %dma_wait3A_467 = arith.constant 3 : i32
        %dma_wait3A_468 = arith.constant 0 : i32
        %dma_wait3A_469 = tpu.memref_slice %arg5[%add3A_447, %dma_wait3A_468] : memref<640000x16xf32, #tpu.memory_space<hbm>> -> memref<80x16xf32, #tpu.memory_space<hbm>>
        %dma_wait3A_470 = tpu.memref_slice %run_scoped3A[%dma_wait3A_466, %dma_wait3A_467] : memref<5x5x!tpu.dma_semaphore, #tpu.memory_space<semaphore_mem>> -> memref<1x1x!tpu.dma_semaphore, #tpu.memory_space<semaphore_mem>>
        %dma_wait3A_471 = tpu.memref_squeeze %dma_wait3A_470 : memref<1x1x!tpu.dma_semaphore, #tpu.memory_space<semaphore_mem>> -> memref<!tpu.dma_semaphore, #tpu.memory_space<semaphore_mem>>
        %dma_wait3A_472 = arith.constant 0 : i32
        %dma_wait3A_473 = tpu.memref_slice %arg5[%add3A_447, %dma_wait3A_472] : memref<640000x16xf32, #tpu.memory_space<hbm>> -> memref<80x16xf32, #tpu.memory_space<hbm>>
        tpu.wait_dma2 semaphore(%dma_wait3A_471 : memref<!tpu.dma_semaphore, #tpu.memory_space<semaphore_mem>>) src(%dma_wait3A_473 : memref<80x16xf32, #tpu.memory_space<hbm>>) dst(%arg34 : memref<80x16xf32, #tpu.memory_space<vmem>>)
        %gt3A_474 = arith.constant 0 : i32
        %gt3A_475 = arith.cmpi sgt, %scan3A_196, %gt3A_474 : i32
        %convert_element_type3A_476 = arith.extui %gt3A_475 : i1 to i32
        %cond3A_477 = arith.constant 0 : i32
        %cond3A_478 = arith.cmpi ne, %convert_element_type3A_476, %cond3A_477 : i32
        scf.if %cond3A_478 {
          %sub3A = arith.constant 5 : i32
          %sub3A_503 = arith.subi %add3A_444, %sub3A : i32
          %mul3A_504 = arith.constant 80 : i32
          %mul3A_505 = arith.muli %sub3A_503, %mul3A_504 : i32
          %add3A_506 = arith.addi %mul3A_2, %mul3A_505 : i32
          %dma_wait3A_507 = arith.constant 4 : i32
          %dma_wait3A_508 = arith.constant 4 : i32
          %dma_wait3A_509 = arith.constant 0 : i32
          %dma_wait3A_510 = tpu.memref_slice %arg8[%add3A_506, %dma_wait3A_509] : memref<640000x56xf32, #tpu.memory_space<hbm>> -> memref<80x56xf32, #tpu.memory_space<hbm>>
          %dma_wait3A_511 = tpu.memref_slice %run_scoped3A[%dma_wait3A_507, %dma_wait3A_508] : memref<5x5x!tpu.dma_semaphore, #tpu.memory_space<semaphore_mem>> -> memref<1x1x!tpu.dma_semaphore, #tpu.memory_space<semaphore_mem>>
          %dma_wait3A_512 = tpu.memref_squeeze %dma_wait3A_511 : memref<1x1x!tpu.dma_semaphore, #tpu.memory_space<semaphore_mem>> -> memref<!tpu.dma_semaphore, #tpu.memory_space<semaphore_mem>>
          %dma_wait3A_513 = arith.constant 0 : i32
          %dma_wait3A_514 = tpu.memref_slice %arg8[%add3A_506, %dma_wait3A_513] : memref<640000x56xf32, #tpu.memory_space<hbm>> -> memref<80x56xf32, #tpu.memory_space<hbm>>
          tpu.wait_dma2 semaphore(%dma_wait3A_512 : memref<!tpu.dma_semaphore, #tpu.memory_space<semaphore_mem>>) src(%arg35 : memref<80x56xf32, #tpu.memory_space<vmem>>) dst(%dma_wait3A_514 : memref<80x56xf32, #tpu.memory_space<hbm>>)
        } else {
        }
        %scan3A_479 = arith.constant 0 : i32
        %scan3A_480 = arith.constant 0 : i32
        %scan3A_481 = arith.constant 5 : i32
        %scan3A_482 = arith.addi %scan3A_480, %scan3A_481 : i32
        %scan3A_483 = arith.constant 1 : i32
        scf.for %scan3A_503 = %scan3A_480 to %scan3A_482 step %scan3A_483  : i32 {
          %mul3A_504 = arith.constant 16 : i32
          %mul3A_505 = arith.muli %scan3A_503, %mul3A_504 : i32
          %get3A = arith.index_cast %mul3A_505 : i32 to index
          %get3A_506 = tpu.vector_load %arg31[%get3A] {strides = array<i32>} : memref<80xi32, #tpu.memory_space<vmem>>, vector<16xi32>,
          %mul3A_507 = arith.constant 16 : i32
          %mul3A_508 = vector.broadcast %mul3A_507 : i32 to vector<16xi32>
          %mul3A_509 = arith.muli %get3A_506, %mul3A_508 : vector<16xi32>
          %get3A_510 = arith.index_cast %mul3A_505 : i32 to index
          %get3A_511 = tpu.vector_load %arg32[%get3A_510] {strides = array<i32>} : memref<80xi32, #tpu.memory_space<vmem>>, vector<16xi32>,
          %mul3A_512 = arith.constant 16 : i32
          %mul3A_513 = vector.broadcast %mul3A_512 : i32 to vector<16xi32>
          %mul3A_514 = arith.muli %get3A_511, %mul3A_513 : vector<16xi32>
          %get3A_515 = arith.index_cast %mul3A_505 : i32 to index
          %get3A_516 = tpu.vector_load %arg33[%get3A_515] {strides = array<i32>} : memref<80xi32, #tpu.memory_space<vmem>>, vector<16xi32>,
          %mul3A_517 = arith.constant 16 : i32
          %mul3A_518 = vector.broadcast %mul3A_517 : i32 to vector<16xi32>
          %mul3A_519 = arith.muli %get3A_516, %mul3A_518 : vector<16xi32>
          %add3A_520 = arith.constant 0 : i32
          %add3A_521 = arith.addi %mul3A_505, %add3A_520 : i32
          %add3A_522 = arith.constant 0 : i32
          %add3A_523 = arith.addi %add3A_521, %add3A_522 : i32
          %slice3A = vector.extract_strided_slice %mul3A_509 {offsets = [0], sizes = [1], strides = [1]} : vector<16xi32> to vector<1xi32>
          %squeeze3A = vector.extract %slice3A[0] : i32 from vector<1xi32>
          %get3A_524 = arith.index_cast %squeeze3A : i32 to index
          %get3A_525 = tpu.vector_load %arg9[%get3A_524] {strides = array<i32>} : memref<3200xf32, #tpu.memory_space<vmem>>, vector<16xf32>,
          %slice3A_526 = vector.extract_strided_slice %mul3A_514 {offsets = [0], sizes = [1], strides = [1]} : vector<16xi32> to vector<1xi32>
          %squeeze3A_527 = vector.extract %slice3A_526[0] : i32 from vector<1xi32>
          %get3A_528 = arith.index_cast %squeeze3A_527 : i32 to index
          %get3A_529 = tpu.vector_load %arg9[%get3A_528] {strides = array<i32>} : memref<3200xf32, #tpu.memory_space<vmem>>, vector<16xf32>,
          %slice3A_530 = vector.extract_strided_slice %mul3A_519 {offsets = [0], sizes = [1], strides = [1]} : vector<16xi32> to vector<1xi32>
          %squeeze3A_531 = vector.extract %slice3A_530[0] : i32 from vector<1xi32>
          %get3A_532 = arith.index_cast %squeeze3A_531 : i32 to index
          %get3A_533 = tpu.vector_load %arg10[%get3A_532] {strides = array<i32>} : memref<512xf32, #tpu.memory_space<vmem>>, vector<16xf32>,
          %get3A_534 = arith.index_cast %add3A_523 : i32 to index
          %get3A_535 = arith.constant 0 : index
          %get3A_536 = tpu.vector_load %arg34[%get3A_534, %get3A_535] {strides = array<i32>} : memref<80x16xf32, #tpu.memory_space<vmem>>, vector<16xf32>,
          %add3A_537 = arith.constant 0 : i32
          %add3A_538 = arith.addi %mul3A_505, %add3A_537 : i32
          %add3A_539 = arith.constant 1 : i32
          %add3A_540 = arith.addi %add3A_538, %add3A_539 : i32
          %slice3A_541 = vector.extract_strided_slice %mul3A_509 {offsets = [1], sizes = [1], strides = [1]} : vector<16xi32> to vector<1xi32>
          %squeeze3A_542 = vector.extract %slice3A_541[0] : i32 from vector<1xi32>
          %get3A_543 = arith.index_cast %squeeze3A_542 : i32 to index
          %get3A_544 = tpu.vector_load %arg9[%get3A_543] {strides = array<i32>} : memref<3200xf32, #tpu.memory_space<vmem>>, vector<16xf32>,
          %slice3A_545 = vector.extract_strided_slice %mul3A_514 {offsets = [1], sizes = [1], strides = [1]} : vector<16xi32> to vector<1xi32>
          %squeeze3A_546 = vector.extract %slice3A_545[0] : i32 from vector<1xi32>
          %get3A_547 = arith.index_cast %squeeze3A_546 : i32 to index
          %get3A_548 = tpu.vector_load %arg9[%get3A_547] {strides = array<i32>} : memref<3200xf32, #tpu.memory_space<vmem>>, vector<16xf32>,
          %slice3A_549 = vector.extract_strided_slice %mul3A_519 {offsets = [1], sizes = [1], strides = [1]} : vector<16xi32> to vector<1xi32>
          %squeeze3A_550 = vector.extract %slice3A_549[0] : i32 from vector<1xi32>
          %get3A_551 = arith.index_cast %squeeze3A_550 : i32 to index
          %get3A_552 = tpu.vector_load %arg10[%get3A_551] {strides = array<i32>} : memref<512xf32, #tpu.memory_space<vmem>>, vector<16xf32>,
          %get3A_553 = arith.index_cast %add3A_540 : i32 to index
          %get3A_554 = arith.constant 0 : index
          %get3A_555 = tpu.vector_load %arg34[%get3A_553, %get3A_554] {strides = array<i32>} : memref<80x16xf32, #tpu.memory_space<vmem>>, vector<16xf32>,
          %add3A_556 = arith.constant 0 : i32
          %add3A_557 = arith.addi %mul3A_505, %add3A_556 : i32
          %add3A_558 = arith.constant 2 : i32
          %add3A_559 = arith.addi %add3A_557, %add3A_558 : i32
          %slice3A_560 = vector.extract_strided_slice %mul3A_509 {offsets = [2], sizes = [1], strides = [1]} : vector<16xi32> to vector<1xi32>
          %squeeze3A_561 = vector.extract %slice3A_560[0] : i32 from vector<1xi32>
          %get3A_562 = arith.index_cast %squeeze3A_561 : i32 to index
          %get3A_563 = tpu.vector_load %arg9[%get3A_562] {strides = array<i32>} : memref<3200xf32, #tpu.memory_space<vmem>>, vector<16xf32>,
          %slice3A_564 = vector.extract_strided_slice %mul3A_514 {offsets = [2], sizes = [1], strides = [1]} : vector<16xi32> to vector<1xi32>
          %squeeze3A_565 = vector.extract %slice3A_564[0] : i32 from vector<1xi32>
          %get3A_566 = arith.index_cast %squeeze3A_565 : i32 to index
          %get3A_567 = tpu.vector_load %arg9[%get3A_566] {strides = array<i32>} : memref<3200xf32, #tpu.memory_space<vmem>>, vector<16xf32>,
          %slice3A_568 = vector.extract_strided_slice %mul3A_519 {offsets = [2], sizes = [1], strides = [1]} : vector<16xi32> to vector<1xi32>
          %squeeze3A_569 = vector.extract %slice3A_568[0] : i32 from vector<1xi32>
          %get3A_570 = arith.index_cast %squeeze3A_569 : i32 to index
          %get3A_571 = tpu.vector_load %arg10[%get3A_570] {strides = array<i32>} : memref<512xf32, #tpu.memory_space<vmem>>, vector<16xf32>,
          %get3A_572 = arith.index_cast %add3A_559 : i32 to index
          %get3A_573 = arith.constant 0 : index
          %get3A_574 = tpu.vector_load %arg34[%get3A_572, %get3A_573] {strides = array<i32>} : memref<80x16xf32, #tpu.memory_space<vmem>>, vector<16xf32>,
          %add3A_575 = arith.constant 0 : i32
          %add3A_576 = arith.addi %mul3A_505, %add3A_575 : i32
          %add3A_577 = arith.constant 3 : i32
          %add3A_578 = arith.addi %add3A_576, %add3A_577 : i32
          %slice3A_579 = vector.extract_strided_slice %mul3A_509 {offsets = [3], sizes = [1], strides = [1]} : vector<16xi32> to vector<1xi32>
          %squeeze3A_580 = vector.extract %slice3A_579[0] : i32 from vector<1xi32>
          %get3A_581 = arith.index_cast %squeeze3A_580 : i32 to index
          %get3A_582 = tpu.vector_load %arg9[%get3A_581] {strides = array<i32>} : memref<3200xf32, #tpu.memory_space<vmem>>, vector<16xf32>,
          %slice3A_583 = vector.extract_strided_slice %mul3A_514 {offsets = [3], sizes = [1], strides = [1]} : vector<16xi32> to vector<1xi32>
          %squeeze3A_584 = vector.extract %slice3A_583[0] : i32 from vector<1xi32>
          %get3A_585 = arith.index_cast %squeeze3A_584 : i32 to index
          %get3A_586 = tpu.vector_load %arg9[%get3A_585] {strides = array<i32>} : memref<3200xf32, #tpu.memory_space<vmem>>, vector<16xf32>,
          %slice3A_587 = vector.extract_strided_slice %mul3A_519 {offsets = [3], sizes = [1], strides = [1]} : vector<16xi32> to vector<1xi32>
          %squeeze3A_588 = vector.extract %slice3A_587[0] : i32 from vector<1xi32>
          %get3A_589 = arith.index_cast %squeeze3A_588 : i32 to index
          %get3A_590 = tpu.vector_load %arg10[%get3A_589] {strides = array<i32>} : memref<512xf32, #tpu.memory_space<vmem>>, vector<16xf32>,
          %get3A_591 = arith.index_cast %add3A_578 : i32 to index
          %get3A_592 = arith.constant 0 : index
          %get3A_593 = tpu.vector_load %arg34[%get3A_591, %get3A_592] {strides = array<i32>} : memref<80x16xf32, #tpu.memory_space<vmem>>, vector<16xf32>,
          %add3A_594 = arith.constant 0 : i32
          %add3A_595 = arith.addi %mul3A_505, %add3A_594 : i32
          %add3A_596 = arith.constant 4 : i32
          %add3A_597 = arith.addi %add3A_595, %add3A_596 : i32
          %slice3A_598 = vector.extract_strided_slice %mul3A_509 {offsets = [4], sizes = [1], strides = [1]} : vector<16xi32> to vector<1xi32>
          %squeeze3A_599 = vector.extract %slice3A_598[0] : i32 from vector<1xi32>
          %get3A_600 = arith.index_cast %squeeze3A_599 : i32 to index
          %get3A_601 = tpu.vector_load %arg9[%get3A_600] {strides = array<i32>} : memref<3200xf32, #tpu.memory_space<vmem>>, vector<16xf32>,
          %slice3A_602 = vector.extract_strided_slice %mul3A_514 {offsets = [4], sizes = [1], strides = [1]} : vector<16xi32> to vector<1xi32>
          %squeeze3A_603 = vector.extract %slice3A_602[0] : i32 from vector<1xi32>
          %get3A_604 = arith.index_cast %squeeze3A_603 : i32 to index
          %get3A_605 = tpu.vector_load %arg9[%get3A_604] {strides = array<i32>} : memref<3200xf32, #tpu.memory_space<vmem>>, vector<16xf32>,
          %slice3A_606 = vector.extract_strided_slice %mul3A_519 {offsets = [4], sizes = [1], strides = [1]} : vector<16xi32> to vector<1xi32>
          %squeeze3A_607 = vector.extract %slice3A_606[0] : i32 from vector<1xi32>
          %get3A_608 = arith.index_cast %squeeze3A_607 : i32 to index
          %get3A_609 = tpu.vector_load %arg10[%get3A_608] {strides = array<i32>} : memref<512xf32, #tpu.memory_space<vmem>>, vector<16xf32>,
          %get3A_610 = arith.index_cast %add3A_597 : i32 to index
          %get3A_611 = arith.constant 0 : index
          %get3A_612 = tpu.vector_load %arg34[%get3A_610, %get3A_611] {strides = array<i32>} : memref<80x16xf32, #tpu.memory_space<vmem>>, vector<16xf32>,
          %add3A_613 = arith.constant 0 : i32
          %add3A_614 = arith.addi %mul3A_505, %add3A_613 : i32
          %add3A_615 = arith.constant 5 : i32
          %add3A_616 = arith.addi %add3A_614, %add3A_615 : i32
          %slice3A_617 = vector.extract_strided_slice %mul3A_509 {offsets = [5], sizes = [1], strides = [1]} : vector<16xi32> to vector<1xi32>
          %squeeze3A_618 = vector.extract %slice3A_617[0] : i32 from vector<1xi32>
          %get3A_619 = arith.index_cast %squeeze3A_618 : i32 to index
          %get3A_620 = tpu.vector_load %arg9[%get3A_619] {strides = array<i32>} : memref<3200xf32, #tpu.memory_space<vmem>>, vector<16xf32>,
          %slice3A_621 = vector.extract_strided_slice %mul3A_514 {offsets = [5], sizes = [1], strides = [1]} : vector<16xi32> to vector<1xi32>
          %squeeze3A_622 = vector.extract %slice3A_621[0] : i32 from vector<1xi32>
          %get3A_623 = arith.index_cast %squeeze3A_622 : i32 to index
          %get3A_624 = tpu.vector_load %arg9[%get3A_623] {strides = array<i32>} : memref<3200xf32, #tpu.memory_space<vmem>>, vector<16xf32>,
          %slice3A_625 = vector.extract_strided_slice %mul3A_519 {offsets = [5], sizes = [1], strides = [1]} : vector<16xi32> to vector<1xi32>
          %squeeze3A_626 = vector.extract %slice3A_625[0] : i32 from vector<1xi32>
          %get3A_627 = arith.index_cast %squeeze3A_626 : i32 to index
          %get3A_628 = tpu.vector_load %arg10[%get3A_627] {strides = array<i32>} : memref<512xf32, #tpu.memory_space<vmem>>, vector<16xf32>,
          %get3A_629 = arith.index_cast %add3A_616 : i32 to index
          %get3A_630 = arith.constant 0 : index
          %get3A_631 = tpu.vector_load %arg34[%get3A_629, %get3A_630] {strides = array<i32>} : memref<80x16xf32, #tpu.memory_space<vmem>>, vector<16xf32>,
          %add3A_632 = arith.constant 0 : i32
          %add3A_633 = arith.addi %mul3A_505, %add3A_632 : i32
          %add3A_634 = arith.constant 6 : i32
          %add3A_635 = arith.addi %add3A_633, %add3A_634 : i32
          %slice3A_636 = vector.extract_strided_slice %mul3A_509 {offsets = [6], sizes = [1], strides = [1]} : vector<16xi32> to vector<1xi32>
          %squeeze3A_637 = vector.extract %slice3A_636[0] : i32 from vector<1xi32>
          %get3A_638 = arith.index_cast %squeeze3A_637 : i32 to index
          %get3A_639 = tpu.vector_load %arg9[%get3A_638] {strides = array<i32>} : memref<3200xf32, #tpu.memory_space<vmem>>, vector<16xf32>,
          %slice3A_640 = vector.extract_strided_slice %mul3A_514 {offsets = [6], sizes = [1], strides = [1]} : vector<16xi32> to vector<1xi32>
          %squeeze3A_641 = vector.extract %slice3A_640[0] : i32 from vector<1xi32>
          %get3A_642 = arith.index_cast %squeeze3A_641 : i32 to index
          %get3A_643 = tpu.vector_load %arg9[%get3A_642] {strides = array<i32>} : memref<3200xf32, #tpu.memory_space<vmem>>, vector<16xf32>,
          %slice3A_644 = vector.extract_strided_slice %mul3A_519 {offsets = [6], sizes = [1], strides = [1]} : vector<16xi32> to vector<1xi32>
          %squeeze3A_645 = vector.extract %slice3A_644[0] : i32 from vector<1xi32>
          %get3A_646 = arith.index_cast %squeeze3A_645 : i32 to index
          %get3A_647 = tpu.vector_load %arg10[%get3A_646] {strides = array<i32>} : memref<512xf32, #tpu.memory_space<vmem>>, vector<16xf32>,
          %get3A_648 = arith.index_cast %add3A_635 : i32 to index
          %get3A_649 = arith.constant 0 : index
          %get3A_650 = tpu.vector_load %arg34[%get3A_648, %get3A_649] {strides = array<i32>} : memref<80x16xf32, #tpu.memory_space<vmem>>, vector<16xf32>,
          %add3A_651 = arith.constant 0 : i32
          %add3A_652 = arith.addi %mul3A_505, %add3A_651 : i32
          %add3A_653 = arith.constant 7 : i32
          %add3A_654 = arith.addi %add3A_652, %add3A_653 : i32
          %slice3A_655 = vector.extract_strided_slice %mul3A_509 {offsets = [7], sizes = [1], strides = [1]} : vector<16xi32> to vector<1xi32>
          %squeeze3A_656 = vector.extract %slice3A_655[0] : i32 from vector<1xi32>
          %get3A_657 = arith.index_cast %squeeze3A_656 : i32 to index
          %get3A_658 = tpu.vector_load %arg9[%get3A_657] {strides = array<i32>} : memref<3200xf32, #tpu.memory_space<vmem>>, vector<16xf32>,
          %slice3A_659 = vector.extract_strided_slice %mul3A_514 {offsets = [7], sizes = [1], strides = [1]} : vector<16xi32> to vector<1xi32>
          %squeeze3A_660 = vector.extract %slice3A_659[0] : i32 from vector<1xi32>
          %get3A_661 = arith.index_cast %squeeze3A_660 : i32 to index
          %get3A_662 = tpu.vector_load %arg9[%get3A_661] {strides = array<i32>} : memref<3200xf32, #tpu.memory_space<vmem>>, vector<16xf32>,
          %slice3A_663 = vector.extract_strided_slice %mul3A_519 {offsets = [7], sizes = [1], strides = [1]} : vector<16xi32> to vector<1xi32>
          %squeeze3A_664 = vector.extract %slice3A_663[0] : i32 from vector<1xi32>
          %get3A_665 = arith.index_cast %squeeze3A_664 : i32 to index
          %get3A_666 = tpu.vector_load %arg10[%get3A_665] {strides = array<i32>} : memref<512xf32, #tpu.memory_space<vmem>>, vector<16xf32>,
          %get3A_667 = arith.index_cast %add3A_654 : i32 to index
          %get3A_668 = arith.constant 0 : index
          %get3A_669 = tpu.vector_load %arg34[%get3A_667, %get3A_668] {strides = array<i32>} : memref<80x16xf32, #tpu.memory_space<vmem>>, vector<16xf32>,
          %add3A_670 = arith.constant 0 : i32
          %add3A_671 = arith.addi %mul3A_505, %add3A_670 : i32
          %add3A_672 = arith.constant 0 : i32
          %add3A_673 = arith.addi %add3A_671, %add3A_672 : i32
          %swap3A = arith.index_cast %add3A_673 : i32 to index
          %swap3A_674 = arith.constant 0 : index
          %swap3A_675 = tpu.vector_load %arg35[%swap3A, %swap3A_674] {strides = array<i32>} : memref<80x56xf32, #tpu.memory_space<vmem>>, vector<16xf32>,
          tpu.vector_store %arg35[%swap3A, %swap3A_674], %get3A_525 {strides = array<i32>} : memref<80x56xf32, #tpu.memory_space<vmem>>, vector<16xf32>,
          %swap3A_676 = arith.index_cast %add3A_673 : i32 to index
          %swap3A_677 = arith.constant 16 : index
          %swap3A_678 = tpu.vector_load %arg35[%swap3A_676, %swap3A_677] {strides = array<i32>} : memref<80x56xf32, #tpu.memory_space<vmem>>, vector<16xf32>,
          tpu.vector_store %arg35[%swap3A_676, %swap3A_677], %get3A_529 {strides = array<i32>} : memref<80x56xf32, #tpu.memory_space<vmem>>, vector<16xf32>,
          %swap3A_679 = arith.index_cast %add3A_673 : i32 to index
          %swap3A_680 = arith.constant 32 : index
          %swap3A_681 = tpu.vector_load %arg35[%swap3A_679, %swap3A_680] {strides = array<i32>} : memref<80x56xf32, #tpu.memory_space<vmem>>, vector<16xf32>,
          tpu.vector_store %arg35[%swap3A_679, %swap3A_680], %get3A_533 {strides = array<i32>} : memref<80x56xf32, #tpu.memory_space<vmem>>, vector<16xf32>,
          %swap3A_682 = arith.index_cast %add3A_673 : i32 to index
          %swap3A_683 = arith.constant 40 : index
          %swap3A_684 = tpu.vector_load %arg35[%swap3A_682, %swap3A_683] {strides = array<i32>} : memref<80x56xf32, #tpu.memory_space<vmem>>, vector<16xf32>,
          tpu.vector_store %arg35[%swap3A_682, %swap3A_683], %get3A_536 {strides = array<i32>} : memref<80x56xf32, #tpu.memory_space<vmem>>, vector<16xf32>,
          %add3A_685 = arith.constant 0 : i32
          %add3A_686 = arith.addi %mul3A_505, %add3A_685 : i32
          %add3A_687 = arith.constant 1 : i32
          %add3A_688 = arith.addi %add3A_686, %add3A_687 : i32
          %swap3A_689 = arith.index_cast %add3A_688 : i32 to index
          %swap3A_690 = arith.constant 0 : index
          %swap3A_691 = tpu.vector_load %arg35[%swap3A_689, %swap3A_690] {strides = array<i32>} : memref<80x56xf32, #tpu.memory_space<vmem>>, vector<16xf32>,
          tpu.vector_store %arg35[%swap3A_689, %swap3A_690], %get3A_544 {strides = array<i32>} : memref<80x56xf32, #tpu.memory_space<vmem>>, vector<16xf32>,
          %swap3A_692 = arith.index_cast %add3A_688 : i32 to index
          %swap3A_693 = arith.constant 16 : index
          %swap3A_694 = tpu.vector_load %arg35[%swap3A_692, %swap3A_693] {strides = array<i32>} : memref<80x56xf32, #tpu.memory_space<vmem>>, vector<16xf32>,
          tpu.vector_store %arg35[%swap3A_692, %swap3A_693], %get3A_548 {strides = array<i32>} : memref<80x56xf32, #tpu.memory_space<vmem>>, vector<16xf32>,
          %swap3A_695 = arith.index_cast %add3A_688 : i32 to index
          %swap3A_696 = arith.constant 32 : index
          %swap3A_697 = tpu.vector_load %arg35[%swap3A_695, %swap3A_696] {strides = array<i32>} : memref<80x56xf32, #tpu.memory_space<vmem>>, vector<16xf32>,
          tpu.vector_store %arg35[%swap3A_695, %swap3A_696], %get3A_552 {strides = array<i32>} : memref<80x56xf32, #tpu.memory_space<vmem>>, vector<16xf32>,
          %swap3A_698 = arith.index_cast %add3A_688 : i32 to index
          %swap3A_699 = arith.constant 40 : index
          %swap3A_700 = tpu.vector_load %arg35[%swap3A_698, %swap3A_699] {strides = array<i32>} : memref<80x56xf32, #tpu.memory_space<vmem>>, vector<16xf32>,
          tpu.vector_store %arg35[%swap3A_698, %swap3A_699], %get3A_555 {strides = array<i32>} : memref<80x56xf32, #tpu.memory_space<vmem>>, vector<16xf32>,
          %add3A_701 = arith.constant 0 : i32
          %add3A_702 = arith.addi %mul3A_505, %add3A_701 : i32
          %add3A_703 = arith.constant 2 : i32
          %add3A_704 = arith.addi %add3A_702, %add3A_703 : i32
          %swap3A_705 = arith.index_cast %add3A_704 : i32 to index
          %swap3A_706 = arith.constant 0 : index
          %swap3A_707 = tpu.vector_load %arg35[%swap3A_705, %swap3A_706] {strides = array<i32>} : memref<80x56xf32, #tpu.memory_space<vmem>>, vector<16xf32>,
          tpu.vector_store %arg35[%swap3A_705, %swap3A_706], %get3A_563 {strides = array<i32>} : memref<80x56xf32, #tpu.memory_space<vmem>>, vector<16xf32>,
          %swap3A_708 = arith.index_cast %add3A_704 : i32 to index
          %swap3A_709 = arith.constant 16 : index
          %swap3A_710 = tpu.vector_load %arg35[%swap3A_708, %swap3A_709] {strides = array<i32>} : memref<80x56xf32, #tpu.memory_space<vmem>>, vector<16xf32>,
          tpu.vector_store %arg35[%swap3A_708, %swap3A_709], %get3A_567 {strides = array<i32>} : memref<80x56xf32, #tpu.memory_space<vmem>>, vector<16xf32>,
          %swap3A_711 = arith.index_cast %add3A_704 : i32 to index
          %swap3A_712 = arith.constant 32 : index
          %swap3A_713 = tpu.vector_load %arg35[%swap3A_711, %swap3A_712] {strides = array<i32>} : memref<80x56xf32, #tpu.memory_space<vmem>>, vector<16xf32>,
          tpu.vector_store %arg35[%swap3A_711, %swap3A_712], %get3A_571 {strides = array<i32>} : memref<80x56xf32, #tpu.memory_space<vmem>>, vector<16xf32>,
          %swap3A_714 = arith.index_cast %add3A_704 : i32 to index
          %swap3A_715 = arith.constant 40 : index
          %swap3A_716 = tpu.vector_load %arg35[%swap3A_714, %swap3A_715] {strides = array<i32>} : memref<80x56xf32, #tpu.memory_space<vmem>>, vector<16xf32>,
          tpu.vector_store %arg35[%swap3A_714, %swap3A_715], %get3A_574 {strides = array<i32>} : memref<80x56xf32, #tpu.memory_space<vmem>>, vector<16xf32>,
          %add3A_717 = arith.constant 0 : i32
          %add3A_718 = arith.addi %mul3A_505, %add3A_717 : i32
          %add3A_719 = arith.constant 3 : i32
          %add3A_720 = arith.addi %add3A_718, %add3A_719 : i32
          %swap3A_721 = arith.index_cast %add3A_720 : i32 to index
          %swap3A_722 = arith.constant 0 : index
          %swap3A_723 = tpu.vector_load %arg35[%swap3A_721, %swap3A_722] {strides = array<i32>} : memref<80x56xf32, #tpu.memory_space<vmem>>, vector<16xf32>,
          tpu.vector_store %arg35[%swap3A_721, %swap3A_722], %get3A_582 {strides = array<i32>} : memref<80x56xf32, #tpu.memory_space<vmem>>, vector<16xf32>,
          %swap3A_724 = arith.index_cast %add3A_720 : i32 to index
          %swap3A_725 = arith.constant 16 : index
          %swap3A_726 = tpu.vector_load %arg35[%swap3A_724, %swap3A_725] {strides = array<i32>} : memref<80x56xf32, #tpu.memory_space<vmem>>, vector<16xf32>,
          tpu.vector_store %arg35[%swap3A_724, %swap3A_725], %get3A_586 {strides = array<i32>} : memref<80x56xf32, #tpu.memory_space<vmem>>, vector<16xf32>,
          %swap3A_727 = arith.index_cast %add3A_720 : i32 to index
          %swap3A_728 = arith.constant 32 : index
          %swap3A_729 = tpu.vector_load %arg35[%swap3A_727, %swap3A_728] {strides = array<i32>} : memref<80x56xf32, #tpu.memory_space<vmem>>, vector<16xf32>,
          tpu.vector_store %arg35[%swap3A_727, %swap3A_728], %get3A_590 {strides = array<i32>} : memref<80x56xf32, #tpu.memory_space<vmem>>, vector<16xf32>,
          %swap3A_730 = arith.index_cast %add3A_720 : i32 to index
          %swap3A_731 = arith.constant 40 : index
          %swap3A_732 = tpu.vector_load %arg35[%swap3A_730, %swap3A_731] {strides = array<i32>} : memref<80x56xf32, #tpu.memory_space<vmem>>, vector<16xf32>,
          tpu.vector_store %arg35[%swap3A_730, %swap3A_731], %get3A_593 {strides = array<i32>} : memref<80x56xf32, #tpu.memory_space<vmem>>, vector<16xf32>,
          %add3A_733 = arith.constant 0 : i32
          %add3A_734 = arith.addi %mul3A_505, %add3A_733 : i32
          %add3A_735 = arith.constant 4 : i32
          %add3A_736 = arith.addi %add3A_734, %add3A_735 : i32
          %swap3A_737 = arith.index_cast %add3A_736 : i32 to index
          %swap3A_738 = arith.constant 0 : index
          %swap3A_739 = tpu.vector_load %arg35[%swap3A_737, %swap3A_738] {strides = array<i32>} : memref<80x56xf32, #tpu.memory_space<vmem>>, vector<16xf32>,
          tpu.vector_store %arg35[%swap3A_737, %swap3A_738], %get3A_601 {strides = array<i32>} : memref<80x56xf32, #tpu.memory_space<vmem>>, vector<16xf32>,
          %swap3A_740 = arith.index_cast %add3A_736 : i32 to index
          %swap3A_741 = arith.constant 16 : index
          %swap3A_742 = tpu.vector_load %arg35[%swap3A_740, %swap3A_741] {strides = array<i32>} : memref<80x56xf32, #tpu.memory_space<vmem>>, vector<16xf32>,
          tpu.vector_store %arg35[%swap3A_740, %swap3A_741], %get3A_605 {strides = array<i32>} : memref<80x56xf32, #tpu.memory_space<vmem>>, vector<16xf32>,
          %swap3A_743 = arith.index_cast %add3A_736 : i32 to index
          %swap3A_744 = arith.constant 32 : index
          %swap3A_745 = tpu.vector_load %arg35[%swap3A_743, %swap3A_744] {strides = array<i32>} : memref<80x56xf32, #tpu.memory_space<vmem>>, vector<16xf32>,
          tpu.vector_store %arg35[%swap3A_743, %swap3A_744], %get3A_609 {strides = array<i32>} : memref<80x56xf32, #tpu.memory_space<vmem>>, vector<16xf32>,
          %swap3A_746 = arith.index_cast %add3A_736 : i32 to index
          %swap3A_747 = arith.constant 40 : index
          %swap3A_748 = tpu.vector_load %arg35[%swap3A_746, %swap3A_747] {strides = array<i32>} : memref<80x56xf32, #tpu.memory_space<vmem>>, vector<16xf32>,
          tpu.vector_store %arg35[%swap3A_746, %swap3A_747], %get3A_612 {strides = array<i32>} : memref<80x56xf32, #tpu.memory_space<vmem>>, vector<16xf32>,
          %add3A_749 = arith.constant 0 : i32
          %add3A_750 = arith.addi %mul3A_505, %add3A_749 : i32
          %add3A_751 = arith.constant 5 : i32
          %add3A_752 = arith.addi %add3A_750, %add3A_751 : i32
          %swap3A_753 = arith.index_cast %add3A_752 : i32 to index
          %swap3A_754 = arith.constant 0 : index
          %swap3A_755 = tpu.vector_load %arg35[%swap3A_753, %swap3A_754] {strides = array<i32>} : memref<80x56xf32, #tpu.memory_space<vmem>>, vector<16xf32>,
          tpu.vector_store %arg35[%swap3A_753, %swap3A_754], %get3A_620 {strides = array<i32>} : memref<80x56xf32, #tpu.memory_space<vmem>>, vector<16xf32>,
          %swap3A_756 = arith.index_cast %add3A_752 : i32 to index
          %swap3A_757 = arith.constant 16 : index
          %swap3A_758 = tpu.vector_load %arg35[%swap3A_756, %swap3A_757] {strides = array<i32>} : memref<80x56xf32, #tpu.memory_space<vmem>>, vector<16xf32>,
          tpu.vector_store %arg35[%swap3A_756, %swap3A_757], %get3A_624 {strides = array<i32>} : memref<80x56xf32, #tpu.memory_space<vmem>>, vector<16xf32>,
          %swap3A_759 = arith.index_cast %add3A_752 : i32 to index
          %swap3A_760 = arith.constant 32 : index
          %swap3A_761 = tpu.vector_load %arg35[%swap3A_759, %swap3A_760] {strides = array<i32>} : memref<80x56xf32, #tpu.memory_space<vmem>>, vector<16xf32>,
          tpu.vector_store %arg35[%swap3A_759, %swap3A_760], %get3A_628 {strides = array<i32>} : memref<80x56xf32, #tpu.memory_space<vmem>>, vector<16xf32>,
          %swap3A_762 = arith.index_cast %add3A_752 : i32 to index
          %swap3A_763 = arith.constant 40 : index
          %swap3A_764 = tpu.vector_load %arg35[%swap3A_762, %swap3A_763] {strides = array<i32>} : memref<80x56xf32, #tpu.memory_space<vmem>>, vector<16xf32>,
          tpu.vector_store %arg35[%swap3A_762, %swap3A_763], %get3A_631 {strides = array<i32>} : memref<80x56xf32, #tpu.memory_space<vmem>>, vector<16xf32>,
          %add3A_765 = arith.constant 0 : i32
          %add3A_766 = arith.addi %mul3A_505, %add3A_765 : i32
          %add3A_767 = arith.constant 6 : i32
          %add3A_768 = arith.addi %add3A_766, %add3A_767 : i32
          %swap3A_769 = arith.index_cast %add3A_768 : i32 to index
          %swap3A_770 = arith.constant 0 : index
          %swap3A_771 = tpu.vector_load %arg35[%swap3A_769, %swap3A_770] {strides = array<i32>} : memref<80x56xf32, #tpu.memory_space<vmem>>, vector<16xf32>,
          tpu.vector_store %arg35[%swap3A_769, %swap3A_770], %get3A_639 {strides = array<i32>} : memref<80x56xf32, #tpu.memory_space<vmem>>, vector<16xf32>,
          %swap3A_772 = arith.index_cast %add3A_768 : i32 to index
          %swap3A_773 = arith.constant 16 : index
          %swap3A_774 = tpu.vector_load %arg35[%swap3A_772, %swap3A_773] {strides = array<i32>} : memref<80x56xf32, #tpu.memory_space<vmem>>, vector<16xf32>,
          tpu.vector_store %arg35[%swap3A_772, %swap3A_773], %get3A_643 {strides = array<i32>} : memref<80x56xf32, #tpu.memory_space<vmem>>, vector<16xf32>,
          %swap3A_775 = arith.index_cast %add3A_768 : i32 to index
          %swap3A_776 = arith.constant 32 : index
          %swap3A_777 = tpu.vector_load %arg35[%swap3A_775, %swap3A_776] {strides = array<i32>} : memref<80x56xf32, #tpu.memory_space<vmem>>, vector<16xf32>,
          tpu.vector_store %arg35[%swap3A_775, %swap3A_776], %get3A_647 {strides = array<i32>} : memref<80x56xf32, #tpu.memory_space<vmem>>, vector<16xf32>,
          %swap3A_778 = arith.index_cast %add3A_768 : i32 to index
          %swap3A_779 = arith.constant 40 : index
          %swap3A_780 = tpu.vector_load %arg35[%swap3A_778, %swap3A_779] {strides = array<i32>} : memref<80x56xf32, #tpu.memory_space<vmem>>, vector<16xf32>,
          tpu.vector_store %arg35[%swap3A_778, %swap3A_779], %get3A_650 {strides = array<i32>} : memref<80x56xf32, #tpu.memory_space<vmem>>, vector<16xf32>,
          %add3A_781 = arith.constant 0 : i32
          %add3A_782 = arith.addi %mul3A_505, %add3A_781 : i32
          %add3A_783 = arith.constant 7 : i32
          %add3A_784 = arith.addi %add3A_782, %add3A_783 : i32
          %swap3A_785 = arith.index_cast %add3A_784 : i32 to index
          %swap3A_786 = arith.constant 0 : index
          %swap3A_787 = tpu.vector_load %arg35[%swap3A_785, %swap3A_786] {strides = array<i32>} : memref<80x56xf32, #tpu.memory_space<vmem>>, vector<16xf32>,
          tpu.vector_store %arg35[%swap3A_785, %swap3A_786], %get3A_658 {strides = array<i32>} : memref<80x56xf32, #tpu.memory_space<vmem>>, vector<16xf32>,
          %swap3A_788 = arith.index_cast %add3A_784 : i32 to index
          %swap3A_789 = arith.constant 16 : index
          %swap3A_790 = tpu.vector_load %arg35[%swap3A_788, %swap3A_789] {strides = array<i32>} : memref<80x56xf32, #tpu.memory_space<vmem>>, vector<16xf32>,
          tpu.vector_store %arg35[%swap3A_788, %swap3A_789], %get3A_662 {strides = array<i32>} : memref<80x56xf32, #tpu.memory_space<vmem>>, vector<16xf32>,
          %swap3A_791 = arith.index_cast %add3A_784 : i32 to index
          %swap3A_792 = arith.constant 32 : index
          %swap3A_793 = tpu.vector_load %arg35[%swap3A_791, %swap3A_792] {strides = array<i32>} : memref<80x56xf32, #tpu.memory_space<vmem>>, vector<16xf32>,
          tpu.vector_store %arg35[%swap3A_791, %swap3A_792], %get3A_666 {strides = array<i32>} : memref<80x56xf32, #tpu.memory_space<vmem>>, vector<16xf32>,
          %swap3A_794 = arith.index_cast %add3A_784 : i32 to index
          %swap3A_795 = arith.constant 40 : index
          %swap3A_796 = tpu.vector_load %arg35[%swap3A_794, %swap3A_795] {strides = array<i32>} : memref<80x56xf32, #tpu.memory_space<vmem>>, vector<16xf32>,
          tpu.vector_store %arg35[%swap3A_794, %swap3A_795], %get3A_669 {strides = array<i32>} : memref<80x56xf32, #tpu.memory_space<vmem>>, vector<16xf32>,
          %add3A_797 = arith.constant 8 : i32
          %add3A_798 = arith.addi %mul3A_505, %add3A_797 : i32
          %add3A_799 = arith.constant 0 : i32
          %add3A_800 = arith.addi %add3A_798, %add3A_799 : i32
          %slice3A_801 = vector.extract_strided_slice %mul3A_509 {offsets = [8], sizes = [1], strides = [1]} : vector<16xi32> to vector<1xi32>
          %squeeze3A_802 = vector.extract %slice3A_801[0] : i32 from vector<1xi32>
          %get3A_803 = arith.index_cast %squeeze3A_802 : i32 to index
          %get3A_804 = tpu.vector_load %arg9[%get3A_803] {strides = array<i32>} : memref<3200xf32, #tpu.memory_space<vmem>>, vector<16xf32>,
          %slice3A_805 = vector.extract_strided_slice %mul3A_514 {offsets = [8], sizes = [1], strides = [1]} : vector<16xi32> to vector<1xi32>
          %squeeze3A_806 = vector.extract %slice3A_805[0] : i32 from vector<1xi32>
          %get3A_807 = arith.index_cast %squeeze3A_806 : i32 to index
          %get3A_808 = tpu.vector_load %arg9[%get3A_807] {strides = array<i32>} : memref<3200xf32, #tpu.memory_space<vmem>>, vector<16xf32>,
          %slice3A_809 = vector.extract_strided_slice %mul3A_519 {offsets = [8], sizes = [1], strides = [1]} : vector<16xi32> to vector<1xi32>
          %squeeze3A_810 = vector.extract %slice3A_809[0] : i32 from vector<1xi32>
          %get3A_811 = arith.index_cast %squeeze3A_810 : i32 to index
          %get3A_812 = tpu.vector_load %arg10[%get3A_811] {strides = array<i32>} : memref<512xf32, #tpu.memory_space<vmem>>, vector<16xf32>,
          %get3A_813 = arith.index_cast %add3A_800 : i32 to index
          %get3A_814 = arith.constant 0 : index
          %get3A_815 = tpu.vector_load %arg34[%get3A_813, %get3A_814] {strides = array<i32>} : memref<80x16xf32, #tpu.memory_space<vmem>>, vector<16xf32>,
          %add3A_816 = arith.constant 8 : i32
          %add3A_817 = arith.addi %mul3A_505, %add3A_816 : i32
          %add3A_818 = arith.constant 1 : i32
          %add3A_819 = arith.addi %add3A_817, %add3A_818 : i32
          %slice3A_820 = vector.extract_strided_slice %mul3A_509 {offsets = [9], sizes = [1], strides = [1]} : vector<16xi32> to vector<1xi32>
          %squeeze3A_821 = vector.extract %slice3A_820[0] : i32 from vector<1xi32>
          %get3A_822 = arith.index_cast %squeeze3A_821 : i32 to index
          %get3A_823 = tpu.vector_load %arg9[%get3A_822] {strides = array<i32>} : memref<3200xf32, #tpu.memory_space<vmem>>, vector<16xf32>,
          %slice3A_824 = vector.extract_strided_slice %mul3A_514 {offsets = [9], sizes = [1], strides = [1]} : vector<16xi32> to vector<1xi32>
          %squeeze3A_825 = vector.extract %slice3A_824[0] : i32 from vector<1xi32>
          %get3A_826 = arith.index_cast %squeeze3A_825 : i32 to index
          %get3A_827 = tpu.vector_load %arg9[%get3A_826] {strides = array<i32>} : memref<3200xf32, #tpu.memory_space<vmem>>, vector<16xf32>,
          %slice3A_828 = vector.extract_strided_slice %mul3A_519 {offsets = [9], sizes = [1], strides = [1]} : vector<16xi32> to vector<1xi32>
          %squeeze3A_829 = vector.extract %slice3A_828[0] : i32 from vector<1xi32>
          %get3A_830 = arith.index_cast %squeeze3A_829 : i32 to index
          %get3A_831 = tpu.vector_load %arg10[%get3A_830] {strides = array<i32>} : memref<512xf32, #tpu.memory_space<vmem>>, vector<16xf32>,
          %get3A_832 = arith.index_cast %add3A_819 : i32 to index
          %get3A_833 = arith.constant 0 : index
          %get3A_834 = tpu.vector_load %arg34[%get3A_832, %get3A_833] {strides = array<i32>} : memref<80x16xf32, #tpu.memory_space<vmem>>, vector<16xf32>,
          %add3A_835 = arith.constant 8 : i32
          %add3A_836 = arith.addi %mul3A_505, %add3A_835 : i32
          %add3A_837 = arith.constant 2 : i32
          %add3A_838 = arith.addi %add3A_836, %add3A_837 : i32
          %slice3A_839 = vector.extract_strided_slice %mul3A_509 {offsets = [10], sizes = [1], strides = [1]} : vector<16xi32> to vector<1xi32>
          %squeeze3A_840 = vector.extract %slice3A_839[0] : i32 from vector<1xi32>
          %get3A_841 = arith.index_cast %squeeze3A_840 : i32 to index
          %get3A_842 = tpu.vector_load %arg9[%get3A_841] {strides = array<i32>} : memref<3200xf32, #tpu.memory_space<vmem>>, vector<16xf32>,
          %slice3A_843 = vector.extract_strided_slice %mul3A_514 {offsets = [10], sizes = [1], strides = [1]} : vector<16xi32> to vector<1xi32>
          %squeeze3A_844 = vector.extract %slice3A_843[0] : i32 from vector<1xi32>
          %get3A_845 = arith.index_cast %squeeze3A_844 : i32 to index
          %get3A_846 = tpu.vector_load %arg9[%get3A_845] {strides = array<i32>} : memref<3200xf32, #tpu.memory_space<vmem>>, vector<16xf32>,
          %slice3A_847 = vector.extract_strided_slice %mul3A_519 {offsets = [10], sizes = [1], strides = [1]} : vector<16xi32> to vector<1xi32>
          %squeeze3A_848 = vector.extract %slice3A_847[0] : i32 from vector<1xi32>
          %get3A_849 = arith.index_cast %squeeze3A_848 : i32 to index
          %get3A_850 = tpu.vector_load %arg10[%get3A_849] {strides = array<i32>} : memref<512xf32, #tpu.memory_space<vmem>>, vector<16xf32>,
          %get3A_851 = arith.index_cast %add3A_838 : i32 to index
          %get3A_852 = arith.constant 0 : index
          %get3A_853 = tpu.vector_load %arg34[%get3A_851, %get3A_852] {strides = array<i32>} : memref<80x16xf32, #tpu.memory_space<vmem>>, vector<16xf32>,
          %add3A_854 = arith.constant 8 : i32
          %add3A_855 = arith.addi %mul3A_505, %add3A_854 : i32
          %add3A_856 = arith.constant 3 : i32
          %add3A_857 = arith.addi %add3A_855, %add3A_856 : i32
          %slice3A_858 = vector.extract_strided_slice %mul3A_509 {offsets = [11], sizes = [1], strides = [1]} : vector<16xi32> to vector<1xi32>
          %squeeze3A_859 = vector.extract %slice3A_858[0] : i32 from vector<1xi32>
          %get3A_860 = arith.index_cast %squeeze3A_859 : i32 to index
          %get3A_861 = tpu.vector_load %arg9[%get3A_860] {strides = array<i32>} : memref<3200xf32, #tpu.memory_space<vmem>>, vector<16xf32>,
          %slice3A_862 = vector.extract_strided_slice %mul3A_514 {offsets = [11], sizes = [1], strides = [1]} : vector<16xi32> to vector<1xi32>
          %squeeze3A_863 = vector.extract %slice3A_862[0] : i32 from vector<1xi32>
          %get3A_864 = arith.index_cast %squeeze3A_863 : i32 to index
          %get3A_865 = tpu.vector_load %arg9[%get3A_864] {strides = array<i32>} : memref<3200xf32, #tpu.memory_space<vmem>>, vector<16xf32>,
          %slice3A_866 = vector.extract_strided_slice %mul3A_519 {offsets = [11], sizes = [1], strides = [1]} : vector<16xi32> to vector<1xi32>
          %squeeze3A_867 = vector.extract %slice3A_866[0] : i32 from vector<1xi32>
          %get3A_868 = arith.index_cast %squeeze3A_867 : i32 to index
          %get3A_869 = tpu.vector_load %arg10[%get3A_868] {strides = array<i32>} : memref<512xf32, #tpu.memory_space<vmem>>, vector<16xf32>,
          %get3A_870 = arith.index_cast %add3A_857 : i32 to index
          %get3A_871 = arith.constant 0 : index
          %get3A_872 = tpu.vector_load %arg34[%get3A_870, %get3A_871] {strides = array<i32>} : memref<80x16xf32, #tpu.memory_space<vmem>>, vector<16xf32>,
          %add3A_873 = arith.constant 8 : i32
          %add3A_874 = arith.addi %mul3A_505, %add3A_873 : i32
          %add3A_875 = arith.constant 4 : i32
          %add3A_876 = arith.addi %add3A_874, %add3A_875 : i32
          %slice3A_877 = vector.extract_strided_slice %mul3A_509 {offsets = [12], sizes = [1], strides = [1]} : vector<16xi32> to vector<1xi32>
          %squeeze3A_878 = vector.extract %slice3A_877[0] : i32 from vector<1xi32>
          %get3A_879 = arith.index_cast %squeeze3A_878 : i32 to index
          %get3A_880 = tpu.vector_load %arg9[%get3A_879] {strides = array<i32>} : memref<3200xf32, #tpu.memory_space<vmem>>, vector<16xf32>,
          %slice3A_881 = vector.extract_strided_slice %mul3A_514 {offsets = [12], sizes = [1], strides = [1]} : vector<16xi32> to vector<1xi32>
          %squeeze3A_882 = vector.extract %slice3A_881[0] : i32 from vector<1xi32>
          %get3A_883 = arith.index_cast %squeeze3A_882 : i32 to index
          %get3A_884 = tpu.vector_load %arg9[%get3A_883] {strides = array<i32>} : memref<3200xf32, #tpu.memory_space<vmem>>, vector<16xf32>,
          %slice3A_885 = vector.extract_strided_slice %mul3A_519 {offsets = [12], sizes = [1], strides = [1]} : vector<16xi32> to vector<1xi32>
          %squeeze3A_886 = vector.extract %slice3A_885[0] : i32 from vector<1xi32>
          %get3A_887 = arith.index_cast %squeeze3A_886 : i32 to index
          %get3A_888 = tpu.vector_load %arg10[%get3A_887] {strides = array<i32>} : memref<512xf32, #tpu.memory_space<vmem>>, vector<16xf32>,
          %get3A_889 = arith.index_cast %add3A_876 : i32 to index
          %get3A_890 = arith.constant 0 : index
          %get3A_891 = tpu.vector_load %arg34[%get3A_889, %get3A_890] {strides = array<i32>} : memref<80x16xf32, #tpu.memory_space<vmem>>, vector<16xf32>,
          %add3A_892 = arith.constant 8 : i32
          %add3A_893 = arith.addi %mul3A_505, %add3A_892 : i32
          %add3A_894 = arith.constant 5 : i32
          %add3A_895 = arith.addi %add3A_893, %add3A_894 : i32
          %slice3A_896 = vector.extract_strided_slice %mul3A_509 {offsets = [13], sizes = [1], strides = [1]} : vector<16xi32> to vector<1xi32>
          %squeeze3A_897 = vector.extract %slice3A_896[0] : i32 from vector<1xi32>
          %get3A_898 = arith.index_cast %squeeze3A_897 : i32 to index
          %get3A_899 = tpu.vector_load %arg9[%get3A_898] {strides = array<i32>} : memref<3200xf32, #tpu.memory_space<vmem>>, vector<16xf32>,
          %slice3A_900 = vector.extract_strided_slice %mul3A_514 {offsets = [13], sizes = [1], strides = [1]} : vector<16xi32> to vector<1xi32>
          %squeeze3A_901 = vector.extract %slice3A_900[0] : i32 from vector<1xi32>
          %get3A_902 = arith.index_cast %squeeze3A_901 : i32 to index
          %get3A_903 = tpu.vector_load %arg9[%get3A_902] {strides = array<i32>} : memref<3200xf32, #tpu.memory_space<vmem>>, vector<16xf32>,
          %slice3A_904 = vector.extract_strided_slice %mul3A_519 {offsets = [13], sizes = [1], strides = [1]} : vector<16xi32> to vector<1xi32>
          %squeeze3A_905 = vector.extract %slice3A_904[0] : i32 from vector<1xi32>
          %get3A_906 = arith.index_cast %squeeze3A_905 : i32 to index
          %get3A_907 = tpu.vector_load %arg10[%get3A_906] {strides = array<i32>} : memref<512xf32, #tpu.memory_space<vmem>>, vector<16xf32>,
          %get3A_908 = arith.index_cast %add3A_895 : i32 to index
          %get3A_909 = arith.constant 0 : index
          %get3A_910 = tpu.vector_load %arg34[%get3A_908, %get3A_909] {strides = array<i32>} : memref<80x16xf32, #tpu.memory_space<vmem>>, vector<16xf32>,
          %add3A_911 = arith.constant 8 : i32
          %add3A_912 = arith.addi %mul3A_505, %add3A_911 : i32
          %add3A_913 = arith.constant 6 : i32
          %add3A_914 = arith.addi %add3A_912, %add3A_913 : i32
          %slice3A_915 = vector.extract_strided_slice %mul3A_509 {offsets = [14], sizes = [1], strides = [1]} : vector<16xi32> to vector<1xi32>
          %squeeze3A_916 = vector.extract %slice3A_915[0] : i32 from vector<1xi32>
          %get3A_917 = arith.index_cast %squeeze3A_916 : i32 to index
          %get3A_918 = tpu.vector_load %arg9[%get3A_917] {strides = array<i32>} : memref<3200xf32, #tpu.memory_space<vmem>>, vector<16xf32>,
          %slice3A_919 = vector.extract_strided_slice %mul3A_514 {offsets = [14], sizes = [1], strides = [1]} : vector<16xi32> to vector<1xi32>
          %squeeze3A_920 = vector.extract %slice3A_919[0] : i32 from vector<1xi32>
          %get3A_921 = arith.index_cast %squeeze3A_920 : i32 to index
          %get3A_922 = tpu.vector_load %arg9[%get3A_921] {strides = array<i32>} : memref<3200xf32, #tpu.memory_space<vmem>>, vector<16xf32>,
          %slice3A_923 = vector.extract_strided_slice %mul3A_519 {offsets = [14], sizes = [1], strides = [1]} : vector<16xi32> to vector<1xi32>
          %squeeze3A_924 = vector.extract %slice3A_923[0] : i32 from vector<1xi32>
          %get3A_925 = arith.index_cast %squeeze3A_924 : i32 to index
          %get3A_926 = tpu.vector_load %arg10[%get3A_925] {strides = array<i32>} : memref<512xf32, #tpu.memory_space<vmem>>, vector<16xf32>,
          %get3A_927 = arith.index_cast %add3A_914 : i32 to index
          %get3A_928 = arith.constant 0 : index
          %get3A_929 = tpu.vector_load %arg34[%get3A_927, %get3A_928] {strides = array<i32>} : memref<80x16xf32, #tpu.memory_space<vmem>>, vector<16xf32>,
          %add3A_930 = arith.constant 8 : i32
          %add3A_931 = arith.addi %mul3A_505, %add3A_930 : i32
          %add3A_932 = arith.constant 7 : i32
          %add3A_933 = arith.addi %add3A_931, %add3A_932 : i32
          %slice3A_934 = vector.extract_strided_slice %mul3A_509 {offsets = [15], sizes = [1], strides = [1]} : vector<16xi32> to vector<1xi32>
          %squeeze3A_935 = vector.extract %slice3A_934[0] : i32 from vector<1xi32>
          %get3A_936 = arith.index_cast %squeeze3A_935 : i32 to index
          %get3A_937 = tpu.vector_load %arg9[%get3A_936] {strides = array<i32>} : memref<3200xf32, #tpu.memory_space<vmem>>, vector<16xf32>,
          %slice3A_938 = vector.extract_strided_slice %mul3A_514 {offsets = [15], sizes = [1], strides = [1]} : vector<16xi32> to vector<1xi32>
          %squeeze3A_939 = vector.extract %slice3A_938[0] : i32 from vector<1xi32>
          %get3A_940 = arith.index_cast %squeeze3A_939 : i32 to index
          %get3A_941 = tpu.vector_load %arg9[%get3A_940] {strides = array<i32>} : memref<3200xf32, #tpu.memory_space<vmem>>, vector<16xf32>,
          %slice3A_942 = vector.extract_strided_slice %mul3A_519 {offsets = [15], sizes = [1], strides = [1]} : vector<16xi32> to vector<1xi32>
          %squeeze3A_943 = vector.extract %slice3A_942[0] : i32 from vector<1xi32>
          %get3A_944 = arith.index_cast %squeeze3A_943 : i32 to index
          %get3A_945 = tpu.vector_load %arg10[%get3A_944] {strides = array<i32>} : memref<512xf32, #tpu.memory_space<vmem>>, vector<16xf32>,
          %get3A_946 = arith.index_cast %add3A_933 : i32 to index
          %get3A_947 = arith.constant 0 : index
          %get3A_948 = tpu.vector_load %arg34[%get3A_946, %get3A_947] {strides = array<i32>} : memref<80x16xf32, #tpu.memory_space<vmem>>, vector<16xf32>,
          %add3A_949 = arith.constant 8 : i32
          %add3A_950 = arith.addi %mul3A_505, %add3A_949 : i32
          %add3A_951 = arith.constant 0 : i32
          %add3A_952 = arith.addi %add3A_950, %add3A_951 : i32
          %swap3A_953 = arith.index_cast %add3A_952 : i32 to index
          %swap3A_954 = arith.constant 0 : index
          %swap3A_955 = tpu.vector_load %arg35[%swap3A_953, %swap3A_954] {strides = array<i32>} : memref<80x56xf32, #tpu.memory_space<vmem>>, vector<16xf32>,
          tpu.vector_store %arg35[%swap3A_953, %swap3A_954], %get3A_804 {strides = array<i32>} : memref<80x56xf32, #tpu.memory_space<vmem>>, vector<16xf32>,
          %swap3A_956 = arith.index_cast %add3A_952 : i32 to index
          %swap3A_957 = arith.constant 16 : index
          %swap3A_958 = tpu.vector_load %arg35[%swap3A_956, %swap3A_957] {strides = array<i32>} : memref<80x56xf32, #tpu.memory_space<vmem>>, vector<16xf32>,
          tpu.vector_store %arg35[%swap3A_956, %swap3A_957], %get3A_808 {strides = array<i32>} : memref<80x56xf32, #tpu.memory_space<vmem>>, vector<16xf32>,
          %swap3A_959 = arith.index_cast %add3A_952 : i32 to index
          %swap3A_960 = arith.constant 32 : index
          %swap3A_961 = tpu.vector_load %arg35[%swap3A_959, %swap3A_960] {strides = array<i32>} : memref<80x56xf32, #tpu.memory_space<vmem>>, vector<16xf32>,
          tpu.vector_store %arg35[%swap3A_959, %swap3A_960], %get3A_812 {strides = array<i32>} : memref<80x56xf32, #tpu.memory_space<vmem>>, vector<16xf32>,
          %swap3A_962 = arith.index_cast %add3A_952 : i32 to index
          %swap3A_963 = arith.constant 40 : index
          %swap3A_964 = tpu.vector_load %arg35[%swap3A_962, %swap3A_963] {strides = array<i32>} : memref<80x56xf32, #tpu.memory_space<vmem>>, vector<16xf32>,
          tpu.vector_store %arg35[%swap3A_962, %swap3A_963], %get3A_815 {strides = array<i32>} : memref<80x56xf32, #tpu.memory_space<vmem>>, vector<16xf32>,
          %add3A_965 = arith.constant 8 : i32
          %add3A_966 = arith.addi %mul3A_505, %add3A_965 : i32
          %add3A_967 = arith.constant 1 : i32
          %add3A_968 = arith.addi %add3A_966, %add3A_967 : i32
          %swap3A_969 = arith.index_cast %add3A_968 : i32 to index
          %swap3A_970 = arith.constant 0 : index
          %swap3A_971 = tpu.vector_load %arg35[%swap3A_969, %swap3A_970] {strides = array<i32>} : memref<80x56xf32, #tpu.memory_space<vmem>>, vector<16xf32>,
          tpu.vector_store %arg35[%swap3A_969, %swap3A_970], %get3A_823 {strides = array<i32>} : memref<80x56xf32, #tpu.memory_space<vmem>>, vector<16xf32>,
          %swap3A_972 = arith.index_cast %add3A_968 : i32 to index
          %swap3A_973 = arith.constant 16 : index
          %swap3A_974 = tpu.vector_load %arg35[%swap3A_972, %swap3A_973] {strides = array<i32>} : memref<80x56xf32, #tpu.memory_space<vmem>>, vector<16xf32>,
          tpu.vector_store %arg35[%swap3A_972, %swap3A_973], %get3A_827 {strides = array<i32>} : memref<80x56xf32, #tpu.memory_space<vmem>>, vector<16xf32>,
          %swap3A_975 = arith.index_cast %add3A_968 : i32 to index
          %swap3A_976 = arith.constant 32 : index
          %swap3A_977 = tpu.vector_load %arg35[%swap3A_975, %swap3A_976] {strides = array<i32>} : memref<80x56xf32, #tpu.memory_space<vmem>>, vector<16xf32>,
          tpu.vector_store %arg35[%swap3A_975, %swap3A_976], %get3A_831 {strides = array<i32>} : memref<80x56xf32, #tpu.memory_space<vmem>>, vector<16xf32>,
          %swap3A_978 = arith.index_cast %add3A_968 : i32 to index
          %swap3A_979 = arith.constant 40 : index
          %swap3A_980 = tpu.vector_load %arg35[%swap3A_978, %swap3A_979] {strides = array<i32>} : memref<80x56xf32, #tpu.memory_space<vmem>>, vector<16xf32>,
          tpu.vector_store %arg35[%swap3A_978, %swap3A_979], %get3A_834 {strides = array<i32>} : memref<80x56xf32, #tpu.memory_space<vmem>>, vector<16xf32>,
          %add3A_981 = arith.constant 8 : i32
          %add3A_982 = arith.addi %mul3A_505, %add3A_981 : i32
          %add3A_983 = arith.constant 2 : i32
          %add3A_984 = arith.addi %add3A_982, %add3A_983 : i32
          %swap3A_985 = arith.index_cast %add3A_984 : i32 to index
          %swap3A_986 = arith.constant 0 : index
          %swap3A_987 = tpu.vector_load %arg35[%swap3A_985, %swap3A_986] {strides = array<i32>} : memref<80x56xf32, #tpu.memory_space<vmem>>, vector<16xf32>,
          tpu.vector_store %arg35[%swap3A_985, %swap3A_986], %get3A_842 {strides = array<i32>} : memref<80x56xf32, #tpu.memory_space<vmem>>, vector<16xf32>,
          %swap3A_988 = arith.index_cast %add3A_984 : i32 to index
          %swap3A_989 = arith.constant 16 : index
          %swap3A_990 = tpu.vector_load %arg35[%swap3A_988, %swap3A_989] {strides = array<i32>} : memref<80x56xf32, #tpu.memory_space<vmem>>, vector<16xf32>,
          tpu.vector_store %arg35[%swap3A_988, %swap3A_989], %get3A_846 {strides = array<i32>} : memref<80x56xf32, #tpu.memory_space<vmem>>, vector<16xf32>,
          %swap3A_991 = arith.index_cast %add3A_984 : i32 to index
          %swap3A_992 = arith.constant 32 : index
          %swap3A_993 = tpu.vector_load %arg35[%swap3A_991, %swap3A_992] {strides = array<i32>} : memref<80x56xf32, #tpu.memory_space<vmem>>, vector<16xf32>,
          tpu.vector_store %arg35[%swap3A_991, %swap3A_992], %get3A_850 {strides = array<i32>} : memref<80x56xf32, #tpu.memory_space<vmem>>, vector<16xf32>,
          %swap3A_994 = arith.index_cast %add3A_984 : i32 to index
          %swap3A_995 = arith.constant 40 : index
          %swap3A_996 = tpu.vector_load %arg35[%swap3A_994, %swap3A_995] {strides = array<i32>} : memref<80x56xf32, #tpu.memory_space<vmem>>, vector<16xf32>,
          tpu.vector_store %arg35[%swap3A_994, %swap3A_995], %get3A_853 {strides = array<i32>} : memref<80x56xf32, #tpu.memory_space<vmem>>, vector<16xf32>,
          %add3A_997 = arith.constant 8 : i32
          %add3A_998 = arith.addi %mul3A_505, %add3A_997 : i32
          %add3A_999 = arith.constant 3 : i32
          %add3A_1000 = arith.addi %add3A_998, %add3A_999 : i32
          %swap3A_1001 = arith.index_cast %add3A_1000 : i32 to index
          %swap3A_1002 = arith.constant 0 : index
          %swap3A_1003 = tpu.vector_load %arg35[%swap3A_1001, %swap3A_1002] {strides = array<i32>} : memref<80x56xf32, #tpu.memory_space<vmem>>, vector<16xf32>,
          tpu.vector_store %arg35[%swap3A_1001, %swap3A_1002], %get3A_861 {strides = array<i32>} : memref<80x56xf32, #tpu.memory_space<vmem>>, vector<16xf32>,
          %swap3A_1004 = arith.index_cast %add3A_1000 : i32 to index
          %swap3A_1005 = arith.constant 16 : index
          %swap3A_1006 = tpu.vector_load %arg35[%swap3A_1004, %swap3A_1005] {strides = array<i32>} : memref<80x56xf32, #tpu.memory_space<vmem>>, vector<16xf32>,
          tpu.vector_store %arg35[%swap3A_1004, %swap3A_1005], %get3A_865 {strides = array<i32>} : memref<80x56xf32, #tpu.memory_space<vmem>>, vector<16xf32>,
          %swap3A_1007 = arith.index_cast %add3A_1000 : i32 to index
          %swap3A_1008 = arith.constant 32 : index
          %swap3A_1009 = tpu.vector_load %arg35[%swap3A_1007, %swap3A_1008] {strides = array<i32>} : memref<80x56xf32, #tpu.memory_space<vmem>>, vector<16xf32>,
          tpu.vector_store %arg35[%swap3A_1007, %swap3A_1008], %get3A_869 {strides = array<i32>} : memref<80x56xf32, #tpu.memory_space<vmem>>, vector<16xf32>,
          %swap3A_1010 = arith.index_cast %add3A_1000 : i32 to index
          %swap3A_1011 = arith.constant 40 : index
          %swap3A_1012 = tpu.vector_load %arg35[%swap3A_1010, %swap3A_1011] {strides = array<i32>} : memref<80x56xf32, #tpu.memory_space<vmem>>, vector<16xf32>,
          tpu.vector_store %arg35[%swap3A_1010, %swap3A_1011], %get3A_872 {strides = array<i32>} : memref<80x56xf32, #tpu.memory_space<vmem>>, vector<16xf32>,
          %add3A_1013 = arith.constant 8 : i32
          %add3A_1014 = arith.addi %mul3A_505, %add3A_1013 : i32
          %add3A_1015 = arith.constant 4 : i32
          %add3A_1016 = arith.addi %add3A_1014, %add3A_1015 : i32
          %swap3A_1017 = arith.index_cast %add3A_1016 : i32 to index
          %swap3A_1018 = arith.constant 0 : index
          %swap3A_1019 = tpu.vector_load %arg35[%swap3A_1017, %swap3A_1018] {strides = array<i32>} : memref<80x56xf32, #tpu.memory_space<vmem>>, vector<16xf32>,
          tpu.vector_store %arg35[%swap3A_1017, %swap3A_1018], %get3A_880 {strides = array<i32>} : memref<80x56xf32, #tpu.memory_space<vmem>>, vector<16xf32>,
          %swap3A_1020 = arith.index_cast %add3A_1016 : i32 to index
          %swap3A_1021 = arith.constant 16 : index
          %swap3A_1022 = tpu.vector_load %arg35[%swap3A_1020, %swap3A_1021] {strides = array<i32>} : memref<80x56xf32, #tpu.memory_space<vmem>>, vector<16xf32>,
          tpu.vector_store %arg35[%swap3A_1020, %swap3A_1021], %get3A_884 {strides = array<i32>} : memref<80x56xf32, #tpu.memory_space<vmem>>, vector<16xf32>,
          %swap3A_1023 = arith.index_cast %add3A_1016 : i32 to index
          %swap3A_1024 = arith.constant 32 : index
          %swap3A_1025 = tpu.vector_load %arg35[%swap3A_1023, %swap3A_1024] {strides = array<i32>} : memref<80x56xf32, #tpu.memory_space<vmem>>, vector<16xf32>,
          tpu.vector_store %arg35[%swap3A_1023, %swap3A_1024], %get3A_888 {strides = array<i32>} : memref<80x56xf32, #tpu.memory_space<vmem>>, vector<16xf32>,
          %swap3A_1026 = arith.index_cast %add3A_1016 : i32 to index
          %swap3A_1027 = arith.constant 40 : index
          %swap3A_1028 = tpu.vector_load %arg35[%swap3A_1026, %swap3A_1027] {strides = array<i32>} : memref<80x56xf32, #tpu.memory_space<vmem>>, vector<16xf32>,
          tpu.vector_store %arg35[%swap3A_1026, %swap3A_1027], %get3A_891 {strides = array<i32>} : memref<80x56xf32, #tpu.memory_space<vmem>>, vector<16xf32>,
          %add3A_1029 = arith.constant 8 : i32
          %add3A_1030 = arith.addi %mul3A_505, %add3A_1029 : i32
          %add3A_1031 = arith.constant 5 : i32
          %add3A_1032 = arith.addi %add3A_1030, %add3A_1031 : i32
          %swap3A_1033 = arith.index_cast %add3A_1032 : i32 to index
          %swap3A_1034 = arith.constant 0 : index
          %swap3A_1035 = tpu.vector_load %arg35[%swap3A_1033, %swap3A_1034] {strides = array<i32>} : memref<80x56xf32, #tpu.memory_space<vmem>>, vector<16xf32>,
          tpu.vector_store %arg35[%swap3A_1033, %swap3A_1034], %get3A_899 {strides = array<i32>} : memref<80x56xf32, #tpu.memory_space<vmem>>, vector<16xf32>,
          %swap3A_1036 = arith.index_cast %add3A_1032 : i32 to index
          %swap3A_1037 = arith.constant 16 : index
          %swap3A_1038 = tpu.vector_load %arg35[%swap3A_1036, %swap3A_1037] {strides = array<i32>} : memref<80x56xf32, #tpu.memory_space<vmem>>, vector<16xf32>,
          tpu.vector_store %arg35[%swap3A_1036, %swap3A_1037], %get3A_903 {strides = array<i32>} : memref<80x56xf32, #tpu.memory_space<vmem>>, vector<16xf32>,
          %swap3A_1039 = arith.index_cast %add3A_1032 : i32 to index
          %swap3A_1040 = arith.constant 32 : index
          %swap3A_1041 = tpu.vector_load %arg35[%swap3A_1039, %swap3A_1040] {strides = array<i32>} : memref<80x56xf32, #tpu.memory_space<vmem>>, vector<16xf32>,
          tpu.vector_store %arg35[%swap3A_1039, %swap3A_1040], %get3A_907 {strides = array<i32>} : memref<80x56xf32, #tpu.memory_space<vmem>>, vector<16xf32>,
          %swap3A_1042 = arith.index_cast %add3A_1032 : i32 to index
          %swap3A_1043 = arith.constant 40 : index
          %swap3A_1044 = tpu.vector_load %arg35[%swap3A_1042, %swap3A_1043] {strides = array<i32>} : memref<80x56xf32, #tpu.memory_space<vmem>>, vector<16xf32>,
          tpu.vector_store %arg35[%swap3A_1042, %swap3A_1043], %get3A_910 {strides = array<i32>} : memref<80x56xf32, #tpu.memory_space<vmem>>, vector<16xf32>,
          %add3A_1045 = arith.constant 8 : i32
          %add3A_1046 = arith.addi %mul3A_505, %add3A_1045 : i32
          %add3A_1047 = arith.constant 6 : i32
          %add3A_1048 = arith.addi %add3A_1046, %add3A_1047 : i32
          %swap3A_1049 = arith.index_cast %add3A_1048 : i32 to index
          %swap3A_1050 = arith.constant 0 : index
          %swap3A_1051 = tpu.vector_load %arg35[%swap3A_1049, %swap3A_1050] {strides = array<i32>} : memref<80x56xf32, #tpu.memory_space<vmem>>, vector<16xf32>,
          tpu.vector_store %arg35[%swap3A_1049, %swap3A_1050], %get3A_918 {strides = array<i32>} : memref<80x56xf32, #tpu.memory_space<vmem>>, vector<16xf32>,
          %swap3A_1052 = arith.index_cast %add3A_1048 : i32 to index
          %swap3A_1053 = arith.constant 16 : index
          %swap3A_1054 = tpu.vector_load %arg35[%swap3A_1052, %swap3A_1053] {strides = array<i32>} : memref<80x56xf32, #tpu.memory_space<vmem>>, vector<16xf32>,
          tpu.vector_store %arg35[%swap3A_1052, %swap3A_1053], %get3A_922 {strides = array<i32>} : memref<80x56xf32, #tpu.memory_space<vmem>>, vector<16xf32>,
          %swap3A_1055 = arith.index_cast %add3A_1048 : i32 to index
          %swap3A_1056 = arith.constant 32 : index
          %swap3A_1057 = tpu.vector_load %arg35[%swap3A_1055, %swap3A_1056] {strides = array<i32>} : memref<80x56xf32, #tpu.memory_space<vmem>>, vector<16xf32>,
          tpu.vector_store %arg35[%swap3A_1055, %swap3A_1056], %get3A_926 {strides = array<i32>} : memref<80x56xf32, #tpu.memory_space<vmem>>, vector<16xf32>,
          %swap3A_1058 = arith.index_cast %add3A_1048 : i32 to index
          %swap3A_1059 = arith.constant 40 : index
          %swap3A_1060 = tpu.vector_load %arg35[%swap3A_1058, %swap3A_1059] {strides = array<i32>} : memref<80x56xf32, #tpu.memory_space<vmem>>, vector<16xf32>,
          tpu.vector_store %arg35[%swap3A_1058, %swap3A_1059], %get3A_929 {strides = array<i32>} : memref<80x56xf32, #tpu.memory_space<vmem>>, vector<16xf32>,
          %add3A_1061 = arith.constant 8 : i32
          %add3A_1062 = arith.addi %mul3A_505, %add3A_1061 : i32
          %add3A_1063 = arith.constant 7 : i32
          %add3A_1064 = arith.addi %add3A_1062, %add3A_1063 : i32
          %swap3A_1065 = arith.index_cast %add3A_1064 : i32 to index
          %swap3A_1066 = arith.constant 0 : index
          %swap3A_1067 = tpu.vector_load %arg35[%swap3A_1065, %swap3A_1066] {strides = array<i32>} : memref<80x56xf32, #tpu.memory_space<vmem>>, vector<16xf32>,
          tpu.vector_store %arg35[%swap3A_1065, %swap3A_1066], %get3A_937 {strides = array<i32>} : memref<80x56xf32, #tpu.memory_space<vmem>>, vector<16xf32>,
          %swap3A_1068 = arith.index_cast %add3A_1064 : i32 to index
          %swap3A_1069 = arith.constant 16 : index
          %swap3A_1070 = tpu.vector_load %arg35[%swap3A_1068, %swap3A_1069] {strides = array<i32>} : memref<80x56xf32, #tpu.memory_space<vmem>>, vector<16xf32>,
          tpu.vector_store %arg35[%swap3A_1068, %swap3A_1069], %get3A_941 {strides = array<i32>} : memref<80x56xf32, #tpu.memory_space<vmem>>, vector<16xf32>,
          %swap3A_1071 = arith.index_cast %add3A_1064 : i32 to index
          %swap3A_1072 = arith.constant 32 : index
          %swap3A_1073 = tpu.vector_load %arg35[%swap3A_1071, %swap3A_1072] {strides = array<i32>} : memref<80x56xf32, #tpu.memory_space<vmem>>, vector<16xf32>,
          tpu.vector_store %arg35[%swap3A_1071, %swap3A_1072], %get3A_945 {strides = array<i32>} : memref<80x56xf32, #tpu.memory_space<vmem>>, vector<16xf32>,
          %swap3A_1074 = arith.index_cast %add3A_1064 : i32 to index
          %swap3A_1075 = arith.constant 40 : index
          %swap3A_1076 = tpu.vector_load %arg35[%swap3A_1074, %swap3A_1075] {strides = array<i32>} : memref<80x56xf32, #tpu.memory_space<vmem>>, vector<16xf32>,
          tpu.vector_store %arg35[%swap3A_1074, %swap3A_1075], %get3A_948 {strides = array<i32>} : memref<80x56xf32, #tpu.memory_space<vmem>>, vector<16xf32>,
        }
        %scan3A_484 = arith.constant 5 : i32
        %add3A_485 = arith.constant 5 : i32
        %add3A_486 = arith.addi %add3A_444, %add3A_485 : i32
        %lt3A_487 = arith.constant 250 : i32
        %lt3A_488 = arith.cmpi slt, %add3A_486, %lt3A_487 : i32
        %convert_element_type3A_489 = arith.extui %lt3A_488 : i1 to i32
        %cond3A_490 = arith.constant 0 : i32
        %cond3A_491 = arith.cmpi ne, %convert_element_type3A_489, %cond3A_490 : i32
        scf.if %cond3A_491 {
          %add3A_503 = arith.constant 5 : i32
          %add3A_504 = arith.addi %add3A_444, %add3A_503 : i32
          %mul3A_505 = arith.constant 80 : i32
          %mul3A_506 = arith.muli %add3A_504, %mul3A_505 : i32
          %add3A_507 = arith.addi %mul3A_2, %mul3A_506 : i32
          %dma_start3A_508 = arith.constant 4 : i32
          %dma_start3A_509 = arith.constant 0 : i32
          %dma_start3A_510 = tpu.memref_slice %arg2[%add3A_507] : memref<640000xi32, #tpu.memory_space<hbm>> -> memref<80xi32, #tpu.memory_space<hbm>>
          %dma_start3A_511 = tpu.memref_slice %run_scoped3A[%dma_start3A_508, %dma_start3A_509] : memref<5x5x!tpu.dma_semaphore, #tpu.memory_space<semaphore_mem>> -> memref<1x1x!tpu.dma_semaphore, #tpu.memory_space<semaphore_mem>>
          %dma_start3A_512 = tpu.memref_squeeze %dma_start3A_511 : memref<1x1x!tpu.dma_semaphore, #tpu.memory_space<semaphore_mem>> -> memref<!tpu.dma_semaphore, #tpu.memory_space<semaphore_mem>>
          %dma_start3A_513 = tpu.memref_slice %arg2[%add3A_507] : memref<640000xi32, #tpu.memory_space<hbm>> -> memref<80xi32, #tpu.memory_space<hbm>>
          tpu.enqueue_dma source(%dma_start3A_513 : memref<80xi32, #tpu.memory_space<hbm>>) target(%arg31 : memref<80xi32, #tpu.memory_space<vmem>>) target_semaphore(%dma_start3A_512 : memref<!tpu.dma_semaphore, #tpu.memory_space<semaphore_mem>>)
          %dma_start3A_514 = arith.constant 4 : i32
          %dma_start3A_515 = arith.constant 1 : i32
          %dma_start3A_516 = tpu.memref_slice %arg3[%add3A_507] : memref<640000xi32, #tpu.memory_space<hbm>> -> memref<80xi32, #tpu.memory_space<hbm>>
          %dma_start3A_517 = tpu.memref_slice %run_scoped3A[%dma_start3A_514, %dma_start3A_515] : memref<5x5x!tpu.dma_semaphore, #tpu.memory_space<semaphore_mem>> -> memref<1x1x!tpu.dma_semaphore, #tpu.memory_space<semaphore_mem>>
          %dma_start3A_518 = tpu.memref_squeeze %dma_start3A_517 : memref<1x1x!tpu.dma_semaphore, #tpu.memory_space<semaphore_mem>> -> memref<!tpu.dma_semaphore, #tpu.memory_space<semaphore_mem>>
          %dma_start3A_519 = tpu.memref_slice %arg3[%add3A_507] : memref<640000xi32, #tpu.memory_space<hbm>> -> memref<80xi32, #tpu.memory_space<hbm>>
          tpu.enqueue_dma source(%dma_start3A_519 : memref<80xi32, #tpu.memory_space<hbm>>) target(%arg32 : memref<80xi32, #tpu.memory_space<vmem>>) target_semaphore(%dma_start3A_518 : memref<!tpu.dma_semaphore, #tpu.memory_space<semaphore_mem>>)
          %dma_start3A_520 = arith.constant 4 : i32
          %dma_start3A_521 = arith.constant 2 : i32
          %dma_start3A_522 = tpu.memref_slice %arg4[%add3A_507] : memref<640000xi32, #tpu.memory_space<hbm>> -> memref<80xi32, #tpu.memory_space<hbm>>
          %dma_start3A_523 = tpu.memref_slice %run_scoped3A[%dma_start3A_520, %dma_start3A_521] : memref<5x5x!tpu.dma_semaphore, #tpu.memory_space<semaphore_mem>> -> memref<1x1x!tpu.dma_semaphore, #tpu.memory_space<semaphore_mem>>
          %dma_start3A_524 = tpu.memref_squeeze %dma_start3A_523 : memref<1x1x!tpu.dma_semaphore, #tpu.memory_space<semaphore_mem>> -> memref<!tpu.dma_semaphore, #tpu.memory_space<semaphore_mem>>
          %dma_start3A_525 = tpu.memref_slice %arg4[%add3A_507] : memref<640000xi32, #tpu.memory_space<hbm>> -> memref<80xi32, #tpu.memory_space<hbm>>
          tpu.enqueue_dma source(%dma_start3A_525 : memref<80xi32, #tpu.memory_space<hbm>>) target(%arg33 : memref<80xi32, #tpu.memory_space<vmem>>) target_semaphore(%dma_start3A_524 : memref<!tpu.dma_semaphore, #tpu.memory_space<semaphore_mem>>)
          %dma_start3A_526 = arith.constant 4 : i32
          %dma_start3A_527 = arith.constant 3 : i32
          %dma_start3A_528 = arith.constant 0 : i32
          %dma_start3A_529 = tpu.memref_slice %arg5[%add3A_507, %dma_start3A_528] : memref<640000x16xf32, #tpu.memory_space<hbm>> -> memref<80x16xf32, #tpu.memory_space<hbm>>
          %dma_start3A_530 = tpu.memref_slice %run_scoped3A[%dma_start3A_526, %dma_start3A_527] : memref<5x5x!tpu.dma_semaphore, #tpu.memory_space<semaphore_mem>> -> memref<1x1x!tpu.dma_semaphore, #tpu.memory_space<semaphore_mem>>
          %dma_start3A_531 = tpu.memref_squeeze %dma_start3A_530 : memref<1x1x!tpu.dma_semaphore, #tpu.memory_space<semaphore_mem>> -> memref<!tpu.dma_semaphore, #tpu.memory_space<semaphore_mem>>
          %dma_start3A_532 = arith.constant 0 : i32
          %dma_start3A_533 = tpu.memref_slice %arg5[%add3A_507, %dma_start3A_532] : memref<640000x16xf32, #tpu.memory_space<hbm>> -> memref<80x16xf32, #tpu.memory_space<hbm>>
          tpu.enqueue_dma source(%dma_start3A_533 : memref<80x16xf32, #tpu.memory_space<hbm>>) target(%arg34 : memref<80x16xf32, #tpu.memory_space<vmem>>) target_semaphore(%dma_start3A_531 : memref<!tpu.dma_semaphore, #tpu.memory_space<semaphore_mem>>)
        } else {
        }
        %mul3A_492 = arith.constant 80 : i32
        %mul3A_493 = arith.muli %add3A_444, %mul3A_492 : i32
        %add3A_494 = arith.addi %mul3A_2, %mul3A_493 : i32
        %dma_start3A_495 = arith.constant 4 : i32
        %dma_start3A_496 = arith.constant 4 : i32
        %dma_start3A_497 = arith.constant 0 : i32
        %dma_start3A_498 = tpu.memref_slice %arg8[%add3A_494, %dma_start3A_497] : memref<640000x56xf32, #tpu.memory_space<hbm>> -> memref<80x56xf32, #tpu.memory_space<hbm>>
        %dma_start3A_499 = tpu.memref_slice %run_scoped3A[%dma_start3A_495, %dma_start3A_496] : memref<5x5x!tpu.dma_semaphore, #tpu.memory_space<semaphore_mem>> -> memref<1x1x!tpu.dma_semaphore, #tpu.memory_space<semaphore_mem>>
        %dma_start3A_500 = tpu.memref_squeeze %dma_start3A_499 : memref<1x1x!tpu.dma_semaphore, #tpu.memory_space<semaphore_mem>> -> memref<!tpu.dma_semaphore, #tpu.memory_space<semaphore_mem>>
        %dma_start3A_501 = arith.constant 0 : i32
        %dma_start3A_502 = tpu.memref_slice %arg8[%add3A_494, %dma_start3A_501] : memref<640000x56xf32, #tpu.memory_space<hbm>> -> memref<80x56xf32, #tpu.memory_space<hbm>>
        tpu.enqueue_dma source(%arg35 : memref<80x56xf32, #tpu.memory_space<vmem>>) target(%dma_start3A_502 : memref<80x56xf32, #tpu.memory_space<hbm>>) target_semaphore(%dma_start3A_500 : memref<!tpu.dma_semaphore, #tpu.memory_space<semaphore_mem>>)
      }
      %scan3A_146 = arith.constant 50 : i32
      %add3A_147 = arith.constant 19600 : i32
      %add3A_148 = arith.addi %mul3A_2, %add3A_147 : i32
      %dma_wait3A = arith.constant 0 : i32
      %dma_wait3A_149 = arith.constant 4 : i32
      %dma_wait3A_150 = arith.constant 0 : i32
      %dma_wait3A_151 = tpu.memref_slice %arg8[%add3A_148, %dma_wait3A_150] : memref<640000x56xf32, #tpu.memory_space<hbm>> -> memref<80x56xf32, #tpu.memory_space<hbm>>
      %dma_wait3A_152 = tpu.memref_slice %run_scoped3A[%dma_wait3A, %dma_wait3A_149] : memref<5x5x!tpu.dma_semaphore, #tpu.memory_space<semaphore_mem>> -> memref<1x1x!tpu.dma_semaphore, #tpu.memory_space<semaphore_mem>>
      %dma_wait3A_153 = tpu.memref_squeeze %dma_wait3A_152 : memref<1x1x!tpu.dma_semaphore, #tpu.memory_space<semaphore_mem>> -> memref<!tpu.dma_semaphore, #tpu.memory_space<semaphore_mem>>
      %dma_wait3A_154 = arith.constant 0 : i32
      %dma_wait3A_155 = tpu.memref_slice %arg8[%add3A_148, %dma_wait3A_154] : memref<640000x56xf32, #tpu.memory_space<hbm>> -> memref<80x56xf32, #tpu.memory_space<hbm>>
      tpu.wait_dma2 semaphore(%dma_wait3A_153 : memref<!tpu.dma_semaphore, #tpu.memory_space<semaphore_mem>>) src(%arg15 : memref<80x56xf32, #tpu.memory_space<vmem>>) dst(%dma_wait3A_155 : memref<80x56xf32, #tpu.memory_space<hbm>>)
      %add3A_156 = arith.constant 19680 : i32
      %add3A_157 = arith.addi %mul3A_2, %add3A_156 : i32
      %dma_wait3A_158 = arith.constant 1 : i32
      %dma_wait3A_159 = arith.constant 4 : i32
      %dma_wait3A_160 = arith.constant 0 : i32
      %dma_wait3A_161 = tpu.memref_slice %arg8[%add3A_157, %dma_wait3A_160] : memref<640000x56xf32, #tpu.memory_space<hbm>> -> memref<80x56xf32, #tpu.memory_space<hbm>>
      %dma_wait3A_162 = tpu.memref_slice %run_scoped3A[%dma_wait3A_158, %dma_wait3A_159] : memref<5x5x!tpu.dma_semaphore, #tpu.memory_space<semaphore_mem>> -> memref<1x1x!tpu.dma_semaphore, #tpu.memory_space<semaphore_mem>>
      %dma_wait3A_163 = tpu.memref_squeeze %dma_wait3A_162 : memref<1x1x!tpu.dma_semaphore, #tpu.memory_space<semaphore_mem>> -> memref<!tpu.dma_semaphore, #tpu.memory_space<semaphore_mem>>
      %dma_wait3A_164 = arith.constant 0 : i32
      %dma_wait3A_165 = tpu.memref_slice %arg8[%add3A_157, %dma_wait3A_164] : memref<640000x56xf32, #tpu.memory_space<hbm>> -> memref<80x56xf32, #tpu.memory_space<hbm>>
      tpu.wait_dma2 semaphore(%dma_wait3A_163 : memref<!tpu.dma_semaphore, #tpu.memory_space<semaphore_mem>>) src(%arg20 : memref<80x56xf32, #tpu.memory_space<vmem>>) dst(%dma_wait3A_165 : memref<80x56xf32, #tpu.memory_space<hbm>>)
      %add3A_166 = arith.constant 19760 : i32
      %add3A_167 = arith.addi %mul3A_2, %add3A_166 : i32
      %dma_wait3A_168 = arith.constant 2 : i32
      %dma_wait3A_169 = arith.constant 4 : i32
      %dma_wait3A_170 = arith.constant 0 : i32
      %dma_wait3A_171 = tpu.memref_slice %arg8[%add3A_167, %dma_wait3A_170] : memref<640000x56xf32, #tpu.memory_space<hbm>> -> memref<80x56xf32, #tpu.memory_space<hbm>>
      %dma_wait3A_172 = tpu.memref_slice %run_scoped3A[%dma_wait3A_168, %dma_wait3A_169] : memref<5x5x!tpu.dma_semaphore, #tpu.memory_space<semaphore_mem>> -> memref<1x1x!tpu.dma_semaphore, #tpu.memory_space<semaphore_mem>>
      %dma_wait3A_173 = tpu.memref_squeeze %dma_wait3A_172 : memref<1x1x!tpu.dma_semaphore, #tpu.memory_space<semaphore_mem>> -> memref<!tpu.dma_semaphore, #tpu.memory_space<semaphore_mem>>
      %dma_wait3A_174 = arith.constant 0 : i32
      %dma_wait3A_175 = tpu.memref_slice %arg8[%add3A_167, %dma_wait3A_174] : memref<640000x56xf32, #tpu.memory_space<hbm>> -> memref<80x56xf32, #tpu.memory_space<hbm>>
      tpu.wait_dma2 semaphore(%dma_wait3A_173 : memref<!tpu.dma_semaphore, #tpu.memory_space<semaphore_mem>>) src(%arg25 : memref<80x56xf32, #tpu.memory_space<vmem>>) dst(%dma_wait3A_175 : memref<80x56xf32, #tpu.memory_space<hbm>>)
      %add3A_176 = arith.constant 19840 : i32
      %add3A_177 = arith.addi %mul3A_2, %add3A_176 : i32
      %dma_wait3A_178 = arith.constant 3 : i32
      %dma_wait3A_179 = arith.constant 4 : i32
      %dma_wait3A_180 = arith.constant 0 : i32
      %dma_wait3A_181 = tpu.memref_slice %arg8[%add3A_177, %dma_wait3A_180] : memref<640000x56xf32, #tpu.memory_space<hbm>> -> memref<80x56xf32, #tpu.memory_space<hbm>>
      %dma_wait3A_182 = tpu.memref_slice %run_scoped3A[%dma_wait3A_178, %dma_wait3A_179] : memref<5x5x!tpu.dma_semaphore, #tpu.memory_space<semaphore_mem>> -> memref<1x1x!tpu.dma_semaphore, #tpu.memory_space<semaphore_mem>>
      %dma_wait3A_183 = tpu.memref_squeeze %dma_wait3A_182 : memref<1x1x!tpu.dma_semaphore, #tpu.memory_space<semaphore_mem>> -> memref<!tpu.dma_semaphore, #tpu.memory_space<semaphore_mem>>
      %dma_wait3A_184 = arith.constant 0 : i32
      %dma_wait3A_185 = tpu.memref_slice %arg8[%add3A_177, %dma_wait3A_184] : memref<640000x56xf32, #tpu.memory_space<hbm>> -> memref<80x56xf32, #tpu.memory_space<hbm>>
      tpu.wait_dma2 semaphore(%dma_wait3A_183 : memref<!tpu.dma_semaphore, #tpu.memory_space<semaphore_mem>>) src(%arg30 : memref<80x56xf32, #tpu.memory_space<vmem>>) dst(%dma_wait3A_185 : memref<80x56xf32, #tpu.memory_space<hbm>>)
      %add3A_186 = arith.constant 19920 : i32
      %add3A_187 = arith.addi %mul3A_2, %add3A_186 : i32
      %dma_wait3A_188 = arith.constant 4 : i32
      %dma_wait3A_189 = arith.constant 4 : i32
      %dma_wait3A_190 = arith.constant 0 : i32
      %dma_wait3A_191 = tpu.memref_slice %arg8[%add3A_187, %dma_wait3A_190] : memref<640000x56xf32, #tpu.memory_space<hbm>> -> memref<80x56xf32, #tpu.memory_space<hbm>>
      %dma_wait3A_192 = tpu.memref_slice %run_scoped3A[%dma_wait3A_188, %dma_wait3A_189] : memref<5x5x!tpu.dma_semaphore, #tpu.memory_space<semaphore_mem>> -> memref<1x1x!tpu.dma_semaphore, #tpu.memory_space<semaphore_mem>>
      %dma_wait3A_193 = tpu.memref_squeeze %dma_wait3A_192 : memref<1x1x!tpu.dma_semaphore, #tpu.memory_space<semaphore_mem>> -> memref<!tpu.dma_semaphore, #tpu.memory_space<semaphore_mem>>
      %dma_wait3A_194 = arith.constant 0 : i32
      %dma_wait3A_195 = tpu.memref_slice %arg8[%add3A_187, %dma_wait3A_194] : memref<640000x56xf32, #tpu.memory_space<hbm>> -> memref<80x56xf32, #tpu.memory_space<hbm>>
      tpu.wait_dma2 semaphore(%dma_wait3A_193 : memref<!tpu.dma_semaphore, #tpu.memory_space<semaphore_mem>>) src(%arg35 : memref<80x56xf32, #tpu.memory_space<vmem>>) dst(%dma_wait3A_195 : memref<80x56xf32, #tpu.memory_space<hbm>>)
      tpu.yield
    }) : () -> ()
    return
  }
}

</mosaic_0001>

<sc_bundles>
// kernel: kernel.3.cloned.1.call-start
scs
__scs_entry_jumppad:
0x0: {  	(pc) =	sbr.rel $0x88, $3  }
0x1: {  	(tag) =	ssettag $0x0;
	lr =	simm.s32 $0x1  }
0x2: {  	[smem:$0x3F9B] =	sst lr;
	_ =	strace $0xD0000000  }
0x3: {  	_ = 	snop  }
0x4: {  	_ = 	snop  }
0x5: {  	_ = 	snop  }
0x6: {  	_ = 	snop  }
0x7: {  	_ = 	snop  }
__scs_overlays_trampoline_lowered:
0x8: {  	[smem:$0x3FAA] =	sst s0  }
0x9: {  	[smem:$0x3FAB] =	sst s1  }
0xa: {  	[smem:$0x3FAC] =	sst s2  }
0xb: {  	[smem:$0x3FAD] =	sst s3  }
0xc: {  	[smem:$0x3FAE] =	sst s4  }
0xd: {  	[smem:$0x3FAF] =	sst s5  }
0xe: {  	[smem:$0x3FB0] =	sst s6  }
0xf: {  	[smem:$0x3FB1] =	sst s7  }
0x10: {  	[smem:$0x3FB2] =	sst s8  }
0x11: {  	[smem:$0x3FB3] =	sst s9;
	s0 =	simm.s32 @!p0 $0x0  }
0x12: {  	s1 =	sld [smem:$0x3F99];
	s0 =	simm.s32 @p0 $0x1  }
0x13: {  	[smem:$0x3FB4] =	sst s0;
	s0 =	simm.s32 @!p1 $0x0  }
0x14: {  	s2 =	sld [smem:$0x3F98];
	s0 =	simm.s32 @p1 $0x1  }
0x15: {  	[smem:$0x3FB5] =	sst s0;
	s0 =	simm.s32 @!p2 $0x0  }
0x16: {  	s3 =	sld [smem:$0x3FDB];
	s0 =	simm.s32 @p2 $0x1  }
0x17: {  	s4 =	simm.s32 $0x1BF5;
	[smem:$0x3FB7] =	sst s0  }
0x18: {  	s0 =	sld [smem:$0x3F9A];
	_ =	swait.ge [sflag:s4], $0x0  }
0x19: {  	s7 =	sld [smem:$0x3F9B]  }
0x1a: {  	s8 =	sadd.s32 $0xFFFFE003, lr  }
0x1b: {  	s9 =	sadd.s32 $0xFFFFFEF7, lr;
	s5 =	simm.s32 $0xFFFFFFFF;
	p2 =	slt.u32 s8, $0xFFFFF086  }
0x1c: {  	p1 =	slt.u32 s9, $0xF7A;
	s5 =	simm.s32 @!p2 $0x0  }
0x1d: {  	s5 =	simm.s32 @p1 $0x1;
	p0 =	seq.s32 s7, s2  }
0x1e: {  	s7 =	smul.u32 @!p0 $0xF7A, s2;
	p2 =	seq.s32 @!p0 s5, $0x0  }
0x1f: {  	s9 =	smul.u32 $0xF7A, s1;
	s8 =	simm.s32 @!p0 $0x1BF5;
	p2 =	por !p2, p0  }
0x20: {  	[sflag:s8] =	ssyncset.s32 @!p0 $0xFFFFF086;
	s6 =	sadd.s32 @!p0 s3, s7;
	s7 =	simm.s32 @!p0 $0x108  }
0x21: {  	s3 =	sadd.s32 s3, s9;
	s6 =	sadd.s32 @!p0 $0x88, s6;
	s7 =	simm.s32 @p2 $0x1082  }
0x22: {  	[simem:s7], [sflag:s8] =	dma.local @!p0 [hbm:s6], $0xF7A  }
0x23: {  	s9 =	sor.u32 $0xD0000000, s2;
	s6 =	simm.s32 $0x108;
	_ =	swait.ge @!p0 [sflag:s8], $0x0  }
0x24: {  	s3 =	sadd.s32 $0x88, s3;
	s6 =	simm.s32 @!p1 $0x1082;
	[sflag:s4] =	ssyncset.s32 $0xFFFFF086  }
0x25: {  	[simem:s6], [sflag:s4] =	dma.local [hbm:s3], $0xF7A  }
0x26: {  	[smem:$0x3F9B] =	sst s1;
	(tag) =	ssettag s2;
	_ =	strace s9  }
0x27: {  	s1 =	sld [smem:$0x3FAB]  }
0x28: {  	s2 =	sld [smem:$0x3FAC]  }
0x29: {  	s4 =	sld [smem:$0x3FAE]  }
0x2a: {  	p0 =	seq.s32 s5, $0x0;
	s5 =	sld [smem:$0x3FAF]  }
0x2b: {  	s6 =	sld [smem:$0x3FB0]  }
0x2c: {  	s7 =	sld [smem:$0x3FB1]  }
0x2d: {  	s3 =	simm.s32 $0x108;
	s8 =	sld [smem:$0x3FB2]  }
0x2e: {  	s3 =	simm.s32 @!p0 $0x1082;
	s9 =	sld [smem:$0x3FB3]  }
0x2f: {  	lr =	sadd.s32 s0, s3;
	s0 =	sld [smem:$0x3FAA]  }
0x30: {  	s3 =	sld [smem:$0x3FAD]  }
0x31: {  	[smem:$0x3FB6] =	sst s10  }
0x32: {  	s10 =	sld [smem:$0x3FB4];
	_ =	sdelay $0x3  }
0x33: {  	p0 =	seq.s32 s10, $0x1;
	s10 =	sld [smem:$0x3FB6];
	_ =	sdelay $0x3  }
0x34: {  	[smem:$0x3FB6] =	sst s10  }
0x35: {  	s10 =	sld [smem:$0x3FB5];
	_ =	sdelay $0x3  }
0x36: {  	p1 =	seq.s32 s10, $0x1;
	s10 =	sld [smem:$0x3FB6];
	_ =	sdelay $0x3  }
0x37: {  	[smem:$0x3FB6] =	sst s10  }
0x38: {  	s10 =	sld [smem:$0x3FB7]  }
0x39: {  	_ = 	snop;
	(pc) =	sbr.ind lr, $3  }
0x3a: {  	_ = 	snop  }
0x3b: {  	_ = 	snop  }
0x3c: {  	p2 =	seq.s32 s10, $0x1;
	s10 =	sld [smem:$0x3FB6]  }
0x3d: {  	_ =	shalt  }
0x3e: {  	_ =	shalt  }
0x3f: {  	_ =	shalt  }
0x40: {  	_ =	shalt  }
0x41: {  	_ =	shalt  }
0x42: {  	_ =	shalt  }
0x43: {  	_ =	shalt  }
0x44: {  	_ =	shalt  }
0x45: {  	_ =	shalt  }
0x46: {  	_ =	shalt  }
0x47: {  	_ =	shalt  }
0x48: {  	_ =	shalt  }
0x49: {  	_ =	shalt  }
0x4a: {  	_ =	shalt  }
0x4b: {  	_ =	shalt  }
0x4c: {  	_ =	shalt  }
0x4d: {  	_ =	shalt  }
0x4e: {  	_ =	shalt  }
0x4f: {  	_ =	shalt  }
0x50: {  	_ =	shalt  }
0x51: {  	_ =	shalt  }
0x52: {  	_ =	shalt  }
0x53: {  	_ =	shalt  }
0x54: {  	_ =	shalt  }
0x55: {  	_ =	shalt  }
0x56: {  	_ =	shalt  }
0x57: {  	_ =	shalt  }
0x58: {  	_ =	shalt  }
0x59: {  	_ =	shalt  }
0x5a: {  	_ =	shalt  }
0x5b: {  	_ =	shalt  }
0x5c: {  	_ =	shalt  }
0x5d: {  	_ =	shalt  }
0x5e: {  	_ =	shalt  }
0x5f: {  	_ =	shalt  }
0x60: {  	_ =	shalt  }
0x61: {  	_ =	shalt  }
0x62: {  	_ =	shalt  }
0x63: {  	_ =	shalt  }
0x64: {  	_ =	shalt  }
0x65: {  	_ =	shalt  }
0x66: {  	_ =	shalt  }
0x67: {  	_ =	shalt  }
0x68: {  	_ =	shalt  }
0x69: {  	_ =	shalt  }
0x6a: {  	_ =	shalt  }
0x6b: {  	_ =	shalt  }
0x6c: {  	_ =	shalt  }
0x6d: {  	_ =	shalt  }
0x6e: {  	_ =	shalt  }
0x6f: {  	_ =	shalt  }
0x70: {  	_ =	shalt  }
0x71: {  	_ =	shalt  }
0x72: {  	_ =	shalt  }
0x73: {  	_ =	shalt  }
0x74: {  	_ =	shalt  }
0x75: {  	_ =	shalt  }
0x76: {  	_ =	shalt  }
0x77: {  	_ =	shalt  }
0x78: {  	_ =	shalt  }
0x79: {  	_ =	shalt  }
0x7a: {  	_ =	shalt  }
0x7b: {  	_ =	shalt  }
0x7c: {  	_ =	shalt  }
0x7d: {  	_ =	shalt  }
0x7e: {  	_ =	shalt  }
0x7f: {  	_ =	shalt  }
0x80: {  	_ =	shalt  }
0x81: {  	_ =	shalt  }
0x82: {  	_ =	shalt  }
0x83: {  	_ =	shalt  }
0x84: {  	_ =	shalt  }
0x85: {  	_ =	shalt  }
0x86: {  	_ =	shalt  }
0x87: {  	_ =	shalt  }
.Lfunc_end0:
.L_simem_size_0:
called_computation_lowered:
.L_overlay_start_0:
0x88: {  	s2 =	sld [smem:$0x3FD9]  }
0x89: {  	s3 =	sld [smem:$0x3FFE];
	_ =	sdelay $0x1  }
0x8a: {  	s1 =	srdreg.scid  }
0x8b: {  	s0 =	sand.u32 $0x1, s1  }
0x8c: {  	s17 =	sshll.u32 s0, $0xA;
	s2 =	sadd.s32 s3, s2  }
0x8d: {  	s2 =	sadd.s32 s2, s17  }
0x8e: {  	[smem:$0x3FC2] =	sst s2  }
0x8f: {  	_ = 	snop  }
0x90: {  	s2 =	sld [smem:$0x3FC9]  }
0x91: {  	s18 =	sld [smem:$0x3FC8]  }
0x92: {  	s4 =	sld [smem:$0x3FC7]  }
0x93: {  	s5 =	sld [smem:$0x3FD0];
	(tm) =	ssettm $0x1  }
0x94: {  	s6 =	sld [smem:$0x3FFB];
	_ =	sdelay $0x3  }
0x95: {  	_ =	strace s6  }
0x96: {  	s6 =	sld [smem:$0x3FFC];
	_ =	sdelay $0x3  }
0x97: {  	_ =	strace s6  }
0x98: {  	s6 =	sld [smem:$0x3FFD];
	_ =	sdelay $0x3  }
0x99: {  	_ =	strace s6  }
0x9a: {  	_ =	strace $0x8FFFFFFF  }
0x9b: {  	s19 =	sld [smem:$0x3FDB];
	_ =	sdelay $0x1  }
0x9c: {  	s7 =	simm.s32 $_scs_section_size  }
0x9d: {  	s8 =	simm.s32 $_size__tile_overlayer_lowered;
	s9 =	simm.s32 $_tile_overlayer_lowered  }
0x9e: {  	s22 =	simm.s32 $0x1BFF;
	s21 =	sshll.u32 s9, $0x1;
	s6 =	sadd.s32 s7, s19  }
0x9f: {  	s10 =	simm.s32 $0x0;
	s20 =	sshll.u32 s8, $0x1;
	s8 =	sadd.s32 s21, s6  }
0xa0: {  	[timem:s10], [sflag:s22] =	dma.local [hbm:s8], s20  }
0xa1: {  	_ =	swait.ge [sflag:s22], s20  }
0xa2: {  	s7 =	ssub.s32 $0x0, s20;
	[sflag:s22] =	ssyncset.done $0x0  }
0xa3: {  	[sflag:s22] =	ssyncadd.s32 s7;
	_ =	sdelay $0x1  }
0xa4: {  	s23 =	simm.s32 $0x1B8B  }
0xa5: {  	_ =	swait.ge [sflag:s23], $0x1  }
0xa6: {  	[sflag:s23] =	ssyncset.done $0x0  }
0xa7: {  	s25 =	simm.s32 $0x1B8E;
	s24 =	sld [smem:$0x3FFE];
	[sflag:s23] =	ssyncadd.s32 $0xFFFFFFFF  }
0xa8: {  	s26 =	simm.s32 $execute0_lowered;
	[smem:$0x3FD2] =	sst s25  }
0xa9: {  	s8 =	sshll.u32 s26, $0x1;
	_ =	strace $0x80000046;
	[dreg:$0x1] =	wrdreg $0xFFFFFFFF  }
0xaa: {  	s28 =	simm.s32 $_size_execute0_lowered;
	s6 =	sadd.s32 s6, s8;
	[dreg:$0x0] =	wrdreg $0x0  }
0xab: {  	s8 =	sshll.u32 s28, $0x1;
	[dreg:$0x2] =	wrdreg s6  }
0xac: {  	[dreg:$0x3] =	wrdreg s8  }
0xad: {  	[dreg:$0x4] =	wrdreg $0xC0  }
0xae: {  	_ =	task [dreg:s10], $0x5FFFF  }
0xaf: {  	[dreg:$0x1] =	wrdreg $0xFFFFFFFF  }
0xb0: {  	[dreg:$0x0] =	wrdreg $0x60  }
0xb1: {  	[dreg:$0x2] =	wrdreg s2  }
0xb2: {  	[dreg:$0x3] =	wrdreg s18  }
0xb3: {  	[dreg:$0x4] =	wrdreg s4  }
0xb4: {  	[dreg:$0x5] =	wrdreg s24  }
0xb5: {  	[dreg:$0x6] =	wrdreg s5  }
0xb6: {  	[dreg:$0x7] =	wrdreg $0x9  }
0xb7: {  	_ =	task.clear_ibuf [dreg:s10], $0x8FFFF;
	_ =	strace $0x90000046  }
0xb8: {  	s29 =	simm.s32 $0x9;
	_ =	strace $0x80000048  }
0xb9: {  	_ =	swait.ge [sflag:s29], $0x1  }
0xba: {  	[sflag:s29] =	ssyncadd.s32 $0xFFFFFFFF  }
0xbb: {  	_ =	strace $0x90000048  }
0xbc: {  	_ =	sfence  }
0xbd: {  	s30 =	sld [smem:$0x0];
	_ =	sdelay $0x2  }
0xbe: {  	s31 =	sshll.u32 s1, $0xD;
	s1 =	sshrl.u32 s1, $0x2  }
0xbf: {  	s3 =	sand.u32 $0x4000, s31;
	s1 =	sadd.s32 s1, s30  }
0xc0: {  	s0 =	sor.u32 s3, s0;
	s1 =	sshll.u32 s1, $0x11  }
0xc1: {  	s0 =	sor.u32 s1, s0  }
0xc2: {  	s0 =	sadd.s32 $0x8F2B, s0  }
0xc3: {  	[sflag:s0] =	ssyncadd.remote.s32 $0x1  }
0xc4: {  	_ =	sfence.sel $0xFFFF  }
0xc5: {  	[dreg:$0x0] =	wrdreg $0xFFFFFFFF;
	(pc) =	sbr.abs _section_cstart, $3  }
0xc6: {  	[dreg:$0x1] =	wrdreg $0xFFFFFFFF  }
0xc7: {  	_ =	task.clear_ibuf [dreg:s10], $0x2FFFF;
	_ =	strace $0x9FFFFFFF  }
0xc8: {  	(tm) =	ssettm $0x7FFFFFFF  }
0xc9: {  	_ =	shalt  }
tec
execute0_lowered:
.L_overlay_start_1:
0x0: {  	(tag) =	ssettag $0x1  }
0x1: {  	s1 =	rddreg [dreg:$0x0]  }
0x2: {  	s4 =	srdreg.scid;
	s5 =	stileid.u32  }
0x3: {  	s2 =	rddreg [dreg:$0x1];
	s4 =	sand.u32 $0x1, s4;
	s5 =	sshll.u32 s5, $0x1  }
0x4: {  	s3 =	rddreg [dreg:$0x2];
	s8 =	ssub.s32 $0x2, s4;
	s4 =	sor.u32 s4, s5  }
0x5: {  	s0 =	rddreg [dreg:$0x3];
	s6 =	simm.s32 $0x0;
	s9 =	smul.u32 $0x4E20, s4  }
0x6: {  	[smem:$0x7FF] =	sst s6;
	s10 =	sadd.s32 $0x400, s0;
	s4 =	smul.u32 $0x4E200, s4  }
0x7: {  	s7 =	sadd.s32 $0x600, s0;
	_ =	strace $0x80000047;
	[dreg:$0x7] =	wrdreg s10  }
0x8: {  	s4 =	sadd.s32 s7, s4;
	[dreg:$0x6] =	wrdreg s9  }
0x9: {  	s11 =	sadd.s32 $0x50, s9;
	[dreg:$0xc] =	wrdreg s4  }
0xa: {  	s10 =	sadd.s32 $0x9C4600, s0;
	s22 =	sadd.s32 $0xA0, s9;
	[dreg:$0x8] =	wrdreg s11  }
0xb: {  	s14 =	sshrl.u32 s8, $0x1;
	s26 =	sadd.s32 $0xF0, s9;
	[dreg:$0xf] =	wrdreg s22  }
0xc: {  	s0 =	ssub.s32 s8, s14;
	s14 =	sadd.s32 $0x140, s9;
	[dreg:$0x14] =	wrdreg s26  }
0xd: {  	s15 =	sshrl.u32 s9, $0x3;
	s0 =	smax.u32 s0, $0x1;
	[dreg:$0x18] =	wrdreg s14  }
0xe: {  	s16 =	sadd.s32 s1, s15;
	s17 =	sadd.s32 s2, s15;
	[smem:$0x7F8] =	sst s0  }
0xf: {  	s18 =	sshrl.u32 s11, $0x3;
	s5 =	sadd.s32 s3, s15;
	[dreg:$0x9] =	wrdreg s16  }
0x10: {  	s21 =	sshll.u32 s11, $0x4;
	s23 =	sshrl.u32 s22, $0x3;
	[dreg:$0xa] =	wrdreg s17  }
0x11: {  	s11 =	sshll.u32 s22, $0x4;
	s22 =	sadd.s32 $0x190, s9;
	[dreg:$0xb] =	wrdreg s5  }
0x12: {  	s19 =	sadd.s32 s1, s18;
	[smem:$0x7F9] =	sst s22  }
0x13: {  	s20 =	sadd.s32 s2, s18;
	[dreg:$0xd] =	wrdreg s19  }
0x14: {  	s8 =	sadd.s32 s3, s18;
	[dreg:$0xe] =	wrdreg s20  }
0x15: {  	s29 =	simm.s32 $0x7;
	s4 =	sadd.s32 s7, s21;
	[dreg:$0x10] =	wrdreg s8  }
0x16: {  	s30 =	simm.s32 $0x8;
	s24 =	sadd.s32 s1, s23;
	[dreg:$0x11] =	wrdreg s4  }
0x17: {  	s12 =	sshrl.u32 s26, $0x3;
	s25 =	sadd.s32 s2, s23;
	[dreg:$0x12] =	wrdreg s24  }
0x18: {  	s31 =	simm.s32 $0x9;
	s13 =	sadd.s32 s1, s12;
	[dreg:$0x13] =	wrdreg s25  }
0x19: {  	s28 =	simm.s32 $0x18;
	s15 =	sadd.s32 s2, s12;
	[dreg:$0x17] =	wrdreg s13  }
0x1a: {  	s0 =	simm.s32 $0x11;
	s5 =	sadd.s32 s3, s12;
	[dreg:$0x19] =	wrdreg s15  }
0x1b: {  	s16 =	sshll.u32 s26, $0x4;
	s26 =	sadd.s32 $0x2D0, s9;
	[dreg:$0x1a] =	wrdreg s5  }
0x1c: {  	s17 =	sshrl.u32 s14, $0x3;
	s4 =	sadd.s32 s3, s23;
	[smem:$0x7FD] =	sst s26  }
0x1d: {  	s21 =	sshll.u32 s14, $0x4;
	s18 =	sadd.s32 s1, s17;
	[dreg:$0x15] =	wrdreg s4  }
0x1e: {  	s12 =	simm.s32 $0xE;
	s19 =	sadd.s32 s2, s17;
	[dreg:$0x1c] =	wrdreg s18  }
0x1f: {  	s20 =	sadd.s32 s3, s17;
	s23 =	sadd.s32 $0x1E0, s9;
	[dreg:$0x1d] =	wrdreg s19  }
0x20: {  	s24 =	sadd.s32 $0x230, s9;
	s25 =	sadd.s32 $0x280, s9;
	[dreg:$0x1e] =	wrdreg s20  }
0x21: {  	s26 =	simm.s32 $0x6;
	s5 =	simm.s32 $0xC;
	[smem:$0x7FA] =	sst s23  }
0x22: {  	s9 =	simm.s32 $0xD;
	s8 =	simm.s32 $0x15;
	[smem:$0x7FB] =	sst s24  }
0x23: {  	s15 =	simm.s32 $0x0;
	s4 =	sadd.s32 s7, s11;
	[smem:$0x7FC] =	sst s25  }
0x24: {  	s24 =	simm.s32 $0x4;
	s25 =	simm.s32 $0x10;
	s19 =	simm.s32 $0x12  }
0x25: {  	s11 =	simm.s32 $0x13;
	[dreg:$0x16] =	wrdreg s4;
	s4 =	sadd.s32 s7, s16  }
0x26: {  	s18 =	simm.s32 $0x16;
	[dreg:$0x1b] =	wrdreg s4;
	s4 =	sadd.s32 s7, s21  }
0x27: {  	s23 =	simm.s32 $0x17;
	[dreg:$0x1f] =	wrdreg s4;
	s4 =	simm.s32 $0xB  }
.LBB2_1:
0x28: {  	[smem:$0x7F7] =	sst s15  }
0x29: {  	s13 =	rddreg [dreg:$0x4];
	s14 =	simm.s32 $0x1A  }
0x2a: {  	[tilespmem:s6], [sflag:$0x1A] =	stream.linear.gather [hbm4b:s13+s6], $0xC80, $0x38;
	[tilespmem:$0x1A600] =	vst v63  }
0x2b: {  	_ =	swait.ge [sflag:s14], $0xC80  }
0x2c: {  	[sflag:s14] =	ssyncset.done $0x0  }
0x2d: {  	s16 =	simm.s32 $0xC80;
	s15 =	rddreg [dreg:$0x7];
	[sflag:s14] =	ssyncadd.s32 $0xFFFFF380  }
0x2e: {  	[tilespmem:s16], [sflag:$0x1A] =	stream.linear.gather [hbm4b:s15+s6], $0x200, $0x38;
	[tilespmem:$0x1A600] =	vst v63  }
0x2f: {  	_ =	swait.ge [sflag:s14], $0x200  }
0x30: {  	[sflag:s14] =	ssyncset.done $0x0  }
0x31: {  	s20 =	simm.s32 $0xE80;
	s17 =	rddreg [dreg:$0x9];
	[sflag:s14] =	ssyncadd.s32 $0xFFFFFE00  }
0x32: {  	[tilespmem:s20], [sflag:$0x1] =	stream.linear.gather [hbm4b:s17+s6], $0x50, $0x38;
	[tilespmem:$0x1A600] =	vst v63  }
0x33: {  	s22 =	simm.s32 $0xF00;
	s21 =	rddreg [dreg:$0xa]  }
0x34: {  	[tilespmem:s22], [sflag:$0x2] =	stream.linear.gather [hbm4b:s21+s6], $0x50, $0x38;
	[tilespmem:$0x1A600] =	vst v63  }
0x35: {  	s16 =	simm.s32 $0xF80;
	s15 =	rddreg [dreg:$0xb]  }
0x36: {  	[tilespmem:s16], [sflag:$0x3] =	stream.linear.gather [hbm4b:s15+s6], $0x50, $0x38;
	[tilespmem:$0x1A600] =	vst v63  }
0x37: {  	s17 =	rddreg [dreg:$0xc];
	s20 =	simm.s32 $0x1000  }
0x38: {  	[tilespmem:s20], [sflag:$0x4] =	stream.linear.gather [hbm4b:s17+s6], $0x2800, $0x38;
	[tilespmem:$0x1A600] =	vst v63  }
0x39: {  	s21 =	rddreg [dreg:$0xd];
	s22 =	simm.s32 $0x6000  }
0x3a: {  	[tilespmem:s22], [sflag:$0x6] =	stream.linear.gather [hbm4b:s21+s6], $0x50, $0x38;
	[tilespmem:$0x1A600] =	vst v63  }
0x3b: {  	s15 =	rddreg [dreg:$0xe];
	s16 =	simm.s32 $0x6080  }
0x3c: {  	[tilespmem:s16], [sflag:$0x7] =	stream.linear.gather [hbm4b:s15+s6], $0x50, $0x38;
	[tilespmem:$0x1A600] =	vst v63  }
0x3d: {  	s17 =	rddreg [dreg:$0x10];
	s20 =	simm.s32 $0x6100  }
0x3e: {  	[tilespmem:s20], [sflag:$0x8] =	stream.linear.gather [hbm4b:s17+s6], $0x50, $0x38;
	[tilespmem:$0x1A600] =	vst v63  }
0x3f: {  	s21 =	rddreg [dreg:$0x11];
	s22 =	simm.s32 $0x6180  }
0x40: {  	[tilespmem:s22], [sflag:$0x9] =	stream.linear.gather [hbm4b:s21+s6], $0x2800, $0x38;
	[tilespmem:$0x1A600] =	vst v63  }
0x41: {  	s15 =	rddreg [dreg:$0x12];
	s16 =	simm.s32 $0xB180  }
0x42: {  	[tilespmem:s16], [sflag:$0xB] =	stream.linear.gather [hbm4b:s15+s6], $0x50, $0x38;
	[tilespmem:$0x1A600] =	vst v63  }
0x43: {  	s17 =	rddreg [dreg:$0x13];
	s20 =	simm.s32 $0xB200  }
0x44: {  	[tilespmem:s20], [sflag:$0xC] =	stream.linear.gather [hbm4b:s17+s6], $0x50, $0x38;
	[tilespmem:$0x1A600] =	vst v63  }
0x45: {  	s21 =	rddreg [dreg:$0x15];
	s22 =	simm.s32 $0xB280  }
0x46: {  	[tilespmem:s22], [sflag:$0xD] =	stream.linear.gather [hbm4b:s21+s6], $0x50, $0x38;
	[tilespmem:$0x1A600] =	vst v63  }
0x47: {  	s15 =	rddreg [dreg:$0x16];
	s16 =	simm.s32 $0xB300  }
0x48: {  	[tilespmem:s16], [sflag:$0xE] =	stream.linear.gather [hbm4b:s15+s6], $0x2800, $0x38;
	[tilespmem:$0x1A600] =	vst v63  }
0x49: {  	s17 =	rddreg [dreg:$0x17];
	s20 =	simm.s32 $0x10300  }
0x4a: {  	[tilespmem:s20], [sflag:$0x10] =	stream.linear.gather [hbm4b:s17+s6], $0x50, $0x38;
	[tilespmem:$0x1A600] =	vst v63  }
0x4b: {  	s21 =	rddreg [dreg:$0x19];
	s22 =	simm.s32 $0x10380  }
0x4c: {  	[tilespmem:s22], [sflag:$0x11] =	stream.linear.gather [hbm4b:s21+s6], $0x50, $0x38;
	[tilespmem:$0x1A600] =	vst v63  }
0x4d: {  	s15 =	rddreg [dreg:$0x1a];
	s16 =	simm.s32 $0x10400  }
0x4e: {  	[tilespmem:s16], [sflag:$0x12] =	stream.linear.gather [hbm4b:s15+s6], $0x50, $0x38;
	[tilespmem:$0x1A600] =	vst v63  }
0x4f: {  	s17 =	rddreg [dreg:$0x1b];
	s20 =	simm.s32 $0x10480  }
0x50: {  	[tilespmem:s20], [sflag:$0x13] =	stream.linear.gather [hbm4b:s17+s6], $0x2800, $0x38;
	[tilespmem:$0x1A600] =	vst v63  }
0x51: {  	s21 =	rddreg [dreg:$0x1c];
	s22 =	simm.s32 $0x15480  }
0x52: {  	[tilespmem:s22], [sflag:$0x15] =	stream.linear.gather [hbm4b:s21+s6], $0x50, $0x38;
	[tilespmem:$0x1A600] =	vst v63  }
0x53: {  	s15 =	rddreg [dreg:$0x1d];
	s16 =	simm.s32 $0x15500  }
0x54: {  	[tilespmem:s16], [sflag:$0x16] =	stream.linear.gather [hbm4b:s15+s6], $0x50, $0x38;
	[tilespmem:$0x1A600] =	vst v63  }
0x55: {  	s17 =	rddreg [dreg:$0x1e];
	s20 =	simm.s32 $0x15580  }
0x56: {  	[tilespmem:s20], [sflag:$0x17] =	stream.linear.gather [hbm4b:s17+s6], $0x50, $0x38;
	[tilespmem:$0x1A600] =	vst v63  }
0x57: {  	s13 =	simm.s32 $0x0;
	s21 =	rddreg [dreg:$0x1f];
	s22 =	simm.s32 $0x15600  }
0x58: {  	[tilespmem:s22], [sflag:$0x18] =	stream.linear.gather [hbm4b:s21+s6], $0x2800, $0x38;
	[tilespmem:$0x1A600] =	vst v63  }
.LBB2_2:
0x59: {  	s14 =	simm.s32 $0x1  }
0x5a: {  	_ =	swait.ge [sflag:s14], $0x50  }
0x5b: {  	[sflag:s14] =	ssyncset.done $0x0  }
0x5c: {  	s21 =	simm.s32 $0x2;
	[sflag:s14] =	ssyncadd.s32 $0xFFFFFFB0  }
0x5d: {  	_ =	swait.ge [sflag:s21], $0x50  }
0x5e: {  	[sflag:s21] =	ssyncset.done $0x0  }
0x5f: {  	s22 =	simm.s32 $0x3;
	[sflag:s21] =	ssyncadd.s32 $0xFFFFFFB0  }
0x60: {  	_ =	swait.ge [sflag:s22], $0x50  }
0x61: {  	[sflag:s22] =	ssyncset.done $0x0  }
0x62: {  	[sflag:s22] =	ssyncadd.s32 $0xFFFFFFB0  }
0x63: {  	_ =	swait.ge [sflag:s24], $0x2800  }
0x64: {  	p1 =	seq.s32 s13, $0x0;
	[sflag:s24] =	ssyncset.done $0x0  }
0x65: {  	s16 =	simm.s32 @!p1 $0x5;
	[sflag:s24] =	ssyncadd.s32 $0xFFFFD800  }
0x66: {  	s17 =	simm.s32 $0x1400;
	s14 =	smul.u32 $0x190, s13;
	_ =	swait.ge @!p1 [sflag:s16], $0x2800  }
0x67: {  	s20 =	simm.s32 $0x3C00;
	[sflag:s16] =	ssyncset.done @!p1 $0x0;
	s15 =	rddreg [dreg:$0x6]  }
0x68: {  	s15 =	sadd.s32 s15, s14;
	[sflag:s16] =	ssyncadd.s32 @!p1 $0xFFFFD800;
	s16 =	simm.s32 $0x0  }
.LBB2_3:
0x69: {  	s21 =	sshra.s32 s16, $0x2  }
0x6a: {  	v0 =	vld [tilespmem:s21+$0xE80]  }
0x6b: {  	v2 =	vld [tilespmem:s21+$0xF00]  }
0x6c: {  	v3 =	vld [tilespmem:s21+$0xF80];
	_ =	sdelay $0x3  }
0x6d: {  	v1 =	vshll.u32 v0, $0x4  }
0x6e: {  	v58 =	vshll.u32 v2, $0x4;
	v59 =	vshll.u32 v3, $0x4;
	(v2sf) =	vpush v1, $0x0  }
0x6f: {  	v2 =	vadd.s32 $0xC80, v59;
	(v2sf) =	vpush v58, $0x0  }
0x70: {  	(v2sf) =	vpush v2, $0x1  }
0x71: {  	(v2sf) =	vpush v2, $0x0  }
0x72: {  	(v2sf) =	vpush v1, $0x1  }
0x73: {  	(v2sf) =	vpush v58, $0x1  }
0x74: {  	(v2sf) =	vpush v1, $0x2  }
0x75: {  	(v2sf) =	vpush v58, $0x2  }
0x76: {  	(v2sf) =	vpush v2, $0x3  }
0x77: {  	(v2sf) =	vpush v2, $0x2  }
0x78: {  	(v2sf) =	vpush v1, $0x3  }
0x79: {  	v6 =	vld [tilespmem:s17+$0xFFFFFC00];
	(v2sf) =	vpush v58, $0x3  }
0x7a: {  	v10 =	vld [tilespmem:s17+$0xFFFFFC80]  }
0x7b: {  	v14 =	vld [tilespmem:s17+$0xFFFFFD00]  }
0x7c: {  	v18 =	vld [tilespmem:s17+$0xFFFFFD80]  }
0x7d: {  	v22 =	vld [tilespmem:s17+$0xFFFFFE00];
	s21 =	spop (v2sf);
	(v2sf) =	vpush v1, $0x4  }
0x7e: {  	v26 =	vld [tilespmem:s17+$0xFFFFFE80];
	s22 =	spop (v2sf);
	(v2sf) =	vpush v58, $0x4  }
0x7f: {  	v60 =	vld [tilespmem:s21+$0x0];
	s21 =	spop (v2sf);
	(v2sf) =	vpush v2, $0x5  }
0x80: {  	v4 =	vld [tilespmem:s22+$0x0];
	s22 =	spop (v2sf);
	(v2sf) =	vpush v2, $0x4  }
0x81: {  	v5 =	vld [tilespmem:s22+$0x0];
	s22 =	spop (v2sf);
	(v2sf) =	vpush v1, $0x5  }
0x82: {  	v7 =	vld [tilespmem:s22+$0x0];
	s22 =	spop (v2sf);
	(v2sf) =	vpush v58, $0x5  }
0x83: {  	v9 =	vld [tilespmem:s21+$0x0];
	s21 =	spop (v2sf);
	(v2sf) =	vpush v1, $0x6  }
0x84: {  	v8 =	vld [tilespmem:s22+$0x0];
	s22 =	spop (v2sf);
	(v2sf) =	vpush v58, $0x6  }
0x85: {  	v11 =	vld [tilespmem:s21+$0x0];
	s21 =	spop (v2sf);
	(v2sf) =	vpush v2, $0x7  }
0x86: {  	v12 =	vld [tilespmem:s22+$0x0];
	s22 =	spop (v2sf);
	(v2sf) =	vpush v2, $0x6  }
0x87: {  	v13 =	vld [tilespmem:s22+$0x0];
	s22 =	spop (v2sf);
	(v2sf) =	vpush v1, $0x7  }
0x88: {  	v15 =	vld [tilespmem:s22+$0x0];
	s22 =	spop (v2sf);
	(v2sf) =	vpush v58, $0x7  }
0x89: {  	v30 =	vld [tilespmem:s17+$0xFFFFFF00]  }
0x8a: {  	v34 =	vld [tilespmem:s17+$0xFFFFFF80]  }
0x8b: {  	v17 =	vld [tilespmem:s21+$0x0]  }
0x8c: {  	v16 =	vld [tilespmem:s22+$0x0];
	s21 =	spop (v2sf)  }
0x8d: {  	s22 =	spop (v2sf);
	v19 =	vld [tilespmem:s21+$0x0]  }
0x8e: {  	s21 =	spop (v2sf);
	v20 =	vld [tilespmem:s22+$0x0]  }
0x8f: {  	s22 =	spop (v2sf);
	v25 =	vld [tilespmem:s21+$0x0]  }
0x90: {  	v21 =	vld [tilespmem:s22+$0x0];
	s22 =	spop (v2sf)  }
0x91: {  	v23 =	vld [tilespmem:s22+$0x0];
	s22 =	spop (v2sf)  }
0x92: {  	v24 =	vld [tilespmem:s22+$0x0];
	s21 =	spop (v2sf)  }
0x93: {  	s22 =	spop (v2sf);
	v27 =	vld [tilespmem:s21+$0x0]  }
0x94: {  	s21 =	spop (v2sf);
	v28 =	vld [tilespmem:s22+$0x0]  }
0x95: {  	s22 =	spop (v2sf);
	v33 =	vld [tilespmem:s21+$0x0]  }
0x96: {  	v29 =	vld [tilespmem:s22+$0x0];
	s22 =	spop (v2sf)  }
0x97: {  	v31 =	vld [tilespmem:s22+$0x0];
	s22 =	spop (v2sf)  }
0x98: {  	v32 =	vld [tilespmem:s22+$0x0];
	[tilespmem:s20+$0xFFFFFC00] =	vst v60  }
0x99: {  	[tilespmem:s20+$0xFFFFFC10] =	vst v4  }
0x9a: {  	[tilespmem:s20+$0xFFFFFC20] =	vst v5  }
0x9b: {  	[tilespmem:s20+$0xFFFFFC80] =	vst v7  }
0x9c: {  	[tilespmem:s20+$0xFFFFFC90] =	vst v8  }
0x9d: {  	[tilespmem:s20+$0xFFFFFCA0] =	vst v9  }
0x9e: {  	[tilespmem:s20+$0xFFFFFD00] =	vst v11  }
0x9f: {  	[tilespmem:s20+$0xFFFFFD10] =	vst v12  }
0xa0: {  	[tilespmem:s20+$0xFFFFFD20] =	vst v13  }
0xa1: {  	[tilespmem:s20+$0xFFFFFD80] =	vst v15  }
0xa2: {  	[tilespmem:s20+$0xFFFFFD90] =	vst v16  }
0xa3: {  	[tilespmem:s20+$0xFFFFFDA0] =	vst v17  }
0xa4: {  	[tilespmem:s20+$0xFFFFFE00] =	vst v19  }
0xa5: {  	[tilespmem:s20+$0xFFFFFE10] =	vst v20  }
0xa6: {  	[tilespmem:s20+$0xFFFFFE20] =	vst v21  }
0xa7: {  	[tilespmem:s20+$0xFFFFFE80] =	vst v23  }
0xa8: {  	(v2sf) =	vpush v1, $0x8;
	[tilespmem:s20+$0xFFFFFE90] =	vst v24  }
0xa9: {  	(v2sf) =	vpush v58, $0x8;
	[tilespmem:s20+$0xFFFFFEA0] =	vst v25  }
0xaa: {  	[tilespmem:s20+$0xFFFFFF00] =	vst v27  }
0xab: {  	[tilespmem:s20+$0xFFFFFC28] =	vst v6  }
0xac: {  	[tilespmem:s20+$0xFFFFFCA8] =	vst v10  }
0xad: {  	[tilespmem:s20+$0xFFFFFD28] =	vst v14  }
0xae: {  	(v2sf) =	vpush v2, $0x9;
	[tilespmem:s20+$0xFFFFFDA8] =	vst v18  }
0xaf: {  	(v2sf) =	vpush v2, $0x8;
	[tilespmem:s20+$0xFFFFFE28] =	vst v22  }
0xb0: {  	(v2sf) =	vpush v1, $0x9;
	[tilespmem:s20+$0xFFFFFEA8] =	vst v26  }
0xb1: {  	(v2sf) =	vpush v58, $0x9;
	[tilespmem:s20+$0xFFFFFF10] =	vst v28  }
0xb2: {  	(v2sf) =	vpush v1, $0xA;
	[tilespmem:s20+$0xFFFFFFA0] =	vst v33  }
0xb3: {  	(v2sf) =	vpush v58, $0xA;
	[tilespmem:s20+$0xFFFFFF20] =	vst v29  }
0xb4: {  	(v2sf) =	vpush v2, $0xB;
	[tilespmem:s20+$0xFFFFFFA8] =	vst v34  }
0xb5: {  	(v2sf) =	vpush v2, $0xA;
	[tilespmem:s20+$0xFFFFFF28] =	vst v30  }
0xb6: {  	(v2sf) =	vpush v1, $0xB;
	[tilespmem:s20+$0xFFFFFF80] =	vst v31  }
0xb7: {  	(v2sf) =	vpush v58, $0xB;
	s21 =	spop (v2sf);
	[tilespmem:s20+$0xFFFFFF90] =	vst v32  }
0xb8: {  	(v2sf) =	vpush v1, $0xC;
	s22 =	spop (v2sf);
	v3 =	vld [tilespmem:s21+$0x0]  }
0xb9: {  	v4 =	vld [tilespmem:s22+$0x0]  }
0xba: {  	v6 =	vld [tilespmem:s17+$0x0]  }
0xbb: {  	v10 =	vld [tilespmem:s17+$0x80]  }
0xbc: {  	v16 =	vld [tilespmem:s17+$0x100]  }
0xbd: {  	(v2sf) =	vpush v58, $0xC;
	s21 =	spop (v2sf);
	v18 =	vld [tilespmem:s17+$0x180]  }
0xbe: {  	(v2sf) =	vpush v2, $0xD;
	v20 =	vld [tilespmem:s17+$0x200];
	s22 =	spop (v2sf)  }
0xbf: {  	(v2sf) =	vpush v2, $0xC;
	v5 =	vld [tilespmem:s22+$0x0];
	s22 =	spop (v2sf)  }
0xc0: {  	(v2sf) =	vpush v1, $0xD;
	v7 =	vld [tilespmem:s22+$0x0];
	s22 =	spop (v2sf)  }
0xc1: {  	(v2sf) =	vpush v58, $0xD;
	v8 =	vld [tilespmem:s22+$0x0];
	s22 =	spop (v2sf)  }
0xc2: {  	v9 =	vld [tilespmem:s21+$0x0];
	(v2sf) =	vpush v1, $0xE;
	s21 =	spop (v2sf)  }
0xc3: {  	v11 =	vld [tilespmem:s22+$0x0];
	(v2sf) =	vpush v58, $0xE;
	s22 =	spop (v2sf)  }
0xc4: {  	v12 =	vld [tilespmem:s21+$0x0];
	(v2sf) =	vpush v2, $0xF;
	s21 =	spop (v2sf)  }
0xc5: {  	(v2sf) =	vpush v2, $0xE;
	v13 =	vld [tilespmem:s21+$0x0];
	s21 =	spop (v2sf)  }
0xc6: {  	(v2sf) =	vpush v1, $0xF;
	v61 =	vld [tilespmem:s21+$0x0];
	s21 =	spop (v2sf)  }
0xc7: {  	v14 =	vld [tilespmem:s21+$0x0];
	s21 =	spop (v2sf);
	(v2sf) =	vpush v58, $0xF  }
0xc8: {  	v25 =	vld [tilespmem:s17+$0x280]  }
0xc9: {  	v27 =	vld [tilespmem:s17+$0x300]  }
0xca: {  	v31 =	vld [tilespmem:s17+$0x380]  }
0xcb: {  	v62 =	vld [tilespmem:s22+$0x0]  }
0xcc: {  	s22 =	spop (v2sf);
	v63 =	vld [tilespmem:s21+$0x0]  }
0xcd: {  	v15 =	vld [tilespmem:s22+$0x0];
	s21 =	spop (v2sf)  }
0xce: {  	s22 =	spop (v2sf);
	v22 =	vld [tilespmem:s21+$0x0]  }
0xcf: {  	v17 =	vld [tilespmem:s22+$0x0];
	s22 =	spop (v2sf)  }
0xd0: {  	v19 =	vld [tilespmem:s22+$0x0];
	s22 =	spop (v2sf)  }
0xd1: {  	v21 =	vld [tilespmem:s22+$0x0];
	s22 =	spop (v2sf)  }
0xd2: {  	s21 =	spop (v2sf);
	v23 =	vld [tilespmem:s22+$0x0]  }
0xd3: {  	s22 =	spop (v2sf);
	v24 =	vld [tilespmem:s21+$0x0]  }
0xd4: {  	s21 =	spop (v2sf);
	v30 =	vld [tilespmem:s22+$0x0]  }
0xd5: {  	v26 =	vld [tilespmem:s21+$0x0];
	s21 =	spop (v2sf)  }
0xd6: {  	v28 =	vld [tilespmem:s21+$0x0];
	s21 =	spop (v2sf)  }
0xd7: {  	v29 =	vld [tilespmem:s21+$0x0];
	[tilespmem:s20+$0x0] =	vst v3  }
0xd8: {  	[tilespmem:s20+$0x10] =	vst v4  }
0xd9: {  	[tilespmem:s20+$0x20] =	vst v5  }
0xda: {  	[tilespmem:s20+$0x80] =	vst v7  }
0xdb: {  	[tilespmem:s20+$0x90] =	vst v8  }
0xdc: {  	[tilespmem:s20+$0xA0] =	vst v9  }
0xdd: {  	[tilespmem:s20+$0x100] =	vst v11  }
0xde: {  	[tilespmem:s20+$0x110] =	vst v12  }
0xdf: {  	[tilespmem:s20+$0x120] =	vst v13  }
0xe0: {  	[tilespmem:s20+$0x180] =	vst v61  }
0xe1: {  	[tilespmem:s20+$0x190] =	vst v14  }
0xe2: {  	[tilespmem:s20+$0x1A0] =	vst v62  }
0xe3: {  	[tilespmem:s20+$0x200] =	vst v63  }
0xe4: {  	[tilespmem:s20+$0x210] =	vst v15  }
0xe5: {  	[tilespmem:s20+$0x220] =	vst v17  }
0xe6: {  	[tilespmem:s20+$0x280] =	vst v19  }
0xe7: {  	[tilespmem:s20+$0x290] =	vst v21  }
0xe8: {  	[tilespmem:s20+$0x2A0] =	vst v22  }
0xe9: {  	[tilespmem:s20+$0x300] =	vst v23  }
0xea: {  	[tilespmem:s20+$0x310] =	vst v24  }
0xeb: {  	[tilespmem:s20+$0x320] =	vst v26  }
0xec: {  	[tilespmem:s20+$0x3A0] =	vst v30  }
0xed: {  	[tilespmem:s20+$0x28] =	vst v6  }
0xee: {  	[tilespmem:s20+$0xA8] =	vst v10  }
0xef: {  	[tilespmem:s20+$0x128] =	vst v16  }
0xf0: {  	[tilespmem:s20+$0x1A8] =	vst v18  }
0xf1: {  	p0 =	sne.s32 s16, $0x100;
	[tilespmem:s20+$0x228] =	vst v20  }
.Ltmp0:
0xf2: {  	[tilespmem:s20+$0x2A8] =	vst v25;
	(pc) =	sbr.rel @p0 .LBB2_3-.Ltmp0, $4  }
0xf3: {  	[tilespmem:s20+$0x328] =	vst v27  }
0xf4: {  	[tilespmem:s20+$0x380] =	vst v28  }
0xf5: {  	[tilespmem:s20+$0x3A8] =	vst v31  }
0xf6: {  	s16 =	sadd.s32 $0x40, s16;
	s17 =	sadd.s32 $0x800, s17;
	[tilespmem:s20+$0x390] =	vst v29;
	s20 =	sadd.s32 $0x800, s20  }
0xf7: {  	s16 =	sld [smem:$0x7F9];
	_ =	sdelay $0x1  }
0xf8: {  	p0 =	seq.s32 s13, $0x31  }
0xf9: {  	s16 =	sadd.s32 @!p0 s14, s16  }
0xfa: {  	s17 =	sshrl.u32 @!p0 s16, $0x3  }
0xfb: {  	s21 =	simm.s32 @!p0 $0x0;
	s22 =	simm.s32 @!p0 $0xE80;
	s20 =	sadd.s32 @!p0 s1, s17  }
0xfc: {  	[tilespmem:s22], [sflag:$0x1] =	stream.linear.gather @!p0 [hbm4b:s20+s21], $0x50, $0x38;
	[tilespmem:$0x1A600] =	vst v63  }
0xfd: {  	s20 =	sadd.s32 @!p0 s2, s17;
	s22 =	simm.s32 @!p0 $0xF00  }
0xfe: {  	[tilespmem:s22], [sflag:$0x2] =	stream.linear.gather @!p0 [hbm4b:s20+s21], $0x50, $0x38;
	[tilespmem:$0x1A600] =	vst v63  }
0xff: {  	s16 =	sshll.u32 @!p0 s16, $0x4;
	s17 =	sadd.s32 @!p0 s3, s17;
	s20 =	simm.s32 @!p0 $0xF80  }
0x100: {  	[tilespmem:s20], [sflag:$0x3] =	stream.linear.gather @!p0 [hbm4b:s17+s21], $0x50, $0x38;
	[tilespmem:$0x1A600] =	vst v63  }
0x101: {  	s15 =	sshll.u32 s15, $0x4;
	s16 =	sadd.s32 @!p0 s7, s16;
	s17 =	simm.s32 @!p0 $0x1000  }
0x102: {  	[tilespmem:s17], [sflag:$0x4] =	stream.linear.gather @!p0 [hbm4b:s16+s21], $0x2800, $0x38;
	[tilespmem:$0x1A600] =	vst v63  }
0x103: {  	s15 =	sadd.s32 s10, s15;
	s21 =	simm.s32 $0x3800  }
0x104: {  	[hbm4b:s15+s6] =	stream.linear.scatter [tilespmem:s21], [sflag:$0x5], $0x2800, $0x38;
	[tilespmem:$0x1A600] =	vst v63  }
0x105: {  	_ =	swait.ge [sflag:s26], $0x50  }
0x106: {  	[sflag:s26] =	ssyncset.done $0x0  }
0x107: {  	[sflag:s26] =	ssyncadd.s32 $0xFFFFFFB0  }
0x108: {  	_ =	swait.ge [sflag:s29], $0x50  }
0x109: {  	[sflag:s29] =	ssyncset.done $0x0  }
0x10a: {  	[sflag:s29] =	ssyncadd.s32 $0xFFFFFFB0  }
0x10b: {  	_ =	swait.ge [sflag:s30], $0x50  }
0x10c: {  	[sflag:s30] =	ssyncset.done $0x0  }
0x10d: {  	[sflag:s30] =	ssyncadd.s32 $0xFFFFFFB0  }
0x10e: {  	_ =	swait.ge [sflag:s31], $0x2800  }
0x10f: {  	[sflag:s31] =	ssyncset.done $0x0  }
0x110: {  	s16 =	simm.s32 @!p1 $0xA;
	[sflag:s31] =	ssyncadd.s32 $0xFFFFD800  }
0x111: {  	s20 =	simm.s32 $0x8D80;
	_ =	swait.ge @!p1 [sflag:s16], $0x2800  }
0x112: {  	s17 =	simm.s32 $0x6580;
	[sflag:s16] =	ssyncset.done @!p1 $0x0;
	s22 =	rddreg [dreg:$0x8]  }
0x113: {  	s15 =	sadd.s32 s14, s22;
	[sflag:s16] =	ssyncadd.s32 @!p1 $0xFFFFD800;
	s16 =	simm.s32 $0x0  }
.LBB2_5:
0x114: {  	s21 =	sshra.s32 s16, $0x2  }
0x115: {  	v0 =	vld [tilespmem:s21+$0x6000]  }
0x116: {  	v2 =	vld [tilespmem:s21+$0x6080]  }
0x117: {  	v3 =	vld [tilespmem:s21+$0x6100];
	_ =	sdelay $0x3  }
0x118: {  	v1 =	vshll.u32 v0, $0x4  }
0x119: {  	v58 =	vshll.u32 v2, $0x4;
	v59 =	vshll.u32 v3, $0x4;
	(v2sf) =	vpush v1, $0x0  }
0x11a: {  	v2 =	vadd.s32 $0xC80, v59;
	(v2sf) =	vpush v58, $0x0  }
0x11b: {  	(v2sf) =	vpush v2, $0x1  }
0x11c: {  	(v2sf) =	vpush v2, $0x0  }
0x11d: {  	(v2sf) =	vpush v1, $0x1  }
0x11e: {  	(v2sf) =	vpush v58, $0x1  }
0x11f: {  	(v2sf) =	vpush v1, $0x2  }
0x120: {  	(v2sf) =	vpush v58, $0x2  }
0x121: {  	(v2sf) =	vpush v2, $0x3  }
0x122: {  	(v2sf) =	vpush v2, $0x2  }
0x123: {  	(v2sf) =	vpush v1, $0x3  }
0x124: {  	v6 =	vld [tilespmem:s17+$0xFFFFFC00];
	(v2sf) =	vpush v58, $0x3  }
0x125: {  	v10 =	vld [tilespmem:s17+$0xFFFFFC80]  }
0x126: {  	v14 =	vld [tilespmem:s17+$0xFFFFFD00]  }
0x127: {  	v18 =	vld [tilespmem:s17+$0xFFFFFD80]  }
0x128: {  	v22 =	vld [tilespmem:s17+$0xFFFFFE00];
	s21 =	spop (v2sf);
	(v2sf) =	vpush v1, $0x4  }
0x129: {  	v26 =	vld [tilespmem:s17+$0xFFFFFE80];
	s22 =	spop (v2sf);
	(v2sf) =	vpush v58, $0x4  }
0x12a: {  	v60 =	vld [tilespmem:s21+$0x0];
	s21 =	spop (v2sf);
	(v2sf) =	vpush v2, $0x5  }
0x12b: {  	v4 =	vld [tilespmem:s22+$0x0];
	s22 =	spop (v2sf);
	(v2sf) =	vpush v2, $0x4  }
0x12c: {  	v5 =	vld [tilespmem:s22+$0x0];
	s22 =	spop (v2sf);
	(v2sf) =	vpush v1, $0x5  }
0x12d: {  	v7 =	vld [tilespmem:s22+$0x0];
	s22 =	spop (v2sf);
	(v2sf) =	vpush v58, $0x5  }
0x12e: {  	v9 =	vld [tilespmem:s21+$0x0];
	s21 =	spop (v2sf);
	(v2sf) =	vpush v1, $0x6  }
0x12f: {  	v8 =	vld [tilespmem:s22+$0x0];
	s22 =	spop (v2sf);
	(v2sf) =	vpush v58, $0x6  }
0x130: {  	v11 =	vld [tilespmem:s21+$0x0];
	s21 =	spop (v2sf);
	(v2sf) =	vpush v2, $0x7  }
0x131: {  	v12 =	vld [tilespmem:s22+$0x0];
	s22 =	spop (v2sf);
	(v2sf) =	vpush v2, $0x6  }
0x132: {  	v13 =	vld [tilespmem:s22+$0x0];
	s22 =	spop (v2sf);
	(v2sf) =	vpush v1, $0x7  }
0x133: {  	v15 =	vld [tilespmem:s22+$0x0];
	s22 =	spop (v2sf);
	(v2sf) =	vpush v58, $0x7  }
0x134: {  	v30 =	vld [tilespmem:s17+$0xFFFFFF00]  }
0x135: {  	v34 =	vld [tilespmem:s17+$0xFFFFFF80]  }
0x136: {  	v17 =	vld [tilespmem:s21+$0x0]  }
0x137: {  	v16 =	vld [tilespmem:s22+$0x0];
	s21 =	spop (v2sf)  }
0x138: {  	s22 =	spop (v2sf);
	v19 =	vld [tilespmem:s21+$0x0]  }
0x139: {  	s21 =	spop (v2sf);
	v20 =	vld [tilespmem:s22+$0x0]  }
0x13a: {  	s22 =	spop (v2sf);
	v25 =	vld [tilespmem:s21+$0x0]  }
0x13b: {  	v21 =	vld [tilespmem:s22+$0x0];
	s22 =	spop (v2sf)  }
0x13c: {  	v23 =	vld [tilespmem:s22+$0x0];
	s22 =	spop (v2sf)  }
0x13d: {  	v24 =	vld [tilespmem:s22+$0x0];
	s21 =	spop (v2sf)  }
0x13e: {  	s22 =	spop (v2sf);
	v27 =	vld [tilespmem:s21+$0x0]  }
0x13f: {  	s21 =	spop (v2sf);
	v28 =	vld [tilespmem:s22+$0x0]  }
0x140: {  	s22 =	spop (v2sf);
	v33 =	vld [tilespmem:s21+$0x0]  }
0x141: {  	v29 =	vld [tilespmem:s22+$0x0];
	s22 =	spop (v2sf)  }
0x142: {  	v31 =	vld [tilespmem:s22+$0x0];
	s22 =	spop (v2sf)  }
0x143: {  	v32 =	vld [tilespmem:s22+$0x0];
	[tilespmem:s20+$0xFFFFFC00] =	vst v60  }
0x144: {  	[tilespmem:s20+$0xFFFFFC10] =	vst v4  }
0x145: {  	[tilespmem:s20+$0xFFFFFC20] =	vst v5  }
0x146: {  	[tilespmem:s20+$0xFFFFFC80] =	vst v7  }
0x147: {  	[tilespmem:s20+$0xFFFFFC90] =	vst v8  }
0x148: {  	[tilespmem:s20+$0xFFFFFCA0] =	vst v9  }
0x149: {  	[tilespmem:s20+$0xFFFFFD00] =	vst v11  }
0x14a: {  	[tilespmem:s20+$0xFFFFFD10] =	vst v12  }
0x14b: {  	[tilespmem:s20+$0xFFFFFD20] =	vst v13  }
0x14c: {  	[tilespmem:s20+$0xFFFFFD80] =	vst v15  }
0x14d: {  	[tilespmem:s20+$0xFFFFFD90] =	vst v16  }
0x14e: {  	[tilespmem:s20+$0xFFFFFDA0] =	vst v17  }
0x14f: {  	[tilespmem:s20+$0xFFFFFE00] =	vst v19  }
0x150: {  	[tilespmem:s20+$0xFFFFFE10] =	vst v20  }
0x151: {  	[tilespmem:s20+$0xFFFFFE20] =	vst v21  }
0x152: {  	[tilespmem:s20+$0xFFFFFE80] =	vst v23  }
0x153: {  	(v2sf) =	vpush v1, $0x8;
	[tilespmem:s20+$0xFFFFFE90] =	vst v24  }
0x154: {  	(v2sf) =	vpush v58, $0x8;
	[tilespmem:s20+$0xFFFFFEA0] =	vst v25  }
0x155: {  	[tilespmem:s20+$0xFFFFFF00] =	vst v27  }
0x156: {  	[tilespmem:s20+$0xFFFFFC28] =	vst v6  }
0x157: {  	[tilespmem:s20+$0xFFFFFCA8] =	vst v10  }
0x158: {  	[tilespmem:s20+$0xFFFFFD28] =	vst v14  }
0x159: {  	(v2sf) =	vpush v2, $0x9;
	[tilespmem:s20+$0xFFFFFDA8] =	vst v18  }
0x15a: {  	(v2sf) =	vpush v2, $0x8;
	[tilespmem:s20+$0xFFFFFE28] =	vst v22  }
0x15b: {  	(v2sf) =	vpush v1, $0x9;
	[tilespmem:s20+$0xFFFFFEA8] =	vst v26  }
0x15c: {  	(v2sf) =	vpush v58, $0x9;
	[tilespmem:s20+$0xFFFFFF10] =	vst v28  }
0x15d: {  	(v2sf) =	vpush v1, $0xA;
	[tilespmem:s20+$0xFFFFFFA0] =	vst v33  }
0x15e: {  	(v2sf) =	vpush v58, $0xA;
	[tilespmem:s20+$0xFFFFFF20] =	vst v29  }
0x15f: {  	(v2sf) =	vpush v2, $0xB;
	[tilespmem:s20+$0xFFFFFFA8] =	vst v34  }
0x160: {  	(v2sf) =	vpush v2, $0xA;
	[tilespmem:s20+$0xFFFFFF28] =	vst v30  }
0x161: {  	(v2sf) =	vpush v1, $0xB;
	[tilespmem:s20+$0xFFFFFF80] =	vst v31  }
0x162: {  	(v2sf) =	vpush v58, $0xB;
	s21 =	spop (v2sf);
	[tilespmem:s20+$0xFFFFFF90] =	vst v32  }
0x163: {  	(v2sf) =	vpush v1, $0xC;
	s22 =	spop (v2sf);
	v3 =	vld [tilespmem:s21+$0x0]  }
0x164: {  	v4 =	vld [tilespmem:s22+$0x0]  }
0x165: {  	v6 =	vld [tilespmem:s17+$0x0]  }
0x166: {  	v10 =	vld [tilespmem:s17+$0x80]  }
0x167: {  	v16 =	vld [tilespmem:s17+$0x100]  }
0x168: {  	(v2sf) =	vpush v58, $0xC;
	s21 =	spop (v2sf);
	v18 =	vld [tilespmem:s17+$0x180]  }
0x169: {  	(v2sf) =	vpush v2, $0xD;
	v20 =	vld [tilespmem:s17+$0x200];
	s22 =	spop (v2sf)  }
0x16a: {  	(v2sf) =	vpush v2, $0xC;
	v5 =	vld [tilespmem:s22+$0x0];
	s22 =	spop (v2sf)  }
0x16b: {  	(v2sf) =	vpush v1, $0xD;
	v7 =	vld [tilespmem:s22+$0x0];
	s22 =	spop (v2sf)  }
0x16c: {  	(v2sf) =	vpush v58, $0xD;
	v8 =	vld [tilespmem:s22+$0x0];
	s22 =	spop (v2sf)  }
0x16d: {  	v9 =	vld [tilespmem:s21+$0x0];
	(v2sf) =	vpush v1, $0xE;
	s21 =	spop (v2sf)  }
0x16e: {  	v11 =	vld [tilespmem:s22+$0x0];
	(v2sf) =	vpush v58, $0xE;
	s22 =	spop (v2sf)  }
0x16f: {  	v12 =	vld [tilespmem:s21+$0x0];
	(v2sf) =	vpush v2, $0xF;
	s21 =	spop (v2sf)  }
0x170: {  	(v2sf) =	vpush v2, $0xE;
	v13 =	vld [tilespmem:s21+$0x0];
	s21 =	spop (v2sf)  }
0x171: {  	(v2sf) =	vpush v1, $0xF;
	v61 =	vld [tilespmem:s21+$0x0];
	s21 =	spop (v2sf)  }
0x172: {  	v14 =	vld [tilespmem:s21+$0x0];
	s21 =	spop (v2sf);
	(v2sf) =	vpush v58, $0xF  }
0x173: {  	v25 =	vld [tilespmem:s17+$0x280]  }
0x174: {  	v27 =	vld [tilespmem:s17+$0x300]  }
0x175: {  	v31 =	vld [tilespmem:s17+$0x380]  }
0x176: {  	v62 =	vld [tilespmem:s22+$0x0]  }
0x177: {  	s22 =	spop (v2sf);
	v63 =	vld [tilespmem:s21+$0x0]  }
0x178: {  	v15 =	vld [tilespmem:s22+$0x0];
	s21 =	spop (v2sf)  }
0x179: {  	s22 =	spop (v2sf);
	v22 =	vld [tilespmem:s21+$0x0]  }
0x17a: {  	v17 =	vld [tilespmem:s22+$0x0];
	s22 =	spop (v2sf)  }
0x17b: {  	v19 =	vld [tilespmem:s22+$0x0];
	s22 =	spop (v2sf)  }
0x17c: {  	v21 =	vld [tilespmem:s22+$0x0];
	s22 =	spop (v2sf)  }
0x17d: {  	s21 =	spop (v2sf);
	v23 =	vld [tilespmem:s22+$0x0]  }
0x17e: {  	s22 =	spop (v2sf);
	v24 =	vld [tilespmem:s21+$0x0]  }
0x17f: {  	s21 =	spop (v2sf);
	v30 =	vld [tilespmem:s22+$0x0]  }
0x180: {  	v26 =	vld [tilespmem:s21+$0x0];
	s21 =	spop (v2sf)  }
0x181: {  	v28 =	vld [tilespmem:s21+$0x0];
	s21 =	spop (v2sf)  }
0x182: {  	v29 =	vld [tilespmem:s21+$0x0];
	[tilespmem:s20+$0x0] =	vst v3  }
0x183: {  	[tilespmem:s20+$0x10] =	vst v4  }
0x184: {  	[tilespmem:s20+$0x20] =	vst v5  }
0x185: {  	[tilespmem:s20+$0x80] =	vst v7  }
0x186: {  	[tilespmem:s20+$0x90] =	vst v8  }
0x187: {  	[tilespmem:s20+$0xA0] =	vst v9  }
0x188: {  	[tilespmem:s20+$0x100] =	vst v11  }
0x189: {  	[tilespmem:s20+$0x110] =	vst v12  }
0x18a: {  	[tilespmem:s20+$0x120] =	vst v13  }
0x18b: {  	[tilespmem:s20+$0x180] =	vst v61  }
0x18c: {  	[tilespmem:s20+$0x190] =	vst v14  }
0x18d: {  	[tilespmem:s20+$0x1A0] =	vst v62  }
0x18e: {  	[tilespmem:s20+$0x200] =	vst v63  }
0x18f: {  	[tilespmem:s20+$0x210] =	vst v15  }
0x190: {  	[tilespmem:s20+$0x220] =	vst v17  }
0x191: {  	[tilespmem:s20+$0x280] =	vst v19  }
0x192: {  	[tilespmem:s20+$0x290] =	vst v21  }
0x193: {  	[tilespmem:s20+$0x2A0] =	vst v22  }
0x194: {  	[tilespmem:s20+$0x300] =	vst v23  }
0x195: {  	[tilespmem:s20+$0x310] =	vst v24  }
0x196: {  	[tilespmem:s20+$0x320] =	vst v26  }
0x197: {  	[tilespmem:s20+$0x3A0] =	vst v30  }
0x198: {  	[tilespmem:s20+$0x28] =	vst v6  }
0x199: {  	[tilespmem:s20+$0xA8] =	vst v10  }
0x19a: {  	[tilespmem:s20+$0x128] =	vst v16  }
0x19b: {  	[tilespmem:s20+$0x1A8] =	vst v18  }
0x19c: {  	p2 =	sne.s32 s16, $0x100;
	[tilespmem:s20+$0x228] =	vst v20  }
.Ltmp1:
0x19d: {  	[tilespmem:s20+$0x2A8] =	vst v25;
	(pc) =	sbr.rel @p2 .LBB2_5-.Ltmp1, $4  }
0x19e: {  	[tilespmem:s20+$0x328] =	vst v27  }
0x19f: {  	[tilespmem:s20+$0x380] =	vst v28  }
0x1a0: {  	[tilespmem:s20+$0x3A8] =	vst v31  }
0x1a1: {  	s16 =	sadd.s32 $0x40, s16;
	s17 =	sadd.s32 $0x800, s17;
	[tilespmem:s20+$0x390] =	vst v29;
	s20 =	sadd.s32 $0x800, s20  }
0x1a2: {  	s16 =	sld [smem:$0x7FA];
	_ =	sdelay $0x2  }
0x1a3: {  	s16 =	sadd.s32 @!p0 s14, s16  }
0x1a4: {  	s17 =	sshrl.u32 @!p0 s16, $0x3  }
0x1a5: {  	s21 =	simm.s32 @!p0 $0x0;
	s22 =	simm.s32 @!p0 $0x6000;
	s20 =	sadd.s32 @!p0 s1, s17  }
0x1a6: {  	[tilespmem:s22], [sflag:$0x6] =	stream.linear.gather @!p0 [hbm4b:s20+s21], $0x50, $0x38;
	[tilespmem:$0x1A600] =	vst v63  }
0x1a7: {  	s20 =	sadd.s32 @!p0 s2, s17;
	s22 =	simm.s32 @!p0 $0x6080  }
0x1a8: {  	[tilespmem:s22], [sflag:$0x7] =	stream.linear.gather @!p0 [hbm4b:s20+s21], $0x50, $0x38;
	[tilespmem:$0x1A600] =	vst v63  }
0x1a9: {  	s16 =	sshll.u32 @!p0 s16, $0x4;
	s17 =	sadd.s32 @!p0 s3, s17;
	s20 =	simm.s32 @!p0 $0x6100  }
0x1aa: {  	[tilespmem:s20], [sflag:$0x8] =	stream.linear.gather @!p0 [hbm4b:s17+s21], $0x50, $0x38;
	[tilespmem:$0x1A600] =	vst v63  }
0x1ab: {  	s15 =	sshll.u32 s15, $0x4;
	s16 =	sadd.s32 @!p0 s7, s16;
	s17 =	simm.s32 @!p0 $0x6180  }
0x1ac: {  	[tilespmem:s17], [sflag:$0x9] =	stream.linear.gather @!p0 [hbm4b:s16+s21], $0x2800, $0x38;
	[tilespmem:$0x1A600] =	vst v63  }
0x1ad: {  	s15 =	sadd.s32 s10, s15;
	s21 =	simm.s32 $0x8980  }
0x1ae: {  	[hbm4b:s15+s6] =	stream.linear.scatter [tilespmem:s21], [sflag:$0xA], $0x2800, $0x38;
	[tilespmem:$0x1A600] =	vst v63  }
0x1af: {  	_ =	swait.ge [sflag:s4], $0x50  }
0x1b0: {  	[sflag:s4] =	ssyncset.done $0x0  }
0x1b1: {  	[sflag:s4] =	ssyncadd.s32 $0xFFFFFFB0  }
0x1b2: {  	_ =	swait.ge [sflag:s5], $0x50  }
0x1b3: {  	[sflag:s5] =	ssyncset.done $0x0  }
0x1b4: {  	[sflag:s5] =	ssyncadd.s32 $0xFFFFFFB0  }
0x1b5: {  	_ =	swait.ge [sflag:s9], $0x50  }
0x1b6: {  	[sflag:s9] =	ssyncset.done $0x0  }
0x1b7: {  	[sflag:s9] =	ssyncadd.s32 $0xFFFFFFB0  }
0x1b8: {  	_ =	swait.ge [sflag:s12], $0x2800  }
0x1b9: {  	[sflag:s12] =	ssyncset.done $0x0  }
0x1ba: {  	s16 =	simm.s32 @!p1 $0xF;
	[sflag:s12] =	ssyncadd.s32 $0xFFFFD800  }
0x1bb: {  	s20 =	simm.s32 $0xDF00;
	_ =	swait.ge @!p1 [sflag:s16], $0x2800  }
0x1bc: {  	s17 =	simm.s32 $0xB700;
	[sflag:s16] =	ssyncset.done @!p1 $0x0;
	s22 =	rddreg [dreg:$0xf]  }
0x1bd: {  	s15 =	sadd.s32 s14, s22;
	[sflag:s16] =	ssyncadd.s32 @!p1 $0xFFFFD800;
	s16 =	simm.s32 $0x0  }
.LBB2_7:
0x1be: {  	s21 =	sshra.s32 s16, $0x2  }
0x1bf: {  	v0 =	vld [tilespmem:s21+$0xB180]  }
0x1c0: {  	v2 =	vld [tilespmem:s21+$0xB200]  }
0x1c1: {  	v3 =	vld [tilespmem:s21+$0xB280];
	_ =	sdelay $0x3  }
0x1c2: {  	v1 =	vshll.u32 v0, $0x4  }
0x1c3: {  	v58 =	vshll.u32 v2, $0x4;
	v59 =	vshll.u32 v3, $0x4;
	(v2sf) =	vpush v1, $0x0  }
0x1c4: {  	v2 =	vadd.s32 $0xC80, v59;
	(v2sf) =	vpush v58, $0x0  }
0x1c5: {  	(v2sf) =	vpush v2, $0x1  }
0x1c6: {  	(v2sf) =	vpush v2, $0x0  }
0x1c7: {  	(v2sf) =	vpush v1, $0x1  }
0x1c8: {  	(v2sf) =	vpush v58, $0x1  }
0x1c9: {  	(v2sf) =	vpush v1, $0x2  }
0x1ca: {  	(v2sf) =	vpush v58, $0x2  }
0x1cb: {  	(v2sf) =	vpush v2, $0x3  }
0x1cc: {  	(v2sf) =	vpush v2, $0x2  }
0x1cd: {  	(v2sf) =	vpush v1, $0x3  }
0x1ce: {  	v6 =	vld [tilespmem:s17+$0xFFFFFC00];
	(v2sf) =	vpush v58, $0x3  }
0x1cf: {  	v10 =	vld [tilespmem:s17+$0xFFFFFC80]  }
0x1d0: {  	v14 =	vld [tilespmem:s17+$0xFFFFFD00]  }
0x1d1: {  	v18 =	vld [tilespmem:s17+$0xFFFFFD80]  }
0x1d2: {  	v22 =	vld [tilespmem:s17+$0xFFFFFE00];
	s21 =	spop (v2sf);
	(v2sf) =	vpush v1, $0x4  }
0x1d3: {  	v26 =	vld [tilespmem:s17+$0xFFFFFE80];
	s22 =	spop (v2sf);
	(v2sf) =	vpush v58, $0x4  }
0x1d4: {  	v60 =	vld [tilespmem:s21+$0x0];
	s21 =	spop (v2sf);
	(v2sf) =	vpush v2, $0x5  }
0x1d5: {  	v4 =	vld [tilespmem:s22+$0x0];
	s22 =	spop (v2sf);
	(v2sf) =	vpush v2, $0x4  }
0x1d6: {  	v5 =	vld [tilespmem:s22+$0x0];
	s22 =	spop (v2sf);
	(v2sf) =	vpush v1, $0x5  }
0x1d7: {  	v7 =	vld [tilespmem:s22+$0x0];
	s22 =	spop (v2sf);
	(v2sf) =	vpush v58, $0x5  }
0x1d8: {  	v9 =	vld [tilespmem:s21+$0x0];
	s21 =	spop (v2sf);
	(v2sf) =	vpush v1, $0x6  }
0x1d9: {  	v8 =	vld [tilespmem:s22+$0x0];
	s22 =	spop (v2sf);
	(v2sf) =	vpush v58, $0x6  }
0x1da: {  	v11 =	vld [tilespmem:s21+$0x0];
	s21 =	spop (v2sf);
	(v2sf) =	vpush v2, $0x7  }
0x1db: {  	v12 =	vld [tilespmem:s22+$0x0];
	s22 =	spop (v2sf);
	(v2sf) =	vpush v2, $0x6  }
0x1dc: {  	v13 =	vld [tilespmem:s22+$0x0];
	s22 =	spop (v2sf);
	(v2sf) =	vpush v1, $0x7  }
0x1dd: {  	v15 =	vld [tilespmem:s22+$0x0];
	s22 =	spop (v2sf);
	(v2sf) =	vpush v58, $0x7  }
0x1de: {  	v30 =	vld [tilespmem:s17+$0xFFFFFF00]  }
0x1df: {  	v34 =	vld [tilespmem:s17+$0xFFFFFF80]  }
0x1e0: {  	v17 =	vld [tilespmem:s21+$0x0]  }
0x1e1: {  	v16 =	vld [tilespmem:s22+$0x0];
	s21 =	spop (v2sf)  }
0x1e2: {  	s22 =	spop (v2sf);
	v19 =	vld [tilespmem:s21+$0x0]  }
0x1e3: {  	s21 =	spop (v2sf);
	v20 =	vld [tilespmem:s22+$0x0]  }
0x1e4: {  	s22 =	spop (v2sf);
	v25 =	vld [tilespmem:s21+$0x0]  }
0x1e5: {  	v21 =	vld [tilespmem:s22+$0x0];
	s22 =	spop (v2sf)  }
0x1e6: {  	v23 =	vld [tilespmem:s22+$0x0];
	s22 =	spop (v2sf)  }
0x1e7: {  	v24 =	vld [tilespmem:s22+$0x0];
	s21 =	spop (v2sf)  }
0x1e8: {  	s22 =	spop (v2sf);
	v27 =	vld [tilespmem:s21+$0x0]  }
0x1e9: {  	s21 =	spop (v2sf);
	v28 =	vld [tilespmem:s22+$0x0]  }
0x1ea: {  	s22 =	spop (v2sf);
	v33 =	vld [tilespmem:s21+$0x0]  }
0x1eb: {  	v29 =	vld [tilespmem:s22+$0x0];
	s22 =	spop (v2sf)  }
0x1ec: {  	v31 =	vld [tilespmem:s22+$0x0];
	s22 =	spop (v2sf)  }
0x1ed: {  	v32 =	vld [tilespmem:s22+$0x0];
	[tilespmem:s20+$0xFFFFFC00] =	vst v60  }
0x1ee: {  	[tilespmem:s20+$0xFFFFFC10] =	vst v4  }
0x1ef: {  	[tilespmem:s20+$0xFFFFFC20] =	vst v5  }
0x1f0: {  	[tilespmem:s20+$0xFFFFFC80] =	vst v7  }
0x1f1: {  	[tilespmem:s20+$0xFFFFFC90] =	vst v8  }
0x1f2: {  	[tilespmem:s20+$0xFFFFFCA0] =	vst v9  }
0x1f3: {  	[tilespmem:s20+$0xFFFFFD00] =	vst v11  }
0x1f4: {  	[tilespmem:s20+$0xFFFFFD10] =	vst v12  }
0x1f5: {  	[tilespmem:s20+$0xFFFFFD20] =	vst v13  }
0x1f6: {  	[tilespmem:s20+$0xFFFFFD80] =	vst v15  }
0x1f7: {  	[tilespmem:s20+$0xFFFFFD90] =	vst v16  }
0x1f8: {  	[tilespmem:s20+$0xFFFFFDA0] =	vst v17  }
0x1f9: {  	[tilespmem:s20+$0xFFFFFE00] =	vst v19  }
0x1fa: {  	[tilespmem:s20+$0xFFFFFE10] =	vst v20  }
0x1fb: {  	[tilespmem:s20+$0xFFFFFE20] =	vst v21  }
0x1fc: {  	[tilespmem:s20+$0xFFFFFE80] =	vst v23  }
0x1fd: {  	(v2sf) =	vpush v1, $0x8;
	[tilespmem:s20+$0xFFFFFE90] =	vst v24  }
0x1fe: {  	(v2sf) =	vpush v58, $0x8;
	[tilespmem:s20+$0xFFFFFEA0] =	vst v25  }
0x1ff: {  	[tilespmem:s20+$0xFFFFFF00] =	vst v27  }
0x200: {  	[tilespmem:s20+$0xFFFFFC28] =	vst v6  }
0x201: {  	[tilespmem:s20+$0xFFFFFCA8] =	vst v10  }
0x202: {  	[tilespmem:s20+$0xFFFFFD28] =	vst v14  }
0x203: {  	(v2sf) =	vpush v2, $0x9;
	[tilespmem:s20+$0xFFFFFDA8] =	vst v18  }
0x204: {  	(v2sf) =	vpush v2, $0x8;
	[tilespmem:s20+$0xFFFFFE28] =	vst v22  }
0x205: {  	(v2sf) =	vpush v1, $0x9;
	[tilespmem:s20+$0xFFFFFEA8] =	vst v26  }
0x206: {  	(v2sf) =	vpush v58, $0x9;
	[tilespmem:s20+$0xFFFFFF10] =	vst v28  }
0x207: {  	(v2sf) =	vpush v1, $0xA;
	[tilespmem:s20+$0xFFFFFFA0] =	vst v33  }
0x208: {  	(v2sf) =	vpush v58, $0xA;
	[tilespmem:s20+$0xFFFFFF20] =	vst v29  }
0x209: {  	(v2sf) =	vpush v2, $0xB;
	[tilespmem:s20+$0xFFFFFFA8] =	vst v34  }
0x20a: {  	(v2sf) =	vpush v2, $0xA;
	[tilespmem:s20+$0xFFFFFF28] =	vst v30  }
0x20b: {  	(v2sf) =	vpush v1, $0xB;
	[tilespmem:s20+$0xFFFFFF80] =	vst v31  }
0x20c: {  	(v2sf) =	vpush v58, $0xB;
	s21 =	spop (v2sf);
	[tilespmem:s20+$0xFFFFFF90] =	vst v32  }
0x20d: {  	(v2sf) =	vpush v1, $0xC;
	s22 =	spop (v2sf);
	v3 =	vld [tilespmem:s21+$0x0]  }
0x20e: {  	v4 =	vld [tilespmem:s22+$0x0]  }
0x20f: {  	v6 =	vld [tilespmem:s17+$0x0]  }
0x210: {  	v10 =	vld [tilespmem:s17+$0x80]  }
0x211: {  	v16 =	vld [tilespmem:s17+$0x100]  }
0x212: {  	(v2sf) =	vpush v58, $0xC;
	s21 =	spop (v2sf);
	v18 =	vld [tilespmem:s17+$0x180]  }
0x213: {  	(v2sf) =	vpush v2, $0xD;
	v20 =	vld [tilespmem:s17+$0x200];
	s22 =	spop (v2sf)  }
0x214: {  	(v2sf) =	vpush v2, $0xC;
	v5 =	vld [tilespmem:s22+$0x0];
	s22 =	spop (v2sf)  }
0x215: {  	(v2sf) =	vpush v1, $0xD;
	v7 =	vld [tilespmem:s22+$0x0];
	s22 =	spop (v2sf)  }
0x216: {  	(v2sf) =	vpush v58, $0xD;
	v8 =	vld [tilespmem:s22+$0x0];
	s22 =	spop (v2sf)  }
0x217: {  	v9 =	vld [tilespmem:s21+$0x0];
	(v2sf) =	vpush v1, $0xE;
	s21 =	spop (v2sf)  }
0x218: {  	v11 =	vld [tilespmem:s22+$0x0];
	(v2sf) =	vpush v58, $0xE;
	s22 =	spop (v2sf)  }
0x219: {  	v12 =	vld [tilespmem:s21+$0x0];
	(v2sf) =	vpush v2, $0xF;
	s21 =	spop (v2sf)  }
0x21a: {  	(v2sf) =	vpush v2, $0xE;
	v13 =	vld [tilespmem:s21+$0x0];
	s21 =	spop (v2sf)  }
0x21b: {  	(v2sf) =	vpush v1, $0xF;
	v61 =	vld [tilespmem:s21+$0x0];
	s21 =	spop (v2sf)  }
0x21c: {  	v14 =	vld [tilespmem:s21+$0x0];
	s21 =	spop (v2sf);
	(v2sf) =	vpush v58, $0xF  }
0x21d: {  	v25 =	vld [tilespmem:s17+$0x280]  }
0x21e: {  	v27 =	vld [tilespmem:s17+$0x300]  }
0x21f: {  	v31 =	vld [tilespmem:s17+$0x380]  }
0x220: {  	v62 =	vld [tilespmem:s22+$0x0]  }
0x221: {  	s22 =	spop (v2sf);
	v63 =	vld [tilespmem:s21+$0x0]  }
0x222: {  	v15 =	vld [tilespmem:s22+$0x0];
	s21 =	spop (v2sf)  }
0x223: {  	s22 =	spop (v2sf);
	v22 =	vld [tilespmem:s21+$0x0]  }
0x224: {  	v17 =	vld [tilespmem:s22+$0x0];
	s22 =	spop (v2sf)  }
0x225: {  	v19 =	vld [tilespmem:s22+$0x0];
	s22 =	spop (v2sf)  }
0x226: {  	v21 =	vld [tilespmem:s22+$0x0];
	s22 =	spop (v2sf)  }
0x227: {  	s21 =	spop (v2sf);
	v23 =	vld [tilespmem:s22+$0x0]  }
0x228: {  	s22 =	spop (v2sf);
	v24 =	vld [tilespmem:s21+$0x0]  }
0x229: {  	s21 =	spop (v2sf);
	v30 =	vld [tilespmem:s22+$0x0]  }
0x22a: {  	v26 =	vld [tilespmem:s21+$0x0];
	s21 =	spop (v2sf)  }
0x22b: {  	v28 =	vld [tilespmem:s21+$0x0];
	s21 =	spop (v2sf)  }
0x22c: {  	v29 =	vld [tilespmem:s21+$0x0];
	[tilespmem:s20+$0x0] =	vst v3  }
0x22d: {  	[tilespmem:s20+$0x10] =	vst v4  }
0x22e: {  	[tilespmem:s20+$0x20] =	vst v5  }
0x22f: {  	[tilespmem:s20+$0x80] =	vst v7  }
0x230: {  	[tilespmem:s20+$0x90] =	vst v8  }
0x231: {  	[tilespmem:s20+$0xA0] =	vst v9  }
0x232: {  	[tilespmem:s20+$0x100] =	vst v11  }
0x233: {  	[tilespmem:s20+$0x110] =	vst v12  }
0x234: {  	[tilespmem:s20+$0x120] =	vst v13  }
0x235: {  	[tilespmem:s20+$0x180] =	vst v61  }
0x236: {  	[tilespmem:s20+$0x190] =	vst v14  }
0x237: {  	[tilespmem:s20+$0x1A0] =	vst v62  }
0x238: {  	[tilespmem:s20+$0x200] =	vst v63  }
0x239: {  	[tilespmem:s20+$0x210] =	vst v15  }
0x23a: {  	[tilespmem:s20+$0x220] =	vst v17  }
0x23b: {  	[tilespmem:s20+$0x280] =	vst v19  }
0x23c: {  	[tilespmem:s20+$0x290] =	vst v21  }
0x23d: {  	[tilespmem:s20+$0x2A0] =	vst v22  }
0x23e: {  	[tilespmem:s20+$0x300] =	vst v23  }
0x23f: {  	[tilespmem:s20+$0x310] =	vst v24  }
0x240: {  	[tilespmem:s20+$0x320] =	vst v26  }
0x241: {  	[tilespmem:s20+$0x3A0] =	vst v30  }
0x242: {  	[tilespmem:s20+$0x28] =	vst v6  }
0x243: {  	[tilespmem:s20+$0xA8] =	vst v10  }
0x244: {  	[tilespmem:s20+$0x128] =	vst v16  }
0x245: {  	[tilespmem:s20+$0x1A8] =	vst v18  }
0x246: {  	p2 =	sne.s32 s16, $0x100;
	[tilespmem:s20+$0x228] =	vst v20  }
.Ltmp2:
0x247: {  	[tilespmem:s20+$0x2A8] =	vst v25;
	(pc) =	sbr.rel @p2 .LBB2_7-.Ltmp2, $4  }
0x248: {  	[tilespmem:s20+$0x328] =	vst v27  }
0x249: {  	[tilespmem:s20+$0x380] =	vst v28  }
0x24a: {  	[tilespmem:s20+$0x3A8] =	vst v31  }
0x24b: {  	s16 =	sadd.s32 $0x40, s16;
	s17 =	sadd.s32 $0x800, s17;
	[tilespmem:s20+$0x390] =	vst v29;
	s20 =	sadd.s32 $0x800, s20  }
0x24c: {  	s16 =	sld [smem:$0x7FB];
	_ =	sdelay $0x2  }
0x24d: {  	s16 =	sadd.s32 @!p0 s14, s16  }
0x24e: {  	s17 =	sshrl.u32 @!p0 s16, $0x3  }
0x24f: {  	s21 =	simm.s32 @!p0 $0x0;
	s22 =	simm.s32 @!p0 $0xB180;
	s20 =	sadd.s32 @!p0 s1, s17  }
0x250: {  	[tilespmem:s22], [sflag:$0xB] =	stream.linear.gather @!p0 [hbm4b:s20+s21], $0x50, $0x38;
	[tilespmem:$0x1A600] =	vst v63  }
0x251: {  	s20 =	sadd.s32 @!p0 s2, s17;
	s22 =	simm.s32 @!p0 $0xB200  }
0x252: {  	[tilespmem:s22], [sflag:$0xC] =	stream.linear.gather @!p0 [hbm4b:s20+s21], $0x50, $0x38;
	[tilespmem:$0x1A600] =	vst v63  }
0x253: {  	s16 =	sshll.u32 @!p0 s16, $0x4;
	s17 =	sadd.s32 @!p0 s3, s17;
	s20 =	simm.s32 @!p0 $0xB280  }
0x254: {  	[tilespmem:s20], [sflag:$0xD] =	stream.linear.gather @!p0 [hbm4b:s17+s21], $0x50, $0x38;
	[tilespmem:$0x1A600] =	vst v63  }
0x255: {  	s15 =	sshll.u32 s15, $0x4;
	s16 =	sadd.s32 @!p0 s7, s16;
	s17 =	simm.s32 @!p0 $0xB300  }
0x256: {  	[tilespmem:s17], [sflag:$0xE] =	stream.linear.gather @!p0 [hbm4b:s16+s21], $0x2800, $0x38;
	[tilespmem:$0x1A600] =	vst v63  }
0x257: {  	s15 =	sadd.s32 s10, s15;
	s21 =	simm.s32 $0xDB00  }
0x258: {  	[hbm4b:s15+s6] =	stream.linear.scatter [tilespmem:s21], [sflag:$0xF], $0x2800, $0x38;
	[tilespmem:$0x1A600] =	vst v63  }
0x259: {  	_ =	swait.ge [sflag:s25], $0x50  }
0x25a: {  	[sflag:s25] =	ssyncset.done $0x0  }
0x25b: {  	[sflag:s25] =	ssyncadd.s32 $0xFFFFFFB0  }
0x25c: {  	_ =	swait.ge [sflag:s0], $0x50  }
0x25d: {  	[sflag:s0] =	ssyncset.done $0x0  }
0x25e: {  	[sflag:s0] =	ssyncadd.s32 $0xFFFFFFB0  }
0x25f: {  	_ =	swait.ge [sflag:s19], $0x50  }
0x260: {  	[sflag:s19] =	ssyncset.done $0x0  }
0x261: {  	[sflag:s19] =	ssyncadd.s32 $0xFFFFFFB0  }
0x262: {  	_ =	swait.ge [sflag:s11], $0x2800  }
0x263: {  	[sflag:s11] =	ssyncset.done $0x0  }
0x264: {  	s16 =	simm.s32 @!p1 $0x14;
	[sflag:s11] =	ssyncadd.s32 $0xFFFFD800  }
0x265: {  	s20 =	simm.s32 $0x13080;
	_ =	swait.ge @!p1 [sflag:s16], $0x2800  }
0x266: {  	s17 =	simm.s32 $0x10880;
	[sflag:s16] =	ssyncset.done @!p1 $0x0;
	s22 =	rddreg [dreg:$0x14]  }
0x267: {  	s15 =	sadd.s32 s14, s22;
	[sflag:s16] =	ssyncadd.s32 @!p1 $0xFFFFD800;
	s16 =	simm.s32 $0x0  }
.LBB2_9:
0x268: {  	s21 =	sshra.s32 s16, $0x2  }
0x269: {  	v0 =	vld [tilespmem:s21+$0x10300]  }
0x26a: {  	v2 =	vld [tilespmem:s21+$0x10380]  }
0x26b: {  	v3 =	vld [tilespmem:s21+$0x10400];
	_ =	sdelay $0x3  }
0x26c: {  	v1 =	vshll.u32 v0, $0x4  }
0x26d: {  	v58 =	vshll.u32 v2, $0x4;
	v59 =	vshll.u32 v3, $0x4;
	(v2sf) =	vpush v1, $0x0  }
0x26e: {  	v2 =	vadd.s32 $0xC80, v59;
	(v2sf) =	vpush v58, $0x0  }
0x26f: {  	(v2sf) =	vpush v2, $0x1  }
0x270: {  	(v2sf) =	vpush v2, $0x0  }
0x271: {  	(v2sf) =	vpush v1, $0x1  }
0x272: {  	(v2sf) =	vpush v58, $0x1  }
0x273: {  	(v2sf) =	vpush v1, $0x2  }
0x274: {  	(v2sf) =	vpush v58, $0x2  }
0x275: {  	(v2sf) =	vpush v2, $0x3  }
0x276: {  	(v2sf) =	vpush v2, $0x2  }
0x277: {  	(v2sf) =	vpush v1, $0x3  }
0x278: {  	v6 =	vld [tilespmem:s17+$0xFFFFFC00];
	(v2sf) =	vpush v58, $0x3  }
0x279: {  	v10 =	vld [tilespmem:s17+$0xFFFFFC80]  }
0x27a: {  	v14 =	vld [tilespmem:s17+$0xFFFFFD00]  }
0x27b: {  	v18 =	vld [tilespmem:s17+$0xFFFFFD80]  }
0x27c: {  	v22 =	vld [tilespmem:s17+$0xFFFFFE00];
	s21 =	spop (v2sf);
	(v2sf) =	vpush v1, $0x4  }
0x27d: {  	v26 =	vld [tilespmem:s17+$0xFFFFFE80];
	s22 =	spop (v2sf);
	(v2sf) =	vpush v58, $0x4  }
0x27e: {  	v60 =	vld [tilespmem:s21+$0x0];
	s21 =	spop (v2sf);
	(v2sf) =	vpush v2, $0x5  }
0x27f: {  	v4 =	vld [tilespmem:s22+$0x0];
	s22 =	spop (v2sf);
	(v2sf) =	vpush v2, $0x4  }
0x280: {  	v5 =	vld [tilespmem:s22+$0x0];
	s22 =	spop (v2sf);
	(v2sf) =	vpush v1, $0x5  }
0x281: {  	v7 =	vld [tilespmem:s22+$0x0];
	s22 =	spop (v2sf);
	(v2sf) =	vpush v58, $0x5  }
0x282: {  	v9 =	vld [tilespmem:s21+$0x0];
	s21 =	spop (v2sf);
	(v2sf) =	vpush v1, $0x6  }
0x283: {  	v8 =	vld [tilespmem:s22+$0x0];
	s22 =	spop (v2sf);
	(v2sf) =	vpush v58, $0x6  }
0x284: {  	v11 =	vld [tilespmem:s21+$0x0];
	s21 =	spop (v2sf);
	(v2sf) =	vpush v2, $0x7  }
0x285: {  	v12 =	vld [tilespmem:s22+$0x0];
	s22 =	spop (v2sf);
	(v2sf) =	vpush v2, $0x6  }
0x286: {  	v13 =	vld [tilespmem:s22+$0x0];
	s22 =	spop (v2sf);
	(v2sf) =	vpush v1, $0x7  }
0x287: {  	v15 =	vld [tilespmem:s22+$0x0];
	s22 =	spop (v2sf);
	(v2sf) =	vpush v58, $0x7  }
0x288: {  	v30 =	vld [tilespmem:s17+$0xFFFFFF00]  }
0x289: {  	v34 =	vld [tilespmem:s17+$0xFFFFFF80]  }
0x28a: {  	v17 =	vld [tilespmem:s21+$0x0]  }
0x28b: {  	v16 =	vld [tilespmem:s22+$0x0];
	s21 =	spop (v2sf)  }
0x28c: {  	s22 =	spop (v2sf);
	v19 =	vld [tilespmem:s21+$0x0]  }
0x28d: {  	s21 =	spop (v2sf);
	v20 =	vld [tilespmem:s22+$0x0]  }
0x28e: {  	s22 =	spop (v2sf);
	v25 =	vld [tilespmem:s21+$0x0]  }
0x28f: {  	v21 =	vld [tilespmem:s22+$0x0];
	s22 =	spop (v2sf)  }
0x290: {  	v23 =	vld [tilespmem:s22+$0x0];
	s22 =	spop (v2sf)  }
0x291: {  	v24 =	vld [tilespmem:s22+$0x0];
	s21 =	spop (v2sf)  }
0x292: {  	s22 =	spop (v2sf);
	v27 =	vld [tilespmem:s21+$0x0]  }
0x293: {  	s21 =	spop (v2sf);
	v28 =	vld [tilespmem:s22+$0x0]  }
0x294: {  	s22 =	spop (v2sf);
	v33 =	vld [tilespmem:s21+$0x0]  }
0x295: {  	v29 =	vld [tilespmem:s22+$0x0];
	s22 =	spop (v2sf)  }
0x296: {  	v31 =	vld [tilespmem:s22+$0x0];
	s22 =	spop (v2sf)  }
0x297: {  	v32 =	vld [tilespmem:s22+$0x0];
	[tilespmem:s20+$0xFFFFFC00] =	vst v60  }
0x298: {  	[tilespmem:s20+$0xFFFFFC10] =	vst v4  }
0x299: {  	[tilespmem:s20+$0xFFFFFC20] =	vst v5  }
0x29a: {  	[tilespmem:s20+$0xFFFFFC80] =	vst v7  }
0x29b: {  	[tilespmem:s20+$0xFFFFFC90] =	vst v8  }
0x29c: {  	[tilespmem:s20+$0xFFFFFCA0] =	vst v9  }
0x29d: {  	[tilespmem:s20+$0xFFFFFD00] =	vst v11  }
0x29e: {  	[tilespmem:s20+$0xFFFFFD10] =	vst v12  }
0x29f: {  	[tilespmem:s20+$0xFFFFFD20] =	vst v13  }
0x2a0: {  	[tilespmem:s20+$0xFFFFFD80] =	vst v15  }
0x2a1: {  	[tilespmem:s20+$0xFFFFFD90] =	vst v16  }
0x2a2: {  	[tilespmem:s20+$0xFFFFFDA0] =	vst v17  }
0x2a3: {  	[tilespmem:s20+$0xFFFFFE00] =	vst v19  }
0x2a4: {  	[tilespmem:s20+$0xFFFFFE10] =	vst v20  }
0x2a5: {  	[tilespmem:s20+$0xFFFFFE20] =	vst v21  }
0x2a6: {  	[tilespmem:s20+$0xFFFFFE80] =	vst v23  }
0x2a7: {  	(v2sf) =	vpush v1, $0x8;
	[tilespmem:s20+$0xFFFFFE90] =	vst v24  }
0x2a8: {  	(v2sf) =	vpush v58, $0x8;
	[tilespmem:s20+$0xFFFFFEA0] =	vst v25  }
0x2a9: {  	[tilespmem:s20+$0xFFFFFF00] =	vst v27  }
0x2aa: {  	[tilespmem:s20+$0xFFFFFC28] =	vst v6  }
0x2ab: {  	[tilespmem:s20+$0xFFFFFCA8] =	vst v10  }
0x2ac: {  	[tilespmem:s20+$0xFFFFFD28] =	vst v14  }
0x2ad: {  	(v2sf) =	vpush v2, $0x9;
	[tilespmem:s20+$0xFFFFFDA8] =	vst v18  }
0x2ae: {  	(v2sf) =	vpush v2, $0x8;
	[tilespmem:s20+$0xFFFFFE28] =	vst v22  }
0x2af: {  	(v2sf) =	vpush v1, $0x9;
	[tilespmem:s20+$0xFFFFFEA8] =	vst v26  }
0x2b0: {  	(v2sf) =	vpush v58, $0x9;
	[tilespmem:s20+$0xFFFFFF10] =	vst v28  }
0x2b1: {  	(v2sf) =	vpush v1, $0xA;
	[tilespmem:s20+$0xFFFFFFA0] =	vst v33  }
0x2b2: {  	(v2sf) =	vpush v58, $0xA;
	[tilespmem:s20+$0xFFFFFF20] =	vst v29  }
0x2b3: {  	(v2sf) =	vpush v2, $0xB;
	[tilespmem:s20+$0xFFFFFFA8] =	vst v34  }
0x2b4: {  	(v2sf) =	vpush v2, $0xA;
	[tilespmem:s20+$0xFFFFFF28] =	vst v30  }
0x2b5: {  	(v2sf) =	vpush v1, $0xB;
	[tilespmem:s20+$0xFFFFFF80] =	vst v31  }
0x2b6: {  	(v2sf) =	vpush v58, $0xB;
	s21 =	spop (v2sf);
	[tilespmem:s20+$0xFFFFFF90] =	vst v32  }
0x2b7: {  	(v2sf) =	vpush v1, $0xC;
	s22 =	spop (v2sf);
	v3 =	vld [tilespmem:s21+$0x0]  }
0x2b8: {  	v4 =	vld [tilespmem:s22+$0x0]  }
0x2b9: {  	v6 =	vld [tilespmem:s17+$0x0]  }
0x2ba: {  	v10 =	vld [tilespmem:s17+$0x80]  }
0x2bb: {  	v16 =	vld [tilespmem:s17+$0x100]  }
0x2bc: {  	(v2sf) =	vpush v58, $0xC;
	s21 =	spop (v2sf);
	v18 =	vld [tilespmem:s17+$0x180]  }
0x2bd: {  	(v2sf) =	vpush v2, $0xD;
	v20 =	vld [tilespmem:s17+$0x200];
	s22 =	spop (v2sf)  }
0x2be: {  	(v2sf) =	vpush v2, $0xC;
	v5 =	vld [tilespmem:s22+$0x0];
	s22 =	spop (v2sf)  }
0x2bf: {  	(v2sf) =	vpush v1, $0xD;
	v7 =	vld [tilespmem:s22+$0x0];
	s22 =	spop (v2sf)  }
0x2c0: {  	(v2sf) =	vpush v58, $0xD;
	v8 =	vld [tilespmem:s22+$0x0];
	s22 =	spop (v2sf)  }
0x2c1: {  	v9 =	vld [tilespmem:s21+$0x0];
	(v2sf) =	vpush v1, $0xE;
	s21 =	spop (v2sf)  }
0x2c2: {  	v11 =	vld [tilespmem:s22+$0x0];
	(v2sf) =	vpush v58, $0xE;
	s22 =	spop (v2sf)  }
0x2c3: {  	v12 =	vld [tilespmem:s21+$0x0];
	(v2sf) =	vpush v2, $0xF;
	s21 =	spop (v2sf)  }
0x2c4: {  	(v2sf) =	vpush v2, $0xE;
	v13 =	vld [tilespmem:s21+$0x0];
	s21 =	spop (v2sf)  }
0x2c5: {  	(v2sf) =	vpush v1, $0xF;
	v61 =	vld [tilespmem:s21+$0x0];
	s21 =	spop (v2sf)  }
0x2c6: {  	v14 =	vld [tilespmem:s21+$0x0];
	s21 =	spop (v2sf);
	(v2sf) =	vpush v58, $0xF  }
0x2c7: {  	v25 =	vld [tilespmem:s17+$0x280]  }
0x2c8: {  	v27 =	vld [tilespmem:s17+$0x300]  }
0x2c9: {  	v31 =	vld [tilespmem:s17+$0x380]  }
0x2ca: {  	v62 =	vld [tilespmem:s22+$0x0]  }
0x2cb: {  	s22 =	spop (v2sf);
	v63 =	vld [tilespmem:s21+$0x0]  }
0x2cc: {  	v15 =	vld [tilespmem:s22+$0x0];
	s21 =	spop (v2sf)  }
0x2cd: {  	s22 =	spop (v2sf);
	v22 =	vld [tilespmem:s21+$0x0]  }
0x2ce: {  	v17 =	vld [tilespmem:s22+$0x0];
	s22 =	spop (v2sf)  }
0x2cf: {  	v19 =	vld [tilespmem:s22+$0x0];
	s22 =	spop (v2sf)  }
0x2d0: {  	v21 =	vld [tilespmem:s22+$0x0];
	s22 =	spop (v2sf)  }
0x2d1: {  	s21 =	spop (v2sf);
	v23 =	vld [tilespmem:s22+$0x0]  }
0x2d2: {  	s22 =	spop (v2sf);
	v24 =	vld [tilespmem:s21+$0x0]  }
0x2d3: {  	s21 =	spop (v2sf);
	v30 =	vld [tilespmem:s22+$0x0]  }
0x2d4: {  	v26 =	vld [tilespmem:s21+$0x0];
	s21 =	spop (v2sf)  }
0x2d5: {  	v28 =	vld [tilespmem:s21+$0x0];
	s21 =	spop (v2sf)  }
0x2d6: {  	v29 =	vld [tilespmem:s21+$0x0];
	[tilespmem:s20+$0x0] =	vst v3  }
0x2d7: {  	[tilespmem:s20+$0x10] =	vst v4  }
0x2d8: {  	[tilespmem:s20+$0x20] =	vst v5  }
0x2d9: {  	[tilespmem:s20+$0x80] =	vst v7  }
0x2da: {  	[tilespmem:s20+$0x90] =	vst v8  }
0x2db: {  	[tilespmem:s20+$0xA0] =	vst v9  }
0x2dc: {  	[tilespmem:s20+$0x100] =	vst v11  }
0x2dd: {  	[tilespmem:s20+$0x110] =	vst v12  }
0x2de: {  	[tilespmem:s20+$0x120] =	vst v13  }
0x2df: {  	[tilespmem:s20+$0x180] =	vst v61  }
0x2e0: {  	[tilespmem:s20+$0x190] =	vst v14  }
0x2e1: {  	[tilespmem:s20+$0x1A0] =	vst v62  }
0x2e2: {  	[tilespmem:s20+$0x200] =	vst v63  }
0x2e3: {  	[tilespmem:s20+$0x210] =	vst v15  }
0x2e4: {  	[tilespmem:s20+$0x220] =	vst v17  }
0x2e5: {  	[tilespmem:s20+$0x280] =	vst v19  }
0x2e6: {  	[tilespmem:s20+$0x290] =	vst v21  }
0x2e7: {  	[tilespmem:s20+$0x2A0] =	vst v22  }
0x2e8: {  	[tilespmem:s20+$0x300] =	vst v23  }
0x2e9: {  	[tilespmem:s20+$0x310] =	vst v24  }
0x2ea: {  	[tilespmem:s20+$0x320] =	vst v26  }
0x2eb: {  	[tilespmem:s20+$0x3A0] =	vst v30  }
0x2ec: {  	[tilespmem:s20+$0x28] =	vst v6  }
0x2ed: {  	[tilespmem:s20+$0xA8] =	vst v10  }
0x2ee: {  	[tilespmem:s20+$0x128] =	vst v16  }
0x2ef: {  	[tilespmem:s20+$0x1A8] =	vst v18  }
0x2f0: {  	p2 =	sne.s32 s16, $0x100;
	[tilespmem:s20+$0x228] =	vst v20  }
.Ltmp3:
0x2f1: {  	[tilespmem:s20+$0x2A8] =	vst v25;
	(pc) =	sbr.rel @p2 .LBB2_9-.Ltmp3, $4  }
0x2f2: {  	[tilespmem:s20+$0x328] =	vst v27  }
0x2f3: {  	[tilespmem:s20+$0x380] =	vst v28  }
0x2f4: {  	[tilespmem:s20+$0x3A8] =	vst v31  }
0x2f5: {  	s16 =	sadd.s32 $0x40, s16;
	s17 =	sadd.s32 $0x800, s17;
	[tilespmem:s20+$0x390] =	vst v29;
	s20 =	sadd.s32 $0x800, s20  }
0x2f6: {  	s16 =	sld [smem:$0x7FC];
	_ =	sdelay $0x2  }
0x2f7: {  	s16 =	sadd.s32 @!p0 s14, s16  }
0x2f8: {  	s17 =	sshrl.u32 @!p0 s16, $0x3  }
0x2f9: {  	s21 =	simm.s32 @!p0 $0x0;
	s22 =	simm.s32 @!p0 $0x10300;
	s20 =	sadd.s32 @!p0 s1, s17  }
0x2fa: {  	[tilespmem:s22], [sflag:$0x10] =	stream.linear.gather @!p0 [hbm4b:s20+s21], $0x50, $0x38;
	[tilespmem:$0x1A600] =	vst v63  }
0x2fb: {  	s20 =	sadd.s32 @!p0 s2, s17;
	s22 =	simm.s32 @!p0 $0x10380  }
0x2fc: {  	[tilespmem:s22], [sflag:$0x11] =	stream.linear.gather @!p0 [hbm4b:s20+s21], $0x50, $0x38;
	[tilespmem:$0x1A600] =	vst v63  }
0x2fd: {  	s16 =	sshll.u32 @!p0 s16, $0x4;
	s17 =	sadd.s32 @!p0 s3, s17;
	s20 =	simm.s32 @!p0 $0x10400  }
0x2fe: {  	[tilespmem:s20], [sflag:$0x12] =	stream.linear.gather @!p0 [hbm4b:s17+s21], $0x50, $0x38;
	[tilespmem:$0x1A600] =	vst v63  }
0x2ff: {  	s15 =	sshll.u32 s15, $0x4;
	s16 =	sadd.s32 @!p0 s7, s16;
	s17 =	simm.s32 @!p0 $0x10480  }
0x300: {  	[tilespmem:s17], [sflag:$0x13] =	stream.linear.gather @!p0 [hbm4b:s16+s21], $0x2800, $0x38;
	[tilespmem:$0x1A600] =	vst v63  }
0x301: {  	s15 =	sadd.s32 s10, s15;
	s21 =	simm.s32 $0x12C80  }
0x302: {  	[hbm4b:s15+s6] =	stream.linear.scatter [tilespmem:s21], [sflag:$0x14], $0x2800, $0x38;
	[tilespmem:$0x1A600] =	vst v63  }
0x303: {  	_ =	swait.ge [sflag:s8], $0x50  }
0x304: {  	[sflag:s8] =	ssyncset.done $0x0  }
0x305: {  	[sflag:s8] =	ssyncadd.s32 $0xFFFFFFB0  }
0x306: {  	_ =	swait.ge [sflag:s18], $0x50  }
0x307: {  	[sflag:s18] =	ssyncset.done $0x0  }
0x308: {  	[sflag:s18] =	ssyncadd.s32 $0xFFFFFFB0  }
0x309: {  	_ =	swait.ge [sflag:s23], $0x50  }
0x30a: {  	[sflag:s23] =	ssyncset.done $0x0  }
0x30b: {  	[sflag:s23] =	ssyncadd.s32 $0xFFFFFFB0  }
0x30c: {  	_ =	swait.ge [sflag:s28], $0x2800  }
0x30d: {  	[sflag:s28] =	ssyncset.done $0x0  }
0x30e: {  	s16 =	simm.s32 @!p1 $0x19;
	[sflag:s28] =	ssyncadd.s32 $0xFFFFD800  }
0x30f: {  	s20 =	simm.s32 $0x18200;
	_ =	swait.ge @!p1 [sflag:s16], $0x2800  }
0x310: {  	s17 =	simm.s32 $0x15A00;
	[sflag:s16] =	ssyncset.done @!p1 $0x0;
	s22 =	rddreg [dreg:$0x18]  }
0x311: {  	s15 =	sadd.s32 s14, s22;
	[sflag:s16] =	ssyncadd.s32 @!p1 $0xFFFFD800;
	s16 =	simm.s32 $0x0  }
.LBB2_11:
0x312: {  	s21 =	sshra.s32 s16, $0x2  }
0x313: {  	v0 =	vld [tilespmem:s21+$0x15480]  }
0x314: {  	v2 =	vld [tilespmem:s21+$0x15500]  }
0x315: {  	v3 =	vld [tilespmem:s21+$0x15580];
	_ =	sdelay $0x3  }
0x316: {  	v1 =	vshll.u32 v0, $0x4  }
0x317: {  	v58 =	vshll.u32 v2, $0x4;
	v59 =	vshll.u32 v3, $0x4;
	(v2sf) =	vpush v1, $0x0  }
0x318: {  	v2 =	vadd.s32 $0xC80, v59;
	(v2sf) =	vpush v58, $0x0  }
0x319: {  	(v2sf) =	vpush v2, $0x1  }
0x31a: {  	(v2sf) =	vpush v2, $0x0  }
0x31b: {  	(v2sf) =	vpush v1, $0x1  }
0x31c: {  	(v2sf) =	vpush v58, $0x1  }
0x31d: {  	(v2sf) =	vpush v1, $0x2  }
0x31e: {  	(v2sf) =	vpush v58, $0x2  }
0x31f: {  	(v2sf) =	vpush v2, $0x3  }
0x320: {  	(v2sf) =	vpush v2, $0x2  }
0x321: {  	(v2sf) =	vpush v1, $0x3  }
0x322: {  	v6 =	vld [tilespmem:s17+$0xFFFFFC00];
	(v2sf) =	vpush v58, $0x3  }
0x323: {  	v10 =	vld [tilespmem:s17+$0xFFFFFC80]  }
0x324: {  	v14 =	vld [tilespmem:s17+$0xFFFFFD00]  }
0x325: {  	v18 =	vld [tilespmem:s17+$0xFFFFFD80]  }
0x326: {  	v22 =	vld [tilespmem:s17+$0xFFFFFE00];
	s21 =	spop (v2sf);
	(v2sf) =	vpush v1, $0x4  }
0x327: {  	v26 =	vld [tilespmem:s17+$0xFFFFFE80];
	s22 =	spop (v2sf);
	(v2sf) =	vpush v58, $0x4  }
0x328: {  	v60 =	vld [tilespmem:s21+$0x0];
	s21 =	spop (v2sf);
	(v2sf) =	vpush v2, $0x5  }
0x329: {  	v4 =	vld [tilespmem:s22+$0x0];
	s22 =	spop (v2sf);
	(v2sf) =	vpush v2, $0x4  }
0x32a: {  	v5 =	vld [tilespmem:s22+$0x0];
	s22 =	spop (v2sf);
	(v2sf) =	vpush v1, $0x5  }
0x32b: {  	v7 =	vld [tilespmem:s22+$0x0];
	s22 =	spop (v2sf);
	(v2sf) =	vpush v58, $0x5  }
0x32c: {  	v9 =	vld [tilespmem:s21+$0x0];
	s21 =	spop (v2sf);
	(v2sf) =	vpush v1, $0x6  }
0x32d: {  	v8 =	vld [tilespmem:s22+$0x0];
	s22 =	spop (v2sf);
	(v2sf) =	vpush v58, $0x6  }
0x32e: {  	v11 =	vld [tilespmem:s21+$0x0];
	s21 =	spop (v2sf);
	(v2sf) =	vpush v2, $0x7  }
0x32f: {  	v12 =	vld [tilespmem:s22+$0x0];
	s22 =	spop (v2sf);
	(v2sf) =	vpush v2, $0x6  }
0x330: {  	v13 =	vld [tilespmem:s22+$0x0];
	s22 =	spop (v2sf);
	(v2sf) =	vpush v1, $0x7  }
0x331: {  	v15 =	vld [tilespmem:s22+$0x0];
	s22 =	spop (v2sf);
	(v2sf) =	vpush v58, $0x7  }
0x332: {  	v30 =	vld [tilespmem:s17+$0xFFFFFF00]  }
0x333: {  	v34 =	vld [tilespmem:s17+$0xFFFFFF80]  }
0x334: {  	v17 =	vld [tilespmem:s21+$0x0]  }
0x335: {  	v16 =	vld [tilespmem:s22+$0x0];
	s21 =	spop (v2sf)  }
0x336: {  	s22 =	spop (v2sf);
	v19 =	vld [tilespmem:s21+$0x0]  }
0x337: {  	s21 =	spop (v2sf);
	v20 =	vld [tilespmem:s22+$0x0]  }
0x338: {  	s22 =	spop (v2sf);
	v25 =	vld [tilespmem:s21+$0x0]  }
0x339: {  	v21 =	vld [tilespmem:s22+$0x0];
	s22 =	spop (v2sf)  }
0x33a: {  	v23 =	vld [tilespmem:s22+$0x0];
	s22 =	spop (v2sf)  }
0x33b: {  	v24 =	vld [tilespmem:s22+$0x0];
	s21 =	spop (v2sf)  }
0x33c: {  	s22 =	spop (v2sf);
	v27 =	vld [tilespmem:s21+$0x0]  }
0x33d: {  	s21 =	spop (v2sf);
	v28 =	vld [tilespmem:s22+$0x0]  }
0x33e: {  	s22 =	spop (v2sf);
	v33 =	vld [tilespmem:s21+$0x0]  }
0x33f: {  	v29 =	vld [tilespmem:s22+$0x0];
	s22 =	spop (v2sf)  }
0x340: {  	v31 =	vld [tilespmem:s22+$0x0];
	s22 =	spop (v2sf)  }
0x341: {  	v32 =	vld [tilespmem:s22+$0x0];
	[tilespmem:s20+$0xFFFFFC00] =	vst v60  }
0x342: {  	[tilespmem:s20+$0xFFFFFC10] =	vst v4  }
0x343: {  	[tilespmem:s20+$0xFFFFFC20] =	vst v5  }
0x344: {  	[tilespmem:s20+$0xFFFFFC80] =	vst v7  }
0x345: {  	[tilespmem:s20+$0xFFFFFC90] =	vst v8  }
0x346: {  	[tilespmem:s20+$0xFFFFFCA0] =	vst v9  }
0x347: {  	[tilespmem:s20+$0xFFFFFD00] =	vst v11  }
0x348: {  	[tilespmem:s20+$0xFFFFFD10] =	vst v12  }
0x349: {  	[tilespmem:s20+$0xFFFFFD20] =	vst v13  }
0x34a: {  	[tilespmem:s20+$0xFFFFFD80] =	vst v15  }
0x34b: {  	[tilespmem:s20+$0xFFFFFD90] =	vst v16  }
0x34c: {  	[tilespmem:s20+$0xFFFFFDA0] =	vst v17  }
0x34d: {  	[tilespmem:s20+$0xFFFFFE00] =	vst v19  }
0x34e: {  	[tilespmem:s20+$0xFFFFFE10] =	vst v20  }
0x34f: {  	[tilespmem:s20+$0xFFFFFE20] =	vst v21  }
0x350: {  	[tilespmem:s20+$0xFFFFFE80] =	vst v23  }
0x351: {  	(v2sf) =	vpush v1, $0x8;
	[tilespmem:s20+$0xFFFFFE90] =	vst v24  }
0x352: {  	(v2sf) =	vpush v58, $0x8;
	[tilespmem:s20+$0xFFFFFEA0] =	vst v25  }
0x353: {  	[tilespmem:s20+$0xFFFFFF00] =	vst v27  }
0x354: {  	[tilespmem:s20+$0xFFFFFC28] =	vst v6  }
0x355: {  	[tilespmem:s20+$0xFFFFFCA8] =	vst v10  }
0x356: {  	[tilespmem:s20+$0xFFFFFD28] =	vst v14  }
0x357: {  	(v2sf) =	vpush v2, $0x9;
	[tilespmem:s20+$0xFFFFFDA8] =	vst v18  }
0x358: {  	(v2sf) =	vpush v2, $0x8;
	[tilespmem:s20+$0xFFFFFE28] =	vst v22  }
0x359: {  	(v2sf) =	vpush v1, $0x9;
	[tilespmem:s20+$0xFFFFFEA8] =	vst v26  }
0x35a: {  	(v2sf) =	vpush v58, $0x9;
	[tilespmem:s20+$0xFFFFFF10] =	vst v28  }
0x35b: {  	(v2sf) =	vpush v1, $0xA;
	[tilespmem:s20+$0xFFFFFFA0] =	vst v33  }
0x35c: {  	(v2sf) =	vpush v58, $0xA;
	[tilespmem:s20+$0xFFFFFF20] =	vst v29  }
0x35d: {  	(v2sf) =	vpush v2, $0xB;
	[tilespmem:s20+$0xFFFFFFA8] =	vst v34  }
0x35e: {  	(v2sf) =	vpush v2, $0xA;
	[tilespmem:s20+$0xFFFFFF28] =	vst v30  }
0x35f: {  	(v2sf) =	vpush v1, $0xB;
	[tilespmem:s20+$0xFFFFFF80] =	vst v31  }
0x360: {  	(v2sf) =	vpush v58, $0xB;
	s21 =	spop (v2sf);
	[tilespmem:s20+$0xFFFFFF90] =	vst v32  }
0x361: {  	(v2sf) =	vpush v1, $0xC;
	s22 =	spop (v2sf);
	v3 =	vld [tilespmem:s21+$0x0]  }
0x362: {  	v4 =	vld [tilespmem:s22+$0x0]  }
0x363: {  	v6 =	vld [tilespmem:s17+$0x0]  }
0x364: {  	v10 =	vld [tilespmem:s17+$0x80]  }
0x365: {  	v16 =	vld [tilespmem:s17+$0x100]  }
0x366: {  	(v2sf) =	vpush v58, $0xC;
	s21 =	spop (v2sf);
	v18 =	vld [tilespmem:s17+$0x180]  }
0x367: {  	(v2sf) =	vpush v2, $0xD;
	v20 =	vld [tilespmem:s17+$0x200];
	s22 =	spop (v2sf)  }
0x368: {  	(v2sf) =	vpush v2, $0xC;
	v5 =	vld [tilespmem:s22+$0x0];
	s22 =	spop (v2sf)  }
0x369: {  	(v2sf) =	vpush v1, $0xD;
	v7 =	vld [tilespmem:s22+$0x0];
	s22 =	spop (v2sf)  }
0x36a: {  	(v2sf) =	vpush v58, $0xD;
	v8 =	vld [tilespmem:s22+$0x0];
	s22 =	spop (v2sf)  }
0x36b: {  	v9 =	vld [tilespmem:s21+$0x0];
	(v2sf) =	vpush v1, $0xE;
	s21 =	spop (v2sf)  }
0x36c: {  	v11 =	vld [tilespmem:s22+$0x0];
	(v2sf) =	vpush v58, $0xE;
	s22 =	spop (v2sf)  }
0x36d: {  	v12 =	vld [tilespmem:s21+$0x0];
	(v2sf) =	vpush v2, $0xF;
	s21 =	spop (v2sf)  }
0x36e: {  	(v2sf) =	vpush v2, $0xE;
	v13 =	vld [tilespmem:s21+$0x0];
	s21 =	spop (v2sf)  }
0x36f: {  	(v2sf) =	vpush v1, $0xF;
	v61 =	vld [tilespmem:s21+$0x0];
	s21 =	spop (v2sf)  }
0x370: {  	v14 =	vld [tilespmem:s21+$0x0];
	s21 =	spop (v2sf);
	(v2sf) =	vpush v58, $0xF  }
0x371: {  	v25 =	vld [tilespmem:s17+$0x280]  }
0x372: {  	v27 =	vld [tilespmem:s17+$0x300]  }
0x373: {  	v31 =	vld [tilespmem:s17+$0x380]  }
0x374: {  	v62 =	vld [tilespmem:s22+$0x0]  }
0x375: {  	s22 =	spop (v2sf);
	v63 =	vld [tilespmem:s21+$0x0]  }
0x376: {  	v15 =	vld [tilespmem:s22+$0x0];
	s21 =	spop (v2sf)  }
0x377: {  	s22 =	spop (v2sf);
	v22 =	vld [tilespmem:s21+$0x0]  }
0x378: {  	v17 =	vld [tilespmem:s22+$0x0];
	s22 =	spop (v2sf)  }
0x379: {  	v19 =	vld [tilespmem:s22+$0x0];
	s22 =	spop (v2sf)  }
0x37a: {  	v21 =	vld [tilespmem:s22+$0x0];
	s22 =	spop (v2sf)  }
0x37b: {  	s21 =	spop (v2sf);
	v23 =	vld [tilespmem:s22+$0x0]  }
0x37c: {  	s22 =	spop (v2sf);
	v24 =	vld [tilespmem:s21+$0x0]  }
0x37d: {  	s21 =	spop (v2sf);
	v30 =	vld [tilespmem:s22+$0x0]  }
0x37e: {  	v26 =	vld [tilespmem:s21+$0x0];
	s21 =	spop (v2sf)  }
0x37f: {  	v28 =	vld [tilespmem:s21+$0x0];
	s21 =	spop (v2sf)  }
0x380: {  	v29 =	vld [tilespmem:s21+$0x0];
	[tilespmem:s20+$0x0] =	vst v3  }
0x381: {  	[tilespmem:s20+$0x10] =	vst v4  }
0x382: {  	[tilespmem:s20+$0x20] =	vst v5  }
0x383: {  	[tilespmem:s20+$0x80] =	vst v7  }
0x384: {  	[tilespmem:s20+$0x90] =	vst v8  }
0x385: {  	[tilespmem:s20+$0xA0] =	vst v9  }
0x386: {  	[tilespmem:s20+$0x100] =	vst v11  }
0x387: {  	[tilespmem:s20+$0x110] =	vst v12  }
0x388: {  	[tilespmem:s20+$0x120] =	vst v13  }
0x389: {  	[tilespmem:s20+$0x180] =	vst v61  }
0x38a: {  	[tilespmem:s20+$0x190] =	vst v14  }
0x38b: {  	[tilespmem:s20+$0x1A0] =	vst v62  }
0x38c: {  	[tilespmem:s20+$0x200] =	vst v63  }
0x38d: {  	[tilespmem:s20+$0x210] =	vst v15  }
0x38e: {  	[tilespmem:s20+$0x220] =	vst v17  }
0x38f: {  	[tilespmem:s20+$0x280] =	vst v19  }
0x390: {  	[tilespmem:s20+$0x290] =	vst v21  }
0x391: {  	[tilespmem:s20+$0x2A0] =	vst v22  }
0x392: {  	[tilespmem:s20+$0x300] =	vst v23  }
0x393: {  	[tilespmem:s20+$0x310] =	vst v24  }
0x394: {  	[tilespmem:s20+$0x320] =	vst v26  }
0x395: {  	[tilespmem:s20+$0x3A0] =	vst v30  }
0x396: {  	[tilespmem:s20+$0x28] =	vst v6  }
0x397: {  	[tilespmem:s20+$0xA8] =	vst v10  }
0x398: {  	[tilespmem:s20+$0x128] =	vst v16  }
0x399: {  	[tilespmem:s20+$0x1A8] =	vst v18  }
0x39a: {  	p1 =	sne.s32 s16, $0x100;
	[tilespmem:s20+$0x228] =	vst v20  }
.Ltmp4:
0x39b: {  	[tilespmem:s20+$0x2A8] =	vst v25;
	(pc) =	sbr.rel @p1 .LBB2_11-.Ltmp4, $4  }
0x39c: {  	[tilespmem:s20+$0x328] =	vst v27  }
0x39d: {  	[tilespmem:s20+$0x380] =	vst v28  }
0x39e: {  	[tilespmem:s20+$0x3A8] =	vst v31  }
0x39f: {  	s16 =	sadd.s32 $0x40, s16;
	s17 =	sadd.s32 $0x800, s17;
	[tilespmem:s20+$0x390] =	vst v29;
	s20 =	sadd.s32 $0x800, s20  }
0x3a0: {  	s16 =	sld [smem:$0x7FD];
	_ =	sdelay $0x2  }
0x3a1: {  	s14 =	sadd.s32 @!p0 s14, s16  }
0x3a2: {  	s16 =	sshrl.u32 @!p0 s14, $0x3  }
0x3a3: {  	s20 =	simm.s32 @!p0 $0x0;
	s21 =	simm.s32 @!p0 $0x15480;
	s17 =	sadd.s32 @!p0 s1, s16  }
0x3a4: {  	[tilespmem:s21], [sflag:$0x15] =	stream.linear.gather @!p0 [hbm4b:s17+s20], $0x50, $0x38;
	[tilespmem:$0x1A600] =	vst v63  }
0x3a5: {  	s17 =	sadd.s32 @!p0 s2, s16;
	s21 =	simm.s32 @!p0 $0x15500  }
0x3a6: {  	[tilespmem:s21], [sflag:$0x16] =	stream.linear.gather @!p0 [hbm4b:s17+s20], $0x50, $0x38;
	[tilespmem:$0x1A600] =	vst v63  }
0x3a7: {  	s14 =	sshll.u32 @!p0 s14, $0x4;
	s16 =	sadd.s32 @!p0 s3, s16;
	s17 =	simm.s32 @!p0 $0x15580  }
0x3a8: {  	[tilespmem:s17], [sflag:$0x17] =	stream.linear.gather @!p0 [hbm4b:s16+s20], $0x50, $0x38;
	[tilespmem:$0x1A600] =	vst v63  }
0x3a9: {  	s13 =	sadd.s32 $0x1, s13;
	s14 =	sadd.s32 @!p0 s7, s14;
	s16 =	simm.s32 @!p0 $0x15600  }
0x3aa: {  	[tilespmem:s16], [sflag:$0x18] =	stream.linear.gather @!p0 [hbm4b:s14+s20], $0x2800, $0x38;
	[tilespmem:$0x1A600] =	vst v63  }
0x3ab: {  	p0 =	sne.s32 s13, $0x32  }
.Ltmp5:
0x3ac: {  	_ = 	snop;
	(pc) =	sbr.rel @p0 .LBB2_2-.Ltmp5, $4  }
0x3ad: {  	_ = 	snop  }
0x3ae: {  	s21 =	sshll.u32 s15, $0x4  }
0x3af: {  	s22 =	simm.s32 $0x17E00;
	s14 =	sadd.s32 s10, s21  }
0x3b0: {  	[hbm4b:s14+s6] =	stream.linear.scatter [tilespmem:s22], [sflag:$0x19], $0x2800, $0x38;
	[tilespmem:$0x1A600] =	vst v63  }
0x3b1: {  	s13 =	simm.s32 $0x5  }
0x3b2: {  	_ =	swait.ge [sflag:s13], $0x2800  }
0x3b3: {  	[sflag:s13] =	ssyncset.done $0x0  }
0x3b4: {  	s17 =	simm.s32 $0xA;
	[sflag:s13] =	ssyncadd.s32 $0xFFFFD800  }
0x3b5: {  	_ =	swait.ge [sflag:s17], $0x2800  }
0x3b6: {  	[sflag:s17] =	ssyncset.done $0x0  }
0x3b7: {  	s20 =	simm.s32 $0xF;
	[sflag:s17] =	ssyncadd.s32 $0xFFFFD800  }
0x3b8: {  	_ =	swait.ge [sflag:s20], $0x2800  }
0x3b9: {  	[sflag:s20] =	ssyncset.done $0x0  }
0x3ba: {  	s21 =	simm.s32 $0x14;
	[sflag:s20] =	ssyncadd.s32 $0xFFFFD800  }
0x3bb: {  	_ =	swait.ge [sflag:s21], $0x2800  }
0x3bc: {  	[sflag:s21] =	ssyncset.done $0x0  }
0x3bd: {  	s14 =	simm.s32 $0x19;
	[sflag:s21] =	ssyncadd.s32 $0xFFFFD800  }
0x3be: {  	_ =	swait.ge [sflag:s14], $0x2800  }
0x3bf: {  	s15 =	sld [smem:$0x7F7]  }
0x3c0: {  	s22 =	sld [smem:$0x7F8];
	_ =	sdelay $0x1  }
0x3c1: {  	s15 =	sadd.s32 $0x1, s15  }
0x3c2: {  	p0 =	sne.s32 s15, s22  }
.Ltmp6:
0x3c3: {  	_ = 	snop;
	(pc) =	sbr.rel @p0 .LBB2_1-.Ltmp6, $3  }
0x3c4: {  	_ =	sdelay $0x1  }
0x3c5: {  	[sflag:s14] =	ssyncset.done $0x0  }
0x3c6: {  	[sflag:s14] =	ssyncadd.s32 $0xFFFFD800  }
0x3c7: {  	_ =	sfence.sel $0x180000  }
0x3c8: {  	[bflag:$0x0] =	sbarrier.arrive $0xFFFF  }
0x3c9: {  	_ =	strace $0x90000047  }
0x3ca: {  	s0 =	stileid.u32;
	[bflag:$0x2] =	sbarrier.arrive $0xFFFF  }
0x3cb: {  	p0 =	sne.s32 s0, $0x0;
	s0 =	rddreg [dreg:$0x5]  }
0x3cc: {  	s0 =	sadd.s32 @!p0 $0x100000, s0  }
0x3cd: {  	[sflag:s0] =	ssyncadd.tile.s32 @!p0 $0x1;
	_ =	shalt  }
.Lfunc_end2:
_tile_overlayer_lowered:
.L_overlay_start_2:
0x3ce: {  	(tag) =	ssettag $0x2  }
0x3cf: {  	s0 =	rddreg [dreg:$0x0];
	s2 =	stileid.u32  }
0x3d0: {  	s1 =	rddreg [dreg:$0x1];
	p0 =	sne.s32 s2, $0x0  }
0x3d1: {  	s3 =	rddreg [dreg:$0x2];
	[bflag:$0x3] =	sbarrier.arrive $0xFFFF;
	s2 =	simm.s32 @!p0 $0x1C01  }
0x3d2: {  	[timem:s3], [sflag:s2] =	dma.local @!p0 [hbm:s0], s1  }
0x3d3: {  	s0 =	simm.s32 @!p0 $0x1  }
0x3d4: {  	_ =	swait.ge @!p0 [sflag:s0], s1  }
0x3d5: {  	s1 =	ssub.s32 @!p0 $0x0, s1;
	[sflag:s0] =	ssyncset.done @!p0 $0x0  }
0x3d6: {  	[sflag:s0] =	ssyncadd.s32 @!p0 s1  }
0x3d7: {  	[bflag:$0x3] =	sbarrier.arrive $0xFFFF  }
0x3d8: {  	_ =	shalt  }

</sc_bundles>
